<compile_context>
chip_gen: v7x
topology: tpu7x:2x2x1
jax: 0.10.2.dev20260603
libtpu: 0.0.44.dev20260713+nightly
codegen_flags: <defaults>
</compile_context>

<pallas_src>
import functools

import jax
import jax.numpy as jnp
from jax import lax
from jax.experimental import pallas as pl
from jax.experimental.pallas import tpu as pltpu
from jax.experimental.pallas import tpu_sc as plsc

N = 10000
E = 320000
F_IN = 128
H = 256

NC = 2
NS = 16
L = 16

CHUNK = 128
NCH = 158
E_PAD = NS * NCH * CHUNK
NCH2 = NCH // 2
NT = 10240
COV = NT // 2
RACC = COV + 128
RZ = RACC // NS
OPT = COV // NS
RPTD = NT // NS
EW = E // (NC * NS)

_mesh = plsc.VectorSubcoreMesh(core_axis_name="c", subcore_axis_name="s")


@functools.partial(
    pl.kernel,
    out_type=[
        jax.ShapeDtypeStruct((NT, 128), jnp.float32),
        jax.ShapeDtypeStruct((NT, 128), jnp.float32),
    ],
    mesh=_mesh,
    scratch_types=[
        pltpu.VMEM((NCH, CHUNK), jnp.int32),
        pltpu.VMEM((NCH, CHUNK), jnp.int32),
        pltpu.VMEM((NCH, CHUNK), jnp.int32),
        pltpu.VMEM((CHUNK, 128), jnp.float32),
        pltpu.VMEM((16,), jnp.int32),
        pltpu.VMEM_SHARED((RACC, 128), jnp.float32),
    ],
)
def _seg(tab_a, tab_b, srcg, dstg, zrows, params,
         out_a, out_b, sidx, didx, didx2, buf0, pv, acc):
    c = lax.axis_index("c")
    s = lax.axis_index("s")
    w = c * NS + s
    pltpu.sync_copy(srcg.at[w], sidx)
    pltpu.sync_copy(dstg.at[w], didx)
    pltpu.sync_copy(params, pv)
    nch = pv[pl.ds(0, L)][0]

    def run(tab, out):
        for lo in (0, COV):
            def rbody(k, carry):
                j = k // (CHUNK // L)
                o = (k % (CHUNK // L)) * L
                d = didx[j, pl.ds(o, L)]
                ok = (d >= lo) & (d < lo + COV)
                didx2[j, pl.ds(o, L)] = jnp.where(ok, d - lo, COV)
                return carry

            lax.fori_loop(0, nch * (CHUNK // L), rbody, 0)
            pltpu.sync_copy(zrows, acc.at[pl.ds(s * RZ, RZ)])
            plsc.subcore_barrier()

            def sbody(j, carry):
                pltpu.sync_copy(tab.at[sidx.at[j]], buf0)
                pltpu.sync_copy(buf0, acc.at[didx2.at[j]], add=True)
                return carry

            lax.fori_loop(0, nch, sbody, 0)
            plsc.subcore_barrier()
            pltpu.sync_copy(acc.at[pl.ds(s * OPT, OPT)],
                            out.at[pl.ds(lo + s * OPT, OPT)])
            plsc.subcore_barrier()

    @pl.when(c == 0)
    def _():
        run(tab_a, out_a)

    @pl.when(c == 1)
    def _():
        run(tab_b, out_b)


EPW = E_PAD // (NC * NS)
DSL = NT // NS


@functools.partial(
    pl.kernel,
    out_type=[
        jax.ShapeDtypeStruct((NC, NT), jnp.float32),
        jax.ShapeDtypeStruct((NC, NS, NT), jnp.float32),
    ],
    mesh=_mesh,
    scratch_types=[
        pltpu.VMEM((EPW,), jnp.int32),
        pltpu.VMEM((NT,), jnp.float32),
        pltpu.VMEM((NS, DSL), jnp.float32),
        pltpu.VMEM((DSL,), jnp.float32),
    ],
    compiler_params=pltpu.CompilerParams(needs_layout_passes=False),
)
def _deg(dstg, out, slab, didx, hist, tmp, res):
    c = lax.axis_index("c")
    s = lax.axis_index("s")
    wid = c * NS + s
    pltpu.sync_copy(dstg.at[wid], didx)
    zero16 = jnp.zeros((L,), jnp.float32)
    one16 = jnp.ones((L,), jnp.float32)

    def zbody(k, carry):
        hist[pl.ds(k * L, L)] = zero16
        return carry

    lax.fori_loop(0, NT // L, zbody, 0)

    def hbody(k, carry):
        d = didx[pl.ds(k * L, L)]
        plsc.addupdate_scatter(hist, [d], one16)
        return carry

    lax.fori_loop(0, EPW // L, hbody, 0)
    pltpu.sync_copy(hist, slab.at[c, s])
    plsc.subcore_barrier()
    pltpu.sync_copy(slab.at[c, :, pl.ds(s * DSL, DSL)], tmp)

    def rbody(k, carry):
        acc16 = zero16
        for r in range(NS):
            acc16 = acc16 + tmp[r, pl.ds(k * L, L)]
        res[pl.ds(k * L, L)] = acc16
        return carry

    lax.fori_loop(0, DSL // L, rbody, 0)
    pltpu.sync_copy(res, out.at[c, pl.ds(s * DSL, DSL)])


@functools.partial(
    pl.kernel,
    out_type=jax.ShapeDtypeStruct((E,), jnp.float32),
    mesh=_mesh,
    scratch_types=[
        pltpu.VMEM((EW,), jnp.int32),
        pltpu.VMEM((EW,), jnp.int32),
        pltpu.VMEM((NT,), jnp.float32),
        pltpu.VMEM((NT,), jnp.float32),
        pltpu.VMEM((EW,), jnp.float32),
    ],
    compiler_params=pltpu.CompilerParams(needs_layout_passes=False),
)
def _rate(srcg, dstg, s_h, t_h, out, sidx, didx, sv, tv, obuf):
    c = lax.axis_index("c")
    s = lax.axis_index("s")
    wid = c * NS + s
    pltpu.sync_copy(srcg.at[wid], sidx)
    pltpu.sync_copy(dstg.at[wid], didx)
    pltpu.sync_copy(s_h, sv)
    pltpu.sync_copy(t_h, tv)

    def body(i, carry):
        si = sidx[pl.ds(i * L, L)]
        di = didx[pl.ds(i * L, L)]
        a = plsc.load_gather(sv, [si])
        b = plsc.load_gather(tv, [di])
        r = 4.0 / (1.0 + jnp.exp(-(a + b))) + 1.0
        obuf[pl.ds(i * L, L)] = r
        return carry

    lax.fori_loop(0, EW // L, body, 0)
    pltpu.sync_copy(obuf, out.at[pl.ds(wid * EW, EW)])


_BN = 1280

_row = lambda bd: pl.BlockSpec((_BN, bd), lambda i: (i, 0))
_full = lambda a, b: pl.BlockSpec((a, b), lambda i: (0, 0))


def _make_tc_layer(partial_sums):

    def body(aa, ab, da, db, ha, hb, wl, wr, bb, oa, ob):
        deg = da[...] + db[...]
        inv = 1.0 / jnp.maximum(deg, 1.0)
        if partial_sums:
            agg = (aa[...] + ab[...]) * inv
            h = ha[...]
        else:
            agg = jnp.concatenate([aa[...], ab[...]], axis=1) * inv
            h = jnp.concatenate([ha[...], hb[...]], axis=1)
        z = (
            jnp.dot(agg, wl[...], preferred_element_type=jnp.float32)
            + bb[...]
            + jnp.dot(h, wr[...], preferred_element_type=jnp.float32)
        )
        o = jnp.maximum(z, 0.0)
        oa[...] = o[:, : H // 2]
        ob[...] = o[:, H // 2 :]

    F = F_IN if partial_sums else H
    return pl.pallas_call(
        body,
        grid=(NT // _BN,),
        in_specs=[
            _row(128), _row(128), _row(1), _row(1), _row(128), _row(128),
            _full(F, H), _full(F, H), _full(1, H),
        ],
        out_specs=[_row(H // 2), _row(H // 2)],
        out_shape=[
            jax.ShapeDtypeStruct((NT, H // 2), jnp.float32),
            jax.ShapeDtypeStruct((NT, H // 2), jnp.float32),
        ],
    )


_tc1 = _make_tc_layer(True)
_tc2 = _make_tc_layer(False)


def _tc3_body(aa, ab, da, db, ha, hb, wl, wr, bb, ws, wt, bf, os_, ot):
    deg = da[...] + db[...]
    inv = 1.0 / jnp.maximum(deg, 1.0)
    agg = jnp.concatenate([aa[...], ab[...]], axis=1) * inv
    h = jnp.concatenate([ha[...], hb[...]], axis=1)
    z = (
        jnp.dot(agg, wl[...], preferred_element_type=jnp.float32)
        + bb[...]
        + jnp.dot(h, wr[...], preferred_element_type=jnp.float32)
    )
    o = jnp.maximum(z, 0.0)
    os_[...] = jnp.sum(o * ws[...], axis=1, keepdims=True) + bf[0, 0]
    ot[...] = jnp.sum(o * wt[...], axis=1, keepdims=True)


_tc3 = pl.pallas_call(
    _tc3_body,
    grid=(NT // _BN,),
    in_specs=[
        _row(128), _row(128), _row(1), _row(1), _row(128), _row(128),
        _full(H, H), _full(H, H), _full(1, H), _full(1, H), _full(1, H),
        _full(1, 1),
    ],
    out_specs=[_row(1), _row(1)],
    out_shape=[
        jax.ShapeDtypeStruct((NT, 1), jnp.float32),
        jax.ShapeDtypeStruct((NT, 1), jnp.float32),
    ],
)


def kernel(x, edge_index, W1l, b1, W1r, W2l, b2, W2r, W3l, b3, W3r, Wfc, bfc):
    src = edge_index[0]
    dst = edge_index[1]
    pad = E_PAD - E
    srcp = jnp.concatenate([src, jnp.full((pad,), NT - 1, jnp.int32)])
    dstp = jnp.concatenate([dst, jnp.full((pad,), N, jnp.int32)])
    s16 = srcp.reshape(NS, NCH, CHUNK)
    d16 = dstp.reshape(NS, NCH, CHUNK)
    src_f = jnp.concatenate([s16, s16], axis=0)
    dst_f = jnp.concatenate([d16, d16], axis=0)
    s32 = srcp.reshape(NC * NS, NCH2, CHUNK)
    d32 = dstp.reshape(NC * NS, NCH2, CHUNK)
    src_e = jnp.pad(s32, ((0, 0), (0, NCH - NCH2), (0, 0)))
    dst_e = jnp.pad(d32, ((0, 0), (0, NCH - NCH2), (0, 0)))
    src_r = src.reshape(NC * NS, EW)
    dst_r = dst.reshape(NC * NS, EW)

    dst_w = dstp.reshape(NC * NS, EPW)

    z128 = jnp.zeros((RZ, 128), jnp.float32)
    p_e = jnp.full((16,), NCH2, jnp.int32)
    p_f = jnp.full((16,), NCH, jnp.int32)

    xp = jnp.pad(x, ((0, NT - N), (0, 0)))

    dg, _unused_slab = _deg(dst_w)
    deg_a = dg[0].reshape(NT, 1)
    deg_b = dg[1].reshape(NT, 1)

    agg1a, agg1b = _seg(xp, xp, src_e, dst_e, z128, p_e)
    h1a, h1b = _tc1(agg1a, agg1b, deg_a, deg_b, xp, xp,
                    W1l.T, W1r.T, b1.reshape(1, H))

    agg2a, agg2b = _seg(h1a, h1b, src_f, dst_f, z128, p_f)
    h2a, h2b = _tc2(agg2a, agg2b, deg_a, deg_b, h1a, h1b,
                    W2l.T, W2r.T, b2.reshape(1, H))

    agg3a, agg3b = _seg(h2a, h2b, src_f, dst_f, z128, p_f)
    sv, tv = _tc3(agg3a, agg3b, deg_a, deg_b, h2a, h2b,
                  W3l.T, W3r.T, b3.reshape(1, H),
                  Wfc[:, :H], Wfc[:, H:], bfc.reshape(1, 1))

    return _rate(src_r, dst_r, sv.reshape(NT), tv.reshape(NT))

# --- scband reference (transcript-rebuilt; emitter-appended) ---
"""Pipeline reference for scband-sagerecommendation-10325101379830 (READ-ONLY COPY).

The authoritative reference and input builder live on the scoring server;
editing this copy changes nothing except your own understanding.
"""

import jax, jax.numpy as jnp
import numpy as np

N = 10000
E = 320000
F_IN = 128
H = 256


def setup_inputs(seed: int = 0) -> dict:
    key = jax.random.key(seed)
    ks = jax.random.split(key, 14)
    x = jax.random.normal(ks[0], (N, F_IN), dtype=jnp.float32)
    edge_index = jax.random.randint(ks[1], (2, E), 0, N, dtype=jnp.int32)

    def lin(k, out_d, in_d):
        return jax.random.normal(k, (out_d, in_d), dtype=jnp.float32) / jnp.sqrt(in_d)

    inp = {
        'x': x,
        'edge_index': edge_index,
        'W1l': lin(ks[2], H, F_IN), 'b1': jnp.zeros((H,), jnp.float32), 'W1r': lin(ks[3], H, F_IN),
        'W2l': lin(ks[4], H, H),    'b2': jnp.zeros((H,), jnp.float32), 'W2r': lin(ks[5], H, H),
        'W3l': lin(ks[6], H, H),    'b3': jnp.zeros((H,), jnp.float32), 'W3r': lin(ks[7], H, H),
        'Wfc': lin(ks[8], 1, 2 * H), 'bfc': jnp.zeros((1,), jnp.float32),
    }
    return inp


def _sage_conv(x, src, dst, Wl, bl, Wr):
    # PyG SAGEConv with mean aggregation:
    # out = lin_l(mean_{j in N(i)} x_j) + lin_r(x_i)
    msg = jnp.take(x, src, axis=0)
    agg = jax.ops.segment_sum(msg, dst, num_segments=N)
    deg = jax.ops.segment_sum(jnp.ones((src.shape[0],), jnp.float32), dst, num_segments=N)
    mean = agg / jnp.clip(deg, 1.0)[:, None]
    return mean @ Wl.T + bl + x @ Wr.T


def reference(x, edge_index, W1l, b1, W1r, W2l, b2, W2r, W3l, b3, W3r, Wfc, bfc):
    src = edge_index[0]
    dst = edge_index[1]
    h = jax.nn.relu(_sage_conv(x, src, dst, W1l, b1, W1r))
    h = jax.nn.relu(_sage_conv(h, src, dst, W2l, b2, W2r))
    h = jax.nn.relu(_sage_conv(h, src, dst, W3l, b3, W3r))
    edge_features = jnp.concatenate([jnp.take(h, src, axis=0), jnp.take(h, dst, axis=0)], axis=1)
    ratings = (edge_features @ Wfc.T + bfc).squeeze(-1)
    ratings = jax.nn.sigmoid(ratings) * 4.0 + 1.0
    return ratings

if __name__ == "__main__":
    import jax
    _d = setup_inputs()
    print(jax.jit(kernel)(*tuple(_d.values())))

</pallas_src>

<mosaic_0001>
#map = affine_map<(d0, d1) -> (0, 0)>
#map1 = affine_map<(d0, d1) -> (0, 0, 0)>
#map2 = affine_map<(d0, d1) -> (0)>
module attributes {stable_mosaic.version = 14 : i64} {
  func.func @_seg(%arg0: i32, %arg1: i32, %arg2: memref<10240x128xf32, #tpu.memory_space<hbm>>, %arg3: memref<10240x128xf32, #tpu.memory_space<hbm>>, %arg4: memref<32x158x128xi32, #tpu.memory_space<hbm>>, %arg5: memref<32x158x128xi32, #tpu.memory_space<hbm>>, %arg6: memref<328x128xf32, #tpu.memory_space<hbm>>, %arg7: memref<16xi32, #tpu.memory_space<hbm>>, %arg8: memref<10240x128xf32, #tpu.memory_space<hbm>>, %arg9: memref<10240x128xf32, #tpu.memory_space<hbm>>, %arg10: memref<158x128xi32, #tpu.memory_space<vmem>>, %arg11: memref<158x128xi32, #tpu.memory_space<vmem>>, %arg12: memref<158x128xi32, #tpu.memory_space<vmem>>, %arg13: memref<128x128xf32, #tpu.memory_space<vmem>>, %arg14: memref<16xi32, #tpu.memory_space<vmem>>, %arg15: memref<5248x128xf32, #tpu.memory_space<vmem_shared>>) attributes {dimension_semantics = [#tpu.dimension_semantics<core_parallel>, #tpu.dimension_semantics<subcore_parallel>], iteration_bounds = array<i64: 2, 16>, scalar_prefetch = 0 : i64, scratch_operands = 6 : i64, tpu.core_type = #tpu.core_type<sc_vector_subcore>, window_params = [{transform_indices = #map}, {transform_indices = #map}, {transform_indices = #map1}, {transform_indices = #map1}, {transform_indices = #map}, {transform_indices = #map2}, {transform_indices = #map}, {transform_indices = #map}]} {
    %mul3A = arith.constant 16 : i32
    %mul3A_0 = arith.muli %arg0, %mul3A : i32
    %add3A = arith.addi %mul3A_0, %arg1 : i32
    "tpu.region"() ({
      %run_scoped3A = tpu.sem_alloc : memref<!tpu.dma_semaphore, #tpu.memory_space<semaphore_mem>>
      %dma_start3A = arith.constant 0 : i32
      %dma_start3A_10 = arith.constant 0 : i32
      %dma_start3A_11 = tpu.memref_slice %arg4[%add3A, %dma_start3A, %dma_start3A_10] : memref<32x158x128xi32, #tpu.memory_space<hbm>> -> memref<1x158x128xi32, #tpu.memory_space<hbm>>
      %dma_start3A_12 = tpu.memref_squeeze %dma_start3A_11 : memref<1x158x128xi32, #tpu.memory_space<hbm>> -> memref<158x128xi32, #tpu.memory_space<hbm>>
      %dma_start3A_13 = arith.constant 0 : i32
      %dma_start3A_14 = arith.constant 0 : i32
      %dma_start3A_15 = tpu.memref_slice %arg4[%add3A, %dma_start3A_13, %dma_start3A_14] : memref<32x158x128xi32, #tpu.memory_space<hbm>> -> memref<1x158x128xi32, #tpu.memory_space<hbm>>
      %dma_start3A_16 = tpu.memref_squeeze %dma_start3A_15 : memref<1x158x128xi32, #tpu.memory_space<hbm>> -> memref<158x128xi32, #tpu.memory_space<hbm>>
      tpu.enqueue_dma source(%dma_start3A_16 : memref<158x128xi32, #tpu.memory_space<hbm>>) target(%arg10 : memref<158x128xi32, #tpu.memory_space<vmem>>) target_semaphore(%run_scoped3A : memref<!tpu.dma_semaphore, #tpu.memory_space<semaphore_mem>>)
      %dma_wait3A = arith.constant 0 : i32
      %dma_wait3A_17 = arith.constant 0 : i32
      %dma_wait3A_18 = tpu.memref_slice %arg4[%add3A, %dma_wait3A, %dma_wait3A_17] : memref<32x158x128xi32, #tpu.memory_space<hbm>> -> memref<1x158x128xi32, #tpu.memory_space<hbm>>
      %dma_wait3A_19 = tpu.memref_squeeze %dma_wait3A_18 : memref<1x158x128xi32, #tpu.memory_space<hbm>> -> memref<158x128xi32, #tpu.memory_space<hbm>>
      %dma_wait3A_20 = arith.constant 0 : i32
      %dma_wait3A_21 = arith.constant 0 : i32
      %dma_wait3A_22 = tpu.memref_slice %arg4[%add3A, %dma_wait3A_20, %dma_wait3A_21] : memref<32x158x128xi32, #tpu.memory_space<hbm>> -> memref<1x158x128xi32, #tpu.memory_space<hbm>>
      %dma_wait3A_23 = tpu.memref_squeeze %dma_wait3A_22 : memref<1x158x128xi32, #tpu.memory_space<hbm>> -> memref<158x128xi32, #tpu.memory_space<hbm>>
      tpu.wait_dma2 semaphore(%run_scoped3A : memref<!tpu.dma_semaphore, #tpu.memory_space<semaphore_mem>>) src(%dma_wait3A_23 : memref<158x128xi32, #tpu.memory_space<hbm>>) dst(%arg10 : memref<158x128xi32, #tpu.memory_space<vmem>>)
      tpu.yield
    }) : () -> ()
    "tpu.region"() ({
      %run_scoped3A = tpu.sem_alloc : memref<!tpu.dma_semaphore, #tpu.memory_space<semaphore_mem>>
      %dma_start3A = arith.constant 0 : i32
      %dma_start3A_10 = arith.constant 0 : i32
      %dma_start3A_11 = tpu.memref_slice %arg5[%add3A, %dma_start3A, %dma_start3A_10] : memref<32x158x128xi32, #tpu.memory_space<hbm>> -> memref<1x158x128xi32, #tpu.memory_space<hbm>>
      %dma_start3A_12 = tpu.memref_squeeze %dma_start3A_11 : memref<1x158x128xi32, #tpu.memory_space<hbm>> -> memref<158x128xi32, #tpu.memory_space<hbm>>
      %dma_start3A_13 = arith.constant 0 : i32
      %dma_start3A_14 = arith.constant 0 : i32
      %dma_start3A_15 = tpu.memref_slice %arg5[%add3A, %dma_start3A_13, %dma_start3A_14] : memref<32x158x128xi32, #tpu.memory_space<hbm>> -> memref<1x158x128xi32, #tpu.memory_space<hbm>>
      %dma_start3A_16 = tpu.memref_squeeze %dma_start3A_15 : memref<1x158x128xi32, #tpu.memory_space<hbm>> -> memref<158x128xi32, #tpu.memory_space<hbm>>
      tpu.enqueue_dma source(%dma_start3A_16 : memref<158x128xi32, #tpu.memory_space<hbm>>) target(%arg11 : memref<158x128xi32, #tpu.memory_space<vmem>>) target_semaphore(%run_scoped3A : memref<!tpu.dma_semaphore, #tpu.memory_space<semaphore_mem>>)
      %dma_wait3A = arith.constant 0 : i32
      %dma_wait3A_17 = arith.constant 0 : i32
      %dma_wait3A_18 = tpu.memref_slice %arg5[%add3A, %dma_wait3A, %dma_wait3A_17] : memref<32x158x128xi32, #tpu.memory_space<hbm>> -> memref<1x158x128xi32, #tpu.memory_space<hbm>>
      %dma_wait3A_19 = tpu.memref_squeeze %dma_wait3A_18 : memref<1x158x128xi32, #tpu.memory_space<hbm>> -> memref<158x128xi32, #tpu.memory_space<hbm>>
      %dma_wait3A_20 = arith.constant 0 : i32
      %dma_wait3A_21 = arith.constant 0 : i32
      %dma_wait3A_22 = tpu.memref_slice %arg5[%add3A, %dma_wait3A_20, %dma_wait3A_21] : memref<32x158x128xi32, #tpu.memory_space<hbm>> -> memref<1x158x128xi32, #tpu.memory_space<hbm>>
      %dma_wait3A_23 = tpu.memref_squeeze %dma_wait3A_22 : memref<1x158x128xi32, #tpu.memory_space<hbm>> -> memref<158x128xi32, #tpu.memory_space<hbm>>
      tpu.wait_dma2 semaphore(%run_scoped3A : memref<!tpu.dma_semaphore, #tpu.memory_space<semaphore_mem>>) src(%dma_wait3A_23 : memref<158x128xi32, #tpu.memory_space<hbm>>) dst(%arg11 : memref<158x128xi32, #tpu.memory_space<vmem>>)
      tpu.yield
    }) : () -> ()
    "tpu.region"() ({
      %run_scoped3A = tpu.sem_alloc : memref<!tpu.dma_semaphore, #tpu.memory_space<semaphore_mem>>
      tpu.enqueue_dma source(%arg7 : memref<16xi32, #tpu.memory_space<hbm>>) target(%arg14 : memref<16xi32, #tpu.memory_space<vmem>>) target_semaphore(%run_scoped3A : memref<!tpu.dma_semaphore, #tpu.memory_space<semaphore_mem>>)
      tpu.wait_dma2 semaphore(%run_scoped3A : memref<!tpu.dma_semaphore, #tpu.memory_space<semaphore_mem>>) src(%arg7 : memref<16xi32, #tpu.memory_space<hbm>>) dst(%arg14 : memref<16xi32, #tpu.memory_space<vmem>>)
      tpu.yield
    }) : () -> ()
    %get3A = arith.constant 0 : index
    %get3A_1 = tpu.vector_load %arg14[%get3A] {strides = array<i32>} : memref<16xi32, #tpu.memory_space<vmem>>, vector<16xi32>,
    %get3A_2 = vector.shape_cast %get3A_1 : vector<16xi32> to vector<16xi32>
    %slice3A = vector.extract_strided_slice %get3A_2 {offsets = [0], sizes = [1], strides = [1]} : vector<16xi32> to vector<1xi32>
    %squeeze3A = vector.extract %slice3A[0] : i32 from vector<1xi32>
    %eq3A = arith.constant 0 : i32
    %eq3A_3 = arith.cmpi eq, %arg0, %eq3A : i32
    %convert_element_type3A = arith.extui %eq3A_3 : i1 to i32
    %cond3A = arith.constant 0 : i32
    %cond3A_4 = arith.cmpi ne, %convert_element_type3A, %cond3A : i32
    scf.if %cond3A_4 {
      %mul3A_10 = arith.constant 8 : i32
      %mul3A_11 = arith.muli %squeeze3A, %mul3A_10 : i32
      %while3A = arith.constant 0 : i32
      %while3A_12 = arith.constant 0 : i32
      %while3A_13 = arith.subi %mul3A_11, %while3A_12 : i32
      %while3A_14 = arith.addi %while3A_12, %while3A_13 : i32
      %while3A_15 = arith.constant 1 : i32
      %while3A_16 = arith.divsi %while3A_13, %while3A_15 : i32
      %while3A_17 = arith.muli %while3A_16, %while3A_15 : i32
      %while3A_18 = arith.addi %while3A_12, %while3A_17 : i32
      %while3A_19 = arith.constant 1 : i32
      scf.for %while3A_74 = %while3A_12 to %while3A_18 step %while3A_19  : i32 {
        %jit3A = arith.constant 8 : i32
        %div3A = arith.divsi %while3A_74, %jit3A : i32
        %sign3A = arith.constant 0 : i32
        %sign3A_75 = arith.cmpi sgt, %while3A_74, %sign3A : i32
        %sign3A_76 = arith.extui %sign3A_75 : i1 to i32
        %sign3A_77 = arith.constant 0 : i32
        %sign3A_78 = arith.cmpi slt, %while3A_74, %sign3A_77 : i32
        %sign3A_79 = arith.extui %sign3A_78 : i1 to i32
        %sign3A_80 = arith.subi %sign3A_76, %sign3A_79 : i32
        %sign3A_81 = arith.constant 0 : i32
        %sign3A_82 = arith.cmpi sgt, %jit3A, %sign3A_81 : i32
        %sign3A_83 = arith.extui %sign3A_82 : i1 to i32
        %sign3A_84 = arith.constant 0 : i32
        %sign3A_85 = arith.cmpi slt, %jit3A, %sign3A_84 : i32
        %sign3A_86 = arith.extui %sign3A_85 : i1 to i32
        %sign3A_87 = arith.subi %sign3A_83, %sign3A_86 : i32
        %ne3A = arith.cmpi ne, %sign3A_80, %sign3A_87 : i32
        %rem3A = arith.remsi %while3A_74, %jit3A : i32
        %ne3A_88 = arith.constant 0 : i32
        %ne3A_89 = arith.cmpi ne, %rem3A, %ne3A_88 : i32
        %and3A = arith.andi %ne3A, %ne3A_89 : i1
        %sub3A = arith.constant 1 : i32
        %sub3A_90 = arith.subi %div3A, %sub3A : i32
        %select_n3A = arith.select %and3A, %sub3A_90, %div3A : i32
        %jit3A_91 = arith.constant 8 : i32
        %eq3A_92 = arith.constant 0 : i32
        %eq3A_93 = arith.cmpi eq, %jit3A_91, %eq3A_92 : i32
        %jit3A_94 = arith.constant 1 : i32
        %select_n3A_95 = arith.select %eq3A_93, %jit3A_94, %jit3A_91 : i32
        %rem3A_96 = arith.remsi %while3A_74, %select_n3A_95 : i32
        %ne3A_97 = arith.constant 0 : i32
        %ne3A_98 = arith.cmpi ne, %rem3A_96, %ne3A_97 : i32
        %lt3A = arith.constant 0 : i32
        %lt3A_99 = arith.cmpi slt, %rem3A_96, %lt3A : i32
        %lt3A_100 = arith.constant 0 : i32
        %lt3A_101 = arith.cmpi slt, %select_n3A_95, %lt3A_100 : i32
        %ne3A_102 = arith.xori %lt3A_99, %lt3A_101 : i1
        %and3A_103 = arith.andi %ne3A_102, %ne3A_98 : i1
        %add3A_104 = arith.addi %rem3A_96, %select_n3A_95 : i32
        %select_n3A_105 = arith.select %and3A_103, %add3A_104, %rem3A_96 : i32
        %mul3A_106 = arith.constant 16 : i32
        %mul3A_107 = arith.muli %select_n3A_105, %mul3A_106 : i32
        %get3A_108 = arith.index_cast %select_n3A : i32 to index
        %get3A_109 = arith.index_cast %mul3A_107 : i32 to index
        %get3A_110 = tpu.vector_load %arg11[%get3A_108, %get3A_109] {strides = array<i32>} : memref<158x128xi32, #tpu.memory_space<vmem>>, vector<1x16xi32>,
        %get3A_111 = vector.shape_cast %get3A_110 : vector<1x16xi32> to vector<16xi32>
        %ge3A = arith.constant 0 : i32
        %ge3A_112 = vector.broadcast %ge3A : i32 to vector<16xi32>
        %ge3A_113 = arith.cmpi sge, %get3A_111, %ge3A_112 : vector<16xi32>
        %lt3A_114 = arith.constant 5120 : i32
        %lt3A_115 = vector.broadcast %lt3A_114 : i32 to vector<16xi32>
        %lt3A_116 = arith.cmpi slt, %get3A_111, %lt3A_115 : vector<16xi32>
        %and3A_117 = arith.andi %ge3A_113, %lt3A_116 : vector<16xi1>
        %sub3A_118 = arith.constant 0 : i32
        %sub3A_119 = vector.broadcast %sub3A_118 : i32 to vector<16xi32>
        %sub3A_120 = arith.subi %get3A_111, %sub3A_119 : vector<16xi32>
        %jit3A_121 = arith.constant 5120 : i32
        %broadcast_in_dim3A = vector.broadcast %jit3A_121 : i32 to vector<16xi32>
        %select_n3A_122 = arith.select %and3A_117, %sub3A_120, %broadcast_in_dim3A : vector<16xi1>, vector<16xi32>
        %swap3A = arith.index_cast %select_n3A : i32 to index
        %swap3A_123 = arith.index_cast %mul3A_107 : i32 to index
        %swap3A_124 = tpu.vector_load %arg12[%swap3A, %swap3A_123] {strides = array<i32>} : memref<158x128xi32, #tpu.memory_space<vmem>>, vector<1x16xi32>,
        %swap3A_125 = vector.shape_cast %swap3A_124 : vector<1x16xi32> to vector<16xi32>
        %swap3A_126 = vector.shape_cast %select_n3A_122 : vector<16xi32> to vector<1x16xi32>
        tpu.vector_store %arg12[%swap3A, %swap3A_123], %swap3A_126 {strides = array<i32>} : memref<158x128xi32, #tpu.memory_space<vmem>>, vector<1x16xi32>,
      }
      %while3A_20 = arith.constant 1 : i32
      scf.for %while3A_74 = %while3A_18 to %while3A_14 step %while3A_20  : i32 {
        %jit3A = arith.constant 8 : i32
        %div3A = arith.divsi %while3A_74, %jit3A : i32
        %sign3A = arith.constant 0 : i32
        %sign3A_75 = arith.cmpi sgt, %while3A_74, %sign3A : i32
        %sign3A_76 = arith.extui %sign3A_75 : i1 to i32
        %sign3A_77 = arith.constant 0 : i32
        %sign3A_78 = arith.cmpi slt, %while3A_74, %sign3A_77 : i32
        %sign3A_79 = arith.extui %sign3A_78 : i1 to i32
        %sign3A_80 = arith.subi %sign3A_76, %sign3A_79 : i32
        %sign3A_81 = arith.constant 0 : i32
        %sign3A_82 = arith.cmpi sgt, %jit3A, %sign3A_81 : i32
        %sign3A_83 = arith.extui %sign3A_82 : i1 to i32
        %sign3A_84 = arith.constant 0 : i32
        %sign3A_85 = arith.cmpi slt, %jit3A, %sign3A_84 : i32
        %sign3A_86 = arith.extui %sign3A_85 : i1 to i32
        %sign3A_87 = arith.subi %sign3A_83, %sign3A_86 : i32
        %ne3A = arith.cmpi ne, %sign3A_80, %sign3A_87 : i32
        %rem3A = arith.remsi %while3A_74, %jit3A : i32
        %ne3A_88 = arith.constant 0 : i32
        %ne3A_89 = arith.cmpi ne, %rem3A, %ne3A_88 : i32
        %and3A = arith.andi %ne3A, %ne3A_89 : i1
        %sub3A = arith.constant 1 : i32
        %sub3A_90 = arith.subi %div3A, %sub3A : i32
        %select_n3A = arith.select %and3A, %sub3A_90, %div3A : i32
        %jit3A_91 = arith.constant 8 : i32
        %eq3A_92 = arith.constant 0 : i32
        %eq3A_93 = arith.cmpi eq, %jit3A_91, %eq3A_92 : i32
        %jit3A_94 = arith.constant 1 : i32
        %select_n3A_95 = arith.select %eq3A_93, %jit3A_94, %jit3A_91 : i32
        %rem3A_96 = arith.remsi %while3A_74, %select_n3A_95 : i32
        %ne3A_97 = arith.constant 0 : i32
        %ne3A_98 = arith.cmpi ne, %rem3A_96, %ne3A_97 : i32
        %lt3A = arith.constant 0 : i32
        %lt3A_99 = arith.cmpi slt, %rem3A_96, %lt3A : i32
        %lt3A_100 = arith.constant 0 : i32
        %lt3A_101 = arith.cmpi slt, %select_n3A_95, %lt3A_100 : i32
        %ne3A_102 = arith.xori %lt3A_99, %lt3A_101 : i1
        %and3A_103 = arith.andi %ne3A_102, %ne3A_98 : i1
        %add3A_104 = arith.addi %rem3A_96, %select_n3A_95 : i32
        %select_n3A_105 = arith.select %and3A_103, %add3A_104, %rem3A_96 : i32
        %mul3A_106 = arith.constant 16 : i32
        %mul3A_107 = arith.muli %select_n3A_105, %mul3A_106 : i32
        %get3A_108 = arith.index_cast %select_n3A : i32 to index
        %get3A_109 = arith.index_cast %mul3A_107 : i32 to index
        %get3A_110 = tpu.vector_load %arg11[%get3A_108, %get3A_109] {strides = array<i32>} : memref<158x128xi32, #tpu.memory_space<vmem>>, vector<1x16xi32>,
        %get3A_111 = vector.shape_cast %get3A_110 : vector<1x16xi32> to vector<16xi32>
        %ge3A = arith.constant 0 : i32
        %ge3A_112 = vector.broadcast %ge3A : i32 to vector<16xi32>
        %ge3A_113 = arith.cmpi sge, %get3A_111, %ge3A_112 : vector<16xi32>
        %lt3A_114 = arith.constant 5120 : i32
        %lt3A_115 = vector.broadcast %lt3A_114 : i32 to vector<16xi32>
        %lt3A_116 = arith.cmpi slt, %get3A_111, %lt3A_115 : vector<16xi32>
        %and3A_117 = arith.andi %ge3A_113, %lt3A_116 : vector<16xi1>
        %sub3A_118 = arith.constant 0 : i32
        %sub3A_119 = vector.broadcast %sub3A_118 : i32 to vector<16xi32>
        %sub3A_120 = arith.subi %get3A_111, %sub3A_119 : vector<16xi32>
        %jit3A_121 = arith.constant 5120 : i32
        %broadcast_in_dim3A = vector.broadcast %jit3A_121 : i32 to vector<16xi32>
        %select_n3A_122 = arith.select %and3A_117, %sub3A_120, %broadcast_in_dim3A : vector<16xi1>, vector<16xi32>
        %swap3A = arith.index_cast %select_n3A : i32 to index
        %swap3A_123 = arith.index_cast %mul3A_107 : i32 to index
        %swap3A_124 = tpu.vector_load %arg12[%swap3A, %swap3A_123] {strides = array<i32>} : memref<158x128xi32, #tpu.memory_space<vmem>>, vector<1x16xi32>,
        %swap3A_125 = vector.shape_cast %swap3A_124 : vector<1x16xi32> to vector<16xi32>
        %swap3A_126 = vector.shape_cast %select_n3A_122 : vector<16xi32> to vector<1x16xi32>
        tpu.vector_store %arg12[%swap3A, %swap3A_123], %swap3A_126 {strides = array<i32>} : memref<158x128xi32, #tpu.memory_space<vmem>>, vector<1x16xi32>,
      }
      %mul3A_21 = arith.constant 328 : i32
      %mul3A_22 = arith.muli %arg1, %mul3A_21 : i32
      "tpu.region"() ({
        %run_scoped3A = tpu.sem_alloc : memref<!tpu.dma_semaphore, #tpu.memory_space<semaphore_mem>>
        %dma_start3A = arith.constant 0 : i32
        %dma_start3A_74 = tpu.memref_slice %arg15[%mul3A_22, %dma_start3A] : memref<5248x128xf32, #tpu.memory_space<vmem_shared>> -> memref<328x128xf32, #tpu.memory_space<vmem_shared>>
        tpu.enqueue_dma source(%arg6 : memref<328x128xf32, #tpu.memory_space<hbm>>) target(%dma_start3A_74 : memref<328x128xf32, #tpu.memory_space<vmem_shared>>) target_semaphore(%run_scoped3A : memref<!tpu.dma_semaphore, #tpu.memory_space<semaphore_mem>>)
        %dma_wait3A = arith.constant 0 : i32
        %dma_wait3A_75 = tpu.memref_slice %arg15[%mul3A_22, %dma_wait3A] : memref<5248x128xf32, #tpu.memory_space<vmem_shared>> -> memref<328x128xf32, #tpu.memory_space<vmem_shared>>
        tpu.wait_dma2 semaphore(%run_scoped3A : memref<!tpu.dma_semaphore, #tpu.memory_space<semaphore_mem>>) src(%arg6 : memref<328x128xf32, #tpu.memory_space<hbm>>) dst(%dma_wait3A_75 : memref<328x128xf32, #tpu.memory_space<vmem_shared>>)
        tpu.yield
      }) : () -> ()
      %barrier3A = arith.constant 0 : index
      tpu.barrier barrier_id(%barrier3A)
      %while3A_23 = arith.constant 0 : i32
      %while3A_24 = arith.constant 0 : i32
      %while3A_25 = arith.subi %squeeze3A, %while3A_24 : i32
      %while3A_26 = arith.addi %while3A_24, %while3A_25 : i32
      %while3A_27 = arith.constant 1 : i32
      %while3A_28 = arith.divsi %while3A_25, %while3A_27 : i32
      %while3A_29 = arith.muli %while3A_28, %while3A_27 : i32
      %while3A_30 = arith.addi %while3A_24, %while3A_29 : i32
      %while3A_31 = arith.constant 1 : i32
      scf.for %while3A_74 = %while3A_24 to %while3A_30 step %while3A_31  : i32 {
        "tpu.region"() ({
          %run_scoped3A = tpu.sem_alloc : memref<!tpu.dma_semaphore, #tpu.memory_space<semaphore_mem>>
          %dma_start3A = arith.constant 0 : i32
          %dma_start3A_75 = tpu.memref_slice %arg10[%while3A_74, %dma_start3A] : memref<158x128xi32, #tpu.memory_space<vmem>> -> memref<1x128xi32, #tpu.memory_space<vmem>>
          %dma_start3A_76 = tpu.memref_squeeze %dma_start3A_75 : memref<1x128xi32, #tpu.memory_space<vmem>> -> memref<128xi32, #tpu.memory_space<vmem>>
          %dma_start3A_77 = arith.constant 0 : i32
          %dma_start3A_78 = arith.constant 0 : i32
          %dma_start3A_79 = tpu.memref_slice %arg2[%dma_start3A_77, %dma_start3A_78] : memref<10240x128xf32, #tpu.memory_space<hbm>> -> memref<10240x128xf32, #tpu.memory_space<hbm>>
          tpu.enqueue_indirect_dma source(%dma_start3A_79 : memref<10240x128xf32, #tpu.memory_space<hbm>>) target(%arg13 : memref<128x128xf32, #tpu.memory_space<vmem>>) offsets(%dma_start3A_76 : memref<128xi32, #tpu.memory_space<vmem>>) semaphore(%run_scoped3A : memref<!tpu.dma_semaphore, #tpu.memory_space<semaphore_mem>>)
          %dma_wait3A = arith.constant 0 : i32
          %dma_wait3A_80 = tpu.memref_slice %arg10[%while3A_74, %dma_wait3A] : memref<158x128xi32, #tpu.memory_space<vmem>> -> memref<1x128xi32, #tpu.memory_space<vmem>>
          %dma_wait3A_81 = tpu.memref_squeeze %dma_wait3A_80 : memref<1x128xi32, #tpu.memory_space<vmem>> -> memref<128xi32, #tpu.memory_space<vmem>>
          %dma_wait3A_82 = arith.constant 0 : i32
          %dma_wait3A_83 = arith.constant 0 : i32
          %dma_wait3A_84 = tpu.memref_slice %arg2[%dma_wait3A_82, %dma_wait3A_83] : memref<10240x128xf32, #tpu.memory_space<hbm>> -> memref<10240x128xf32, #tpu.memory_space<hbm>>
          tpu.wait_indirect_dma semaphore(%run_scoped3A : memref<!tpu.dma_semaphore, #tpu.memory_space<semaphore_mem>>) src(%dma_wait3A_84 : memref<10240x128xf32, #tpu.memory_space<hbm>>) dst(%arg13 : memref<128x128xf32, #tpu.memory_space<vmem>>)
          tpu.yield
        }) : () -> ()
        "tpu.region"() ({
          %run_scoped3A = tpu.sem_alloc : memref<!tpu.dma_semaphore, #tpu.memory_space<semaphore_mem>>
          %dma_start3A = arith.constant 0 : i32
          %dma_start3A_75 = tpu.memref_slice %arg12[%while3A_74, %dma_start3A] : memref<158x128xi32, #tpu.memory_space<vmem>> -> memref<1x128xi32, #tpu.memory_space<vmem>>
          %dma_start3A_76 = tpu.memref_squeeze %dma_start3A_75 : memref<1x128xi32, #tpu.memory_space<vmem>> -> memref<128xi32, #tpu.memory_space<vmem>>
          %dma_start3A_77 = arith.constant 0 : i32
          %dma_start3A_78 = arith.constant 0 : i32
          %dma_start3A_79 = tpu.memref_slice %arg15[%dma_start3A_77, %dma_start3A_78] : memref<5248x128xf32, #tpu.memory_space<vmem_shared>> -> memref<5248x128xf32, #tpu.memory_space<vmem_shared>>
          tpu.enqueue_indirect_dma source(%arg13 : memref<128x128xf32, #tpu.memory_space<vmem>>) target(%dma_start3A_79 : memref<5248x128xf32, #tpu.memory_space<vmem_shared>>) offsets(%dma_start3A_76 : memref<128xi32, #tpu.memory_space<vmem>>) semaphore(%run_scoped3A : memref<!tpu.dma_semaphore, #tpu.memory_space<semaphore_mem>>) {add = true}
          %dma_wait3A = arith.constant 0 : i32
          %dma_wait3A_80 = tpu.memref_slice %arg12[%while3A_74, %dma_wait3A] : memref<158x128xi32, #tpu.memory_space<vmem>> -> memref<1x128xi32, #tpu.memory_space<vmem>>
          %dma_wait3A_81 = tpu.memref_squeeze %dma_wait3A_80 : memref<1x128xi32, #tpu.memory_space<vmem>> -> memref<128xi32, #tpu.memory_space<vmem>>
          %dma_wait3A_82 = arith.constant 0 : i32
          %dma_wait3A_83 = arith.constant 0 : i32
          %dma_wait3A_84 = tpu.memref_slice %arg15[%dma_wait3A_82, %dma_wait3A_83] : memref<5248x128xf32, #tpu.memory_space<vmem_shared>> -> memref<5248x128xf32, #tpu.memory_space<vmem_shared>>
          tpu.wait_indirect_dma semaphore(%run_scoped3A : memref<!tpu.dma_semaphore, #tpu.memory_space<semaphore_mem>>) src(%arg13 : memref<128x128xf32, #tpu.memory_space<vmem>>) dst(%dma_wait3A_84 : memref<5248x128xf32, #tpu.memory_space<vmem_shared>>)
          tpu.yield
        }) : () -> ()
      }
      %while3A_32 = arith.constant 1 : i32
      scf.for %while3A_74 = %while3A_30 to %while3A_26 step %while3A_32  : i32 {
        "tpu.region"() ({
          %run_scoped3A = tpu.sem_alloc : memref<!tpu.dma_semaphore, #tpu.memory_space<semaphore_mem>>
          %dma_start3A = arith.constant 0 : i32
          %dma_start3A_75 = tpu.memref_slice %arg10[%while3A_74, %dma_start3A] : memref<158x128xi32, #tpu.memory_space<vmem>> -> memref<1x128xi32, #tpu.memory_space<vmem>>
          %dma_start3A_76 = tpu.memref_squeeze %dma_start3A_75 : memref<1x128xi32, #tpu.memory_space<vmem>> -> memref<128xi32, #tpu.memory_space<vmem>>
          %dma_start3A_77 = arith.constant 0 : i32
          %dma_start3A_78 = arith.constant 0 : i32
          %dma_start3A_79 = tpu.memref_slice %arg2[%dma_start3A_77, %dma_start3A_78] : memref<10240x128xf32, #tpu.memory_space<hbm>> -> memref<10240x128xf32, #tpu.memory_space<hbm>>
          tpu.enqueue_indirect_dma source(%dma_start3A_79 : memref<10240x128xf32, #tpu.memory_space<hbm>>) target(%arg13 : memref<128x128xf32, #tpu.memory_space<vmem>>) offsets(%dma_start3A_76 : memref<128xi32, #tpu.memory_space<vmem>>) semaphore(%run_scoped3A : memref<!tpu.dma_semaphore, #tpu.memory_space<semaphore_mem>>)
          %dma_wait3A = arith.constant 0 : i32
          %dma_wait3A_80 = tpu.memref_slice %arg10[%while3A_74, %dma_wait3A] : memref<158x128xi32, #tpu.memory_space<vmem>> -> memref<1x128xi32, #tpu.memory_space<vmem>>
          %dma_wait3A_81 = tpu.memref_squeeze %dma_wait3A_80 : memref<1x128xi32, #tpu.memory_space<vmem>> -> memref<128xi32, #tpu.memory_space<vmem>>
          %dma_wait3A_82 = arith.constant 0 : i32
          %dma_wait3A_83 = arith.constant 0 : i32
          %dma_wait3A_84 = tpu.memref_slice %arg2[%dma_wait3A_82, %dma_wait3A_83] : memref<10240x128xf32, #tpu.memory_space<hbm>> -> memref<10240x128xf32, #tpu.memory_space<hbm>>
          tpu.wait_indirect_dma semaphore(%run_scoped3A : memref<!tpu.dma_semaphore, #tpu.memory_space<semaphore_mem>>) src(%dma_wait3A_84 : memref<10240x128xf32, #tpu.memory_space<hbm>>) dst(%arg13 : memref<128x128xf32, #tpu.memory_space<vmem>>)
          tpu.yield
        }) : () -> ()
        "tpu.region"() ({
          %run_scoped3A = tpu.sem_alloc : memref<!tpu.dma_semaphore, #tpu.memory_space<semaphore_mem>>
          %dma_start3A = arith.constant 0 : i32
          %dma_start3A_75 = tpu.memref_slice %arg12[%while3A_74, %dma_start3A] : memref<158x128xi32, #tpu.memory_space<vmem>> -> memref<1x128xi32, #tpu.memory_space<vmem>>
          %dma_start3A_76 = tpu.memref_squeeze %dma_start3A_75 : memref<1x128xi32, #tpu.memory_space<vmem>> -> memref<128xi32, #tpu.memory_space<vmem>>
          %dma_start3A_77 = arith.constant 0 : i32
          %dma_start3A_78 = arith.constant 0 : i32
          %dma_start3A_79 = tpu.memref_slice %arg15[%dma_start3A_77, %dma_start3A_78] : memref<5248x128xf32, #tpu.memory_space<vmem_shared>> -> memref<5248x128xf32, #tpu.memory_space<vmem_shared>>
          tpu.enqueue_indirect_dma source(%arg13 : memref<128x128xf32, #tpu.memory_space<vmem>>) target(%dma_start3A_79 : memref<5248x128xf32, #tpu.memory_space<vmem_shared>>) offsets(%dma_start3A_76 : memref<128xi32, #tpu.memory_space<vmem>>) semaphore(%run_scoped3A : memref<!tpu.dma_semaphore, #tpu.memory_space<semaphore_mem>>) {add = true}
          %dma_wait3A = arith.constant 0 : i32
          %dma_wait3A_80 = tpu.memref_slice %arg12[%while3A_74, %dma_wait3A] : memref<158x128xi32, #tpu.memory_space<vmem>> -> memref<1x128xi32, #tpu.memory_space<vmem>>
          %dma_wait3A_81 = tpu.memref_squeeze %dma_wait3A_80 : memref<1x128xi32, #tpu.memory_space<vmem>> -> memref<128xi32, #tpu.memory_space<vmem>>
          %dma_wait3A_82 = arith.constant 0 : i32
          %dma_wait3A_83 = arith.constant 0 : i32
          %dma_wait3A_84 = tpu.memref_slice %arg15[%dma_wait3A_82, %dma_wait3A_83] : memref<5248x128xf32, #tpu.memory_space<vmem_shared>> -> memref<5248x128xf32, #tpu.memory_space<vmem_shared>>
          tpu.wait_indirect_dma semaphore(%run_scoped3A : memref<!tpu.dma_semaphore, #tpu.memory_space<semaphore_mem>>) src(%arg13 : memref<128x128xf32, #tpu.memory_space<vmem>>) dst(%dma_wait3A_84 : memref<5248x128xf32, #tpu.memory_space<vmem_shared>>)
          tpu.yield
        }) : () -> ()
      }
      %barrier3A_33 = arith.constant 0 : index
      tpu.barrier barrier_id(%barrier3A_33)
      %mul3A_34 = arith.constant 320 : i32
      %mul3A_35 = arith.muli %arg1, %mul3A_34 : i32
      %mul3A_36 = arith.constant 320 : i32
      %mul3A_37 = arith.muli %arg1, %mul3A_36 : i32
      %add3A_38 = arith.constant 0 : i32
      %add3A_39 = arith.addi %add3A_38, %mul3A_37 : i32
      "tpu.region"() ({
        %run_scoped3A = tpu.sem_alloc : memref<!tpu.dma_semaphore, #tpu.memory_space<semaphore_mem>>
        %dma_start3A = arith.constant 0 : i32
        %dma_start3A_74 = tpu.memref_slice %arg8[%add3A_39, %dma_start3A] : memref<10240x128xf32, #tpu.memory_space<hbm>> -> memref<320x128xf32, #tpu.memory_space<hbm>>
        %dma_start3A_75 = arith.constant 0 : i32
        %dma_start3A_76 = tpu.memref_slice %arg15[%mul3A_35, %dma_start3A_75] : memref<5248x128xf32, #tpu.memory_space<vmem_shared>> -> memref<320x128xf32, #tpu.memory_space<vmem_shared>>
        tpu.enqueue_dma source(%dma_start3A_76 : memref<320x128xf32, #tpu.memory_space<vmem_shared>>) target(%dma_start3A_74 : memref<320x128xf32, #tpu.memory_space<hbm>>) target_semaphore(%run_scoped3A : memref<!tpu.dma_semaphore, #tpu.memory_space<semaphore_mem>>)
        %dma_wait3A = arith.constant 0 : i32
        %dma_wait3A_77 = tpu.memref_slice %arg8[%add3A_39, %dma_wait3A] : memref<10240x128xf32, #tpu.memory_space<hbm>> -> memref<320x128xf32, #tpu.memory_space<hbm>>
        %dma_wait3A_78 = arith.constant 0 : i32
        %dma_wait3A_79 = tpu.memref_slice %arg15[%mul3A_35, %dma_wait3A_78] : memref<5248x128xf32, #tpu.memory_space<vmem_shared>> -> memref<320x128xf32, #tpu.memory_space<vmem_shared>>
        tpu.wait_dma2 semaphore(%run_scoped3A : memref<!tpu.dma_semaphore, #tpu.memory_space<semaphore_mem>>) src(%dma_wait3A_79 : memref<320x128xf32, #tpu.memory_space<vmem_shared>>) dst(%dma_wait3A_77 : memref<320x128xf32, #tpu.memory_space<hbm>>)
        tpu.yield
      }) : () -> ()
      %barrier3A_40 = arith.constant 0 : index
      tpu.barrier barrier_id(%barrier3A_40)
      %mul3A_41 = arith.constant 8 : i32
      %mul3A_42 = arith.muli %squeeze3A, %mul3A_41 : i32
      %while3A_43 = arith.constant 0 : i32
      %while3A_44 = arith.constant 0 : i32
      %while3A_45 = arith.subi %mul3A_42, %while3A_44 : i32
      %while3A_46 = arith.addi %while3A_44, %while3A_45 : i32
      %while3A_47 = arith.constant 1 : i32
      %while3A_48 = arith.divsi %while3A_45, %while3A_47 : i32
      %while3A_49 = arith.muli %while3A_48, %while3A_47 : i32
      %while3A_50 = arith.addi %while3A_44, %while3A_49 : i32
      %while3A_51 = arith.constant 1 : i32
      scf.for %while3A_74 = %while3A_44 to %while3A_50 step %while3A_51  : i32 {
        %jit3A = arith.constant 8 : i32
        %div3A = arith.divsi %while3A_74, %jit3A : i32
        %sign3A = arith.constant 0 : i32
        %sign3A_75 = arith.cmpi sgt, %while3A_74, %sign3A : i32
        %sign3A_76 = arith.extui %sign3A_75 : i1 to i32
        %sign3A_77 = arith.constant 0 : i32
        %sign3A_78 = arith.cmpi slt, %while3A_74, %sign3A_77 : i32
        %sign3A_79 = arith.extui %sign3A_78 : i1 to i32
        %sign3A_80 = arith.subi %sign3A_76, %sign3A_79 : i32
        %sign3A_81 = arith.constant 0 : i32
        %sign3A_82 = arith.cmpi sgt, %jit3A, %sign3A_81 : i32
        %sign3A_83 = arith.extui %sign3A_82 : i1 to i32
        %sign3A_84 = arith.constant 0 : i32
        %sign3A_85 = arith.cmpi slt, %jit3A, %sign3A_84 : i32
        %sign3A_86 = arith.extui %sign3A_85 : i1 to i32
        %sign3A_87 = arith.subi %sign3A_83, %sign3A_86 : i32
        %ne3A = arith.cmpi ne, %sign3A_80, %sign3A_87 : i32
        %rem3A = arith.remsi %while3A_74, %jit3A : i32
        %ne3A_88 = arith.constant 0 : i32
        %ne3A_89 = arith.cmpi ne, %rem3A, %ne3A_88 : i32
        %and3A = arith.andi %ne3A, %ne3A_89 : i1
        %sub3A = arith.constant 1 : i32
        %sub3A_90 = arith.subi %div3A, %sub3A : i32
        %select_n3A = arith.select %and3A, %sub3A_90, %div3A : i32
        %jit3A_91 = arith.constant 8 : i32
        %eq3A_92 = arith.constant 0 : i32
        %eq3A_93 = arith.cmpi eq, %jit3A_91, %eq3A_92 : i32
        %jit3A_94 = arith.constant 1 : i32
        %select_n3A_95 = arith.select %eq3A_93, %jit3A_94, %jit3A_91 : i32
        %rem3A_96 = arith.remsi %while3A_74, %select_n3A_95 : i32
        %ne3A_97 = arith.constant 0 : i32
        %ne3A_98 = arith.cmpi ne, %rem3A_96, %ne3A_97 : i32
        %lt3A = arith.constant 0 : i32
        %lt3A_99 = arith.cmpi slt, %rem3A_96, %lt3A : i32
        %lt3A_100 = arith.constant 0 : i32
        %lt3A_101 = arith.cmpi slt, %select_n3A_95, %lt3A_100 : i32
        %ne3A_102 = arith.xori %lt3A_99, %lt3A_101 : i1
        %and3A_103 = arith.andi %ne3A_102, %ne3A_98 : i1
        %add3A_104 = arith.addi %rem3A_96, %select_n3A_95 : i32
        %select_n3A_105 = arith.select %and3A_103, %add3A_104, %rem3A_96 : i32
        %mul3A_106 = arith.constant 16 : i32
        %mul3A_107 = arith.muli %select_n3A_105, %mul3A_106 : i32
        %get3A_108 = arith.index_cast %select_n3A : i32 to index
        %get3A_109 = arith.index_cast %mul3A_107 : i32 to index
        %get3A_110 = tpu.vector_load %arg11[%get3A_108, %get3A_109] {strides = array<i32>} : memref<158x128xi32, #tpu.memory_space<vmem>>, vector<1x16xi32>,
        %get3A_111 = vector.shape_cast %get3A_110 : vector<1x16xi32> to vector<16xi32>
        %ge3A = arith.constant 5120 : i32
        %ge3A_112 = vector.broadcast %ge3A : i32 to vector<16xi32>
        %ge3A_113 = arith.cmpi sge, %get3A_111, %ge3A_112 : vector<16xi32>
        %lt3A_114 = arith.constant 10240 : i32
        %lt3A_115 = vector.broadcast %lt3A_114 : i32 to vector<16xi32>
        %lt3A_116 = arith.cmpi slt, %get3A_111, %lt3A_115 : vector<16xi32>
        %and3A_117 = arith.andi %ge3A_113, %lt3A_116 : vector<16xi1>
        %sub3A_118 = arith.constant 5120 : i32
        %sub3A_119 = vector.broadcast %sub3A_118 : i32 to vector<16xi32>
        %sub3A_120 = arith.subi %get3A_111, %sub3A_119 : vector<16xi32>
        %jit3A_121 = arith.constant 5120 : i32
        %broadcast_in_dim3A = vector.broadcast %jit3A_121 : i32 to vector<16xi32>
        %select_n3A_122 = arith.select %and3A_117, %sub3A_120, %broadcast_in_dim3A : vector<16xi1>, vector<16xi32>
        %swap3A = arith.index_cast %select_n3A : i32 to index
        %swap3A_123 = arith.index_cast %mul3A_107 : i32 to index
        %swap3A_124 = tpu.vector_load %arg12[%swap3A, %swap3A_123] {strides = array<i32>} : memref<158x128xi32, #tpu.memory_space<vmem>>, vector<1x16xi32>,
        %swap3A_125 = vector.shape_cast %swap3A_124 : vector<1x16xi32> to vector<16xi32>
        %swap3A_126 = vector.shape_cast %select_n3A_122 : vector<16xi32> to vector<1x16xi32>
        tpu.vector_store %arg12[%swap3A, %swap3A_123], %swap3A_126 {strides = array<i32>} : memref<158x128xi32, #tpu.memory_space<vmem>>, vector<1x16xi32>,
      }
      %while3A_52 = arith.constant 1 : i32
      scf.for %while3A_74 = %while3A_50 to %while3A_46 step %while3A_52  : i32 {
        %jit3A = arith.constant 8 : i32
        %div3A = arith.divsi %while3A_74, %jit3A : i32
        %sign3A = arith.constant 0 : i32
        %sign3A_75 = arith.cmpi sgt, %while3A_74, %sign3A : i32
        %sign3A_76 = arith.extui %sign3A_75 : i1 to i32
        %sign3A_77 = arith.constant 0 : i32
        %sign3A_78 = arith.cmpi slt, %while3A_74, %sign3A_77 : i32
        %sign3A_79 = arith.extui %sign3A_78 : i1 to i32
        %sign3A_80 = arith.subi %sign3A_76, %sign3A_79 : i32
        %sign3A_81 = arith.constant 0 : i32
        %sign3A_82 = arith.cmpi sgt, %jit3A, %sign3A_81 : i32
        %sign3A_83 = arith.extui %sign3A_82 : i1 to i32
        %sign3A_84 = arith.constant 0 : i32
        %sign3A_85 = arith.cmpi slt, %jit3A, %sign3A_84 : i32
        %sign3A_86 = arith.extui %sign3A_85 : i1 to i32
        %sign3A_87 = arith.subi %sign3A_83, %sign3A_86 : i32
        %ne3A = arith.cmpi ne, %sign3A_80, %sign3A_87 : i32
        %rem3A = arith.remsi %while3A_74, %jit3A : i32
        %ne3A_88 = arith.constant 0 : i32
        %ne3A_89 = arith.cmpi ne, %rem3A, %ne3A_88 : i32
        %and3A = arith.andi %ne3A, %ne3A_89 : i1
        %sub3A = arith.constant 1 : i32
        %sub3A_90 = arith.subi %div3A, %sub3A : i32
        %select_n3A = arith.select %and3A, %sub3A_90, %div3A : i32
        %jit3A_91 = arith.constant 8 : i32
        %eq3A_92 = arith.constant 0 : i32
        %eq3A_93 = arith.cmpi eq, %jit3A_91, %eq3A_92 : i32
        %jit3A_94 = arith.constant 1 : i32
        %select_n3A_95 = arith.select %eq3A_93, %jit3A_94, %jit3A_91 : i32
        %rem3A_96 = arith.remsi %while3A_74, %select_n3A_95 : i32
        %ne3A_97 = arith.constant 0 : i32
        %ne3A_98 = arith.cmpi ne, %rem3A_96, %ne3A_97 : i32
        %lt3A = arith.constant 0 : i32
        %lt3A_99 = arith.cmpi slt, %rem3A_96, %lt3A : i32
        %lt3A_100 = arith.constant 0 : i32
        %lt3A_101 = arith.cmpi slt, %select_n3A_95, %lt3A_100 : i32
        %ne3A_102 = arith.xori %lt3A_99, %lt3A_101 : i1
        %and3A_103 = arith.andi %ne3A_102, %ne3A_98 : i1
        %add3A_104 = arith.addi %rem3A_96, %select_n3A_95 : i32
        %select_n3A_105 = arith.select %and3A_103, %add3A_104, %rem3A_96 : i32
        %mul3A_106 = arith.constant 16 : i32
        %mul3A_107 = arith.muli %select_n3A_105, %mul3A_106 : i32
        %get3A_108 = arith.index_cast %select_n3A : i32 to index
        %get3A_109 = arith.index_cast %mul3A_107 : i32 to index
        %get3A_110 = tpu.vector_load %arg11[%get3A_108, %get3A_109] {strides = array<i32>} : memref<158x128xi32, #tpu.memory_space<vmem>>, vector<1x16xi32>,
        %get3A_111 = vector.shape_cast %get3A_110 : vector<1x16xi32> to vector<16xi32>
        %ge3A = arith.constant 5120 : i32
        %ge3A_112 = vector.broadcast %ge3A : i32 to vector<16xi32>
        %ge3A_113 = arith.cmpi sge, %get3A_111, %ge3A_112 : vector<16xi32>
        %lt3A_114 = arith.constant 10240 : i32
        %lt3A_115 = vector.broadcast %lt3A_114 : i32 to vector<16xi32>
        %lt3A_116 = arith.cmpi slt, %get3A_111, %lt3A_115 : vector<16xi32>
        %and3A_117 = arith.andi %ge3A_113, %lt3A_116 : vector<16xi1>
        %sub3A_118 = arith.constant 5120 : i32
        %sub3A_119 = vector.broadcast %sub3A_118 : i32 to vector<16xi32>
        %sub3A_120 = arith.subi %get3A_111, %sub3A_119 : vector<16xi32>
        %jit3A_121 = arith.constant 5120 : i32
        %broadcast_in_dim3A = vector.broadcast %jit3A_121 : i32 to vector<16xi32>
        %select_n3A_122 = arith.select %and3A_117, %sub3A_120, %broadcast_in_dim3A : vector<16xi1>, vector<16xi32>
        %swap3A = arith.index_cast %select_n3A : i32 to index
        %swap3A_123 = arith.index_cast %mul3A_107 : i32 to index
        %swap3A_124 = tpu.vector_load %arg12[%swap3A, %swap3A_123] {strides = array<i32>} : memref<158x128xi32, #tpu.memory_space<vmem>>, vector<1x16xi32>,
        %swap3A_125 = vector.shape_cast %swap3A_124 : vector<1x16xi32> to vector<16xi32>
        %swap3A_126 = vector.shape_cast %select_n3A_122 : vector<16xi32> to vector<1x16xi32>
        tpu.vector_store %arg12[%swap3A, %swap3A_123], %swap3A_126 {strides = array<i32>} : memref<158x128xi32, #tpu.memory_space<vmem>>, vector<1x16xi32>,
      }
      %mul3A_53 = arith.constant 328 : i32
      %mul3A_54 = arith.muli %arg1, %mul3A_53 : i32
      "tpu.region"() ({
        %run_scoped3A = tpu.sem_alloc : memref<!tpu.dma_semaphore, #tpu.memory_space<semaphore_mem>>
        %dma_start3A = arith.constant 0 : i32
        %dma_start3A_74 = tpu.memref_slice %arg15[%mul3A_54, %dma_start3A] : memref<5248x128xf32, #tpu.memory_space<vmem_shared>> -> memref<328x128xf32, #tpu.memory_space<vmem_shared>>
        tpu.enqueue_dma source(%arg6 : memref<328x128xf32, #tpu.memory_space<hbm>>) target(%dma_start3A_74 : memref<328x128xf32, #tpu.memory_space<vmem_shared>>) target_semaphore(%run_scoped3A : memref<!tpu.dma_semaphore, #tpu.memory_space<semaphore_mem>>)
        %dma_wait3A = arith.constant 0 : i32
        %dma_wait3A_75 = tpu.memref_slice %arg15[%mul3A_54, %dma_wait3A] : memref<5248x128xf32, #tpu.memory_space<vmem_shared>> -> memref<328x128xf32, #tpu.memory_space<vmem_shared>>
        tpu.wait_dma2 semaphore(%run_scoped3A : memref<!tpu.dma_semaphore, #tpu.memory_space<semaphore_mem>>) src(%arg6 : memref<328x128xf32, #tpu.memory_space<hbm>>) dst(%dma_wait3A_75 : memref<328x128xf32, #tpu.memory_space<vmem_shared>>)
        tpu.yield
      }) : () -> ()
      %barrier3A_55 = arith.constant 0 : index
      tpu.barrier barrier_id(%barrier3A_55)
      %while3A_56 = arith.constant 0 : i32
      %while3A_57 = arith.constant 0 : i32
      %while3A_58 = arith.subi %squeeze3A, %while3A_57 : i32
      %while3A_59 = arith.addi %while3A_57, %while3A_58 : i32
      %while3A_60 = arith.constant 1 : i32
      %while3A_61 = arith.divsi %while3A_58, %while3A_60 : i32
      %while3A_62 = arith.muli %while3A_61, %while3A_60 : i32
      %while3A_63 = arith.addi %while3A_57, %while3A_62 : i32
      %while3A_64 = arith.constant 1 : i32
      scf.for %while3A_74 = %while3A_57 to %while3A_63 step %while3A_64  : i32 {
        "tpu.region"() ({
          %run_scoped3A = tpu.sem_alloc : memref<!tpu.dma_semaphore, #tpu.memory_space<semaphore_mem>>
          %dma_start3A = arith.constant 0 : i32
          %dma_start3A_75 = tpu.memref_slice %arg10[%while3A_74, %dma_start3A] : memref<158x128xi32, #tpu.memory_space<vmem>> -> memref<1x128xi32, #tpu.memory_space<vmem>>
          %dma_start3A_76 = tpu.memref_squeeze %dma_start3A_75 : memref<1x128xi32, #tpu.memory_space<vmem>> -> memref<128xi32, #tpu.memory_space<vmem>>
          %dma_start3A_77 = arith.constant 0 : i32
          %dma_start3A_78 = arith.constant 0 : i32
          %dma_start3A_79 = tpu.memref_slice %arg2[%dma_start3A_77, %dma_start3A_78] : memref<10240x128xf32, #tpu.memory_space<hbm>> -> memref<10240x128xf32, #tpu.memory_space<hbm>>
          tpu.enqueue_indirect_dma source(%dma_start3A_79 : memref<10240x128xf32, #tpu.memory_space<hbm>>) target(%arg13 : memref<128x128xf32, #tpu.memory_space<vmem>>) offsets(%dma_start3A_76 : memref<128xi32, #tpu.memory_space<vmem>>) semaphore(%run_scoped3A : memref<!tpu.dma_semaphore, #tpu.memory_space<semaphore_mem>>)
          %dma_wait3A = arith.constant 0 : i32
          %dma_wait3A_80 = tpu.memref_slice %arg10[%while3A_74, %dma_wait3A] : memref<158x128xi32, #tpu.memory_space<vmem>> -> memref<1x128xi32, #tpu.memory_space<vmem>>
          %dma_wait3A_81 = tpu.memref_squeeze %dma_wait3A_80 : memref<1x128xi32, #tpu.memory_space<vmem>> -> memref<128xi32, #tpu.memory_space<vmem>>
          %dma_wait3A_82 = arith.constant 0 : i32
          %dma_wait3A_83 = arith.constant 0 : i32
          %dma_wait3A_84 = tpu.memref_slice %arg2[%dma_wait3A_82, %dma_wait3A_83] : memref<10240x128xf32, #tpu.memory_space<hbm>> -> memref<10240x128xf32, #tpu.memory_space<hbm>>
          tpu.wait_indirect_dma semaphore(%run_scoped3A : memref<!tpu.dma_semaphore, #tpu.memory_space<semaphore_mem>>) src(%dma_wait3A_84 : memref<10240x128xf32, #tpu.memory_space<hbm>>) dst(%arg13 : memref<128x128xf32, #tpu.memory_space<vmem>>)
          tpu.yield
        }) : () -> ()
        "tpu.region"() ({
          %run_scoped3A = tpu.sem_alloc : memref<!tpu.dma_semaphore, #tpu.memory_space<semaphore_mem>>
          %dma_start3A = arith.constant 0 : i32
          %dma_start3A_75 = tpu.memref_slice %arg12[%while3A_74, %dma_start3A] : memref<158x128xi32, #tpu.memory_space<vmem>> -> memref<1x128xi32, #tpu.memory_space<vmem>>
          %dma_start3A_76 = tpu.memref_squeeze %dma_start3A_75 : memref<1x128xi32, #tpu.memory_space<vmem>> -> memref<128xi32, #tpu.memory_space<vmem>>
          %dma_start3A_77 = arith.constant 0 : i32
          %dma_start3A_78 = arith.constant 0 : i32
          %dma_start3A_79 = tpu.memref_slice %arg15[%dma_start3A_77, %dma_start3A_78] : memref<5248x128xf32, #tpu.memory_space<vmem_shared>> -> memref<5248x128xf32, #tpu.memory_space<vmem_shared>>
          tpu.enqueue_indirect_dma source(%arg13 : memref<128x128xf32, #tpu.memory_space<vmem>>) target(%dma_start3A_79 : memref<5248x128xf32, #tpu.memory_space<vmem_shared>>) offsets(%dma_start3A_76 : memref<128xi32, #tpu.memory_space<vmem>>) semaphore(%run_scoped3A : memref<!tpu.dma_semaphore, #tpu.memory_space<semaphore_mem>>) {add = true}
          %dma_wait3A = arith.constant 0 : i32
          %dma_wait3A_80 = tpu.memref_slice %arg12[%while3A_74, %dma_wait3A] : memref<158x128xi32, #tpu.memory_space<vmem>> -> memref<1x128xi32, #tpu.memory_space<vmem>>
          %dma_wait3A_81 = tpu.memref_squeeze %dma_wait3A_80 : memref<1x128xi32, #tpu.memory_space<vmem>> -> memref<128xi32, #tpu.memory_space<vmem>>
          %dma_wait3A_82 = arith.constant 0 : i32
          %dma_wait3A_83 = arith.constant 0 : i32
          %dma_wait3A_84 = tpu.memref_slice %arg15[%dma_wait3A_82, %dma_wait3A_83] : memref<5248x128xf32, #tpu.memory_space<vmem_shared>> -> memref<5248x128xf32, #tpu.memory_space<vmem_shared>>
          tpu.wait_indirect_dma semaphore(%run_scoped3A : memref<!tpu.dma_semaphore, #tpu.memory_space<semaphore_mem>>) src(%arg13 : memref<128x128xf32, #tpu.memory_space<vmem>>) dst(%dma_wait3A_84 : memref<5248x128xf32, #tpu.memory_space<vmem_shared>>)
          tpu.yield
        }) : () -> ()
      }
      %while3A_65 = arith.constant 1 : i32
      scf.for %while3A_74 = %while3A_63 to %while3A_59 step %while3A_65  : i32 {
        "tpu.region"() ({
          %run_scoped3A = tpu.sem_alloc : memref<!tpu.dma_semaphore, #tpu.memory_space<semaphore_mem>>
          %dma_start3A = arith.constant 0 : i32
          %dma_start3A_75 = tpu.memref_slice %arg10[%while3A_74, %dma_start3A] : memref<158x128xi32, #tpu.memory_space<vmem>> -> memref<1x128xi32, #tpu.memory_space<vmem>>
          %dma_start3A_76 = tpu.memref_squeeze %dma_start3A_75 : memref<1x128xi32, #tpu.memory_space<vmem>> -> memref<128xi32, #tpu.memory_space<vmem>>
          %dma_start3A_77 = arith.constant 0 : i32
          %dma_start3A_78 = arith.constant 0 : i32
          %dma_start3A_79 = tpu.memref_slice %arg2[%dma_start3A_77, %dma_start3A_78] : memref<10240x128xf32, #tpu.memory_space<hbm>> -> memref<10240x128xf32, #tpu.memory_space<hbm>>
          tpu.enqueue_indirect_dma source(%dma_start3A_79 : memref<10240x128xf32, #tpu.memory_space<hbm>>) target(%arg13 : memref<128x128xf32, #tpu.memory_space<vmem>>) offsets(%dma_start3A_76 : memref<128xi32, #tpu.memory_space<vmem>>) semaphore(%run_scoped3A : memref<!tpu.dma_semaphore, #tpu.memory_space<semaphore_mem>>)
          %dma_wait3A = arith.constant 0 : i32
          %dma_wait3A_80 = tpu.memref_slice %arg10[%while3A_74, %dma_wait3A] : memref<158x128xi32, #tpu.memory_space<vmem>> -> memref<1x128xi32, #tpu.memory_space<vmem>>
          %dma_wait3A_81 = tpu.memref_squeeze %dma_wait3A_80 : memref<1x128xi32, #tpu.memory_space<vmem>> -> memref<128xi32, #tpu.memory_space<vmem>>
          %dma_wait3A_82 = arith.constant 0 : i32
          %dma_wait3A_83 = arith.constant 0 : i32
          %dma_wait3A_84 = tpu.memref_slice %arg2[%dma_wait3A_82, %dma_wait3A_83] : memref<10240x128xf32, #tpu.memory_space<hbm>> -> memref<10240x128xf32, #tpu.memory_space<hbm>>
          tpu.wait_indirect_dma semaphore(%run_scoped3A : memref<!tpu.dma_semaphore, #tpu.memory_space<semaphore_mem>>) src(%dma_wait3A_84 : memref<10240x128xf32, #tpu.memory_space<hbm>>) dst(%arg13 : memref<128x128xf32, #tpu.memory_space<vmem>>)
          tpu.yield
        }) : () -> ()
        "tpu.region"() ({
          %run_scoped3A = tpu.sem_alloc : memref<!tpu.dma_semaphore, #tpu.memory_space<semaphore_mem>>
          %dma_start3A = arith.constant 0 : i32
          %dma_start3A_75 = tpu.memref_slice %arg12[%while3A_74, %dma_start3A] : memref<158x128xi32, #tpu.memory_space<vmem>> -> memref<1x128xi32, #tpu.memory_space<vmem>>
          %dma_start3A_76 = tpu.memref_squeeze %dma_start3A_75 : memref<1x128xi32, #tpu.memory_space<vmem>> -> memref<128xi32, #tpu.memory_space<vmem>>
          %dma_start3A_77 = arith.constant 0 : i32
          %dma_start3A_78 = arith.constant 0 : i32
          %dma_start3A_79 = tpu.memref_slice %arg15[%dma_start3A_77, %dma_start3A_78] : memref<5248x128xf32, #tpu.memory_space<vmem_shared>> -> memref<5248x128xf32, #tpu.memory_space<vmem_shared>>
          tpu.enqueue_indirect_dma source(%arg13 : memref<128x128xf32, #tpu.memory_space<vmem>>) target(%dma_start3A_79 : memref<5248x128xf32, #tpu.memory_space<vmem_shared>>) offsets(%dma_start3A_76 : memref<128xi32, #tpu.memory_space<vmem>>) semaphore(%run_scoped3A : memref<!tpu.dma_semaphore, #tpu.memory_space<semaphore_mem>>) {add = true}
          %dma_wait3A = arith.constant 0 : i32
          %dma_wait3A_80 = tpu.memref_slice %arg12[%while3A_74, %dma_wait3A] : memref<158x128xi32, #tpu.memory_space<vmem>> -> memref<1x128xi32, #tpu.memory_space<vmem>>
          %dma_wait3A_81 = tpu.memref_squeeze %dma_wait3A_80 : memref<1x128xi32, #tpu.memory_space<vmem>> -> memref<128xi32, #tpu.memory_space<vmem>>
          %dma_wait3A_82 = arith.constant 0 : i32
          %dma_wait3A_83 = arith.constant 0 : i32
          %dma_wait3A_84 = tpu.memref_slice %arg15[%dma_wait3A_82, %dma_wait3A_83] : memref<5248x128xf32, #tpu.memory_space<vmem_shared>> -> memref<5248x128xf32, #tpu.memory_space<vmem_shared>>
          tpu.wait_indirect_dma semaphore(%run_scoped3A : memref<!tpu.dma_semaphore, #tpu.memory_space<semaphore_mem>>) src(%arg13 : memref<128x128xf32, #tpu.memory_space<vmem>>) dst(%dma_wait3A_84 : memref<5248x128xf32, #tpu.memory_space<vmem_shared>>)
          tpu.yield
        }) : () -> ()
      }
      %barrier3A_66 = arith.constant 0 : index
      tpu.barrier barrier_id(%barrier3A_66)
      %mul3A_67 = arith.constant 320 : i32
      %mul3A_68 = arith.muli %arg1, %mul3A_67 : i32
      %mul3A_69 = arith.constant 320 : i32
      %mul3A_70 = arith.muli %arg1, %mul3A_69 : i32
      %add3A_71 = arith.constant 5120 : i32
      %add3A_72 = arith.addi %add3A_71, %mul3A_70 : i32
      "tpu.region"() ({
        %run_scoped3A = tpu.sem_alloc : memref<!tpu.dma_semaphore, #tpu.memory_space<semaphore_mem>>
        %dma_start3A = arith.constant 0 : i32
        %dma_start3A_74 = tpu.memref_slice %arg8[%add3A_72, %dma_start3A] : memref<10240x128xf32, #tpu.memory_space<hbm>> -> memref<320x128xf32, #tpu.memory_space<hbm>>
        %dma_start3A_75 = arith.constant 0 : i32
        %dma_start3A_76 = tpu.memref_slice %arg15[%mul3A_68, %dma_start3A_75] : memref<5248x128xf32, #tpu.memory_space<vmem_shared>> -> memref<320x128xf32, #tpu.memory_space<vmem_shared>>
        tpu.enqueue_dma source(%dma_start3A_76 : memref<320x128xf32, #tpu.memory_space<vmem_shared>>) target(%dma_start3A_74 : memref<320x128xf32, #tpu.memory_space<hbm>>) target_semaphore(%run_scoped3A : memref<!tpu.dma_semaphore, #tpu.memory_space<semaphore_mem>>)
        %dma_wait3A = arith.constant 0 : i32
        %dma_wait3A_77 = tpu.memref_slice %arg8[%add3A_72, %dma_wait3A] : memref<10240x128xf32, #tpu.memory_space<hbm>> -> memref<320x128xf32, #tpu.memory_space<hbm>>
        %dma_wait3A_78 = arith.constant 0 : i32
        %dma_wait3A_79 = tpu.memref_slice %arg15[%mul3A_68, %dma_wait3A_78] : memref<5248x128xf32, #tpu.memory_space<vmem_shared>> -> memref<320x128xf32, #tpu.memory_space<vmem_shared>>
        tpu.wait_dma2 semaphore(%run_scoped3A : memref<!tpu.dma_semaphore, #tpu.memory_space<semaphore_mem>>) src(%dma_wait3A_79 : memref<320x128xf32, #tpu.memory_space<vmem_shared>>) dst(%dma_wait3A_77 : memref<320x128xf32, #tpu.memory_space<hbm>>)
        tpu.yield
      }) : () -> ()
      %barrier3A_73 = arith.constant 0 : index
      tpu.barrier barrier_id(%barrier3A_73)
    } else {
    }
    %eq3A_5 = arith.constant 1 : i32
    %eq3A_6 = arith.cmpi eq, %arg0, %eq3A_5 : i32
    %convert_element_type3A_7 = arith.extui %eq3A_6 : i1 to i32
    %cond3A_8 = arith.constant 0 : i32
    %cond3A_9 = arith.cmpi ne, %convert_element_type3A_7, %cond3A_8 : i32
    scf.if %cond3A_9 {
      %mul3A_10 = arith.constant 8 : i32
      %mul3A_11 = arith.muli %squeeze3A, %mul3A_10 : i32
      %while3A = arith.constant 0 : i32
      %while3A_12 = arith.constant 0 : i32
      %while3A_13 = arith.subi %mul3A_11, %while3A_12 : i32
      %while3A_14 = arith.addi %while3A_12, %while3A_13 : i32
      %while3A_15 = arith.constant 1 : i32
      %while3A_16 = arith.divsi %while3A_13, %while3A_15 : i32
      %while3A_17 = arith.muli %while3A_16, %while3A_15 : i32
      %while3A_18 = arith.addi %while3A_12, %while3A_17 : i32
      %while3A_19 = arith.constant 1 : i32
      scf.for %while3A_74 = %while3A_12 to %while3A_18 step %while3A_19  : i32 {
        %jit3A = arith.constant 8 : i32
        %div3A = arith.divsi %while3A_74, %jit3A : i32
        %sign3A = arith.constant 0 : i32
        %sign3A_75 = arith.cmpi sgt, %while3A_74, %sign3A : i32
        %sign3A_76 = arith.extui %sign3A_75 : i1 to i32
        %sign3A_77 = arith.constant 0 : i32
        %sign3A_78 = arith.cmpi slt, %while3A_74, %sign3A_77 : i32
        %sign3A_79 = arith.extui %sign3A_78 : i1 to i32
        %sign3A_80 = arith.subi %sign3A_76, %sign3A_79 : i32
        %sign3A_81 = arith.constant 0 : i32
        %sign3A_82 = arith.cmpi sgt, %jit3A, %sign3A_81 : i32
        %sign3A_83 = arith.extui %sign3A_82 : i1 to i32
        %sign3A_84 = arith.constant 0 : i32
        %sign3A_85 = arith.cmpi slt, %jit3A, %sign3A_84 : i32
        %sign3A_86 = arith.extui %sign3A_85 : i1 to i32
        %sign3A_87 = arith.subi %sign3A_83, %sign3A_86 : i32
        %ne3A = arith.cmpi ne, %sign3A_80, %sign3A_87 : i32
        %rem3A = arith.remsi %while3A_74, %jit3A : i32
        %ne3A_88 = arith.constant 0 : i32
        %ne3A_89 = arith.cmpi ne, %rem3A, %ne3A_88 : i32
        %and3A = arith.andi %ne3A, %ne3A_89 : i1
        %sub3A = arith.constant 1 : i32
        %sub3A_90 = arith.subi %div3A, %sub3A : i32
        %select_n3A = arith.select %and3A, %sub3A_90, %div3A : i32
        %jit3A_91 = arith.constant 8 : i32
        %eq3A_92 = arith.constant 0 : i32
        %eq3A_93 = arith.cmpi eq, %jit3A_91, %eq3A_92 : i32
        %jit3A_94 = arith.constant 1 : i32
        %select_n3A_95 = arith.select %eq3A_93, %jit3A_94, %jit3A_91 : i32
        %rem3A_96 = arith.remsi %while3A_74, %select_n3A_95 : i32
        %ne3A_97 = arith.constant 0 : i32
        %ne3A_98 = arith.cmpi ne, %rem3A_96, %ne3A_97 : i32
        %lt3A = arith.constant 0 : i32
        %lt3A_99 = arith.cmpi slt, %rem3A_96, %lt3A : i32
        %lt3A_100 = arith.constant 0 : i32
        %lt3A_101 = arith.cmpi slt, %select_n3A_95, %lt3A_100 : i32
        %ne3A_102 = arith.xori %lt3A_99, %lt3A_101 : i1
        %and3A_103 = arith.andi %ne3A_102, %ne3A_98 : i1
        %add3A_104 = arith.addi %rem3A_96, %select_n3A_95 : i32
        %select_n3A_105 = arith.select %and3A_103, %add3A_104, %rem3A_96 : i32
        %mul3A_106 = arith.constant 16 : i32
        %mul3A_107 = arith.muli %select_n3A_105, %mul3A_106 : i32
        %get3A_108 = arith.index_cast %select_n3A : i32 to index
        %get3A_109 = arith.index_cast %mul3A_107 : i32 to index
        %get3A_110 = tpu.vector_load %arg11[%get3A_108, %get3A_109] {strides = array<i32>} : memref<158x128xi32, #tpu.memory_space<vmem>>, vector<1x16xi32>,
        %get3A_111 = vector.shape_cast %get3A_110 : vector<1x16xi32> to vector<16xi32>
        %ge3A = arith.constant 0 : i32
        %ge3A_112 = vector.broadcast %ge3A : i32 to vector<16xi32>
        %ge3A_113 = arith.cmpi sge, %get3A_111, %ge3A_112 : vector<16xi32>
        %lt3A_114 = arith.constant 5120 : i32
        %lt3A_115 = vector.broadcast %lt3A_114 : i32 to vector<16xi32>
        %lt3A_116 = arith.cmpi slt, %get3A_111, %lt3A_115 : vector<16xi32>
        %and3A_117 = arith.andi %ge3A_113, %lt3A_116 : vector<16xi1>
        %sub3A_118 = arith.constant 0 : i32
        %sub3A_119 = vector.broadcast %sub3A_118 : i32 to vector<16xi32>
        %sub3A_120 = arith.subi %get3A_111, %sub3A_119 : vector<16xi32>
        %jit3A_121 = arith.constant 5120 : i32
        %broadcast_in_dim3A = vector.broadcast %jit3A_121 : i32 to vector<16xi32>
        %select_n3A_122 = arith.select %and3A_117, %sub3A_120, %broadcast_in_dim3A : vector<16xi1>, vector<16xi32>
        %swap3A = arith.index_cast %select_n3A : i32 to index
        %swap3A_123 = arith.index_cast %mul3A_107 : i32 to index
        %swap3A_124 = tpu.vector_load %arg12[%swap3A, %swap3A_123] {strides = array<i32>} : memref<158x128xi32, #tpu.memory_space<vmem>>, vector<1x16xi32>,
        %swap3A_125 = vector.shape_cast %swap3A_124 : vector<1x16xi32> to vector<16xi32>
        %swap3A_126 = vector.shape_cast %select_n3A_122 : vector<16xi32> to vector<1x16xi32>
        tpu.vector_store %arg12[%swap3A, %swap3A_123], %swap3A_126 {strides = array<i32>} : memref<158x128xi32, #tpu.memory_space<vmem>>, vector<1x16xi32>,
      }
      %while3A_20 = arith.constant 1 : i32
      scf.for %while3A_74 = %while3A_18 to %while3A_14 step %while3A_20  : i32 {
        %jit3A = arith.constant 8 : i32
        %div3A = arith.divsi %while3A_74, %jit3A : i32
        %sign3A = arith.constant 0 : i32
        %sign3A_75 = arith.cmpi sgt, %while3A_74, %sign3A : i32
        %sign3A_76 = arith.extui %sign3A_75 : i1 to i32
        %sign3A_77 = arith.constant 0 : i32
        %sign3A_78 = arith.cmpi slt, %while3A_74, %sign3A_77 : i32
        %sign3A_79 = arith.extui %sign3A_78 : i1 to i32
        %sign3A_80 = arith.subi %sign3A_76, %sign3A_79 : i32
        %sign3A_81 = arith.constant 0 : i32
        %sign3A_82 = arith.cmpi sgt, %jit3A, %sign3A_81 : i32
        %sign3A_83 = arith.extui %sign3A_82 : i1 to i32
        %sign3A_84 = arith.constant 0 : i32
        %sign3A_85 = arith.cmpi slt, %jit3A, %sign3A_84 : i32
        %sign3A_86 = arith.extui %sign3A_85 : i1 to i32
        %sign3A_87 = arith.subi %sign3A_83, %sign3A_86 : i32
        %ne3A = arith.cmpi ne, %sign3A_80, %sign3A_87 : i32
        %rem3A = arith.remsi %while3A_74, %jit3A : i32
        %ne3A_88 = arith.constant 0 : i32
        %ne3A_89 = arith.cmpi ne, %rem3A, %ne3A_88 : i32
        %and3A = arith.andi %ne3A, %ne3A_89 : i1
        %sub3A = arith.constant 1 : i32
        %sub3A_90 = arith.subi %div3A, %sub3A : i32
        %select_n3A = arith.select %and3A, %sub3A_90, %div3A : i32
        %jit3A_91 = arith.constant 8 : i32
        %eq3A_92 = arith.constant 0 : i32
        %eq3A_93 = arith.cmpi eq, %jit3A_91, %eq3A_92 : i32
        %jit3A_94 = arith.constant 1 : i32
        %select_n3A_95 = arith.select %eq3A_93, %jit3A_94, %jit3A_91 : i32
        %rem3A_96 = arith.remsi %while3A_74, %select_n3A_95 : i32
        %ne3A_97 = arith.constant 0 : i32
        %ne3A_98 = arith.cmpi ne, %rem3A_96, %ne3A_97 : i32
        %lt3A = arith.constant 0 : i32
        %lt3A_99 = arith.cmpi slt, %rem3A_96, %lt3A : i32
        %lt3A_100 = arith.constant 0 : i32
        %lt3A_101 = arith.cmpi slt, %select_n3A_95, %lt3A_100 : i32
        %ne3A_102 = arith.xori %lt3A_99, %lt3A_101 : i1
        %and3A_103 = arith.andi %ne3A_102, %ne3A_98 : i1
        %add3A_104 = arith.addi %rem3A_96, %select_n3A_95 : i32
        %select_n3A_105 = arith.select %and3A_103, %add3A_104, %rem3A_96 : i32
        %mul3A_106 = arith.constant 16 : i32
        %mul3A_107 = arith.muli %select_n3A_105, %mul3A_106 : i32
        %get3A_108 = arith.index_cast %select_n3A : i32 to index
        %get3A_109 = arith.index_cast %mul3A_107 : i32 to index
        %get3A_110 = tpu.vector_load %arg11[%get3A_108, %get3A_109] {strides = array<i32>} : memref<158x128xi32, #tpu.memory_space<vmem>>, vector<1x16xi32>,
        %get3A_111 = vector.shape_cast %get3A_110 : vector<1x16xi32> to vector<16xi32>
        %ge3A = arith.constant 0 : i32
        %ge3A_112 = vector.broadcast %ge3A : i32 to vector<16xi32>
        %ge3A_113 = arith.cmpi sge, %get3A_111, %ge3A_112 : vector<16xi32>
        %lt3A_114 = arith.constant 5120 : i32
        %lt3A_115 = vector.broadcast %lt3A_114 : i32 to vector<16xi32>
        %lt3A_116 = arith.cmpi slt, %get3A_111, %lt3A_115 : vector<16xi32>
        %and3A_117 = arith.andi %ge3A_113, %lt3A_116 : vector<16xi1>
        %sub3A_118 = arith.constant 0 : i32
        %sub3A_119 = vector.broadcast %sub3A_118 : i32 to vector<16xi32>
        %sub3A_120 = arith.subi %get3A_111, %sub3A_119 : vector<16xi32>
        %jit3A_121 = arith.constant 5120 : i32
        %broadcast_in_dim3A = vector.broadcast %jit3A_121 : i32 to vector<16xi32>
        %select_n3A_122 = arith.select %and3A_117, %sub3A_120, %broadcast_in_dim3A : vector<16xi1>, vector<16xi32>
        %swap3A = arith.index_cast %select_n3A : i32 to index
        %swap3A_123 = arith.index_cast %mul3A_107 : i32 to index
        %swap3A_124 = tpu.vector_load %arg12[%swap3A, %swap3A_123] {strides = array<i32>} : memref<158x128xi32, #tpu.memory_space<vmem>>, vector<1x16xi32>,
        %swap3A_125 = vector.shape_cast %swap3A_124 : vector<1x16xi32> to vector<16xi32>
        %swap3A_126 = vector.shape_cast %select_n3A_122 : vector<16xi32> to vector<1x16xi32>
        tpu.vector_store %arg12[%swap3A, %swap3A_123], %swap3A_126 {strides = array<i32>} : memref<158x128xi32, #tpu.memory_space<vmem>>, vector<1x16xi32>,
      }
      %mul3A_21 = arith.constant 328 : i32
      %mul3A_22 = arith.muli %arg1, %mul3A_21 : i32
      "tpu.region"() ({
        %run_scoped3A = tpu.sem_alloc : memref<!tpu.dma_semaphore, #tpu.memory_space<semaphore_mem>>
        %dma_start3A = arith.constant 0 : i32
        %dma_start3A_74 = tpu.memref_slice %arg15[%mul3A_22, %dma_start3A] : memref<5248x128xf32, #tpu.memory_space<vmem_shared>> -> memref<328x128xf32, #tpu.memory_space<vmem_shared>>
        tpu.enqueue_dma source(%arg6 : memref<328x128xf32, #tpu.memory_space<hbm>>) target(%dma_start3A_74 : memref<328x128xf32, #tpu.memory_space<vmem_shared>>) target_semaphore(%run_scoped3A : memref<!tpu.dma_semaphore, #tpu.memory_space<semaphore_mem>>)
        %dma_wait3A = arith.constant 0 : i32
        %dma_wait3A_75 = tpu.memref_slice %arg15[%mul3A_22, %dma_wait3A] : memref<5248x128xf32, #tpu.memory_space<vmem_shared>> -> memref<328x128xf32, #tpu.memory_space<vmem_shared>>
        tpu.wait_dma2 semaphore(%run_scoped3A : memref<!tpu.dma_semaphore, #tpu.memory_space<semaphore_mem>>) src(%arg6 : memref<328x128xf32, #tpu.memory_space<hbm>>) dst(%dma_wait3A_75 : memref<328x128xf32, #tpu.memory_space<vmem_shared>>)
        tpu.yield
      }) : () -> ()
      %barrier3A = arith.constant 0 : index
      tpu.barrier barrier_id(%barrier3A)
      %while3A_23 = arith.constant 0 : i32
      %while3A_24 = arith.constant 0 : i32
      %while3A_25 = arith.subi %squeeze3A, %while3A_24 : i32
      %while3A_26 = arith.addi %while3A_24, %while3A_25 : i32
      %while3A_27 = arith.constant 1 : i32
      %while3A_28 = arith.divsi %while3A_25, %while3A_27 : i32
      %while3A_29 = arith.muli %while3A_28, %while3A_27 : i32
      %while3A_30 = arith.addi %while3A_24, %while3A_29 : i32
      %while3A_31 = arith.constant 1 : i32
      scf.for %while3A_74 = %while3A_24 to %while3A_30 step %while3A_31  : i32 {
        "tpu.region"() ({
          %run_scoped3A = tpu.sem_alloc : memref<!tpu.dma_semaphore, #tpu.memory_space<semaphore_mem>>
          %dma_start3A = arith.constant 0 : i32
          %dma_start3A_75 = tpu.memref_slice %arg10[%while3A_74, %dma_start3A] : memref<158x128xi32, #tpu.memory_space<vmem>> -> memref<1x128xi32, #tpu.memory_space<vmem>>
          %dma_start3A_76 = tpu.memref_squeeze %dma_start3A_75 : memref<1x128xi32, #tpu.memory_space<vmem>> -> memref<128xi32, #tpu.memory_space<vmem>>
          %dma_start3A_77 = arith.constant 0 : i32
          %dma_start3A_78 = arith.constant 0 : i32
          %dma_start3A_79 = tpu.memref_slice %arg3[%dma_start3A_77, %dma_start3A_78] : memref<10240x128xf32, #tpu.memory_space<hbm>> -> memref<10240x128xf32, #tpu.memory_space<hbm>>
          tpu.enqueue_indirect_dma source(%dma_start3A_79 : memref<10240x128xf32, #tpu.memory_space<hbm>>) target(%arg13 : memref<128x128xf32, #tpu.memory_space<vmem>>) offsets(%dma_start3A_76 : memref<128xi32, #tpu.memory_space<vmem>>) semaphore(%run_scoped3A : memref<!tpu.dma_semaphore, #tpu.memory_space<semaphore_mem>>)
          %dma_wait3A = arith.constant 0 : i32
          %dma_wait3A_80 = tpu.memref_slice %arg10[%while3A_74, %dma_wait3A] : memref<158x128xi32, #tpu.memory_space<vmem>> -> memref<1x128xi32, #tpu.memory_space<vmem>>
          %dma_wait3A_81 = tpu.memref_squeeze %dma_wait3A_80 : memref<1x128xi32, #tpu.memory_space<vmem>> -> memref<128xi32, #tpu.memory_space<vmem>>
          %dma_wait3A_82 = arith.constant 0 : i32
          %dma_wait3A_83 = arith.constant 0 : i32
          %dma_wait3A_84 = tpu.memref_slice %arg3[%dma_wait3A_82, %dma_wait3A_83] : memref<10240x128xf32, #tpu.memory_space<hbm>> -> memref<10240x128xf32, #tpu.memory_space<hbm>>
          tpu.wait_indirect_dma semaphore(%run_scoped3A : memref<!tpu.dma_semaphore, #tpu.memory_space<semaphore_mem>>) src(%dma_wait3A_84 : memref<10240x128xf32, #tpu.memory_space<hbm>>) dst(%arg13 : memref<128x128xf32, #tpu.memory_space<vmem>>)
          tpu.yield
        }) : () -> ()
        "tpu.region"() ({
          %run_scoped3A = tpu.sem_alloc : memref<!tpu.dma_semaphore, #tpu.memory_space<semaphore_mem>>
          %dma_start3A = arith.constant 0 : i32
          %dma_start3A_75 = tpu.memref_slice %arg12[%while3A_74, %dma_start3A] : memref<158x128xi32, #tpu.memory_space<vmem>> -> memref<1x128xi32, #tpu.memory_space<vmem>>
          %dma_start3A_76 = tpu.memref_squeeze %dma_start3A_75 : memref<1x128xi32, #tpu.memory_space<vmem>> -> memref<128xi32, #tpu.memory_space<vmem>>
          %dma_start3A_77 = arith.constant 0 : i32
          %dma_start3A_78 = arith.constant 0 : i32
          %dma_start3A_79 = tpu.memref_slice %arg15[%dma_start3A_77, %dma_start3A_78] : memref<5248x128xf32, #tpu.memory_space<vmem_shared>> -> memref<5248x128xf32, #tpu.memory_space<vmem_shared>>
          tpu.enqueue_indirect_dma source(%arg13 : memref<128x128xf32, #tpu.memory_space<vmem>>) target(%dma_start3A_79 : memref<5248x128xf32, #tpu.memory_space<vmem_shared>>) offsets(%dma_start3A_76 : memref<128xi32, #tpu.memory_space<vmem>>) semaphore(%run_scoped3A : memref<!tpu.dma_semaphore, #tpu.memory_space<semaphore_mem>>) {add = true}
          %dma_wait3A = arith.constant 0 : i32
          %dma_wait3A_80 = tpu.memref_slice %arg12[%while3A_74, %dma_wait3A] : memref<158x128xi32, #tpu.memory_space<vmem>> -> memref<1x128xi32, #tpu.memory_space<vmem>>
          %dma_wait3A_81 = tpu.memref_squeeze %dma_wait3A_80 : memref<1x128xi32, #tpu.memory_space<vmem>> -> memref<128xi32, #tpu.memory_space<vmem>>
          %dma_wait3A_82 = arith.constant 0 : i32
          %dma_wait3A_83 = arith.constant 0 : i32
          %dma_wait3A_84 = tpu.memref_slice %arg15[%dma_wait3A_82, %dma_wait3A_83] : memref<5248x128xf32, #tpu.memory_space<vmem_shared>> -> memref<5248x128xf32, #tpu.memory_space<vmem_shared>>
          tpu.wait_indirect_dma semaphore(%run_scoped3A : memref<!tpu.dma_semaphore, #tpu.memory_space<semaphore_mem>>) src(%arg13 : memref<128x128xf32, #tpu.memory_space<vmem>>) dst(%dma_wait3A_84 : memref<5248x128xf32, #tpu.memory_space<vmem_shared>>)
          tpu.yield
        }) : () -> ()
      }
      %while3A_32 = arith.constant 1 : i32
      scf.for %while3A_74 = %while3A_30 to %while3A_26 step %while3A_32  : i32 {
        "tpu.region"() ({
          %run_scoped3A = tpu.sem_alloc : memref<!tpu.dma_semaphore, #tpu.memory_space<semaphore_mem>>
          %dma_start3A = arith.constant 0 : i32
          %dma_start3A_75 = tpu.memref_slice %arg10[%while3A_74, %dma_start3A] : memref<158x128xi32, #tpu.memory_space<vmem>> -> memref<1x128xi32, #tpu.memory_space<vmem>>
          %dma_start3A_76 = tpu.memref_squeeze %dma_start3A_75 : memref<1x128xi32, #tpu.memory_space<vmem>> -> memref<128xi32, #tpu.memory_space<vmem>>
          %dma_start3A_77 = arith.constant 0 : i32
          %dma_start3A_78 = arith.constant 0 : i32
          %dma_start3A_79 = tpu.memref_slice %arg3[%dma_start3A_77, %dma_start3A_78] : memref<10240x128xf32, #tpu.memory_space<hbm>> -> memref<10240x128xf32, #tpu.memory_space<hbm>>
          tpu.enqueue_indirect_dma source(%dma_start3A_79 : memref<10240x128xf32, #tpu.memory_space<hbm>>) target(%arg13 : memref<128x128xf32, #tpu.memory_space<vmem>>) offsets(%dma_start3A_76 : memref<128xi32, #tpu.memory_space<vmem>>) semaphore(%run_scoped3A : memref<!tpu.dma_semaphore, #tpu.memory_space<semaphore_mem>>)
          %dma_wait3A = arith.constant 0 : i32
          %dma_wait3A_80 = tpu.memref_slice %arg10[%while3A_74, %dma_wait3A] : memref<158x128xi32, #tpu.memory_space<vmem>> -> memref<1x128xi32, #tpu.memory_space<vmem>>
          %dma_wait3A_81 = tpu.memref_squeeze %dma_wait3A_80 : memref<1x128xi32, #tpu.memory_space<vmem>> -> memref<128xi32, #tpu.memory_space<vmem>>
          %dma_wait3A_82 = arith.constant 0 : i32
          %dma_wait3A_83 = arith.constant 0 : i32
          %dma_wait3A_84 = tpu.memref_slice %arg3[%dma_wait3A_82, %dma_wait3A_83] : memref<10240x128xf32, #tpu.memory_space<hbm>> -> memref<10240x128xf32, #tpu.memory_space<hbm>>
          tpu.wait_indirect_dma semaphore(%run_scoped3A : memref<!tpu.dma_semaphore, #tpu.memory_space<semaphore_mem>>) src(%dma_wait3A_84 : memref<10240x128xf32, #tpu.memory_space<hbm>>) dst(%arg13 : memref<128x128xf32, #tpu.memory_space<vmem>>)
          tpu.yield
        }) : () -> ()
        "tpu.region"() ({
          %run_scoped3A = tpu.sem_alloc : memref<!tpu.dma_semaphore, #tpu.memory_space<semaphore_mem>>
          %dma_start3A = arith.constant 0 : i32
          %dma_start3A_75 = tpu.memref_slice %arg12[%while3A_74, %dma_start3A] : memref<158x128xi32, #tpu.memory_space<vmem>> -> memref<1x128xi32, #tpu.memory_space<vmem>>
          %dma_start3A_76 = tpu.memref_squeeze %dma_start3A_75 : memref<1x128xi32, #tpu.memory_space<vmem>> -> memref<128xi32, #tpu.memory_space<vmem>>
          %dma_start3A_77 = arith.constant 0 : i32
          %dma_start3A_78 = arith.constant 0 : i32
          %dma_start3A_79 = tpu.memref_slice %arg15[%dma_start3A_77, %dma_start3A_78] : memref<5248x128xf32, #tpu.memory_space<vmem_shared>> -> memref<5248x128xf32, #tpu.memory_space<vmem_shared>>
          tpu.enqueue_indirect_dma source(%arg13 : memref<128x128xf32, #tpu.memory_space<vmem>>) target(%dma_start3A_79 : memref<5248x128xf32, #tpu.memory_space<vmem_shared>>) offsets(%dma_start3A_76 : memref<128xi32, #tpu.memory_space<vmem>>) semaphore(%run_scoped3A : memref<!tpu.dma_semaphore, #tpu.memory_space<semaphore_mem>>) {add = true}
          %dma_wait3A = arith.constant 0 : i32
          %dma_wait3A_80 = tpu.memref_slice %arg12[%while3A_74, %dma_wait3A] : memref<158x128xi32, #tpu.memory_space<vmem>> -> memref<1x128xi32, #tpu.memory_space<vmem>>
          %dma_wait3A_81 = tpu.memref_squeeze %dma_wait3A_80 : memref<1x128xi32, #tpu.memory_space<vmem>> -> memref<128xi32, #tpu.memory_space<vmem>>
          %dma_wait3A_82 = arith.constant 0 : i32
          %dma_wait3A_83 = arith.constant 0 : i32
          %dma_wait3A_84 = tpu.memref_slice %arg15[%dma_wait3A_82, %dma_wait3A_83] : memref<5248x128xf32, #tpu.memory_space<vmem_shared>> -> memref<5248x128xf32, #tpu.memory_space<vmem_shared>>
          tpu.wait_indirect_dma semaphore(%run_scoped3A : memref<!tpu.dma_semaphore, #tpu.memory_space<semaphore_mem>>) src(%arg13 : memref<128x128xf32, #tpu.memory_space<vmem>>) dst(%dma_wait3A_84 : memref<5248x128xf32, #tpu.memory_space<vmem_shared>>)
          tpu.yield
        }) : () -> ()
      }
      %barrier3A_33 = arith.constant 0 : index
      tpu.barrier barrier_id(%barrier3A_33)
      %mul3A_34 = arith.constant 320 : i32
      %mul3A_35 = arith.muli %arg1, %mul3A_34 : i32
      %mul3A_36 = arith.constant 320 : i32
      %mul3A_37 = arith.muli %arg1, %mul3A_36 : i32
      %add3A_38 = arith.constant 0 : i32
      %add3A_39 = arith.addi %add3A_38, %mul3A_37 : i32
      "tpu.region"() ({
        %run_scoped3A = tpu.sem_alloc : memref<!tpu.dma_semaphore, #tpu.memory_space<semaphore_mem>>
        %dma_start3A = arith.constant 0 : i32
        %dma_start3A_74 = tpu.memref_slice %arg9[%add3A_39, %dma_start3A] : memref<10240x128xf32, #tpu.memory_space<hbm>> -> memref<320x128xf32, #tpu.memory_space<hbm>>
        %dma_start3A_75 = arith.constant 0 : i32
        %dma_start3A_76 = tpu.memref_slice %arg15[%mul3A_35, %dma_start3A_75] : memref<5248x128xf32, #tpu.memory_space<vmem_shared>> -> memref<320x128xf32, #tpu.memory_space<vmem_shared>>
        tpu.enqueue_dma source(%dma_start3A_76 : memref<320x128xf32, #tpu.memory_space<vmem_shared>>) target(%dma_start3A_74 : memref<320x128xf32, #tpu.memory_space<hbm>>) target_semaphore(%run_scoped3A : memref<!tpu.dma_semaphore, #tpu.memory_space<semaphore_mem>>)
        %dma_wait3A = arith.constant 0 : i32
        %dma_wait3A_77 = tpu.memref_slice %arg9[%add3A_39, %dma_wait3A] : memref<10240x128xf32, #tpu.memory_space<hbm>> -> memref<320x128xf32, #tpu.memory_space<hbm>>
        %dma_wait3A_78 = arith.constant 0 : i32
        %dma_wait3A_79 = tpu.memref_slice %arg15[%mul3A_35, %dma_wait3A_78] : memref<5248x128xf32, #tpu.memory_space<vmem_shared>> -> memref<320x128xf32, #tpu.memory_space<vmem_shared>>
        tpu.wait_dma2 semaphore(%run_scoped3A : memref<!tpu.dma_semaphore, #tpu.memory_space<semaphore_mem>>) src(%dma_wait3A_79 : memref<320x128xf32, #tpu.memory_space<vmem_shared>>) dst(%dma_wait3A_77 : memref<320x128xf32, #tpu.memory_space<hbm>>)
        tpu.yield
      }) : () -> ()
      %barrier3A_40 = arith.constant 0 : index
      tpu.barrier barrier_id(%barrier3A_40)
      %mul3A_41 = arith.constant 8 : i32
      %mul3A_42 = arith.muli %squeeze3A, %mul3A_41 : i32
      %while3A_43 = arith.constant 0 : i32
      %while3A_44 = arith.constant 0 : i32
      %while3A_45 = arith.subi %mul3A_42, %while3A_44 : i32
      %while3A_46 = arith.addi %while3A_44, %while3A_45 : i32
      %while3A_47 = arith.constant 1 : i32
      %while3A_48 = arith.divsi %while3A_45, %while3A_47 : i32
      %while3A_49 = arith.muli %while3A_48, %while3A_47 : i32
      %while3A_50 = arith.addi %while3A_44, %while3A_49 : i32
      %while3A_51 = arith.constant 1 : i32
      scf.for %while3A_74 = %while3A_44 to %while3A_50 step %while3A_51  : i32 {
        %jit3A = arith.constant 8 : i32
        %div3A = arith.divsi %while3A_74, %jit3A : i32
        %sign3A = arith.constant 0 : i32
        %sign3A_75 = arith.cmpi sgt, %while3A_74, %sign3A : i32
        %sign3A_76 = arith.extui %sign3A_75 : i1 to i32
        %sign3A_77 = arith.constant 0 : i32
        %sign3A_78 = arith.cmpi slt, %while3A_74, %sign3A_77 : i32
        %sign3A_79 = arith.extui %sign3A_78 : i1 to i32
        %sign3A_80 = arith.subi %sign3A_76, %sign3A_79 : i32
        %sign3A_81 = arith.constant 0 : i32
        %sign3A_82 = arith.cmpi sgt, %jit3A, %sign3A_81 : i32
        %sign3A_83 = arith.extui %sign3A_82 : i1 to i32
        %sign3A_84 = arith.constant 0 : i32
        %sign3A_85 = arith.cmpi slt, %jit3A, %sign3A_84 : i32
        %sign3A_86 = arith.extui %sign3A_85 : i1 to i32
        %sign3A_87 = arith.subi %sign3A_83, %sign3A_86 : i32
        %ne3A = arith.cmpi ne, %sign3A_80, %sign3A_87 : i32
        %rem3A = arith.remsi %while3A_74, %jit3A : i32
        %ne3A_88 = arith.constant 0 : i32
        %ne3A_89 = arith.cmpi ne, %rem3A, %ne3A_88 : i32
        %and3A = arith.andi %ne3A, %ne3A_89 : i1
        %sub3A = arith.constant 1 : i32
        %sub3A_90 = arith.subi %div3A, %sub3A : i32
        %select_n3A = arith.select %and3A, %sub3A_90, %div3A : i32
        %jit3A_91 = arith.constant 8 : i32
        %eq3A_92 = arith.constant 0 : i32
        %eq3A_93 = arith.cmpi eq, %jit3A_91, %eq3A_92 : i32
        %jit3A_94 = arith.constant 1 : i32
        %select_n3A_95 = arith.select %eq3A_93, %jit3A_94, %jit3A_91 : i32
        %rem3A_96 = arith.remsi %while3A_74, %select_n3A_95 : i32
        %ne3A_97 = arith.constant 0 : i32
        %ne3A_98 = arith.cmpi ne, %rem3A_96, %ne3A_97 : i32
        %lt3A = arith.constant 0 : i32
        %lt3A_99 = arith.cmpi slt, %rem3A_96, %lt3A : i32
        %lt3A_100 = arith.constant 0 : i32
        %lt3A_101 = arith.cmpi slt, %select_n3A_95, %lt3A_100 : i32
        %ne3A_102 = arith.xori %lt3A_99, %lt3A_101 : i1
        %and3A_103 = arith.andi %ne3A_102, %ne3A_98 : i1
        %add3A_104 = arith.addi %rem3A_96, %select_n3A_95 : i32
        %select_n3A_105 = arith.select %and3A_103, %add3A_104, %rem3A_96 : i32
        %mul3A_106 = arith.constant 16 : i32
        %mul3A_107 = arith.muli %select_n3A_105, %mul3A_106 : i32
        %get3A_108 = arith.index_cast %select_n3A : i32 to index
        %get3A_109 = arith.index_cast %mul3A_107 : i32 to index
        %get3A_110 = tpu.vector_load %arg11[%get3A_108, %get3A_109] {strides = array<i32>} : memref<158x128xi32, #tpu.memory_space<vmem>>, vector<1x16xi32>,
        %get3A_111 = vector.shape_cast %get3A_110 : vector<1x16xi32> to vector<16xi32>
        %ge3A = arith.constant 5120 : i32
        %ge3A_112 = vector.broadcast %ge3A : i32 to vector<16xi32>
        %ge3A_113 = arith.cmpi sge, %get3A_111, %ge3A_112 : vector<16xi32>
        %lt3A_114 = arith.constant 10240 : i32
        %lt3A_115 = vector.broadcast %lt3A_114 : i32 to vector<16xi32>
        %lt3A_116 = arith.cmpi slt, %get3A_111, %lt3A_115 : vector<16xi32>
        %and3A_117 = arith.andi %ge3A_113, %lt3A_116 : vector<16xi1>
        %sub3A_118 = arith.constant 5120 : i32
        %sub3A_119 = vector.broadcast %sub3A_118 : i32 to vector<16xi32>
        %sub3A_120 = arith.subi %get3A_111, %sub3A_119 : vector<16xi32>
        %jit3A_121 = arith.constant 5120 : i32
        %broadcast_in_dim3A = vector.broadcast %jit3A_121 : i32 to vector<16xi32>
        %select_n3A_122 = arith.select %and3A_117, %sub3A_120, %broadcast_in_dim3A : vector<16xi1>, vector<16xi32>
        %swap3A = arith.index_cast %select_n3A : i32 to index
        %swap3A_123 = arith.index_cast %mul3A_107 : i32 to index
        %swap3A_124 = tpu.vector_load %arg12[%swap3A, %swap3A_123] {strides = array<i32>} : memref<158x128xi32, #tpu.memory_space<vmem>>, vector<1x16xi32>,
        %swap3A_125 = vector.shape_cast %swap3A_124 : vector<1x16xi32> to vector<16xi32>
        %swap3A_126 = vector.shape_cast %select_n3A_122 : vector<16xi32> to vector<1x16xi32>
        tpu.vector_store %arg12[%swap3A, %swap3A_123], %swap3A_126 {strides = array<i32>} : memref<158x128xi32, #tpu.memory_space<vmem>>, vector<1x16xi32>,
      }
      %while3A_52 = arith.constant 1 : i32
      scf.for %while3A_74 = %while3A_50 to %while3A_46 step %while3A_52  : i32 {
        %jit3A = arith.constant 8 : i32
        %div3A = arith.divsi %while3A_74, %jit3A : i32
        %sign3A = arith.constant 0 : i32
        %sign3A_75 = arith.cmpi sgt, %while3A_74, %sign3A : i32
        %sign3A_76 = arith.extui %sign3A_75 : i1 to i32
        %sign3A_77 = arith.constant 0 : i32
        %sign3A_78 = arith.cmpi slt, %while3A_74, %sign3A_77 : i32
        %sign3A_79 = arith.extui %sign3A_78 : i1 to i32
        %sign3A_80 = arith.subi %sign3A_76, %sign3A_79 : i32
        %sign3A_81 = arith.constant 0 : i32
        %sign3A_82 = arith.cmpi sgt, %jit3A, %sign3A_81 : i32
        %sign3A_83 = arith.extui %sign3A_82 : i1 to i32
        %sign3A_84 = arith.constant 0 : i32
        %sign3A_85 = arith.cmpi slt, %jit3A, %sign3A_84 : i32
        %sign3A_86 = arith.extui %sign3A_85 : i1 to i32
        %sign3A_87 = arith.subi %sign3A_83, %sign3A_86 : i32
        %ne3A = arith.cmpi ne, %sign3A_80, %sign3A_87 : i32
        %rem3A = arith.remsi %while3A_74, %jit3A : i32
        %ne3A_88 = arith.constant 0 : i32
        %ne3A_89 = arith.cmpi ne, %rem3A, %ne3A_88 : i32
        %and3A = arith.andi %ne3A, %ne3A_89 : i1
        %sub3A = arith.constant 1 : i32
        %sub3A_90 = arith.subi %div3A, %sub3A : i32
        %select_n3A = arith.select %and3A, %sub3A_90, %div3A : i32
        %jit3A_91 = arith.constant 8 : i32
        %eq3A_92 = arith.constant 0 : i32
        %eq3A_93 = arith.cmpi eq, %jit3A_91, %eq3A_92 : i32
        %jit3A_94 = arith.constant 1 : i32
        %select_n3A_95 = arith.select %eq3A_93, %jit3A_94, %jit3A_91 : i32
        %rem3A_96 = arith.remsi %while3A_74, %select_n3A_95 : i32
        %ne3A_97 = arith.constant 0 : i32
        %ne3A_98 = arith.cmpi ne, %rem3A_96, %ne3A_97 : i32
        %lt3A = arith.constant 0 : i32
        %lt3A_99 = arith.cmpi slt, %rem3A_96, %lt3A : i32
        %lt3A_100 = arith.constant 0 : i32
        %lt3A_101 = arith.cmpi slt, %select_n3A_95, %lt3A_100 : i32
        %ne3A_102 = arith.xori %lt3A_99, %lt3A_101 : i1
        %and3A_103 = arith.andi %ne3A_102, %ne3A_98 : i1
        %add3A_104 = arith.addi %rem3A_96, %select_n3A_95 : i32
        %select_n3A_105 = arith.select %and3A_103, %add3A_104, %rem3A_96 : i32
        %mul3A_106 = arith.constant 16 : i32
        %mul3A_107 = arith.muli %select_n3A_105, %mul3A_106 : i32
        %get3A_108 = arith.index_cast %select_n3A : i32 to index
        %get3A_109 = arith.index_cast %mul3A_107 : i32 to index
        %get3A_110 = tpu.vector_load %arg11[%get3A_108, %get3A_109] {strides = array<i32>} : memref<158x128xi32, #tpu.memory_space<vmem>>, vector<1x16xi32>,
        %get3A_111 = vector.shape_cast %get3A_110 : vector<1x16xi32> to vector<16xi32>
        %ge3A = arith.constant 5120 : i32
        %ge3A_112 = vector.broadcast %ge3A : i32 to vector<16xi32>
        %ge3A_113 = arith.cmpi sge, %get3A_111, %ge3A_112 : vector<16xi32>
        %lt3A_114 = arith.constant 10240 : i32
        %lt3A_115 = vector.broadcast %lt3A_114 : i32 to vector<16xi32>
        %lt3A_116 = arith.cmpi slt, %get3A_111, %lt3A_115 : vector<16xi32>
        %and3A_117 = arith.andi %ge3A_113, %lt3A_116 : vector<16xi1>
        %sub3A_118 = arith.constant 5120 : i32
        %sub3A_119 = vector.broadcast %sub3A_118 : i32 to vector<16xi32>
        %sub3A_120 = arith.subi %get3A_111, %sub3A_119 : vector<16xi32>
        %jit3A_121 = arith.constant 5120 : i32
        %broadcast_in_dim3A = vector.broadcast %jit3A_121 : i32 to vector<16xi32>
        %select_n3A_122 = arith.select %and3A_117, %sub3A_120, %broadcast_in_dim3A : vector<16xi1>, vector<16xi32>
        %swap3A = arith.index_cast %select_n3A : i32 to index
        %swap3A_123 = arith.index_cast %mul3A_107 : i32 to index
        %swap3A_124 = tpu.vector_load %arg12[%swap3A, %swap3A_123] {strides = array<i32>} : memref<158x128xi32, #tpu.memory_space<vmem>>, vector<1x16xi32>,
        %swap3A_125 = vector.shape_cast %swap3A_124 : vector<1x16xi32> to vector<16xi32>
        %swap3A_126 = vector.shape_cast %select_n3A_122 : vector<16xi32> to vector<1x16xi32>
        tpu.vector_store %arg12[%swap3A, %swap3A_123], %swap3A_126 {strides = array<i32>} : memref<158x128xi32, #tpu.memory_space<vmem>>, vector<1x16xi32>,
      }
      %mul3A_53 = arith.constant 328 : i32
      %mul3A_54 = arith.muli %arg1, %mul3A_53 : i32
      "tpu.region"() ({
        %run_scoped3A = tpu.sem_alloc : memref<!tpu.dma_semaphore, #tpu.memory_space<semaphore_mem>>
        %dma_start3A = arith.constant 0 : i32
        %dma_start3A_74 = tpu.memref_slice %arg15[%mul3A_54, %dma_start3A] : memref<5248x128xf32, #tpu.memory_space<vmem_shared>> -> memref<328x128xf32, #tpu.memory_space<vmem_shared>>
        tpu.enqueue_dma source(%arg6 : memref<328x128xf32, #tpu.memory_space<hbm>>) target(%dma_start3A_74 : memref<328x128xf32, #tpu.memory_space<vmem_shared>>) target_semaphore(%run_scoped3A : memref<!tpu.dma_semaphore, #tpu.memory_space<semaphore_mem>>)
        %dma_wait3A = arith.constant 0 : i32
        %dma_wait3A_75 = tpu.memref_slice %arg15[%mul3A_54, %dma_wait3A] : memref<5248x128xf32, #tpu.memory_space<vmem_shared>> -> memref<328x128xf32, #tpu.memory_space<vmem_shared>>
        tpu.wait_dma2 semaphore(%run_scoped3A : memref<!tpu.dma_semaphore, #tpu.memory_space<semaphore_mem>>) src(%arg6 : memref<328x128xf32, #tpu.memory_space<hbm>>) dst(%dma_wait3A_75 : memref<328x128xf32, #tpu.memory_space<vmem_shared>>)
        tpu.yield
      }) : () -> ()
      %barrier3A_55 = arith.constant 0 : index
      tpu.barrier barrier_id(%barrier3A_55)
      %while3A_56 = arith.constant 0 : i32
      %while3A_57 = arith.constant 0 : i32
      %while3A_58 = arith.subi %squeeze3A, %while3A_57 : i32
      %while3A_59 = arith.addi %while3A_57, %while3A_58 : i32
      %while3A_60 = arith.constant 1 : i32
      %while3A_61 = arith.divsi %while3A_58, %while3A_60 : i32
      %while3A_62 = arith.muli %while3A_61, %while3A_60 : i32
      %while3A_63 = arith.addi %while3A_57, %while3A_62 : i32
      %while3A_64 = arith.constant 1 : i32
      scf.for %while3A_74 = %while3A_57 to %while3A_63 step %while3A_64  : i32 {
        "tpu.region"() ({
          %run_scoped3A = tpu.sem_alloc : memref<!tpu.dma_semaphore, #tpu.memory_space<semaphore_mem>>
          %dma_start3A = arith.constant 0 : i32
          %dma_start3A_75 = tpu.memref_slice %arg10[%while3A_74, %dma_start3A] : memref<158x128xi32, #tpu.memory_space<vmem>> -> memref<1x128xi32, #tpu.memory_space<vmem>>
          %dma_start3A_76 = tpu.memref_squeeze %dma_start3A_75 : memref<1x128xi32, #tpu.memory_space<vmem>> -> memref<128xi32, #tpu.memory_space<vmem>>
          %dma_start3A_77 = arith.constant 0 : i32
          %dma_start3A_78 = arith.constant 0 : i32
          %dma_start3A_79 = tpu.memref_slice %arg3[%dma_start3A_77, %dma_start3A_78] : memref<10240x128xf32, #tpu.memory_space<hbm>> -> memref<10240x128xf32, #tpu.memory_space<hbm>>
          tpu.enqueue_indirect_dma source(%dma_start3A_79 : memref<10240x128xf32, #tpu.memory_space<hbm>>) target(%arg13 : memref<128x128xf32, #tpu.memory_space<vmem>>) offsets(%dma_start3A_76 : memref<128xi32, #tpu.memory_space<vmem>>) semaphore(%run_scoped3A : memref<!tpu.dma_semaphore, #tpu.memory_space<semaphore_mem>>)
          %dma_wait3A = arith.constant 0 : i32
          %dma_wait3A_80 = tpu.memref_slice %arg10[%while3A_74, %dma_wait3A] : memref<158x128xi32, #tpu.memory_space<vmem>> -> memref<1x128xi32, #tpu.memory_space<vmem>>
          %dma_wait3A_81 = tpu.memref_squeeze %dma_wait3A_80 : memref<1x128xi32, #tpu.memory_space<vmem>> -> memref<128xi32, #tpu.memory_space<vmem>>
          %dma_wait3A_82 = arith.constant 0 : i32
          %dma_wait3A_83 = arith.constant 0 : i32
          %dma_wait3A_84 = tpu.memref_slice %arg3[%dma_wait3A_82, %dma_wait3A_83] : memref<10240x128xf32, #tpu.memory_space<hbm>> -> memref<10240x128xf32, #tpu.memory_space<hbm>>
          tpu.wait_indirect_dma semaphore(%run_scoped3A : memref<!tpu.dma_semaphore, #tpu.memory_space<semaphore_mem>>) src(%dma_wait3A_84 : memref<10240x128xf32, #tpu.memory_space<hbm>>) dst(%arg13 : memref<128x128xf32, #tpu.memory_space<vmem>>)
          tpu.yield
        }) : () -> ()
        "tpu.region"() ({
          %run_scoped3A = tpu.sem_alloc : memref<!tpu.dma_semaphore, #tpu.memory_space<semaphore_mem>>
          %dma_start3A = arith.constant 0 : i32
          %dma_start3A_75 = tpu.memref_slice %arg12[%while3A_74, %dma_start3A] : memref<158x128xi32, #tpu.memory_space<vmem>> -> memref<1x128xi32, #tpu.memory_space<vmem>>
          %dma_start3A_76 = tpu.memref_squeeze %dma_start3A_75 : memref<1x128xi32, #tpu.memory_space<vmem>> -> memref<128xi32, #tpu.memory_space<vmem>>
          %dma_start3A_77 = arith.constant 0 : i32
          %dma_start3A_78 = arith.constant 0 : i32
          %dma_start3A_79 = tpu.memref_slice %arg15[%dma_start3A_77, %dma_start3A_78] : memref<5248x128xf32, #tpu.memory_space<vmem_shared>> -> memref<5248x128xf32, #tpu.memory_space<vmem_shared>>
          tpu.enqueue_indirect_dma source(%arg13 : memref<128x128xf32, #tpu.memory_space<vmem>>) target(%dma_start3A_79 : memref<5248x128xf32, #tpu.memory_space<vmem_shared>>) offsets(%dma_start3A_76 : memref<128xi32, #tpu.memory_space<vmem>>) semaphore(%run_scoped3A : memref<!tpu.dma_semaphore, #tpu.memory_space<semaphore_mem>>) {add = true}
          %dma_wait3A = arith.constant 0 : i32
          %dma_wait3A_80 = tpu.memref_slice %arg12[%while3A_74, %dma_wait3A] : memref<158x128xi32, #tpu.memory_space<vmem>> -> memref<1x128xi32, #tpu.memory_space<vmem>>
          %dma_wait3A_81 = tpu.memref_squeeze %dma_wait3A_80 : memref<1x128xi32, #tpu.memory_space<vmem>> -> memref<128xi32, #tpu.memory_space<vmem>>
          %dma_wait3A_82 = arith.constant 0 : i32
          %dma_wait3A_83 = arith.constant 0 : i32
          %dma_wait3A_84 = tpu.memref_slice %arg15[%dma_wait3A_82, %dma_wait3A_83] : memref<5248x128xf32, #tpu.memory_space<vmem_shared>> -> memref<5248x128xf32, #tpu.memory_space<vmem_shared>>
          tpu.wait_indirect_dma semaphore(%run_scoped3A : memref<!tpu.dma_semaphore, #tpu.memory_space<semaphore_mem>>) src(%arg13 : memref<128x128xf32, #tpu.memory_space<vmem>>) dst(%dma_wait3A_84 : memref<5248x128xf32, #tpu.memory_space<vmem_shared>>)
          tpu.yield
        }) : () -> ()
      }
      %while3A_65 = arith.constant 1 : i32
      scf.for %while3A_74 = %while3A_63 to %while3A_59 step %while3A_65  : i32 {
        "tpu.region"() ({
          %run_scoped3A = tpu.sem_alloc : memref<!tpu.dma_semaphore, #tpu.memory_space<semaphore_mem>>
          %dma_start3A = arith.constant 0 : i32
          %dma_start3A_75 = tpu.memref_slice %arg10[%while3A_74, %dma_start3A] : memref<158x128xi32, #tpu.memory_space<vmem>> -> memref<1x128xi32, #tpu.memory_space<vmem>>
          %dma_start3A_76 = tpu.memref_squeeze %dma_start3A_75 : memref<1x128xi32, #tpu.memory_space<vmem>> -> memref<128xi32, #tpu.memory_space<vmem>>
          %dma_start3A_77 = arith.constant 0 : i32
          %dma_start3A_78 = arith.constant 0 : i32
          %dma_start3A_79 = tpu.memref_slice %arg3[%dma_start3A_77, %dma_start3A_78] : memref<10240x128xf32, #tpu.memory_space<hbm>> -> memref<10240x128xf32, #tpu.memory_space<hbm>>
          tpu.enqueue_indirect_dma source(%dma_start3A_79 : memref<10240x128xf32, #tpu.memory_space<hbm>>) target(%arg13 : memref<128x128xf32, #tpu.memory_space<vmem>>) offsets(%dma_start3A_76 : memref<128xi32, #tpu.memory_space<vmem>>) semaphore(%run_scoped3A : memref<!tpu.dma_semaphore, #tpu.memory_space<semaphore_mem>>)
          %dma_wait3A = arith.constant 0 : i32
          %dma_wait3A_80 = tpu.memref_slice %arg10[%while3A_74, %dma_wait3A] : memref<158x128xi32, #tpu.memory_space<vmem>> -> memref<1x128xi32, #tpu.memory_space<vmem>>
          %dma_wait3A_81 = tpu.memref_squeeze %dma_wait3A_80 : memref<1x128xi32, #tpu.memory_space<vmem>> -> memref<128xi32, #tpu.memory_space<vmem>>
          %dma_wait3A_82 = arith.constant 0 : i32
          %dma_wait3A_83 = arith.constant 0 : i32
          %dma_wait3A_84 = tpu.memref_slice %arg3[%dma_wait3A_82, %dma_wait3A_83] : memref<10240x128xf32, #tpu.memory_space<hbm>> -> memref<10240x128xf32, #tpu.memory_space<hbm>>
          tpu.wait_indirect_dma semaphore(%run_scoped3A : memref<!tpu.dma_semaphore, #tpu.memory_space<semaphore_mem>>) src(%dma_wait3A_84 : memref<10240x128xf32, #tpu.memory_space<hbm>>) dst(%arg13 : memref<128x128xf32, #tpu.memory_space<vmem>>)
          tpu.yield
        }) : () -> ()
        "tpu.region"() ({
          %run_scoped3A = tpu.sem_alloc : memref<!tpu.dma_semaphore, #tpu.memory_space<semaphore_mem>>
          %dma_start3A = arith.constant 0 : i32
          %dma_start3A_75 = tpu.memref_slice %arg12[%while3A_74, %dma_start3A] : memref<158x128xi32, #tpu.memory_space<vmem>> -> memref<1x128xi32, #tpu.memory_space<vmem>>
          %dma_start3A_76 = tpu.memref_squeeze %dma_start3A_75 : memref<1x128xi32, #tpu.memory_space<vmem>> -> memref<128xi32, #tpu.memory_space<vmem>>
          %dma_start3A_77 = arith.constant 0 : i32
          %dma_start3A_78 = arith.constant 0 : i32
          %dma_start3A_79 = tpu.memref_slice %arg15[%dma_start3A_77, %dma_start3A_78] : memref<5248x128xf32, #tpu.memory_space<vmem_shared>> -> memref<5248x128xf32, #tpu.memory_space<vmem_shared>>
          tpu.enqueue_indirect_dma source(%arg13 : memref<128x128xf32, #tpu.memory_space<vmem>>) target(%dma_start3A_79 : memref<5248x128xf32, #tpu.memory_space<vmem_shared>>) offsets(%dma_start3A_76 : memref<128xi32, #tpu.memory_space<vmem>>) semaphore(%run_scoped3A : memref<!tpu.dma_semaphore, #tpu.memory_space<semaphore_mem>>) {add = true}
          %dma_wait3A = arith.constant 0 : i32
          %dma_wait3A_80 = tpu.memref_slice %arg12[%while3A_74, %dma_wait3A] : memref<158x128xi32, #tpu.memory_space<vmem>> -> memref<1x128xi32, #tpu.memory_space<vmem>>
          %dma_wait3A_81 = tpu.memref_squeeze %dma_wait3A_80 : memref<1x128xi32, #tpu.memory_space<vmem>> -> memref<128xi32, #tpu.memory_space<vmem>>
          %dma_wait3A_82 = arith.constant 0 : i32
          %dma_wait3A_83 = arith.constant 0 : i32
          %dma_wait3A_84 = tpu.memref_slice %arg15[%dma_wait3A_82, %dma_wait3A_83] : memref<5248x128xf32, #tpu.memory_space<vmem_shared>> -> memref<5248x128xf32, #tpu.memory_space<vmem_shared>>
          tpu.wait_indirect_dma semaphore(%run_scoped3A : memref<!tpu.dma_semaphore, #tpu.memory_space<semaphore_mem>>) src(%arg13 : memref<128x128xf32, #tpu.memory_space<vmem>>) dst(%dma_wait3A_84 : memref<5248x128xf32, #tpu.memory_space<vmem_shared>>)
          tpu.yield
        }) : () -> ()
      }
      %barrier3A_66 = arith.constant 0 : index
      tpu.barrier barrier_id(%barrier3A_66)
      %mul3A_67 = arith.constant 320 : i32
      %mul3A_68 = arith.muli %arg1, %mul3A_67 : i32
      %mul3A_69 = arith.constant 320 : i32
      %mul3A_70 = arith.muli %arg1, %mul3A_69 : i32
      %add3A_71 = arith.constant 5120 : i32
      %add3A_72 = arith.addi %add3A_71, %mul3A_70 : i32
      "tpu.region"() ({
        %run_scoped3A = tpu.sem_alloc : memref<!tpu.dma_semaphore, #tpu.memory_space<semaphore_mem>>
        %dma_start3A = arith.constant 0 : i32
        %dma_start3A_74 = tpu.memref_slice %arg9[%add3A_72, %dma_start3A] : memref<10240x128xf32, #tpu.memory_space<hbm>> -> memref<320x128xf32, #tpu.memory_space<hbm>>
        %dma_start3A_75 = arith.constant 0 : i32
        %dma_start3A_76 = tpu.memref_slice %arg15[%mul3A_68, %dma_start3A_75] : memref<5248x128xf32, #tpu.memory_space<vmem_shared>> -> memref<320x128xf32, #tpu.memory_space<vmem_shared>>
        tpu.enqueue_dma source(%dma_start3A_76 : memref<320x128xf32, #tpu.memory_space<vmem_shared>>) target(%dma_start3A_74 : memref<320x128xf32, #tpu.memory_space<hbm>>) target_semaphore(%run_scoped3A : memref<!tpu.dma_semaphore, #tpu.memory_space<semaphore_mem>>)
        %dma_wait3A = arith.constant 0 : i32
        %dma_wait3A_77 = tpu.memref_slice %arg9[%add3A_72, %dma_wait3A] : memref<10240x128xf32, #tpu.memory_space<hbm>> -> memref<320x128xf32, #tpu.memory_space<hbm>>
        %dma_wait3A_78 = arith.constant 0 : i32
        %dma_wait3A_79 = tpu.memref_slice %arg15[%mul3A_68, %dma_wait3A_78] : memref<5248x128xf32, #tpu.memory_space<vmem_shared>> -> memref<320x128xf32, #tpu.memory_space<vmem_shared>>
        tpu.wait_dma2 semaphore(%run_scoped3A : memref<!tpu.dma_semaphore, #tpu.memory_space<semaphore_mem>>) src(%dma_wait3A_79 : memref<320x128xf32, #tpu.memory_space<vmem_shared>>) dst(%dma_wait3A_77 : memref<320x128xf32, #tpu.memory_space<hbm>>)
        tpu.yield
      }) : () -> ()
      %barrier3A_73 = arith.constant 0 : index
      tpu.barrier barrier_id(%barrier3A_73)
    } else {
    }
    return
  }
}

#map = affine_map<(d0, d1) -> (0, 0)>
#map1 = affine_map<(d0, d1) -> (0, 0, 0)>
#map2 = affine_map<(d0, d1) -> (0)>
module attributes {stable_mosaic.version = 14 : i64} {
  func.func @_seg(%arg0: i32, %arg1: i32, %arg2: memref<10240x128xf32, #tpu.memory_space<hbm>>, %arg3: memref<10240x128xf32, #tpu.memory_space<hbm>>, %arg4: memref<32x158x128xi32, #tpu.memory_space<hbm>>, %arg5: memref<32x158x128xi32, #tpu.memory_space<hbm>>, %arg6: memref<328x128xf32, #tpu.memory_space<hbm>>, %arg7: memref<16xi32, #tpu.memory_space<hbm>>, %arg8: memref<10240x128xf32, #tpu.memory_space<hbm>>, %arg9: memref<10240x128xf32, #tpu.memory_space<hbm>>, %arg10: memref<158x128xi32, #tpu.memory_space<vmem>>, %arg11: memref<158x128xi32, #tpu.memory_space<vmem>>, %arg12: memref<158x128xi32, #tpu.memory_space<vmem>>, %arg13: memref<128x128xf32, #tpu.memory_space<vmem>>, %arg14: memref<16xi32, #tpu.memory_space<vmem>>, %arg15: memref<5248x128xf32, #tpu.memory_space<vmem_shared>>) attributes {dimension_semantics = [#tpu.dimension_semantics<core_parallel>, #tpu.dimension_semantics<subcore_parallel>], iteration_bounds = array<i64: 2, 16>, scalar_prefetch = 0 : i64, scratch_operands = 6 : i64, tpu.core_type = #tpu.core_type<sc_vector_subcore>, window_params = [{transform_indices = #map}, {transform_indices = #map}, {transform_indices = #map1}, {transform_indices = #map1}, {transform_indices = #map}, {transform_indices = #map2}, {transform_indices = #map}, {transform_indices = #map}]} {
    %mul3A = arith.constant 16 : i32
    %mul3A_0 = arith.muli %arg0, %mul3A : i32
    %add3A = arith.addi %mul3A_0, %arg1 : i32
    "tpu.region"() ({
      %run_scoped3A = tpu.sem_alloc : memref<!tpu.dma_semaphore, #tpu.memory_space<semaphore_mem>>
      %dma_start3A = arith.constant 0 : i32
      %dma_start3A_10 = arith.constant 0 : i32
      %dma_start3A_11 = tpu.memref_slice %arg4[%add3A, %dma_start3A, %dma_start3A_10] : memref<32x158x128xi32, #tpu.memory_space<hbm>> -> memref<1x158x128xi32, #tpu.memory_space<hbm>>
      %dma_start3A_12 = tpu.memref_squeeze %dma_start3A_11 : memref<1x158x128xi32, #tpu.memory_space<hbm>> -> memref<158x128xi32, #tpu.memory_space<hbm>>
      %dma_start3A_13 = arith.constant 0 : i32
      %dma_start3A_14 = arith.constant 0 : i32
      %dma_start3A_15 = tpu.memref_slice %arg4[%add3A, %dma_start3A_13, %dma_start3A_14] : memref<32x158x128xi32, #tpu.memory_space<hbm>> -> memref<1x158x128xi32, #tpu.memory_space<hbm>>
      %dma_start3A_16 = tpu.memref_squeeze %dma_start3A_15 : memref<1x158x128xi32, #tpu.memory_space<hbm>> -> memref<158x128xi32, #tpu.memory_space<hbm>>
      tpu.enqueue_dma source(%dma_start3A_16 : memref<158x128xi32, #tpu.memory_space<hbm>>) target(%arg10 : memref<158x128xi32, #tpu.memory_space<vmem>>) target_semaphore(%run_scoped3A : memref<!tpu.dma_semaphore, #tpu.memory_space<semaphore_mem>>)
      %dma_wait3A = arith.constant 0 : i32
      %dma_wait3A_17 = arith.constant 0 : i32
      %dma_wait3A_18 = tpu.memref_slice %arg4[%add3A, %dma_wait3A, %dma_wait3A_17] : memref<32x158x128xi32, #tpu.memory_space<hbm>> -> memref<1x158x128xi32, #tpu.memory_space<hbm>>
      %dma_wait3A_19 = tpu.memref_squeeze %dma_wait3A_18 : memref<1x158x128xi32, #tpu.memory_space<hbm>> -> memref<158x128xi32, #tpu.memory_space<hbm>>
      %dma_wait3A_20 = arith.constant 0 : i32
      %dma_wait3A_21 = arith.constant 0 : i32
      %dma_wait3A_22 = tpu.memref_slice %arg4[%add3A, %dma_wait3A_20, %dma_wait3A_21] : memref<32x158x128xi32, #tpu.memory_space<hbm>> -> memref<1x158x128xi32, #tpu.memory_space<hbm>>
      %dma_wait3A_23 = tpu.memref_squeeze %dma_wait3A_22 : memref<1x158x128xi32, #tpu.memory_space<hbm>> -> memref<158x128xi32, #tpu.memory_space<hbm>>
      tpu.wait_dma2 semaphore(%run_scoped3A : memref<!tpu.dma_semaphore, #tpu.memory_space<semaphore_mem>>) src(%dma_wait3A_23 : memref<158x128xi32, #tpu.memory_space<hbm>>) dst(%arg10 : memref<158x128xi32, #tpu.memory_space<vmem>>)
      tpu.yield
    }) : () -> ()
    "tpu.region"() ({
      %run_scoped3A = tpu.sem_alloc : memref<!tpu.dma_semaphore, #tpu.memory_space<semaphore_mem>>
      %dma_start3A = arith.constant 0 : i32
      %dma_start3A_10 = arith.constant 0 : i32
      %dma_start3A_11 = tpu.memref_slice %arg5[%add3A, %dma_start3A, %dma_start3A_10] : memref<32x158x128xi32, #tpu.memory_space<hbm>> -> memref<1x158x128xi32, #tpu.memory_space<hbm>>
      %dma_start3A_12 = tpu.memref_squeeze %dma_start3A_11 : memref<1x158x128xi32, #tpu.memory_space<hbm>> -> memref<158x128xi32, #tpu.memory_space<hbm>>
      %dma_start3A_13 = arith.constant 0 : i32
      %dma_start3A_14 = arith.constant 0 : i32
      %dma_start3A_15 = tpu.memref_slice %arg5[%add3A, %dma_start3A_13, %dma_start3A_14] : memref<32x158x128xi32, #tpu.memory_space<hbm>> -> memref<1x158x128xi32, #tpu.memory_space<hbm>>
      %dma_start3A_16 = tpu.memref_squeeze %dma_start3A_15 : memref<1x158x128xi32, #tpu.memory_space<hbm>> -> memref<158x128xi32, #tpu.memory_space<hbm>>
      tpu.enqueue_dma source(%dma_start3A_16 : memref<158x128xi32, #tpu.memory_space<hbm>>) target(%arg11 : memref<158x128xi32, #tpu.memory_space<vmem>>) target_semaphore(%run_scoped3A : memref<!tpu.dma_semaphore, #tpu.memory_space<semaphore_mem>>)
      %dma_wait3A = arith.constant 0 : i32
      %dma_wait3A_17 = arith.constant 0 : i32
      %dma_wait3A_18 = tpu.memref_slice %arg5[%add3A, %dma_wait3A, %dma_wait3A_17] : memref<32x158x128xi32, #tpu.memory_space<hbm>> -> memref<1x158x128xi32, #tpu.memory_space<hbm>>
      %dma_wait3A_19 = tpu.memref_squeeze %dma_wait3A_18 : memref<1x158x128xi32, #tpu.memory_space<hbm>> -> memref<158x128xi32, #tpu.memory_space<hbm>>
      %dma_wait3A_20 = arith.constant 0 : i32
      %dma_wait3A_21 = arith.constant 0 : i32
      %dma_wait3A_22 = tpu.memref_slice %arg5[%add3A, %dma_wait3A_20, %dma_wait3A_21] : memref<32x158x128xi32, #tpu.memory_space<hbm>> -> memref<1x158x128xi32, #tpu.memory_space<hbm>>
      %dma_wait3A_23 = tpu.memref_squeeze %dma_wait3A_22 : memref<1x158x128xi32, #tpu.memory_space<hbm>> -> memref<158x128xi32, #tpu.memory_space<hbm>>
      tpu.wait_dma2 semaphore(%run_scoped3A : memref<!tpu.dma_semaphore, #tpu.memory_space<semaphore_mem>>) src(%dma_wait3A_23 : memref<158x128xi32, #tpu.memory_space<hbm>>) dst(%arg11 : memref<158x128xi32, #tpu.memory_space<vmem>>)
      tpu.yield
    }) : () -> ()
    "tpu.region"() ({
      %run_scoped3A = tpu.sem_alloc : memref<!tpu.dma_semaphore, #tpu.memory_space<semaphore_mem>>
      tpu.enqueue_dma source(%arg7 : memref<16xi32, #tpu.memory_space<hbm>>) target(%arg14 : memref<16xi32, #tpu.memory_space<vmem>>) target_semaphore(%run_scoped3A : memref<!tpu.dma_semaphore, #tpu.memory_space<semaphore_mem>>)
      tpu.wait_dma2 semaphore(%run_scoped3A : memref<!tpu.dma_semaphore, #tpu.memory_space<semaphore_mem>>) src(%arg7 : memref<16xi32, #tpu.memory_space<hbm>>) dst(%arg14 : memref<16xi32, #tpu.memory_space<vmem>>)
      tpu.yield
    }) : () -> ()
    %get3A = arith.constant 0 : index
    %get3A_1 = tpu.vector_load %arg14[%get3A] {strides = array<i32>} : memref<16xi32, #tpu.memory_space<vmem>>, vector<16xi32>,
    %get3A_2 = vector.shape_cast %get3A_1 : vector<16xi32> to vector<16xi32>
    %slice3A = vector.extract_strided_slice %get3A_2 {offsets = [0], sizes = [1], strides = [1]} : vector<16xi32> to vector<1xi32>
    %squeeze3A = vector.extract %slice3A[0] : i32 from vector<1xi32>
    %eq3A = arith.constant 0 : i32
    %eq3A_3 = arith.cmpi eq, %arg0, %eq3A : i32
    %convert_element_type3A = arith.extui %eq3A_3 : i1 to i32
    %cond3A = arith.constant 0 : i32
    %cond3A_4 = arith.cmpi ne, %convert_element_type3A, %cond3A : i32
    scf.if %cond3A_4 {
      %mul3A_10 = arith.constant 8 : i32
      %mul3A_11 = arith.muli %squeeze3A, %mul3A_10 : i32
      %while3A = arith.constant 0 : i32
      %while3A_12 = arith.constant 0 : i32
      %while3A_13 = arith.subi %mul3A_11, %while3A_12 : i32
      %while3A_14 = arith.addi %while3A_12, %while3A_13 : i32
      %while3A_15 = arith.constant 1 : i32
      %while3A_16 = arith.divsi %while3A_13, %while3A_15 : i32
      %while3A_17 = arith.muli %while3A_16, %while3A_15 : i32
      %while3A_18 = arith.addi %while3A_12, %while3A_17 : i32
      %while3A_19 = arith.constant 1 : i32
      scf.for %while3A_74 = %while3A_12 to %while3A_18 step %while3A_19  : i32 {
        %jit3A = arith.constant 8 : i32
        %div3A = arith.divsi %while3A_74, %jit3A : i32
        %sign3A = arith.constant 0 : i32
        %sign3A_75 = arith.cmpi sgt, %while3A_74, %sign3A : i32
        %sign3A_76 = arith.extui %sign3A_75 : i1 to i32
        %sign3A_77 = arith.constant 0 : i32
        %sign3A_78 = arith.cmpi slt, %while3A_74, %sign3A_77 : i32
        %sign3A_79 = arith.extui %sign3A_78 : i1 to i32
        %sign3A_80 = arith.subi %sign3A_76, %sign3A_79 : i32
        %sign3A_81 = arith.constant 0 : i32
        %sign3A_82 = arith.cmpi sgt, %jit3A, %sign3A_81 : i32
        %sign3A_83 = arith.extui %sign3A_82 : i1 to i32
        %sign3A_84 = arith.constant 0 : i32
        %sign3A_85 = arith.cmpi slt, %jit3A, %sign3A_84 : i32
        %sign3A_86 = arith.extui %sign3A_85 : i1 to i32
        %sign3A_87 = arith.subi %sign3A_83, %sign3A_86 : i32
        %ne3A = arith.cmpi ne, %sign3A_80, %sign3A_87 : i32
        %rem3A = arith.remsi %while3A_74, %jit3A : i32
        %ne3A_88 = arith.constant 0 : i32
        %ne3A_89 = arith.cmpi ne, %rem3A, %ne3A_88 : i32
        %and3A = arith.andi %ne3A, %ne3A_89 : i1
        %sub3A = arith.constant 1 : i32
        %sub3A_90 = arith.subi %div3A, %sub3A : i32
        %select_n3A = arith.select %and3A, %sub3A_90, %div3A : i32
        %jit3A_91 = arith.constant 8 : i32
        %eq3A_92 = arith.constant 0 : i32
        %eq3A_93 = arith.cmpi eq, %jit3A_91, %eq3A_92 : i32
        %jit3A_94 = arith.constant 1 : i32
        %select_n3A_95 = arith.select %eq3A_93, %jit3A_94, %jit3A_91 : i32
        %rem3A_96 = arith.remsi %while3A_74, %select_n3A_95 : i32
        %ne3A_97 = arith.constant 0 : i32
        %ne3A_98 = arith.cmpi ne, %rem3A_96, %ne3A_97 : i32
        %lt3A = arith.constant 0 : i32
        %lt3A_99 = arith.cmpi slt, %rem3A_96, %lt3A : i32
        %lt3A_100 = arith.constant 0 : i32
        %lt3A_101 = arith.cmpi slt, %select_n3A_95, %lt3A_100 : i32
        %ne3A_102 = arith.xori %lt3A_99, %lt3A_101 : i1
        %and3A_103 = arith.andi %ne3A_102, %ne3A_98 : i1
        %add3A_104 = arith.addi %rem3A_96, %select_n3A_95 : i32
        %select_n3A_105 = arith.select %and3A_103, %add3A_104, %rem3A_96 : i32
        %mul3A_106 = arith.constant 16 : i32
        %mul3A_107 = arith.muli %select_n3A_105, %mul3A_106 : i32
        %get3A_108 = arith.index_cast %select_n3A : i32 to index
        %get3A_109 = arith.index_cast %mul3A_107 : i32 to index
        %get3A_110 = tpu.vector_load %arg11[%get3A_108, %get3A_109] {strides = array<i32>} : memref<158x128xi32, #tpu.memory_space<vmem>>, vector<1x16xi32>,
        %get3A_111 = vector.shape_cast %get3A_110 : vector<1x16xi32> to vector<16xi32>
        %ge3A = arith.constant 0 : i32
        %ge3A_112 = vector.broadcast %ge3A : i32 to vector<16xi32>
        %ge3A_113 = arith.cmpi sge, %get3A_111, %ge3A_112 : vector<16xi32>
        %lt3A_114 = arith.constant 5120 : i32
        %lt3A_115 = vector.broadcast %lt3A_114 : i32 to vector<16xi32>
        %lt3A_116 = arith.cmpi slt, %get3A_111, %lt3A_115 : vector<16xi32>
        %and3A_117 = arith.andi %ge3A_113, %lt3A_116 : vector<16xi1>
        %sub3A_118 = arith.constant 0 : i32
        %sub3A_119 = vector.broadcast %sub3A_118 : i32 to vector<16xi32>
        %sub3A_120 = arith.subi %get3A_111, %sub3A_119 : vector<16xi32>
        %jit3A_121 = arith.constant 5120 : i32
        %broadcast_in_dim3A = vector.broadcast %jit3A_121 : i32 to vector<16xi32>
        %select_n3A_122 = arith.select %and3A_117, %sub3A_120, %broadcast_in_dim3A : vector<16xi1>, vector<16xi32>
        %swap3A = arith.index_cast %select_n3A : i32 to index
        %swap3A_123 = arith.index_cast %mul3A_107 : i32 to index
        %swap3A_124 = tpu.vector_load %arg12[%swap3A, %swap3A_123] {strides = array<i32>} : memref<158x128xi32, #tpu.memory_space<vmem>>, vector<1x16xi32>,
        %swap3A_125 = vector.shape_cast %swap3A_124 : vector<1x16xi32> to vector<16xi32>
        %swap3A_126 = vector.shape_cast %select_n3A_122 : vector<16xi32> to vector<1x16xi32>
        tpu.vector_store %arg12[%swap3A, %swap3A_123], %swap3A_126 {strides = array<i32>} : memref<158x128xi32, #tpu.memory_space<vmem>>, vector<1x16xi32>,
      }
      %while3A_20 = arith.constant 1 : i32
      scf.for %while3A_74 = %while3A_18 to %while3A_14 step %while3A_20  : i32 {
        %jit3A = arith.constant 8 : i32
        %div3A = arith.divsi %while3A_74, %jit3A : i32
        %sign3A = arith.constant 0 : i32
        %sign3A_75 = arith.cmpi sgt, %while3A_74, %sign3A : i32
        %sign3A_76 = arith.extui %sign3A_75 : i1 to i32
        %sign3A_77 = arith.constant 0 : i32
        %sign3A_78 = arith.cmpi slt, %while3A_74, %sign3A_77 : i32
        %sign3A_79 = arith.extui %sign3A_78 : i1 to i32
        %sign3A_80 = arith.subi %sign3A_76, %sign3A_79 : i32
        %sign3A_81 = arith.constant 0 : i32
        %sign3A_82 = arith.cmpi sgt, %jit3A, %sign3A_81 : i32
        %sign3A_83 = arith.extui %sign3A_82 : i1 to i32
        %sign3A_84 = arith.constant 0 : i32
        %sign3A_85 = arith.cmpi slt, %jit3A, %sign3A_84 : i32
        %sign3A_86 = arith.extui %sign3A_85 : i1 to i32
        %sign3A_87 = arith.subi %sign3A_83, %sign3A_86 : i32
        %ne3A = arith.cmpi ne, %sign3A_80, %sign3A_87 : i32
        %rem3A = arith.remsi %while3A_74, %jit3A : i32
        %ne3A_88 = arith.constant 0 : i32
        %ne3A_89 = arith.cmpi ne, %rem3A, %ne3A_88 : i32
        %and3A = arith.andi %ne3A, %ne3A_89 : i1
        %sub3A = arith.constant 1 : i32
        %sub3A_90 = arith.subi %div3A, %sub3A : i32
        %select_n3A = arith.select %and3A, %sub3A_90, %div3A : i32
        %jit3A_91 = arith.constant 8 : i32
        %eq3A_92 = arith.constant 0 : i32
        %eq3A_93 = arith.cmpi eq, %jit3A_91, %eq3A_92 : i32
        %jit3A_94 = arith.constant 1 : i32
        %select_n3A_95 = arith.select %eq3A_93, %jit3A_94, %jit3A_91 : i32
        %rem3A_96 = arith.remsi %while3A_74, %select_n3A_95 : i32
        %ne3A_97 = arith.constant 0 : i32
        %ne3A_98 = arith.cmpi ne, %rem3A_96, %ne3A_97 : i32
        %lt3A = arith.constant 0 : i32
        %lt3A_99 = arith.cmpi slt, %rem3A_96, %lt3A : i32
        %lt3A_100 = arith.constant 0 : i32
        %lt3A_101 = arith.cmpi slt, %select_n3A_95, %lt3A_100 : i32
        %ne3A_102 = arith.xori %lt3A_99, %lt3A_101 : i1
        %and3A_103 = arith.andi %ne3A_102, %ne3A_98 : i1
        %add3A_104 = arith.addi %rem3A_96, %select_n3A_95 : i32
        %select_n3A_105 = arith.select %and3A_103, %add3A_104, %rem3A_96 : i32
        %mul3A_106 = arith.constant 16 : i32
        %mul3A_107 = arith.muli %select_n3A_105, %mul3A_106 : i32
        %get3A_108 = arith.index_cast %select_n3A : i32 to index
        %get3A_109 = arith.index_cast %mul3A_107 : i32 to index
        %get3A_110 = tpu.vector_load %arg11[%get3A_108, %get3A_109] {strides = array<i32>} : memref<158x128xi32, #tpu.memory_space<vmem>>, vector<1x16xi32>,
        %get3A_111 = vector.shape_cast %get3A_110 : vector<1x16xi32> to vector<16xi32>
        %ge3A = arith.constant 0 : i32
        %ge3A_112 = vector.broadcast %ge3A : i32 to vector<16xi32>
        %ge3A_113 = arith.cmpi sge, %get3A_111, %ge3A_112 : vector<16xi32>
        %lt3A_114 = arith.constant 5120 : i32
        %lt3A_115 = vector.broadcast %lt3A_114 : i32 to vector<16xi32>
        %lt3A_116 = arith.cmpi slt, %get3A_111, %lt3A_115 : vector<16xi32>
        %and3A_117 = arith.andi %ge3A_113, %lt3A_116 : vector<16xi1>
        %sub3A_118 = arith.constant 0 : i32
        %sub3A_119 = vector.broadcast %sub3A_118 : i32 to vector<16xi32>
        %sub3A_120 = arith.subi %get3A_111, %sub3A_119 : vector<16xi32>
        %jit3A_121 = arith.constant 5120 : i32
        %broadcast_in_dim3A = vector.broadcast %jit3A_121 : i32 to vector<16xi32>
        %select_n3A_122 = arith.select %and3A_117, %sub3A_120, %broadcast_in_dim3A : vector<16xi1>, vector<16xi32>
        %swap3A = arith.index_cast %select_n3A : i32 to index
        %swap3A_123 = arith.index_cast %mul3A_107 : i32 to index
        %swap3A_124 = tpu.vector_load %arg12[%swap3A, %swap3A_123] {strides = array<i32>} : memref<158x128xi32, #tpu.memory_space<vmem>>, vector<1x16xi32>,
        %swap3A_125 = vector.shape_cast %swap3A_124 : vector<1x16xi32> to vector<16xi32>
        %swap3A_126 = vector.shape_cast %select_n3A_122 : vector<16xi32> to vector<1x16xi32>
        tpu.vector_store %arg12[%swap3A, %swap3A_123], %swap3A_126 {strides = array<i32>} : memref<158x128xi32, #tpu.memory_space<vmem>>, vector<1x16xi32>,
      }
      %mul3A_21 = arith.constant 328 : i32
      %mul3A_22 = arith.muli %arg1, %mul3A_21 : i32
      "tpu.region"() ({
        %run_scoped3A = tpu.sem_alloc : memref<!tpu.dma_semaphore, #tpu.memory_space<semaphore_mem>>
        %dma_start3A = arith.constant 0 : i32
        %dma_start3A_74 = tpu.memref_slice %arg15[%mul3A_22, %dma_start3A] : memref<5248x128xf32, #tpu.memory_space<vmem_shared>> -> memref<328x128xf32, #tpu.memory_space<vmem_shared>>
        tpu.enqueue_dma source(%arg6 : memref<328x128xf32, #tpu.memory_space<hbm>>) target(%dma_start3A_74 : memref<328x128xf32, #tpu.memory_space<vmem_shared>>) target_semaphore(%run_scoped3A : memref<!tpu.dma_semaphore, #tpu.memory_space<semaphore_mem>>)
        %dma_wait3A = arith.constant 0 : i32
        %dma_wait3A_75 = tpu.memref_slice %arg15[%mul3A_22, %dma_wait3A] : memref<5248x128xf32, #tpu.memory_space<vmem_shared>> -> memref<328x128xf32, #tpu.memory_space<vmem_shared>>
        tpu.wait_dma2 semaphore(%run_scoped3A : memref<!tpu.dma_semaphore, #tpu.memory_space<semaphore_mem>>) src(%arg6 : memref<328x128xf32, #tpu.memory_space<hbm>>) dst(%dma_wait3A_75 : memref<328x128xf32, #tpu.memory_space<vmem_shared>>)
        tpu.yield
      }) : () -> ()
      %barrier3A = arith.constant 0 : index
      tpu.barrier barrier_id(%barrier3A)
      %while3A_23 = arith.constant 0 : i32
      %while3A_24 = arith.constant 0 : i32
      %while3A_25 = arith.subi %squeeze3A, %while3A_24 : i32
      %while3A_26 = arith.addi %while3A_24, %while3A_25 : i32
      %while3A_27 = arith.constant 1 : i32
      %while3A_28 = arith.divsi %while3A_25, %while3A_27 : i32
      %while3A_29 = arith.muli %while3A_28, %while3A_27 : i32
      %while3A_30 = arith.addi %while3A_24, %while3A_29 : i32
      %while3A_31 = arith.constant 1 : i32
      scf.for %while3A_74 = %while3A_24 to %while3A_30 step %while3A_31  : i32 {
        "tpu.region"() ({
          %run_scoped3A = tpu.sem_alloc : memref<!tpu.dma_semaphore, #tpu.memory_space<semaphore_mem>>
          %dma_start3A = arith.constant 0 : i32
          %dma_start3A_75 = tpu.memref_slice %arg10[%while3A_74, %dma_start3A] : memref<158x128xi32, #tpu.memory_space<vmem>> -> memref<1x128xi32, #tpu.memory_space<vmem>>
          %dma_start3A_76 = tpu.memref_squeeze %dma_start3A_75 : memref<1x128xi32, #tpu.memory_space<vmem>> -> memref<128xi32, #tpu.memory_space<vmem>>
          %dma_start3A_77 = arith.constant 0 : i32
          %dma_start3A_78 = arith.constant 0 : i32
          %dma_start3A_79 = tpu.memref_slice %arg2[%dma_start3A_77, %dma_start3A_78] : memref<10240x128xf32, #tpu.memory_space<hbm>> -> memref<10240x128xf32, #tpu.memory_space<hbm>>
          tpu.enqueue_indirect_dma source(%dma_start3A_79 : memref<10240x128xf32, #tpu.memory_space<hbm>>) target(%arg13 : memref<128x128xf32, #tpu.memory_space<vmem>>) offsets(%dma_start3A_76 : memref<128xi32, #tpu.memory_space<vmem>>) semaphore(%run_scoped3A : memref<!tpu.dma_semaphore, #tpu.memory_space<semaphore_mem>>)
          %dma_wait3A = arith.constant 0 : i32
          %dma_wait3A_80 = tpu.memref_slice %arg10[%while3A_74, %dma_wait3A] : memref<158x128xi32, #tpu.memory_space<vmem>> -> memref<1x128xi32, #tpu.memory_space<vmem>>
          %dma_wait3A_81 = tpu.memref_squeeze %dma_wait3A_80 : memref<1x128xi32, #tpu.memory_space<vmem>> -> memref<128xi32, #tpu.memory_space<vmem>>
          %dma_wait3A_82 = arith.constant 0 : i32
          %dma_wait3A_83 = arith.constant 0 : i32
          %dma_wait3A_84 = tpu.memref_slice %arg2[%dma_wait3A_82, %dma_wait3A_83] : memref<10240x128xf32, #tpu.memory_space<hbm>> -> memref<10240x128xf32, #tpu.memory_space<hbm>>
          tpu.wait_indirect_dma semaphore(%run_scoped3A : memref<!tpu.dma_semaphore, #tpu.memory_space<semaphore_mem>>) src(%dma_wait3A_84 : memref<10240x128xf32, #tpu.memory_space<hbm>>) dst(%arg13 : memref<128x128xf32, #tpu.memory_space<vmem>>)
          tpu.yield
        }) : () -> ()
        "tpu.region"() ({
          %run_scoped3A = tpu.sem_alloc : memref<!tpu.dma_semaphore, #tpu.memory_space<semaphore_mem>>
          %dma_start3A = arith.constant 0 : i32
          %dma_start3A_75 = tpu.memref_slice %arg12[%while3A_74, %dma_start3A] : memref<158x128xi32, #tpu.memory_space<vmem>> -> memref<1x128xi32, #tpu.memory_space<vmem>>
          %dma_start3A_76 = tpu.memref_squeeze %dma_start3A_75 : memref<1x128xi32, #tpu.memory_space<vmem>> -> memref<128xi32, #tpu.memory_space<vmem>>
          %dma_start3A_77 = arith.constant 0 : i32
          %dma_start3A_78 = arith.constant 0 : i32
          %dma_start3A_79 = tpu.memref_slice %arg15[%dma_start3A_77, %dma_start3A_78] : memref<5248x128xf32, #tpu.memory_space<vmem_shared>> -> memref<5248x128xf32, #tpu.memory_space<vmem_shared>>
          tpu.enqueue_indirect_dma source(%arg13 : memref<128x128xf32, #tpu.memory_space<vmem>>) target(%dma_start3A_79 : memref<5248x128xf32, #tpu.memory_space<vmem_shared>>) offsets(%dma_start3A_76 : memref<128xi32, #tpu.memory_space<vmem>>) semaphore(%run_scoped3A : memref<!tpu.dma_semaphore, #tpu.memory_space<semaphore_mem>>) {add = true}
          %dma_wait3A = arith.constant 0 : i32
          %dma_wait3A_80 = tpu.memref_slice %arg12[%while3A_74, %dma_wait3A] : memref<158x128xi32, #tpu.memory_space<vmem>> -> memref<1x128xi32, #tpu.memory_space<vmem>>
          %dma_wait3A_81 = tpu.memref_squeeze %dma_wait3A_80 : memref<1x128xi32, #tpu.memory_space<vmem>> -> memref<128xi32, #tpu.memory_space<vmem>>
          %dma_wait3A_82 = arith.constant 0 : i32
          %dma_wait3A_83 = arith.constant 0 : i32
          %dma_wait3A_84 = tpu.memref_slice %arg15[%dma_wait3A_82, %dma_wait3A_83] : memref<5248x128xf32, #tpu.memory_space<vmem_shared>> -> memref<5248x128xf32, #tpu.memory_space<vmem_shared>>
          tpu.wait_indirect_dma semaphore(%run_scoped3A : memref<!tpu.dma_semaphore, #tpu.memory_space<semaphore_mem>>) src(%arg13 : memref<128x128xf32, #tpu.memory_space<vmem>>) dst(%dma_wait3A_84 : memref<5248x128xf32, #tpu.memory_space<vmem_shared>>)
          tpu.yield
        }) : () -> ()
      }
      %while3A_32 = arith.constant 1 : i32
      scf.for %while3A_74 = %while3A_30 to %while3A_26 step %while3A_32  : i32 {
        "tpu.region"() ({
          %run_scoped3A = tpu.sem_alloc : memref<!tpu.dma_semaphore, #tpu.memory_space<semaphore_mem>>
          %dma_start3A = arith.constant 0 : i32
          %dma_start3A_75 = tpu.memref_slice %arg10[%while3A_74, %dma_start3A] : memref<158x128xi32, #tpu.memory_space<vmem>> -> memref<1x128xi32, #tpu.memory_space<vmem>>
          %dma_start3A_76 = tpu.memref_squeeze %dma_start3A_75 : memref<1x128xi32, #tpu.memory_space<vmem>> -> memref<128xi32, #tpu.memory_space<vmem>>
          %dma_start3A_77 = arith.constant 0 : i32
          %dma_start3A_78 = arith.constant 0 : i32
          %dma_start3A_79 = tpu.memref_slice %arg2[%dma_start3A_77, %dma_start3A_78] : memref<10240x128xf32, #tpu.memory_space<hbm>> -> memref<10240x128xf32, #tpu.memory_space<hbm>>
          tpu.enqueue_indirect_dma source(%dma_start3A_79 : memref<10240x128xf32, #tpu.memory_space<hbm>>) target(%arg13 : memref<128x128xf32, #tpu.memory_space<vmem>>) offsets(%dma_start3A_76 : memref<128xi32, #tpu.memory_space<vmem>>) semaphore(%run_scoped3A : memref<!tpu.dma_semaphore, #tpu.memory_space<semaphore_mem>>)
          %dma_wait3A = arith.constant 0 : i32
          %dma_wait3A_80 = tpu.memref_slice %arg10[%while3A_74, %dma_wait3A] : memref<158x128xi32, #tpu.memory_space<vmem>> -> memref<1x128xi32, #tpu.memory_space<vmem>>
          %dma_wait3A_81 = tpu.memref_squeeze %dma_wait3A_80 : memref<1x128xi32, #tpu.memory_space<vmem>> -> memref<128xi32, #tpu.memory_space<vmem>>
          %dma_wait3A_82 = arith.constant 0 : i32
          %dma_wait3A_83 = arith.constant 0 : i32
          %dma_wait3A_84 = tpu.memref_slice %arg2[%dma_wait3A_82, %dma_wait3A_83] : memref<10240x128xf32, #tpu.memory_space<hbm>> -> memref<10240x128xf32, #tpu.memory_space<hbm>>
          tpu.wait_indirect_dma semaphore(%run_scoped3A : memref<!tpu.dma_semaphore, #tpu.memory_space<semaphore_mem>>) src(%dma_wait3A_84 : memref<10240x128xf32, #tpu.memory_space<hbm>>) dst(%arg13 : memref<128x128xf32, #tpu.memory_space<vmem>>)
          tpu.yield
        }) : () -> ()
        "tpu.region"() ({
          %run_scoped3A = tpu.sem_alloc : memref<!tpu.dma_semaphore, #tpu.memory_space<semaphore_mem>>
          %dma_start3A = arith.constant 0 : i32
          %dma_start3A_75 = tpu.memref_slice %arg12[%while3A_74, %dma_start3A] : memref<158x128xi32, #tpu.memory_space<vmem>> -> memref<1x128xi32, #tpu.memory_space<vmem>>
          %dma_start3A_76 = tpu.memref_squeeze %dma_start3A_75 : memref<1x128xi32, #tpu.memory_space<vmem>> -> memref<128xi32, #tpu.memory_space<vmem>>
          %dma_start3A_77 = arith.constant 0 : i32
          %dma_start3A_78 = arith.constant 0 : i32
          %dma_start3A_79 = tpu.memref_slice %arg15[%dma_start3A_77, %dma_start3A_78] : memref<5248x128xf32, #tpu.memory_space<vmem_shared>> -> memref<5248x128xf32, #tpu.memory_space<vmem_shared>>
          tpu.enqueue_indirect_dma source(%arg13 : memref<128x128xf32, #tpu.memory_space<vmem>>) target(%dma_start3A_79 : memref<5248x128xf32, #tpu.memory_space<vmem_shared>>) offsets(%dma_start3A_76 : memref<128xi32, #tpu.memory_space<vmem>>) semaphore(%run_scoped3A : memref<!tpu.dma_semaphore, #tpu.memory_space<semaphore_mem>>) {add = true}
          %dma_wait3A = arith.constant 0 : i32
          %dma_wait3A_80 = tpu.memref_slice %arg12[%while3A_74, %dma_wait3A] : memref<158x128xi32, #tpu.memory_space<vmem>> -> memref<1x128xi32, #tpu.memory_space<vmem>>
          %dma_wait3A_81 = tpu.memref_squeeze %dma_wait3A_80 : memref<1x128xi32, #tpu.memory_space<vmem>> -> memref<128xi32, #tpu.memory_space<vmem>>
          %dma_wait3A_82 = arith.constant 0 : i32
          %dma_wait3A_83 = arith.constant 0 : i32
          %dma_wait3A_84 = tpu.memref_slice %arg15[%dma_wait3A_82, %dma_wait3A_83] : memref<5248x128xf32, #tpu.memory_space<vmem_shared>> -> memref<5248x128xf32, #tpu.memory_space<vmem_shared>>
          tpu.wait_indirect_dma semaphore(%run_scoped3A : memref<!tpu.dma_semaphore, #tpu.memory_space<semaphore_mem>>) src(%arg13 : memref<128x128xf32, #tpu.memory_space<vmem>>) dst(%dma_wait3A_84 : memref<5248x128xf32, #tpu.memory_space<vmem_shared>>)
          tpu.yield
        }) : () -> ()
      }
      %barrier3A_33 = arith.constant 0 : index
      tpu.barrier barrier_id(%barrier3A_33)
      %mul3A_34 = arith.constant 320 : i32
      %mul3A_35 = arith.muli %arg1, %mul3A_34 : i32
      %mul3A_36 = arith.constant 320 : i32
      %mul3A_37 = arith.muli %arg1, %mul3A_36 : i32
      %add3A_38 = arith.constant 0 : i32
      %add3A_39 = arith.addi %add3A_38, %mul3A_37 : i32
      "tpu.region"() ({
        %run_scoped3A = tpu.sem_alloc : memref<!tpu.dma_semaphore, #tpu.memory_space<semaphore_mem>>
        %dma_start3A = arith.constant 0 : i32
        %dma_start3A_74 = tpu.memref_slice %arg8[%add3A_39, %dma_start3A] : memref<10240x128xf32, #tpu.memory_space<hbm>> -> memref<320x128xf32, #tpu.memory_space<hbm>>
        %dma_start3A_75 = arith.constant 0 : i32
        %dma_start3A_76 = tpu.memref_slice %arg15[%mul3A_35, %dma_start3A_75] : memref<5248x128xf32, #tpu.memory_space<vmem_shared>> -> memref<320x128xf32, #tpu.memory_space<vmem_shared>>
        tpu.enqueue_dma source(%dma_start3A_76 : memref<320x128xf32, #tpu.memory_space<vmem_shared>>) target(%dma_start3A_74 : memref<320x128xf32, #tpu.memory_space<hbm>>) target_semaphore(%run_scoped3A : memref<!tpu.dma_semaphore, #tpu.memory_space<semaphore_mem>>)
        %dma_wait3A = arith.constant 0 : i32
        %dma_wait3A_77 = tpu.memref_slice %arg8[%add3A_39, %dma_wait3A] : memref<10240x128xf32, #tpu.memory_space<hbm>> -> memref<320x128xf32, #tpu.memory_space<hbm>>
        %dma_wait3A_78 = arith.constant 0 : i32
        %dma_wait3A_79 = tpu.memref_slice %arg15[%mul3A_35, %dma_wait3A_78] : memref<5248x128xf32, #tpu.memory_space<vmem_shared>> -> memref<320x128xf32, #tpu.memory_space<vmem_shared>>
        tpu.wait_dma2 semaphore(%run_scoped3A : memref<!tpu.dma_semaphore, #tpu.memory_space<semaphore_mem>>) src(%dma_wait3A_79 : memref<320x128xf32, #tpu.memory_space<vmem_shared>>) dst(%dma_wait3A_77 : memref<320x128xf32, #tpu.memory_space<hbm>>)
        tpu.yield
      }) : () -> ()
      %barrier3A_40 = arith.constant 0 : index
      tpu.barrier barrier_id(%barrier3A_40)
      %mul3A_41 = arith.constant 8 : i32
      %mul3A_42 = arith.muli %squeeze3A, %mul3A_41 : i32
      %while3A_43 = arith.constant 0 : i32
      %while3A_44 = arith.constant 0 : i32
      %while3A_45 = arith.subi %mul3A_42, %while3A_44 : i32
      %while3A_46 = arith.addi %while3A_44, %while3A_45 : i32
      %while3A_47 = arith.constant 1 : i32
      %while3A_48 = arith.divsi %while3A_45, %while3A_47 : i32
      %while3A_49 = arith.muli %while3A_48, %while3A_47 : i32
      %while3A_50 = arith.addi %while3A_44, %while3A_49 : i32
      %while3A_51 = arith.constant 1 : i32
      scf.for %while3A_74 = %while3A_44 to %while3A_50 step %while3A_51  : i32 {
        %jit3A = arith.constant 8 : i32
        %div3A = arith.divsi %while3A_74, %jit3A : i32
        %sign3A = arith.constant 0 : i32
        %sign3A_75 = arith.cmpi sgt, %while3A_74, %sign3A : i32
        %sign3A_76 = arith.extui %sign3A_75 : i1 to i32
        %sign3A_77 = arith.constant 0 : i32
        %sign3A_78 = arith.cmpi slt, %while3A_74, %sign3A_77 : i32
        %sign3A_79 = arith.extui %sign3A_78 : i1 to i32
        %sign3A_80 = arith.subi %sign3A_76, %sign3A_79 : i32
        %sign3A_81 = arith.constant 0 : i32
        %sign3A_82 = arith.cmpi sgt, %jit3A, %sign3A_81 : i32
        %sign3A_83 = arith.extui %sign3A_82 : i1 to i32
        %sign3A_84 = arith.constant 0 : i32
        %sign3A_85 = arith.cmpi slt, %jit3A, %sign3A_84 : i32
        %sign3A_86 = arith.extui %sign3A_85 : i1 to i32
        %sign3A_87 = arith.subi %sign3A_83, %sign3A_86 : i32
        %ne3A = arith.cmpi ne, %sign3A_80, %sign3A_87 : i32
        %rem3A = arith.remsi %while3A_74, %jit3A : i32
        %ne3A_88 = arith.constant 0 : i32
        %ne3A_89 = arith.cmpi ne, %rem3A, %ne3A_88 : i32
        %and3A = arith.andi %ne3A, %ne3A_89 : i1
        %sub3A = arith.constant 1 : i32
        %sub3A_90 = arith.subi %div3A, %sub3A : i32
        %select_n3A = arith.select %and3A, %sub3A_90, %div3A : i32
        %jit3A_91 = arith.constant 8 : i32
        %eq3A_92 = arith.constant 0 : i32
        %eq3A_93 = arith.cmpi eq, %jit3A_91, %eq3A_92 : i32
        %jit3A_94 = arith.constant 1 : i32
        %select_n3A_95 = arith.select %eq3A_93, %jit3A_94, %jit3A_91 : i32
        %rem3A_96 = arith.remsi %while3A_74, %select_n3A_95 : i32
        %ne3A_97 = arith.constant 0 : i32
        %ne3A_98 = arith.cmpi ne, %rem3A_96, %ne3A_97 : i32
        %lt3A = arith.constant 0 : i32
        %lt3A_99 = arith.cmpi slt, %rem3A_96, %lt3A : i32
        %lt3A_100 = arith.constant 0 : i32
        %lt3A_101 = arith.cmpi slt, %select_n3A_95, %lt3A_100 : i32
        %ne3A_102 = arith.xori %lt3A_99, %lt3A_101 : i1
        %and3A_103 = arith.andi %ne3A_102, %ne3A_98 : i1
        %add3A_104 = arith.addi %rem3A_96, %select_n3A_95 : i32
        %select_n3A_105 = arith.select %and3A_103, %add3A_104, %rem3A_96 : i32
        %mul3A_106 = arith.constant 16 : i32
        %mul3A_107 = arith.muli %select_n3A_105, %mul3A_106 : i32
        %get3A_108 = arith.index_cast %select_n3A : i32 to index
        %get3A_109 = arith.index_cast %mul3A_107 : i32 to index
        %get3A_110 = tpu.vector_load %arg11[%get3A_108, %get3A_109] {strides = array<i32>} : memref<158x128xi32, #tpu.memory_space<vmem>>, vector<1x16xi32>,
        %get3A_111 = vector.shape_cast %get3A_110 : vector<1x16xi32> to vector<16xi32>
        %ge3A = arith.constant 5120 : i32
        %ge3A_112 = vector.broadcast %ge3A : i32 to vector<16xi32>
        %ge3A_113 = arith.cmpi sge, %get3A_111, %ge3A_112 : vector<16xi32>
        %lt3A_114 = arith.constant 10240 : i32
        %lt3A_115 = vector.broadcast %lt3A_114 : i32 to vector<16xi32>
        %lt3A_116 = arith.cmpi slt, %get3A_111, %lt3A_115 : vector<16xi32>
        %and3A_117 = arith.andi %ge3A_113, %lt3A_116 : vector<16xi1>
        %sub3A_118 = arith.constant 5120 : i32
        %sub3A_119 = vector.broadcast %sub3A_118 : i32 to vector<16xi32>
        %sub3A_120 = arith.subi %get3A_111, %sub3A_119 : vector<16xi32>
        %jit3A_121 = arith.constant 5120 : i32
        %broadcast_in_dim3A = vector.broadcast %jit3A_121 : i32 to vector<16xi32>
        %select_n3A_122 = arith.select %and3A_117, %sub3A_120, %broadcast_in_dim3A : vector<16xi1>, vector<16xi32>
        %swap3A = arith.index_cast %select_n3A : i32 to index
        %swap3A_123 = arith.index_cast %mul3A_107 : i32 to index
        %swap3A_124 = tpu.vector_load %arg12[%swap3A, %swap3A_123] {strides = array<i32>} : memref<158x128xi32, #tpu.memory_space<vmem>>, vector<1x16xi32>,
        %swap3A_125 = vector.shape_cast %swap3A_124 : vector<1x16xi32> to vector<16xi32>
        %swap3A_126 = vector.shape_cast %select_n3A_122 : vector<16xi32> to vector<1x16xi32>
        tpu.vector_store %arg12[%swap3A, %swap3A_123], %swap3A_126 {strides = array<i32>} : memref<158x128xi32, #tpu.memory_space<vmem>>, vector<1x16xi32>,
      }
      %while3A_52 = arith.constant 1 : i32
      scf.for %while3A_74 = %while3A_50 to %while3A_46 step %while3A_52  : i32 {
        %jit3A = arith.constant 8 : i32
        %div3A = arith.divsi %while3A_74, %jit3A : i32
        %sign3A = arith.constant 0 : i32
        %sign3A_75 = arith.cmpi sgt, %while3A_74, %sign3A : i32
        %sign3A_76 = arith.extui %sign3A_75 : i1 to i32
        %sign3A_77 = arith.constant 0 : i32
        %sign3A_78 = arith.cmpi slt, %while3A_74, %sign3A_77 : i32
        %sign3A_79 = arith.extui %sign3A_78 : i1 to i32
        %sign3A_80 = arith.subi %sign3A_76, %sign3A_79 : i32
        %sign3A_81 = arith.constant 0 : i32
        %sign3A_82 = arith.cmpi sgt, %jit3A, %sign3A_81 : i32
        %sign3A_83 = arith.extui %sign3A_82 : i1 to i32
        %sign3A_84 = arith.constant 0 : i32
        %sign3A_85 = arith.cmpi slt, %jit3A, %sign3A_84 : i32
        %sign3A_86 = arith.extui %sign3A_85 : i1 to i32
        %sign3A_87 = arith.subi %sign3A_83, %sign3A_86 : i32
        %ne3A = arith.cmpi ne, %sign3A_80, %sign3A_87 : i32
        %rem3A = arith.remsi %while3A_74, %jit3A : i32
        %ne3A_88 = arith.constant 0 : i32
        %ne3A_89 = arith.cmpi ne, %rem3A, %ne3A_88 : i32
        %and3A = arith.andi %ne3A, %ne3A_89 : i1
        %sub3A = arith.constant 1 : i32
        %sub3A_90 = arith.subi %div3A, %sub3A : i32
        %select_n3A = arith.select %and3A, %sub3A_90, %div3A : i32
        %jit3A_91 = arith.constant 8 : i32
        %eq3A_92 = arith.constant 0 : i32
        %eq3A_93 = arith.cmpi eq, %jit3A_91, %eq3A_92 : i32
        %jit3A_94 = arith.constant 1 : i32
        %select_n3A_95 = arith.select %eq3A_93, %jit3A_94, %jit3A_91 : i32
        %rem3A_96 = arith.remsi %while3A_74, %select_n3A_95 : i32
        %ne3A_97 = arith.constant 0 : i32
        %ne3A_98 = arith.cmpi ne, %rem3A_96, %ne3A_97 : i32
        %lt3A = arith.constant 0 : i32
        %lt3A_99 = arith.cmpi slt, %rem3A_96, %lt3A : i32
        %lt3A_100 = arith.constant 0 : i32
        %lt3A_101 = arith.cmpi slt, %select_n3A_95, %lt3A_100 : i32
        %ne3A_102 = arith.xori %lt3A_99, %lt3A_101 : i1
        %and3A_103 = arith.andi %ne3A_102, %ne3A_98 : i1
        %add3A_104 = arith.addi %rem3A_96, %select_n3A_95 : i32
        %select_n3A_105 = arith.select %and3A_103, %add3A_104, %rem3A_96 : i32
        %mul3A_106 = arith.constant 16 : i32
        %mul3A_107 = arith.muli %select_n3A_105, %mul3A_106 : i32
        %get3A_108 = arith.index_cast %select_n3A : i32 to index
        %get3A_109 = arith.index_cast %mul3A_107 : i32 to index
        %get3A_110 = tpu.vector_load %arg11[%get3A_108, %get3A_109] {strides = array<i32>} : memref<158x128xi32, #tpu.memory_space<vmem>>, vector<1x16xi32>,
        %get3A_111 = vector.shape_cast %get3A_110 : vector<1x16xi32> to vector<16xi32>
        %ge3A = arith.constant 5120 : i32
        %ge3A_112 = vector.broadcast %ge3A : i32 to vector<16xi32>
        %ge3A_113 = arith.cmpi sge, %get3A_111, %ge3A_112 : vector<16xi32>
        %lt3A_114 = arith.constant 10240 : i32
        %lt3A_115 = vector.broadcast %lt3A_114 : i32 to vector<16xi32>
        %lt3A_116 = arith.cmpi slt, %get3A_111, %lt3A_115 : vector<16xi32>
        %and3A_117 = arith.andi %ge3A_113, %lt3A_116 : vector<16xi1>
        %sub3A_118 = arith.constant 5120 : i32
        %sub3A_119 = vector.broadcast %sub3A_118 : i32 to vector<16xi32>
        %sub3A_120 = arith.subi %get3A_111, %sub3A_119 : vector<16xi32>
        %jit3A_121 = arith.constant 5120 : i32
        %broadcast_in_dim3A = vector.broadcast %jit3A_121 : i32 to vector<16xi32>
        %select_n3A_122 = arith.select %and3A_117, %sub3A_120, %broadcast_in_dim3A : vector<16xi1>, vector<16xi32>
        %swap3A = arith.index_cast %select_n3A : i32 to index
        %swap3A_123 = arith.index_cast %mul3A_107 : i32 to index
        %swap3A_124 = tpu.vector_load %arg12[%swap3A, %swap3A_123] {strides = array<i32>} : memref<158x128xi32, #tpu.memory_space<vmem>>, vector<1x16xi32>,
        %swap3A_125 = vector.shape_cast %swap3A_124 : vector<1x16xi32> to vector<16xi32>
        %swap3A_126 = vector.shape_cast %select_n3A_122 : vector<16xi32> to vector<1x16xi32>
        tpu.vector_store %arg12[%swap3A, %swap3A_123], %swap3A_126 {strides = array<i32>} : memref<158x128xi32, #tpu.memory_space<vmem>>, vector<1x16xi32>,
      }
      %mul3A_53 = arith.constant 328 : i32
      %mul3A_54 = arith.muli %arg1, %mul3A_53 : i32
      "tpu.region"() ({
        %run_scoped3A = tpu.sem_alloc : memref<!tpu.dma_semaphore, #tpu.memory_space<semaphore_mem>>
        %dma_start3A = arith.constant 0 : i32
        %dma_start3A_74 = tpu.memref_slice %arg15[%mul3A_54, %dma_start3A] : memref<5248x128xf32, #tpu.memory_space<vmem_shared>> -> memref<328x128xf32, #tpu.memory_space<vmem_shared>>
        tpu.enqueue_dma source(%arg6 : memref<328x128xf32, #tpu.memory_space<hbm>>) target(%dma_start3A_74 : memref<328x128xf32, #tpu.memory_space<vmem_shared>>) target_semaphore(%run_scoped3A : memref<!tpu.dma_semaphore, #tpu.memory_space<semaphore_mem>>)
        %dma_wait3A = arith.constant 0 : i32
        %dma_wait3A_75 = tpu.memref_slice %arg15[%mul3A_54, %dma_wait3A] : memref<5248x128xf32, #tpu.memory_space<vmem_shared>> -> memref<328x128xf32, #tpu.memory_space<vmem_shared>>
        tpu.wait_dma2 semaphore(%run_scoped3A : memref<!tpu.dma_semaphore, #tpu.memory_space<semaphore_mem>>) src(%arg6 : memref<328x128xf32, #tpu.memory_space<hbm>>) dst(%dma_wait3A_75 : memref<328x128xf32, #tpu.memory_space<vmem_shared>>)
        tpu.yield
      }) : () -> ()
      %barrier3A_55 = arith.constant 0 : index
      tpu.barrier barrier_id(%barrier3A_55)
      %while3A_56 = arith.constant 0 : i32
      %while3A_57 = arith.constant 0 : i32
      %while3A_58 = arith.subi %squeeze3A, %while3A_57 : i32
      %while3A_59 = arith.addi %while3A_57, %while3A_58 : i32
      %while3A_60 = arith.constant 1 : i32
      %while3A_61 = arith.divsi %while3A_58, %while3A_60 : i32
      %while3A_62 = arith.muli %while3A_61, %while3A_60 : i32
      %while3A_63 = arith.addi %while3A_57, %while3A_62 : i32
      %while3A_64 = arith.constant 1 : i32
      scf.for %while3A_74 = %while3A_57 to %while3A_63 step %while3A_64  : i32 {
        "tpu.region"() ({
          %run_scoped3A = tpu.sem_alloc : memref<!tpu.dma_semaphore, #tpu.memory_space<semaphore_mem>>
          %dma_start3A = arith.constant 0 : i32
          %dma_start3A_75 = tpu.memref_slice %arg10[%while3A_74, %dma_start3A] : memref<158x128xi32, #tpu.memory_space<vmem>> -> memref<1x128xi32, #tpu.memory_space<vmem>>
          %dma_start3A_76 = tpu.memref_squeeze %dma_start3A_75 : memref<1x128xi32, #tpu.memory_space<vmem>> -> memref<128xi32, #tpu.memory_space<vmem>>
          %dma_start3A_77 = arith.constant 0 : i32
          %dma_start3A_78 = arith.constant 0 : i32
          %dma_start3A_79 = tpu.memref_slice %arg2[%dma_start3A_77, %dma_start3A_78] : memref<10240x128xf32, #tpu.memory_space<hbm>> -> memref<10240x128xf32, #tpu.memory_space<hbm>>
          tpu.enqueue_indirect_dma source(%dma_start3A_79 : memref<10240x128xf32, #tpu.memory_space<hbm>>) target(%arg13 : memref<128x128xf32, #tpu.memory_space<vmem>>) offsets(%dma_start3A_76 : memref<128xi32, #tpu.memory_space<vmem>>) semaphore(%run_scoped3A : memref<!tpu.dma_semaphore, #tpu.memory_space<semaphore_mem>>)
          %dma_wait3A = arith.constant 0 : i32
          %dma_wait3A_80 = tpu.memref_slice %arg10[%while3A_74, %dma_wait3A] : memref<158x128xi32, #tpu.memory_space<vmem>> -> memref<1x128xi32, #tpu.memory_space<vmem>>
          %dma_wait3A_81 = tpu.memref_squeeze %dma_wait3A_80 : memref<1x128xi32, #tpu.memory_space<vmem>> -> memref<128xi32, #tpu.memory_space<vmem>>
          %dma_wait3A_82 = arith.constant 0 : i32
          %dma_wait3A_83 = arith.constant 0 : i32
          %dma_wait3A_84 = tpu.memref_slice %arg2[%dma_wait3A_82, %dma_wait3A_83] : memref<10240x128xf32, #tpu.memory_space<hbm>> -> memref<10240x128xf32, #tpu.memory_space<hbm>>
          tpu.wait_indirect_dma semaphore(%run_scoped3A : memref<!tpu.dma_semaphore, #tpu.memory_space<semaphore_mem>>) src(%dma_wait3A_84 : memref<10240x128xf32, #tpu.memory_space<hbm>>) dst(%arg13 : memref<128x128xf32, #tpu.memory_space<vmem>>)
          tpu.yield
        }) : () -> ()
        "tpu.region"() ({
          %run_scoped3A = tpu.sem_alloc : memref<!tpu.dma_semaphore, #tpu.memory_space<semaphore_mem>>
          %dma_start3A = arith.constant 0 : i32
          %dma_start3A_75 = tpu.memref_slice %arg12[%while3A_74, %dma_start3A] : memref<158x128xi32, #tpu.memory_space<vmem>> -> memref<1x128xi32, #tpu.memory_space<vmem>>
          %dma_start3A_76 = tpu.memref_squeeze %dma_start3A_75 : memref<1x128xi32, #tpu.memory_space<vmem>> -> memref<128xi32, #tpu.memory_space<vmem>>
          %dma_start3A_77 = arith.constant 0 : i32
          %dma_start3A_78 = arith.constant 0 : i32
          %dma_start3A_79 = tpu.memref_slice %arg15[%dma_start3A_77, %dma_start3A_78] : memref<5248x128xf32, #tpu.memory_space<vmem_shared>> -> memref<5248x128xf32, #tpu.memory_space<vmem_shared>>
          tpu.enqueue_indirect_dma source(%arg13 : memref<128x128xf32, #tpu.memory_space<vmem>>) target(%dma_start3A_79 : memref<5248x128xf32, #tpu.memory_space<vmem_shared>>) offsets(%dma_start3A_76 : memref<128xi32, #tpu.memory_space<vmem>>) semaphore(%run_scoped3A : memref<!tpu.dma_semaphore, #tpu.memory_space<semaphore_mem>>) {add = true}
          %dma_wait3A = arith.constant 0 : i32
          %dma_wait3A_80 = tpu.memref_slice %arg12[%while3A_74, %dma_wait3A] : memref<158x128xi32, #tpu.memory_space<vmem>> -> memref<1x128xi32, #tpu.memory_space<vmem>>
          %dma_wait3A_81 = tpu.memref_squeeze %dma_wait3A_80 : memref<1x128xi32, #tpu.memory_space<vmem>> -> memref<128xi32, #tpu.memory_space<vmem>>
          %dma_wait3A_82 = arith.constant 0 : i32
          %dma_wait3A_83 = arith.constant 0 : i32
          %dma_wait3A_84 = tpu.memref_slice %arg15[%dma_wait3A_82, %dma_wait3A_83] : memref<5248x128xf32, #tpu.memory_space<vmem_shared>> -> memref<5248x128xf32, #tpu.memory_space<vmem_shared>>
          tpu.wait_indirect_dma semaphore(%run_scoped3A : memref<!tpu.dma_semaphore, #tpu.memory_space<semaphore_mem>>) src(%arg13 : memref<128x128xf32, #tpu.memory_space<vmem>>) dst(%dma_wait3A_84 : memref<5248x128xf32, #tpu.memory_space<vmem_shared>>)
          tpu.yield
        }) : () -> ()
      }
      %while3A_65 = arith.constant 1 : i32
      scf.for %while3A_74 = %while3A_63 to %while3A_59 step %while3A_65  : i32 {
        "tpu.region"() ({
          %run_scoped3A = tpu.sem_alloc : memref<!tpu.dma_semaphore, #tpu.memory_space<semaphore_mem>>
          %dma_start3A = arith.constant 0 : i32
          %dma_start3A_75 = tpu.memref_slice %arg10[%while3A_74, %dma_start3A] : memref<158x128xi32, #tpu.memory_space<vmem>> -> memref<1x128xi32, #tpu.memory_space<vmem>>
          %dma_start3A_76 = tpu.memref_squeeze %dma_start3A_75 : memref<1x128xi32, #tpu.memory_space<vmem>> -> memref<128xi32, #tpu.memory_space<vmem>>
          %dma_start3A_77 = arith.constant 0 : i32
          %dma_start3A_78 = arith.constant 0 : i32
          %dma_start3A_79 = tpu.memref_slice %arg2[%dma_start3A_77, %dma_start3A_78] : memref<10240x128xf32, #tpu.memory_space<hbm>> -> memref<10240x128xf32, #tpu.memory_space<hbm>>
          tpu.enqueue_indirect_dma source(%dma_start3A_79 : memref<10240x128xf32, #tpu.memory_space<hbm>>) target(%arg13 : memref<128x128xf32, #tpu.memory_space<vmem>>) offsets(%dma_start3A_76 : memref<128xi32, #tpu.memory_space<vmem>>) semaphore(%run_scoped3A : memref<!tpu.dma_semaphore, #tpu.memory_space<semaphore_mem>>)
          %dma_wait3A = arith.constant 0 : i32
          %dma_wait3A_80 = tpu.memref_slice %arg10[%while3A_74, %dma_wait3A] : memref<158x128xi32, #tpu.memory_space<vmem>> -> memref<1x128xi32, #tpu.memory_space<vmem>>
          %dma_wait3A_81 = tpu.memref_squeeze %dma_wait3A_80 : memref<1x128xi32, #tpu.memory_space<vmem>> -> memref<128xi32, #tpu.memory_space<vmem>>
          %dma_wait3A_82 = arith.constant 0 : i32
          %dma_wait3A_83 = arith.constant 0 : i32
          %dma_wait3A_84 = tpu.memref_slice %arg2[%dma_wait3A_82, %dma_wait3A_83] : memref<10240x128xf32, #tpu.memory_space<hbm>> -> memref<10240x128xf32, #tpu.memory_space<hbm>>
          tpu.wait_indirect_dma semaphore(%run_scoped3A : memref<!tpu.dma_semaphore, #tpu.memory_space<semaphore_mem>>) src(%dma_wait3A_84 : memref<10240x128xf32, #tpu.memory_space<hbm>>) dst(%arg13 : memref<128x128xf32, #tpu.memory_space<vmem>>)
          tpu.yield
        }) : () -> ()
        "tpu.region"() ({
          %run_scoped3A = tpu.sem_alloc : memref<!tpu.dma_semaphore, #tpu.memory_space<semaphore_mem>>
          %dma_start3A = arith.constant 0 : i32
          %dma_start3A_75 = tpu.memref_slice %arg12[%while3A_74, %dma_start3A] : memref<158x128xi32, #tpu.memory_space<vmem>> -> memref<1x128xi32, #tpu.memory_space<vmem>>
          %dma_start3A_76 = tpu.memref_squeeze %dma_start3A_75 : memref<1x128xi32, #tpu.memory_space<vmem>> -> memref<128xi32, #tpu.memory_space<vmem>>
          %dma_start3A_77 = arith.constant 0 : i32
          %dma_start3A_78 = arith.constant 0 : i32
          %dma_start3A_79 = tpu.memref_slice %arg15[%dma_start3A_77, %dma_start3A_78] : memref<5248x128xf32, #tpu.memory_space<vmem_shared>> -> memref<5248x128xf32, #tpu.memory_space<vmem_shared>>
          tpu.enqueue_indirect_dma source(%arg13 : memref<128x128xf32, #tpu.memory_space<vmem>>) target(%dma_start3A_79 : memref<5248x128xf32, #tpu.memory_space<vmem_shared>>) offsets(%dma_start3A_76 : memref<128xi32, #tpu.memory_space<vmem>>) semaphore(%run_scoped3A : memref<!tpu.dma_semaphore, #tpu.memory_space<semaphore_mem>>) {add = true}
          %dma_wait3A = arith.constant 0 : i32
          %dma_wait3A_80 = tpu.memref_slice %arg12[%while3A_74, %dma_wait3A] : memref<158x128xi32, #tpu.memory_space<vmem>> -> memref<1x128xi32, #tpu.memory_space<vmem>>
          %dma_wait3A_81 = tpu.memref_squeeze %dma_wait3A_80 : memref<1x128xi32, #tpu.memory_space<vmem>> -> memref<128xi32, #tpu.memory_space<vmem>>
          %dma_wait3A_82 = arith.constant 0 : i32
          %dma_wait3A_83 = arith.constant 0 : i32
          %dma_wait3A_84 = tpu.memref_slice %arg15[%dma_wait3A_82, %dma_wait3A_83] : memref<5248x128xf32, #tpu.memory_space<vmem_shared>> -> memref<5248x128xf32, #tpu.memory_space<vmem_shared>>
          tpu.wait_indirect_dma semaphore(%run_scoped3A : memref<!tpu.dma_semaphore, #tpu.memory_space<semaphore_mem>>) src(%arg13 : memref<128x128xf32, #tpu.memory_space<vmem>>) dst(%dma_wait3A_84 : memref<5248x128xf32, #tpu.memory_space<vmem_shared>>)
          tpu.yield
        }) : () -> ()
      }
      %barrier3A_66 = arith.constant 0 : index
      tpu.barrier barrier_id(%barrier3A_66)
      %mul3A_67 = arith.constant 320 : i32
      %mul3A_68 = arith.muli %arg1, %mul3A_67 : i32
      %mul3A_69 = arith.constant 320 : i32
      %mul3A_70 = arith.muli %arg1, %mul3A_69 : i32
      %add3A_71 = arith.constant 5120 : i32
      %add3A_72 = arith.addi %add3A_71, %mul3A_70 : i32
      "tpu.region"() ({
        %run_scoped3A = tpu.sem_alloc : memref<!tpu.dma_semaphore, #tpu.memory_space<semaphore_mem>>
        %dma_start3A = arith.constant 0 : i32
        %dma_start3A_74 = tpu.memref_slice %arg8[%add3A_72, %dma_start3A] : memref<10240x128xf32, #tpu.memory_space<hbm>> -> memref<320x128xf32, #tpu.memory_space<hbm>>
        %dma_start3A_75 = arith.constant 0 : i32
        %dma_start3A_76 = tpu.memref_slice %arg15[%mul3A_68, %dma_start3A_75] : memref<5248x128xf32, #tpu.memory_space<vmem_shared>> -> memref<320x128xf32, #tpu.memory_space<vmem_shared>>
        tpu.enqueue_dma source(%dma_start3A_76 : memref<320x128xf32, #tpu.memory_space<vmem_shared>>) target(%dma_start3A_74 : memref<320x128xf32, #tpu.memory_space<hbm>>) target_semaphore(%run_scoped3A : memref<!tpu.dma_semaphore, #tpu.memory_space<semaphore_mem>>)
        %dma_wait3A = arith.constant 0 : i32
        %dma_wait3A_77 = tpu.memref_slice %arg8[%add3A_72, %dma_wait3A] : memref<10240x128xf32, #tpu.memory_space<hbm>> -> memref<320x128xf32, #tpu.memory_space<hbm>>
        %dma_wait3A_78 = arith.constant 0 : i32
        %dma_wait3A_79 = tpu.memref_slice %arg15[%mul3A_68, %dma_wait3A_78] : memref<5248x128xf32, #tpu.memory_space<vmem_shared>> -> memref<320x128xf32, #tpu.memory_space<vmem_shared>>
        tpu.wait_dma2 semaphore(%run_scoped3A : memref<!tpu.dma_semaphore, #tpu.memory_space<semaphore_mem>>) src(%dma_wait3A_79 : memref<320x128xf32, #tpu.memory_space<vmem_shared>>) dst(%dma_wait3A_77 : memref<320x128xf32, #tpu.memory_space<hbm>>)
        tpu.yield
      }) : () -> ()
      %barrier3A_73 = arith.constant 0 : index
      tpu.barrier barrier_id(%barrier3A_73)
    } else {
    }
    %eq3A_5 = arith.constant 1 : i32
    %eq3A_6 = arith.cmpi eq, %arg0, %eq3A_5 : i32
    %convert_element_type3A_7 = arith.extui %eq3A_6 : i1 to i32
    %cond3A_8 = arith.constant 0 : i32
    %cond3A_9 = arith.cmpi ne, %convert_element_type3A_7, %cond3A_8 : i32
    scf.if %cond3A_9 {
      %mul3A_10 = arith.constant 8 : i32
      %mul3A_11 = arith.muli %squeeze3A, %mul3A_10 : i32
      %while3A = arith.constant 0 : i32
      %while3A_12 = arith.constant 0 : i32
      %while3A_13 = arith.subi %mul3A_11, %while3A_12 : i32
      %while3A_14 = arith.addi %while3A_12, %while3A_13 : i32
      %while3A_15 = arith.constant 1 : i32
      %while3A_16 = arith.divsi %while3A_13, %while3A_15 : i32
      %while3A_17 = arith.muli %while3A_16, %while3A_15 : i32
      %while3A_18 = arith.addi %while3A_12, %while3A_17 : i32
      %while3A_19 = arith.constant 1 : i32
      scf.for %while3A_74 = %while3A_12 to %while3A_18 step %while3A_19  : i32 {
        %jit3A = arith.constant 8 : i32
        %div3A = arith.divsi %while3A_74, %jit3A : i32
        %sign3A = arith.constant 0 : i32
        %sign3A_75 = arith.cmpi sgt, %while3A_74, %sign3A : i32
        %sign3A_76 = arith.extui %sign3A_75 : i1 to i32
        %sign3A_77 = arith.constant 0 : i32
        %sign3A_78 = arith.cmpi slt, %while3A_74, %sign3A_77 : i32
        %sign3A_79 = arith.extui %sign3A_78 : i1 to i32
        %sign3A_80 = arith.subi %sign3A_76, %sign3A_79 : i32
        %sign3A_81 = arith.constant 0 : i32
        %sign3A_82 = arith.cmpi sgt, %jit3A, %sign3A_81 : i32
        %sign3A_83 = arith.extui %sign3A_82 : i1 to i32
        %sign3A_84 = arith.constant 0 : i32
        %sign3A_85 = arith.cmpi slt, %jit3A, %sign3A_84 : i32
        %sign3A_86 = arith.extui %sign3A_85 : i1 to i32
        %sign3A_87 = arith.subi %sign3A_83, %sign3A_86 : i32
        %ne3A = arith.cmpi ne, %sign3A_80, %sign3A_87 : i32
        %rem3A = arith.remsi %while3A_74, %jit3A : i32
        %ne3A_88 = arith.constant 0 : i32
        %ne3A_89 = arith.cmpi ne, %rem3A, %ne3A_88 : i32
        %and3A = arith.andi %ne3A, %ne3A_89 : i1
        %sub3A = arith.constant 1 : i32
        %sub3A_90 = arith.subi %div3A, %sub3A : i32
        %select_n3A = arith.select %and3A, %sub3A_90, %div3A : i32
        %jit3A_91 = arith.constant 8 : i32
        %eq3A_92 = arith.constant 0 : i32
        %eq3A_93 = arith.cmpi eq, %jit3A_91, %eq3A_92 : i32
        %jit3A_94 = arith.constant 1 : i32
        %select_n3A_95 = arith.select %eq3A_93, %jit3A_94, %jit3A_91 : i32
        %rem3A_96 = arith.remsi %while3A_74, %select_n3A_95 : i32
        %ne3A_97 = arith.constant 0 : i32
        %ne3A_98 = arith.cmpi ne, %rem3A_96, %ne3A_97 : i32
        %lt3A = arith.constant 0 : i32
        %lt3A_99 = arith.cmpi slt, %rem3A_96, %lt3A : i32
        %lt3A_100 = arith.constant 0 : i32
        %lt3A_101 = arith.cmpi slt, %select_n3A_95, %lt3A_100 : i32
        %ne3A_102 = arith.xori %lt3A_99, %lt3A_101 : i1
        %and3A_103 = arith.andi %ne3A_102, %ne3A_98 : i1
        %add3A_104 = arith.addi %rem3A_96, %select_n3A_95 : i32
        %select_n3A_105 = arith.select %and3A_103, %add3A_104, %rem3A_96 : i32
        %mul3A_106 = arith.constant 16 : i32
        %mul3A_107 = arith.muli %select_n3A_105, %mul3A_106 : i32
        %get3A_108 = arith.index_cast %select_n3A : i32 to index
        %get3A_109 = arith.index_cast %mul3A_107 : i32 to index
        %get3A_110 = tpu.vector_load %arg11[%get3A_108, %get3A_109] {strides = array<i32>} : memref<158x128xi32, #tpu.memory_space<vmem>>, vector<1x16xi32>,
        %get3A_111 = vector.shape_cast %get3A_110 : vector<1x16xi32> to vector<16xi32>
        %ge3A = arith.constant 0 : i32
        %ge3A_112 = vector.broadcast %ge3A : i32 to vector<16xi32>
        %ge3A_113 = arith.cmpi sge, %get3A_111, %ge3A_112 : vector<16xi32>
        %lt3A_114 = arith.constant 5120 : i32
        %lt3A_115 = vector.broadcast %lt3A_114 : i32 to vector<16xi32>
        %lt3A_116 = arith.cmpi slt, %get3A_111, %lt3A_115 : vector<16xi32>
        %and3A_117 = arith.andi %ge3A_113, %lt3A_116 : vector<16xi1>
        %sub3A_118 = arith.constant 0 : i32
        %sub3A_119 = vector.broadcast %sub3A_118 : i32 to vector<16xi32>
        %sub3A_120 = arith.subi %get3A_111, %sub3A_119 : vector<16xi32>
        %jit3A_121 = arith.constant 5120 : i32
        %broadcast_in_dim3A = vector.broadcast %jit3A_121 : i32 to vector<16xi32>
        %select_n3A_122 = arith.select %and3A_117, %sub3A_120, %broadcast_in_dim3A : vector<16xi1>, vector<16xi32>
        %swap3A = arith.index_cast %select_n3A : i32 to index
        %swap3A_123 = arith.index_cast %mul3A_107 : i32 to index
        %swap3A_124 = tpu.vector_load %arg12[%swap3A, %swap3A_123] {strides = array<i32>} : memref<158x128xi32, #tpu.memory_space<vmem>>, vector<1x16xi32>,
        %swap3A_125 = vector.shape_cast %swap3A_124 : vector<1x16xi32> to vector<16xi32>
        %swap3A_126 = vector.shape_cast %select_n3A_122 : vector<16xi32> to vector<1x16xi32>
        tpu.vector_store %arg12[%swap3A, %swap3A_123], %swap3A_126 {strides = array<i32>} : memref<158x128xi32, #tpu.memory_space<vmem>>, vector<1x16xi32>,
      }
      %while3A_20 = arith.constant 1 : i32
      scf.for %while3A_74 = %while3A_18 to %while3A_14 step %while3A_20  : i32 {
        %jit3A = arith.constant 8 : i32
        %div3A = arith.divsi %while3A_74, %jit3A : i32
        %sign3A = arith.constant 0 : i32
        %sign3A_75 = arith.cmpi sgt, %while3A_74, %sign3A : i32
        %sign3A_76 = arith.extui %sign3A_75 : i1 to i32
        %sign3A_77 = arith.constant 0 : i32
        %sign3A_78 = arith.cmpi slt, %while3A_74, %sign3A_77 : i32
        %sign3A_79 = arith.extui %sign3A_78 : i1 to i32
        %sign3A_80 = arith.subi %sign3A_76, %sign3A_79 : i32
        %sign3A_81 = arith.constant 0 : i32
        %sign3A_82 = arith.cmpi sgt, %jit3A, %sign3A_81 : i32
        %sign3A_83 = arith.extui %sign3A_82 : i1 to i32
        %sign3A_84 = arith.constant 0 : i32
        %sign3A_85 = arith.cmpi slt, %jit3A, %sign3A_84 : i32
        %sign3A_86 = arith.extui %sign3A_85 : i1 to i32
        %sign3A_87 = arith.subi %sign3A_83, %sign3A_86 : i32
        %ne3A = arith.cmpi ne, %sign3A_80, %sign3A_87 : i32
        %rem3A = arith.remsi %while3A_74, %jit3A : i32
        %ne3A_88 = arith.constant 0 : i32
        %ne3A_89 = arith.cmpi ne, %rem3A, %ne3A_88 : i32
        %and3A = arith.andi %ne3A, %ne3A_89 : i1
        %sub3A = arith.constant 1 : i32
        %sub3A_90 = arith.subi %div3A, %sub3A : i32
        %select_n3A = arith.select %and3A, %sub3A_90, %div3A : i32
        %jit3A_91 = arith.constant 8 : i32
        %eq3A_92 = arith.constant 0 : i32
        %eq3A_93 = arith.cmpi eq, %jit3A_91, %eq3A_92 : i32
        %jit3A_94 = arith.constant 1 : i32
        %select_n3A_95 = arith.select %eq3A_93, %jit3A_94, %jit3A_91 : i32
        %rem3A_96 = arith.remsi %while3A_74, %select_n3A_95 : i32
        %ne3A_97 = arith.constant 0 : i32
        %ne3A_98 = arith.cmpi ne, %rem3A_96, %ne3A_97 : i32
        %lt3A = arith.constant 0 : i32
        %lt3A_99 = arith.cmpi slt, %rem3A_96, %lt3A : i32
        %lt3A_100 = arith.constant 0 : i32
        %lt3A_101 = arith.cmpi slt, %select_n3A_95, %lt3A_100 : i32
        %ne3A_102 = arith.xori %lt3A_99, %lt3A_101 : i1
        %and3A_103 = arith.andi %ne3A_102, %ne3A_98 : i1
        %add3A_104 = arith.addi %rem3A_96, %select_n3A_95 : i32
        %select_n3A_105 = arith.select %and3A_103, %add3A_104, %rem3A_96 : i32
        %mul3A_106 = arith.constant 16 : i32
        %mul3A_107 = arith.muli %select_n3A_105, %mul3A_106 : i32
        %get3A_108 = arith.index_cast %select_n3A : i32 to index
        %get3A_109 = arith.index_cast %mul3A_107 : i32 to index
        %get3A_110 = tpu.vector_load %arg11[%get3A_108, %get3A_109] {strides = array<i32>} : memref<158x128xi32, #tpu.memory_space<vmem>>, vector<1x16xi32>,
        %get3A_111 = vector.shape_cast %get3A_110 : vector<1x16xi32> to vector<16xi32>
        %ge3A = arith.constant 0 : i32
        %ge3A_112 = vector.broadcast %ge3A : i32 to vector<16xi32>
        %ge3A_113 = arith.cmpi sge, %get3A_111, %ge3A_112 : vector<16xi32>
        %lt3A_114 = arith.constant 5120 : i32
        %lt3A_115 = vector.broadcast %lt3A_114 : i32 to vector<16xi32>
        %lt3A_116 = arith.cmpi slt, %get3A_111, %lt3A_115 : vector<16xi32>
        %and3A_117 = arith.andi %ge3A_113, %lt3A_116 : vector<16xi1>
        %sub3A_118 = arith.constant 0 : i32
        %sub3A_119 = vector.broadcast %sub3A_118 : i32 to vector<16xi32>
        %sub3A_120 = arith.subi %get3A_111, %sub3A_119 : vector<16xi32>
        %jit3A_121 = arith.constant 5120 : i32
        %broadcast_in_dim3A = vector.broadcast %jit3A_121 : i32 to vector<16xi32>
        %select_n3A_122 = arith.select %and3A_117, %sub3A_120, %broadcast_in_dim3A : vector<16xi1>, vector<16xi32>
        %swap3A = arith.index_cast %select_n3A : i32 to index
        %swap3A_123 = arith.index_cast %mul3A_107 : i32 to index
        %swap3A_124 = tpu.vector_load %arg12[%swap3A, %swap3A_123] {strides = array<i32>} : memref<158x128xi32, #tpu.memory_space<vmem>>, vector<1x16xi32>,
        %swap3A_125 = vector.shape_cast %swap3A_124 : vector<1x16xi32> to vector<16xi32>
        %swap3A_126 = vector.shape_cast %select_n3A_122 : vector<16xi32> to vector<1x16xi32>
        tpu.vector_store %arg12[%swap3A, %swap3A_123], %swap3A_126 {strides = array<i32>} : memref<158x128xi32, #tpu.memory_space<vmem>>, vector<1x16xi32>,
      }
      %mul3A_21 = arith.constant 328 : i32
      %mul3A_22 = arith.muli %arg1, %mul3A_21 : i32
      "tpu.region"() ({
        %run_scoped3A = tpu.sem_alloc : memref<!tpu.dma_semaphore, #tpu.memory_space<semaphore_mem>>
        %dma_start3A = arith.constant 0 : i32
        %dma_start3A_74 = tpu.memref_slice %arg15[%mul3A_22, %dma_start3A] : memref<5248x128xf32, #tpu.memory_space<vmem_shared>> -> memref<328x128xf32, #tpu.memory_space<vmem_shared>>
        tpu.enqueue_dma source(%arg6 : memref<328x128xf32, #tpu.memory_space<hbm>>) target(%dma_start3A_74 : memref<328x128xf32, #tpu.memory_space<vmem_shared>>) target_semaphore(%run_scoped3A : memref<!tpu.dma_semaphore, #tpu.memory_space<semaphore_mem>>)
        %dma_wait3A = arith.constant 0 : i32
        %dma_wait3A_75 = tpu.memref_slice %arg15[%mul3A_22, %dma_wait3A] : memref<5248x128xf32, #tpu.memory_space<vmem_shared>> -> memref<328x128xf32, #tpu.memory_space<vmem_shared>>
        tpu.wait_dma2 semaphore(%run_scoped3A : memref<!tpu.dma_semaphore, #tpu.memory_space<semaphore_mem>>) src(%arg6 : memref<328x128xf32, #tpu.memory_space<hbm>>) dst(%dma_wait3A_75 : memref<328x128xf32, #tpu.memory_space<vmem_shared>>)
        tpu.yield
      }) : () -> ()
      %barrier3A = arith.constant 0 : index
      tpu.barrier barrier_id(%barrier3A)
      %while3A_23 = arith.constant 0 : i32
      %while3A_24 = arith.constant 0 : i32
      %while3A_25 = arith.subi %squeeze3A, %while3A_24 : i32
      %while3A_26 = arith.addi %while3A_24, %while3A_25 : i32
      %while3A_27 = arith.constant 1 : i32
      %while3A_28 = arith.divsi %while3A_25, %while3A_27 : i32
      %while3A_29 = arith.muli %while3A_28, %while3A_27 : i32
      %while3A_30 = arith.addi %while3A_24, %while3A_29 : i32
      %while3A_31 = arith.constant 1 : i32
      scf.for %while3A_74 = %while3A_24 to %while3A_30 step %while3A_31  : i32 {
        "tpu.region"() ({
          %run_scoped3A = tpu.sem_alloc : memref<!tpu.dma_semaphore, #tpu.memory_space<semaphore_mem>>
          %dma_start3A = arith.constant 0 : i32
          %dma_start3A_75 = tpu.memref_slice %arg10[%while3A_74, %dma_start3A] : memref<158x128xi32, #tpu.memory_space<vmem>> -> memref<1x128xi32, #tpu.memory_space<vmem>>
          %dma_start3A_76 = tpu.memref_squeeze %dma_start3A_75 : memref<1x128xi32, #tpu.memory_space<vmem>> -> memref<128xi32, #tpu.memory_space<vmem>>
          %dma_start3A_77 = arith.constant 0 : i32
          %dma_start3A_78 = arith.constant 0 : i32
          %dma_start3A_79 = tpu.memref_slice %arg3[%dma_start3A_77, %dma_start3A_78] : memref<10240x128xf32, #tpu.memory_space<hbm>> -> memref<10240x128xf32, #tpu.memory_space<hbm>>
          tpu.enqueue_indirect_dma source(%dma_start3A_79 : memref<10240x128xf32, #tpu.memory_space<hbm>>) target(%arg13 : memref<128x128xf32, #tpu.memory_space<vmem>>) offsets(%dma_start3A_76 : memref<128xi32, #tpu.memory_space<vmem>>) semaphore(%run_scoped3A : memref<!tpu.dma_semaphore, #tpu.memory_space<semaphore_mem>>)
          %dma_wait3A = arith.constant 0 : i32
          %dma_wait3A_80 = tpu.memref_slice %arg10[%while3A_74, %dma_wait3A] : memref<158x128xi32, #tpu.memory_space<vmem>> -> memref<1x128xi32, #tpu.memory_space<vmem>>
          %dma_wait3A_81 = tpu.memref_squeeze %dma_wait3A_80 : memref<1x128xi32, #tpu.memory_space<vmem>> -> memref<128xi32, #tpu.memory_space<vmem>>
          %dma_wait3A_82 = arith.constant 0 : i32
          %dma_wait3A_83 = arith.constant 0 : i32
          %dma_wait3A_84 = tpu.memref_slice %arg3[%dma_wait3A_82, %dma_wait3A_83] : memref<10240x128xf32, #tpu.memory_space<hbm>> -> memref<10240x128xf32, #tpu.memory_space<hbm>>
          tpu.wait_indirect_dma semaphore(%run_scoped3A : memref<!tpu.dma_semaphore, #tpu.memory_space<semaphore_mem>>) src(%dma_wait3A_84 : memref<10240x128xf32, #tpu.memory_space<hbm>>) dst(%arg13 : memref<128x128xf32, #tpu.memory_space<vmem>>)
          tpu.yield
        }) : () -> ()
        "tpu.region"() ({
          %run_scoped3A = tpu.sem_alloc : memref<!tpu.dma_semaphore, #tpu.memory_space<semaphore_mem>>
          %dma_start3A = arith.constant 0 : i32
          %dma_start3A_75 = tpu.memref_slice %arg12[%while3A_74, %dma_start3A] : memref<158x128xi32, #tpu.memory_space<vmem>> -> memref<1x128xi32, #tpu.memory_space<vmem>>
          %dma_start3A_76 = tpu.memref_squeeze %dma_start3A_75 : memref<1x128xi32, #tpu.memory_space<vmem>> -> memref<128xi32, #tpu.memory_space<vmem>>
          %dma_start3A_77 = arith.constant 0 : i32
          %dma_start3A_78 = arith.constant 0 : i32
          %dma_start3A_79 = tpu.memref_slice %arg15[%dma_start3A_77, %dma_start3A_78] : memref<5248x128xf32, #tpu.memory_space<vmem_shared>> -> memref<5248x128xf32, #tpu.memory_space<vmem_shared>>
          tpu.enqueue_indirect_dma source(%arg13 : memref<128x128xf32, #tpu.memory_space<vmem>>) target(%dma_start3A_79 : memref<5248x128xf32, #tpu.memory_space<vmem_shared>>) offsets(%dma_start3A_76 : memref<128xi32, #tpu.memory_space<vmem>>) semaphore(%run_scoped3A : memref<!tpu.dma_semaphore, #tpu.memory_space<semaphore_mem>>) {add = true}
          %dma_wait3A = arith.constant 0 : i32
          %dma_wait3A_80 = tpu.memref_slice %arg12[%while3A_74, %dma_wait3A] : memref<158x128xi32, #tpu.memory_space<vmem>> -> memref<1x128xi32, #tpu.memory_space<vmem>>
          %dma_wait3A_81 = tpu.memref_squeeze %dma_wait3A_80 : memref<1x128xi32, #tpu.memory_space<vmem>> -> memref<128xi32, #tpu.memory_space<vmem>>
          %dma_wait3A_82 = arith.constant 0 : i32
          %dma_wait3A_83 = arith.constant 0 : i32
          %dma_wait3A_84 = tpu.memref_slice %arg15[%dma_wait3A_82, %dma_wait3A_83] : memref<5248x128xf32, #tpu.memory_space<vmem_shared>> -> memref<5248x128xf32, #tpu.memory_space<vmem_shared>>
          tpu.wait_indirect_dma semaphore(%run_scoped3A : memref<!tpu.dma_semaphore, #tpu.memory_space<semaphore_mem>>) src(%arg13 : memref<128x128xf32, #tpu.memory_space<vmem>>) dst(%dma_wait3A_84 : memref<5248x128xf32, #tpu.memory_space<vmem_shared>>)
          tpu.yield
        }) : () -> ()
      }
      %while3A_32 = arith.constant 1 : i32
      scf.for %while3A_74 = %while3A_30 to %while3A_26 step %while3A_32  : i32 {
        "tpu.region"() ({
          %run_scoped3A = tpu.sem_alloc : memref<!tpu.dma_semaphore, #tpu.memory_space<semaphore_mem>>
          %dma_start3A = arith.constant 0 : i32
          %dma_start3A_75 = tpu.memref_slice %arg10[%while3A_74, %dma_start3A] : memref<158x128xi32, #tpu.memory_space<vmem>> -> memref<1x128xi32, #tpu.memory_space<vmem>>
          %dma_start3A_76 = tpu.memref_squeeze %dma_start3A_75 : memref<1x128xi32, #tpu.memory_space<vmem>> -> memref<128xi32, #tpu.memory_space<vmem>>
          %dma_start3A_77 = arith.constant 0 : i32
          %dma_start3A_78 = arith.constant 0 : i32
          %dma_start3A_79 = tpu.memref_slice %arg3[%dma_start3A_77, %dma_start3A_78] : memref<10240x128xf32, #tpu.memory_space<hbm>> -> memref<10240x128xf32, #tpu.memory_space<hbm>>
          tpu.enqueue_indirect_dma source(%dma_start3A_79 : memref<10240x128xf32, #tpu.memory_space<hbm>>) target(%arg13 : memref<128x128xf32, #tpu.memory_space<vmem>>) offsets(%dma_start3A_76 : memref<128xi32, #tpu.memory_space<vmem>>) semaphore(%run_scoped3A : memref<!tpu.dma_semaphore, #tpu.memory_space<semaphore_mem>>)
          %dma_wait3A = arith.constant 0 : i32
          %dma_wait3A_80 = tpu.memref_slice %arg10[%while3A_74, %dma_wait3A] : memref<158x128xi32, #tpu.memory_space<vmem>> -> memref<1x128xi32, #tpu.memory_space<vmem>>
          %dma_wait3A_81 = tpu.memref_squeeze %dma_wait3A_80 : memref<1x128xi32, #tpu.memory_space<vmem>> -> memref<128xi32, #tpu.memory_space<vmem>>
          %dma_wait3A_82 = arith.constant 0 : i32
          %dma_wait3A_83 = arith.constant 0 : i32
          %dma_wait3A_84 = tpu.memref_slice %arg3[%dma_wait3A_82, %dma_wait3A_83] : memref<10240x128xf32, #tpu.memory_space<hbm>> -> memref<10240x128xf32, #tpu.memory_space<hbm>>
          tpu.wait_indirect_dma semaphore(%run_scoped3A : memref<!tpu.dma_semaphore, #tpu.memory_space<semaphore_mem>>) src(%dma_wait3A_84 : memref<10240x128xf32, #tpu.memory_space<hbm>>) dst(%arg13 : memref<128x128xf32, #tpu.memory_space<vmem>>)
          tpu.yield
        }) : () -> ()
        "tpu.region"() ({
          %run_scoped3A = tpu.sem_alloc : memref<!tpu.dma_semaphore, #tpu.memory_space<semaphore_mem>>
          %dma_start3A = arith.constant 0 : i32
          %dma_start3A_75 = tpu.memref_slice %arg12[%while3A_74, %dma_start3A] : memref<158x128xi32, #tpu.memory_space<vmem>> -> memref<1x128xi32, #tpu.memory_space<vmem>>
          %dma_start3A_76 = tpu.memref_squeeze %dma_start3A_75 : memref<1x128xi32, #tpu.memory_space<vmem>> -> memref<128xi32, #tpu.memory_space<vmem>>
          %dma_start3A_77 = arith.constant 0 : i32
          %dma_start3A_78 = arith.constant 0 : i32
          %dma_start3A_79 = tpu.memref_slice %arg15[%dma_start3A_77, %dma_start3A_78] : memref<5248x128xf32, #tpu.memory_space<vmem_shared>> -> memref<5248x128xf32, #tpu.memory_space<vmem_shared>>
          tpu.enqueue_indirect_dma source(%arg13 : memref<128x128xf32, #tpu.memory_space<vmem>>) target(%dma_start3A_79 : memref<5248x128xf32, #tpu.memory_space<vmem_shared>>) offsets(%dma_start3A_76 : memref<128xi32, #tpu.memory_space<vmem>>) semaphore(%run_scoped3A : memref<!tpu.dma_semaphore, #tpu.memory_space<semaphore_mem>>) {add = true}
          %dma_wait3A = arith.constant 0 : i32
          %dma_wait3A_80 = tpu.memref_slice %arg12[%while3A_74, %dma_wait3A] : memref<158x128xi32, #tpu.memory_space<vmem>> -> memref<1x128xi32, #tpu.memory_space<vmem>>
          %dma_wait3A_81 = tpu.memref_squeeze %dma_wait3A_80 : memref<1x128xi32, #tpu.memory_space<vmem>> -> memref<128xi32, #tpu.memory_space<vmem>>
          %dma_wait3A_82 = arith.constant 0 : i32
          %dma_wait3A_83 = arith.constant 0 : i32
          %dma_wait3A_84 = tpu.memref_slice %arg15[%dma_wait3A_82, %dma_wait3A_83] : memref<5248x128xf32, #tpu.memory_space<vmem_shared>> -> memref<5248x128xf32, #tpu.memory_space<vmem_shared>>
          tpu.wait_indirect_dma semaphore(%run_scoped3A : memref<!tpu.dma_semaphore, #tpu.memory_space<semaphore_mem>>) src(%arg13 : memref<128x128xf32, #tpu.memory_space<vmem>>) dst(%dma_wait3A_84 : memref<5248x128xf32, #tpu.memory_space<vmem_shared>>)
          tpu.yield
        }) : () -> ()
      }
      %barrier3A_33 = arith.constant 0 : index
      tpu.barrier barrier_id(%barrier3A_33)
      %mul3A_34 = arith.constant 320 : i32
      %mul3A_35 = arith.muli %arg1, %mul3A_34 : i32
      %mul3A_36 = arith.constant 320 : i32
      %mul3A_37 = arith.muli %arg1, %mul3A_36 : i32
      %add3A_38 = arith.constant 0 : i32
      %add3A_39 = arith.addi %add3A_38, %mul3A_37 : i32
      "tpu.region"() ({
        %run_scoped3A = tpu.sem_alloc : memref<!tpu.dma_semaphore, #tpu.memory_space<semaphore_mem>>
        %dma_start3A = arith.constant 0 : i32
        %dma_start3A_74 = tpu.memref_slice %arg9[%add3A_39, %dma_start3A] : memref<10240x128xf32, #tpu.memory_space<hbm>> -> memref<320x128xf32, #tpu.memory_space<hbm>>
        %dma_start3A_75 = arith.constant 0 : i32
        %dma_start3A_76 = tpu.memref_slice %arg15[%mul3A_35, %dma_start3A_75] : memref<5248x128xf32, #tpu.memory_space<vmem_shared>> -> memref<320x128xf32, #tpu.memory_space<vmem_shared>>
        tpu.enqueue_dma source(%dma_start3A_76 : memref<320x128xf32, #tpu.memory_space<vmem_shared>>) target(%dma_start3A_74 : memref<320x128xf32, #tpu.memory_space<hbm>>) target_semaphore(%run_scoped3A : memref<!tpu.dma_semaphore, #tpu.memory_space<semaphore_mem>>)
        %dma_wait3A = arith.constant 0 : i32
        %dma_wait3A_77 = tpu.memref_slice %arg9[%add3A_39, %dma_wait3A] : memref<10240x128xf32, #tpu.memory_space<hbm>> -> memref<320x128xf32, #tpu.memory_space<hbm>>
        %dma_wait3A_78 = arith.constant 0 : i32
        %dma_wait3A_79 = tpu.memref_slice %arg15[%mul3A_35, %dma_wait3A_78] : memref<5248x128xf32, #tpu.memory_space<vmem_shared>> -> memref<320x128xf32, #tpu.memory_space<vmem_shared>>
        tpu.wait_dma2 semaphore(%run_scoped3A : memref<!tpu.dma_semaphore, #tpu.memory_space<semaphore_mem>>) src(%dma_wait3A_79 : memref<320x128xf32, #tpu.memory_space<vmem_shared>>) dst(%dma_wait3A_77 : memref<320x128xf32, #tpu.memory_space<hbm>>)
        tpu.yield
      }) : () -> ()
      %barrier3A_40 = arith.constant 0 : index
      tpu.barrier barrier_id(%barrier3A_40)
      %mul3A_41 = arith.constant 8 : i32
      %mul3A_42 = arith.muli %squeeze3A, %mul3A_41 : i32
      %while3A_43 = arith.constant 0 : i32
      %while3A_44 = arith.constant 0 : i32
      %while3A_45 = arith.subi %mul3A_42, %while3A_44 : i32
      %while3A_46 = arith.addi %while3A_44, %while3A_45 : i32
      %while3A_47 = arith.constant 1 : i32
      %while3A_48 = arith.divsi %while3A_45, %while3A_47 : i32
      %while3A_49 = arith.muli %while3A_48, %while3A_47 : i32
      %while3A_50 = arith.addi %while3A_44, %while3A_49 : i32
      %while3A_51 = arith.constant 1 : i32
      scf.for %while3A_74 = %while3A_44 to %while3A_50 step %while3A_51  : i32 {
        %jit3A = arith.constant 8 : i32
        %div3A = arith.divsi %while3A_74, %jit3A : i32
        %sign3A = arith.constant 0 : i32
        %sign3A_75 = arith.cmpi sgt, %while3A_74, %sign3A : i32
        %sign3A_76 = arith.extui %sign3A_75 : i1 to i32
        %sign3A_77 = arith.constant 0 : i32
        %sign3A_78 = arith.cmpi slt, %while3A_74, %sign3A_77 : i32
        %sign3A_79 = arith.extui %sign3A_78 : i1 to i32
        %sign3A_80 = arith.subi %sign3A_76, %sign3A_79 : i32
        %sign3A_81 = arith.constant 0 : i32
        %sign3A_82 = arith.cmpi sgt, %jit3A, %sign3A_81 : i32
        %sign3A_83 = arith.extui %sign3A_82 : i1 to i32
        %sign3A_84 = arith.constant 0 : i32
        %sign3A_85 = arith.cmpi slt, %jit3A, %sign3A_84 : i32
        %sign3A_86 = arith.extui %sign3A_85 : i1 to i32
        %sign3A_87 = arith.subi %sign3A_83, %sign3A_86 : i32
        %ne3A = arith.cmpi ne, %sign3A_80, %sign3A_87 : i32
        %rem3A = arith.remsi %while3A_74, %jit3A : i32
        %ne3A_88 = arith.constant 0 : i32
        %ne3A_89 = arith.cmpi ne, %rem3A, %ne3A_88 : i32
        %and3A = arith.andi %ne3A, %ne3A_89 : i1
        %sub3A = arith.constant 1 : i32
        %sub3A_90 = arith.subi %div3A, %sub3A : i32
        %select_n3A = arith.select %and3A, %sub3A_90, %div3A : i32
        %jit3A_91 = arith.constant 8 : i32
        %eq3A_92 = arith.constant 0 : i32
        %eq3A_93 = arith.cmpi eq, %jit3A_91, %eq3A_92 : i32
        %jit3A_94 = arith.constant 1 : i32
        %select_n3A_95 = arith.select %eq3A_93, %jit3A_94, %jit3A_91 : i32
        %rem3A_96 = arith.remsi %while3A_74, %select_n3A_95 : i32
        %ne3A_97 = arith.constant 0 : i32
        %ne3A_98 = arith.cmpi ne, %rem3A_96, %ne3A_97 : i32
        %lt3A = arith.constant 0 : i32
        %lt3A_99 = arith.cmpi slt, %rem3A_96, %lt3A : i32
        %lt3A_100 = arith.constant 0 : i32
        %lt3A_101 = arith.cmpi slt, %select_n3A_95, %lt3A_100 : i32
        %ne3A_102 = arith.xori %lt3A_99, %lt3A_101 : i1
        %and3A_103 = arith.andi %ne3A_102, %ne3A_98 : i1
        %add3A_104 = arith.addi %rem3A_96, %select_n3A_95 : i32
        %select_n3A_105 = arith.select %and3A_103, %add3A_104, %rem3A_96 : i32
        %mul3A_106 = arith.constant 16 : i32
        %mul3A_107 = arith.muli %select_n3A_105, %mul3A_106 : i32
        %get3A_108 = arith.index_cast %select_n3A : i32 to index
        %get3A_109 = arith.index_cast %mul3A_107 : i32 to index
        %get3A_110 = tpu.vector_load %arg11[%get3A_108, %get3A_109] {strides = array<i32>} : memref<158x128xi32, #tpu.memory_space<vmem>>, vector<1x16xi32>,
        %get3A_111 = vector.shape_cast %get3A_110 : vector<1x16xi32> to vector<16xi32>
        %ge3A = arith.constant 5120 : i32
        %ge3A_112 = vector.broadcast %ge3A : i32 to vector<16xi32>
        %ge3A_113 = arith.cmpi sge, %get3A_111, %ge3A_112 : vector<16xi32>
        %lt3A_114 = arith.constant 10240 : i32
        %lt3A_115 = vector.broadcast %lt3A_114 : i32 to vector<16xi32>
        %lt3A_116 = arith.cmpi slt, %get3A_111, %lt3A_115 : vector<16xi32>
        %and3A_117 = arith.andi %ge3A_113, %lt3A_116 : vector<16xi1>
        %sub3A_118 = arith.constant 5120 : i32
        %sub3A_119 = vector.broadcast %sub3A_118 : i32 to vector<16xi32>
        %sub3A_120 = arith.subi %get3A_111, %sub3A_119 : vector<16xi32>
        %jit3A_121 = arith.constant 5120 : i32
        %broadcast_in_dim3A = vector.broadcast %jit3A_121 : i32 to vector<16xi32>
        %select_n3A_122 = arith.select %and3A_117, %sub3A_120, %broadcast_in_dim3A : vector<16xi1>, vector<16xi32>
        %swap3A = arith.index_cast %select_n3A : i32 to index
        %swap3A_123 = arith.index_cast %mul3A_107 : i32 to index
        %swap3A_124 = tpu.vector_load %arg12[%swap3A, %swap3A_123] {strides = array<i32>} : memref<158x128xi32, #tpu.memory_space<vmem>>, vector<1x16xi32>,
        %swap3A_125 = vector.shape_cast %swap3A_124 : vector<1x16xi32> to vector<16xi32>
        %swap3A_126 = vector.shape_cast %select_n3A_122 : vector<16xi32> to vector<1x16xi32>
        tpu.vector_store %arg12[%swap3A, %swap3A_123], %swap3A_126 {strides = array<i32>} : memref<158x128xi32, #tpu.memory_space<vmem>>, vector<1x16xi32>,
      }
      %while3A_52 = arith.constant 1 : i32
      scf.for %while3A_74 = %while3A_50 to %while3A_46 step %while3A_52  : i32 {
        %jit3A = arith.constant 8 : i32
        %div3A = arith.divsi %while3A_74, %jit3A : i32
        %sign3A = arith.constant 0 : i32
        %sign3A_75 = arith.cmpi sgt, %while3A_74, %sign3A : i32
        %sign3A_76 = arith.extui %sign3A_75 : i1 to i32
        %sign3A_77 = arith.constant 0 : i32
        %sign3A_78 = arith.cmpi slt, %while3A_74, %sign3A_77 : i32
        %sign3A_79 = arith.extui %sign3A_78 : i1 to i32
        %sign3A_80 = arith.subi %sign3A_76, %sign3A_79 : i32
        %sign3A_81 = arith.constant 0 : i32
        %sign3A_82 = arith.cmpi sgt, %jit3A, %sign3A_81 : i32
        %sign3A_83 = arith.extui %sign3A_82 : i1 to i32
        %sign3A_84 = arith.constant 0 : i32
        %sign3A_85 = arith.cmpi slt, %jit3A, %sign3A_84 : i32
        %sign3A_86 = arith.extui %sign3A_85 : i1 to i32
        %sign3A_87 = arith.subi %sign3A_83, %sign3A_86 : i32
        %ne3A = arith.cmpi ne, %sign3A_80, %sign3A_87 : i32
        %rem3A = arith.remsi %while3A_74, %jit3A : i32
        %ne3A_88 = arith.constant 0 : i32
        %ne3A_89 = arith.cmpi ne, %rem3A, %ne3A_88 : i32
        %and3A = arith.andi %ne3A, %ne3A_89 : i1
        %sub3A = arith.constant 1 : i32
        %sub3A_90 = arith.subi %div3A, %sub3A : i32
        %select_n3A = arith.select %and3A, %sub3A_90, %div3A : i32
        %jit3A_91 = arith.constant 8 : i32
        %eq3A_92 = arith.constant 0 : i32
        %eq3A_93 = arith.cmpi eq, %jit3A_91, %eq3A_92 : i32
        %jit3A_94 = arith.constant 1 : i32
        %select_n3A_95 = arith.select %eq3A_93, %jit3A_94, %jit3A_91 : i32
        %rem3A_96 = arith.remsi %while3A_74, %select_n3A_95 : i32
        %ne3A_97 = arith.constant 0 : i32
        %ne3A_98 = arith.cmpi ne, %rem3A_96, %ne3A_97 : i32
        %lt3A = arith.constant 0 : i32
        %lt3A_99 = arith.cmpi slt, %rem3A_96, %lt3A : i32
        %lt3A_100 = arith.constant 0 : i32
        %lt3A_101 = arith.cmpi slt, %select_n3A_95, %lt3A_100 : i32
        %ne3A_102 = arith.xori %lt3A_99, %lt3A_101 : i1
        %and3A_103 = arith.andi %ne3A_102, %ne3A_98 : i1
        %add3A_104 = arith.addi %rem3A_96, %select_n3A_95 : i32
        %select_n3A_105 = arith.select %and3A_103, %add3A_104, %rem3A_96 : i32
        %mul3A_106 = arith.constant 16 : i32
        %mul3A_107 = arith.muli %select_n3A_105, %mul3A_106 : i32
        %get3A_108 = arith.index_cast %select_n3A : i32 to index
        %get3A_109 = arith.index_cast %mul3A_107 : i32 to index
        %get3A_110 = tpu.vector_load %arg11[%get3A_108, %get3A_109] {strides = array<i32>} : memref<158x128xi32, #tpu.memory_space<vmem>>, vector<1x16xi32>,
        %get3A_111 = vector.shape_cast %get3A_110 : vector<1x16xi32> to vector<16xi32>
        %ge3A = arith.constant 5120 : i32
        %ge3A_112 = vector.broadcast %ge3A : i32 to vector<16xi32>
        %ge3A_113 = arith.cmpi sge, %get3A_111, %ge3A_112 : vector<16xi32>
        %lt3A_114 = arith.constant 10240 : i32
        %lt3A_115 = vector.broadcast %lt3A_114 : i32 to vector<16xi32>
        %lt3A_116 = arith.cmpi slt, %get3A_111, %lt3A_115 : vector<16xi32>
        %and3A_117 = arith.andi %ge3A_113, %lt3A_116 : vector<16xi1>
        %sub3A_118 = arith.constant 5120 : i32
        %sub3A_119 = vector.broadcast %sub3A_118 : i32 to vector<16xi32>
        %sub3A_120 = arith.subi %get3A_111, %sub3A_119 : vector<16xi32>
        %jit3A_121 = arith.constant 5120 : i32
        %broadcast_in_dim3A = vector.broadcast %jit3A_121 : i32 to vector<16xi32>
        %select_n3A_122 = arith.select %and3A_117, %sub3A_120, %broadcast_in_dim3A : vector<16xi1>, vector<16xi32>
        %swap3A = arith.index_cast %select_n3A : i32 to index
        %swap3A_123 = arith.index_cast %mul3A_107 : i32 to index
        %swap3A_124 = tpu.vector_load %arg12[%swap3A, %swap3A_123] {strides = array<i32>} : memref<158x128xi32, #tpu.memory_space<vmem>>, vector<1x16xi32>,
        %swap3A_125 = vector.shape_cast %swap3A_124 : vector<1x16xi32> to vector<16xi32>
        %swap3A_126 = vector.shape_cast %select_n3A_122 : vector<16xi32> to vector<1x16xi32>
        tpu.vector_store %arg12[%swap3A, %swap3A_123], %swap3A_126 {strides = array<i32>} : memref<158x128xi32, #tpu.memory_space<vmem>>, vector<1x16xi32>,
      }
      %mul3A_53 = arith.constant 328 : i32
      %mul3A_54 = arith.muli %arg1, %mul3A_53 : i32
      "tpu.region"() ({
        %run_scoped3A = tpu.sem_alloc : memref<!tpu.dma_semaphore, #tpu.memory_space<semaphore_mem>>
        %dma_start3A = arith.constant 0 : i32
        %dma_start3A_74 = tpu.memref_slice %arg15[%mul3A_54, %dma_start3A] : memref<5248x128xf32, #tpu.memory_space<vmem_shared>> -> memref<328x128xf32, #tpu.memory_space<vmem_shared>>
        tpu.enqueue_dma source(%arg6 : memref<328x128xf32, #tpu.memory_space<hbm>>) target(%dma_start3A_74 : memref<328x128xf32, #tpu.memory_space<vmem_shared>>) target_semaphore(%run_scoped3A : memref<!tpu.dma_semaphore, #tpu.memory_space<semaphore_mem>>)
        %dma_wait3A = arith.constant 0 : i32
        %dma_wait3A_75 = tpu.memref_slice %arg15[%mul3A_54, %dma_wait3A] : memref<5248x128xf32, #tpu.memory_space<vmem_shared>> -> memref<328x128xf32, #tpu.memory_space<vmem_shared>>
        tpu.wait_dma2 semaphore(%run_scoped3A : memref<!tpu.dma_semaphore, #tpu.memory_space<semaphore_mem>>) src(%arg6 : memref<328x128xf32, #tpu.memory_space<hbm>>) dst(%dma_wait3A_75 : memref<328x128xf32, #tpu.memory_space<vmem_shared>>)
        tpu.yield
      }) : () -> ()
      %barrier3A_55 = arith.constant 0 : index
      tpu.barrier barrier_id(%barrier3A_55)
      %while3A_56 = arith.constant 0 : i32
      %while3A_57 = arith.constant 0 : i32
      %while3A_58 = arith.subi %squeeze3A, %while3A_57 : i32
      %while3A_59 = arith.addi %while3A_57, %while3A_58 : i32
      %while3A_60 = arith.constant 1 : i32
      %while3A_61 = arith.divsi %while3A_58, %while3A_60 : i32
      %while3A_62 = arith.muli %while3A_61, %while3A_60 : i32
      %while3A_63 = arith.addi %while3A_57, %while3A_62 : i32
      %while3A_64 = arith.constant 1 : i32
      scf.for %while3A_74 = %while3A_57 to %while3A_63 step %while3A_64  : i32 {
        "tpu.region"() ({
          %run_scoped3A = tpu.sem_alloc : memref<!tpu.dma_semaphore, #tpu.memory_space<semaphore_mem>>
          %dma_start3A = arith.constant 0 : i32
          %dma_start3A_75 = tpu.memref_slice %arg10[%while3A_74, %dma_start3A] : memref<158x128xi32, #tpu.memory_space<vmem>> -> memref<1x128xi32, #tpu.memory_space<vmem>>
          %dma_start3A_76 = tpu.memref_squeeze %dma_start3A_75 : memref<1x128xi32, #tpu.memory_space<vmem>> -> memref<128xi32, #tpu.memory_space<vmem>>
          %dma_start3A_77 = arith.constant 0 : i32
          %dma_start3A_78 = arith.constant 0 : i32
          %dma_start3A_79 = tpu.memref_slice %arg3[%dma_start3A_77, %dma_start3A_78] : memref<10240x128xf32, #tpu.memory_space<hbm>> -> memref<10240x128xf32, #tpu.memory_space<hbm>>
          tpu.enqueue_indirect_dma source(%dma_start3A_79 : memref<10240x128xf32, #tpu.memory_space<hbm>>) target(%arg13 : memref<128x128xf32, #tpu.memory_space<vmem>>) offsets(%dma_start3A_76 : memref<128xi32, #tpu.memory_space<vmem>>) semaphore(%run_scoped3A : memref<!tpu.dma_semaphore, #tpu.memory_space<semaphore_mem>>)
          %dma_wait3A = arith.constant 0 : i32
          %dma_wait3A_80 = tpu.memref_slice %arg10[%while3A_74, %dma_wait3A] : memref<158x128xi32, #tpu.memory_space<vmem>> -> memref<1x128xi32, #tpu.memory_space<vmem>>
          %dma_wait3A_81 = tpu.memref_squeeze %dma_wait3A_80 : memref<1x128xi32, #tpu.memory_space<vmem>> -> memref<128xi32, #tpu.memory_space<vmem>>
          %dma_wait3A_82 = arith.constant 0 : i32
          %dma_wait3A_83 = arith.constant 0 : i32
          %dma_wait3A_84 = tpu.memref_slice %arg3[%dma_wait3A_82, %dma_wait3A_83] : memref<10240x128xf32, #tpu.memory_space<hbm>> -> memref<10240x128xf32, #tpu.memory_space<hbm>>
          tpu.wait_indirect_dma semaphore(%run_scoped3A : memref<!tpu.dma_semaphore, #tpu.memory_space<semaphore_mem>>) src(%dma_wait3A_84 : memref<10240x128xf32, #tpu.memory_space<hbm>>) dst(%arg13 : memref<128x128xf32, #tpu.memory_space<vmem>>)
          tpu.yield
        }) : () -> ()
        "tpu.region"() ({
          %run_scoped3A = tpu.sem_alloc : memref<!tpu.dma_semaphore, #tpu.memory_space<semaphore_mem>>
          %dma_start3A = arith.constant 0 : i32
          %dma_start3A_75 = tpu.memref_slice %arg12[%while3A_74, %dma_start3A] : memref<158x128xi32, #tpu.memory_space<vmem>> -> memref<1x128xi32, #tpu.memory_space<vmem>>
          %dma_start3A_76 = tpu.memref_squeeze %dma_start3A_75 : memref<1x128xi32, #tpu.memory_space<vmem>> -> memref<128xi32, #tpu.memory_space<vmem>>
          %dma_start3A_77 = arith.constant 0 : i32
          %dma_start3A_78 = arith.constant 0 : i32
          %dma_start3A_79 = tpu.memref_slice %arg15[%dma_start3A_77, %dma_start3A_78] : memref<5248x128xf32, #tpu.memory_space<vmem_shared>> -> memref<5248x128xf32, #tpu.memory_space<vmem_shared>>
          tpu.enqueue_indirect_dma source(%arg13 : memref<128x128xf32, #tpu.memory_space<vmem>>) target(%dma_start3A_79 : memref<5248x128xf32, #tpu.memory_space<vmem_shared>>) offsets(%dma_start3A_76 : memref<128xi32, #tpu.memory_space<vmem>>) semaphore(%run_scoped3A : memref<!tpu.dma_semaphore, #tpu.memory_space<semaphore_mem>>) {add = true}
          %dma_wait3A = arith.constant 0 : i32
          %dma_wait3A_80 = tpu.memref_slice %arg12[%while3A_74, %dma_wait3A] : memref<158x128xi32, #tpu.memory_space<vmem>> -> memref<1x128xi32, #tpu.memory_space<vmem>>
          %dma_wait3A_81 = tpu.memref_squeeze %dma_wait3A_80 : memref<1x128xi32, #tpu.memory_space<vmem>> -> memref<128xi32, #tpu.memory_space<vmem>>
          %dma_wait3A_82 = arith.constant 0 : i32
          %dma_wait3A_83 = arith.constant 0 : i32
          %dma_wait3A_84 = tpu.memref_slice %arg15[%dma_wait3A_82, %dma_wait3A_83] : memref<5248x128xf32, #tpu.memory_space<vmem_shared>> -> memref<5248x128xf32, #tpu.memory_space<vmem_shared>>
          tpu.wait_indirect_dma semaphore(%run_scoped3A : memref<!tpu.dma_semaphore, #tpu.memory_space<semaphore_mem>>) src(%arg13 : memref<128x128xf32, #tpu.memory_space<vmem>>) dst(%dma_wait3A_84 : memref<5248x128xf32, #tpu.memory_space<vmem_shared>>)
          tpu.yield
        }) : () -> ()
      }
      %while3A_65 = arith.constant 1 : i32
      scf.for %while3A_74 = %while3A_63 to %while3A_59 step %while3A_65  : i32 {
        "tpu.region"() ({
          %run_scoped3A = tpu.sem_alloc : memref<!tpu.dma_semaphore, #tpu.memory_space<semaphore_mem>>
          %dma_start3A = arith.constant 0 : i32
          %dma_start3A_75 = tpu.memref_slice %arg10[%while3A_74, %dma_start3A] : memref<158x128xi32, #tpu.memory_space<vmem>> -> memref<1x128xi32, #tpu.memory_space<vmem>>
          %dma_start3A_76 = tpu.memref_squeeze %dma_start3A_75 : memref<1x128xi32, #tpu.memory_space<vmem>> -> memref<128xi32, #tpu.memory_space<vmem>>
          %dma_start3A_77 = arith.constant 0 : i32
          %dma_start3A_78 = arith.constant 0 : i32
          %dma_start3A_79 = tpu.memref_slice %arg3[%dma_start3A_77, %dma_start3A_78] : memref<10240x128xf32, #tpu.memory_space<hbm>> -> memref<10240x128xf32, #tpu.memory_space<hbm>>
          tpu.enqueue_indirect_dma source(%dma_start3A_79 : memref<10240x128xf32, #tpu.memory_space<hbm>>) target(%arg13 : memref<128x128xf32, #tpu.memory_space<vmem>>) offsets(%dma_start3A_76 : memref<128xi32, #tpu.memory_space<vmem>>) semaphore(%run_scoped3A : memref<!tpu.dma_semaphore, #tpu.memory_space<semaphore_mem>>)
          %dma_wait3A = arith.constant 0 : i32
          %dma_wait3A_80 = tpu.memref_slice %arg10[%while3A_74, %dma_wait3A] : memref<158x128xi32, #tpu.memory_space<vmem>> -> memref<1x128xi32, #tpu.memory_space<vmem>>
          %dma_wait3A_81 = tpu.memref_squeeze %dma_wait3A_80 : memref<1x128xi32, #tpu.memory_space<vmem>> -> memref<128xi32, #tpu.memory_space<vmem>>
          %dma_wait3A_82 = arith.constant 0 : i32
          %dma_wait3A_83 = arith.constant 0 : i32
          %dma_wait3A_84 = tpu.memref_slice %arg3[%dma_wait3A_82, %dma_wait3A_83] : memref<10240x128xf32, #tpu.memory_space<hbm>> -> memref<10240x128xf32, #tpu.memory_space<hbm>>
          tpu.wait_indirect_dma semaphore(%run_scoped3A : memref<!tpu.dma_semaphore, #tpu.memory_space<semaphore_mem>>) src(%dma_wait3A_84 : memref<10240x128xf32, #tpu.memory_space<hbm>>) dst(%arg13 : memref<128x128xf32, #tpu.memory_space<vmem>>)
          tpu.yield
        }) : () -> ()
        "tpu.region"() ({
          %run_scoped3A = tpu.sem_alloc : memref<!tpu.dma_semaphore, #tpu.memory_space<semaphore_mem>>
          %dma_start3A = arith.constant 0 : i32
          %dma_start3A_75 = tpu.memref_slice %arg12[%while3A_74, %dma_start3A] : memref<158x128xi32, #tpu.memory_space<vmem>> -> memref<1x128xi32, #tpu.memory_space<vmem>>
          %dma_start3A_76 = tpu.memref_squeeze %dma_start3A_75 : memref<1x128xi32, #tpu.memory_space<vmem>> -> memref<128xi32, #tpu.memory_space<vmem>>
          %dma_start3A_77 = arith.constant 0 : i32
          %dma_start3A_78 = arith.constant 0 : i32
          %dma_start3A_79 = tpu.memref_slice %arg15[%dma_start3A_77, %dma_start3A_78] : memref<5248x128xf32, #tpu.memory_space<vmem_shared>> -> memref<5248x128xf32, #tpu.memory_space<vmem_shared>>
          tpu.enqueue_indirect_dma source(%arg13 : memref<128x128xf32, #tpu.memory_space<vmem>>) target(%dma_start3A_79 : memref<5248x128xf32, #tpu.memory_space<vmem_shared>>) offsets(%dma_start3A_76 : memref<128xi32, #tpu.memory_space<vmem>>) semaphore(%run_scoped3A : memref<!tpu.dma_semaphore, #tpu.memory_space<semaphore_mem>>) {add = true}
          %dma_wait3A = arith.constant 0 : i32
          %dma_wait3A_80 = tpu.memref_slice %arg12[%while3A_74, %dma_wait3A] : memref<158x128xi32, #tpu.memory_space<vmem>> -> memref<1x128xi32, #tpu.memory_space<vmem>>
          %dma_wait3A_81 = tpu.memref_squeeze %dma_wait3A_80 : memref<1x128xi32, #tpu.memory_space<vmem>> -> memref<128xi32, #tpu.memory_space<vmem>>
          %dma_wait3A_82 = arith.constant 0 : i32
          %dma_wait3A_83 = arith.constant 0 : i32
          %dma_wait3A_84 = tpu.memref_slice %arg15[%dma_wait3A_82, %dma_wait3A_83] : memref<5248x128xf32, #tpu.memory_space<vmem_shared>> -> memref<5248x128xf32, #tpu.memory_space<vmem_shared>>
          tpu.wait_indirect_dma semaphore(%run_scoped3A : memref<!tpu.dma_semaphore, #tpu.memory_space<semaphore_mem>>) src(%arg13 : memref<128x128xf32, #tpu.memory_space<vmem>>) dst(%dma_wait3A_84 : memref<5248x128xf32, #tpu.memory_space<vmem_shared>>)
          tpu.yield
        }) : () -> ()
      }
      %barrier3A_66 = arith.constant 0 : index
      tpu.barrier barrier_id(%barrier3A_66)
      %mul3A_67 = arith.constant 320 : i32
      %mul3A_68 = arith.muli %arg1, %mul3A_67 : i32
      %mul3A_69 = arith.constant 320 : i32
      %mul3A_70 = arith.muli %arg1, %mul3A_69 : i32
      %add3A_71 = arith.constant 5120 : i32
      %add3A_72 = arith.addi %add3A_71, %mul3A_70 : i32
      "tpu.region"() ({
        %run_scoped3A = tpu.sem_alloc : memref<!tpu.dma_semaphore, #tpu.memory_space<semaphore_mem>>
        %dma_start3A = arith.constant 0 : i32
        %dma_start3A_74 = tpu.memref_slice %arg9[%add3A_72, %dma_start3A] : memref<10240x128xf32, #tpu.memory_space<hbm>> -> memref<320x128xf32, #tpu.memory_space<hbm>>
        %dma_start3A_75 = arith.constant 0 : i32
        %dma_start3A_76 = tpu.memref_slice %arg15[%mul3A_68, %dma_start3A_75] : memref<5248x128xf32, #tpu.memory_space<vmem_shared>> -> memref<320x128xf32, #tpu.memory_space<vmem_shared>>
        tpu.enqueue_dma source(%dma_start3A_76 : memref<320x128xf32, #tpu.memory_space<vmem_shared>>) target(%dma_start3A_74 : memref<320x128xf32, #tpu.memory_space<hbm>>) target_semaphore(%run_scoped3A : memref<!tpu.dma_semaphore, #tpu.memory_space<semaphore_mem>>)
        %dma_wait3A = arith.constant 0 : i32
        %dma_wait3A_77 = tpu.memref_slice %arg9[%add3A_72, %dma_wait3A] : memref<10240x128xf32, #tpu.memory_space<hbm>> -> memref<320x128xf32, #tpu.memory_space<hbm>>
        %dma_wait3A_78 = arith.constant 0 : i32
        %dma_wait3A_79 = tpu.memref_slice %arg15[%mul3A_68, %dma_wait3A_78] : memref<5248x128xf32, #tpu.memory_space<vmem_shared>> -> memref<320x128xf32, #tpu.memory_space<vmem_shared>>
        tpu.wait_dma2 semaphore(%run_scoped3A : memref<!tpu.dma_semaphore, #tpu.memory_space<semaphore_mem>>) src(%dma_wait3A_79 : memref<320x128xf32, #tpu.memory_space<vmem_shared>>) dst(%dma_wait3A_77 : memref<320x128xf32, #tpu.memory_space<hbm>>)
        tpu.yield
      }) : () -> ()
      %barrier3A_73 = arith.constant 0 : index
      tpu.barrier barrier_id(%barrier3A_73)
    } else {
    }
    return
  }
}

#map = affine_map<(d0, d1) -> (0, 0)>
#map1 = affine_map<(d0, d1) -> (0, 0, 0)>
module attributes {stable_mosaic.version = 14 : i64} {
  func.func @_deg(%arg0: i32, %arg1: i32, %arg2: memref<32x10112xi32, #tpu.memory_space<hbm>>, %arg3: memref<2x10240xf32, #tpu.memory_space<hbm>>, %arg4: memref<2x16x10240xf32, #tpu.memory_space<hbm>>, %arg5: memref<10112xi32, #tpu.memory_space<vmem>>, %arg6: memref<10240xf32, #tpu.memory_space<vmem>>, %arg7: memref<16x640xf32, #tpu.memory_space<vmem>>, %arg8: memref<640xf32, #tpu.memory_space<vmem>>) attributes {dimension_semantics = [#tpu.dimension_semantics<core_parallel>, #tpu.dimension_semantics<subcore_parallel>], iteration_bounds = array<i64: 2, 16>, scalar_prefetch = 0 : i64, scratch_operands = 4 : i64, tpu.core_type = #tpu.core_type<sc_vector_subcore>, window_params = [{transform_indices = #map}, {transform_indices = #map}, {transform_indices = #map1}]} {
    %mul3A = arith.constant 16 : i32
    %mul3A_0 = arith.muli %arg0, %mul3A : i32
    %add3A = arith.addi %mul3A_0, %arg1 : i32
    "tpu.region"() ({
      %run_scoped3A = tpu.sem_alloc : memref<!tpu.dma_semaphore, #tpu.memory_space<semaphore_mem>>
      %dma_start3A = arith.constant 0 : i32
      %dma_start3A_25 = tpu.memref_slice %arg2[%add3A, %dma_start3A] : memref<32x10112xi32, #tpu.memory_space<hbm>> -> memref<1x10112xi32, #tpu.memory_space<hbm>>
      %dma_start3A_26 = tpu.memref_squeeze %dma_start3A_25 : memref<1x10112xi32, #tpu.memory_space<hbm>> -> memref<10112xi32, #tpu.memory_space<hbm>>
      %dma_start3A_27 = arith.constant 0 : i32
      %dma_start3A_28 = tpu.memref_slice %arg2[%add3A, %dma_start3A_27] : memref<32x10112xi32, #tpu.memory_space<hbm>> -> memref<1x10112xi32, #tpu.memory_space<hbm>>
      %dma_start3A_29 = tpu.memref_squeeze %dma_start3A_28 : memref<1x10112xi32, #tpu.memory_space<hbm>> -> memref<10112xi32, #tpu.memory_space<hbm>>
      tpu.enqueue_dma source(%dma_start3A_29 : memref<10112xi32, #tpu.memory_space<hbm>>) target(%arg5 : memref<10112xi32, #tpu.memory_space<vmem>>) target_semaphore(%run_scoped3A : memref<!tpu.dma_semaphore, #tpu.memory_space<semaphore_mem>>)
      %dma_wait3A = arith.constant 0 : i32
      %dma_wait3A_30 = tpu.memref_slice %arg2[%add3A, %dma_wait3A] : memref<32x10112xi32, #tpu.memory_space<hbm>> -> memref<1x10112xi32, #tpu.memory_space<hbm>>
      %dma_wait3A_31 = tpu.memref_squeeze %dma_wait3A_30 : memref<1x10112xi32, #tpu.memory_space<hbm>> -> memref<10112xi32, #tpu.memory_space<hbm>>
      %dma_wait3A_32 = arith.constant 0 : i32
      %dma_wait3A_33 = tpu.memref_slice %arg2[%add3A, %dma_wait3A_32] : memref<32x10112xi32, #tpu.memory_space<hbm>> -> memref<1x10112xi32, #tpu.memory_space<hbm>>
      %dma_wait3A_34 = tpu.memref_squeeze %dma_wait3A_33 : memref<1x10112xi32, #tpu.memory_space<hbm>> -> memref<10112xi32, #tpu.memory_space<hbm>>
      tpu.wait_dma2 semaphore(%run_scoped3A : memref<!tpu.dma_semaphore, #tpu.memory_space<semaphore_mem>>) src(%dma_wait3A_34 : memref<10112xi32, #tpu.memory_space<hbm>>) dst(%arg5 : memref<10112xi32, #tpu.memory_space<vmem>>)
      tpu.yield
    }) : () -> ()
    %broadcast_in_dim3A = arith.constant 0.000000e+00 : f32
    %broadcast_in_dim3A_1 = vector.broadcast %broadcast_in_dim3A : f32 to vector<16xf32>
    %broadcast_in_dim3A_2 = arith.constant 1.000000e+00 : f32
    %broadcast_in_dim3A_3 = vector.broadcast %broadcast_in_dim3A_2 : f32 to vector<16xf32>
    %scan3A = arith.constant 0 : i32
    %scan3A_4 = arith.constant 0 : i32
    %scan3A_5 = arith.constant 640 : i32
    %scan3A_6 = arith.addi %scan3A_4, %scan3A_5 : i32
    %scan3A_7 = arith.constant 1 : i32
    scf.for %scan3A_25 = %scan3A_4 to %scan3A_6 step %scan3A_7  : i32 {
      %mul3A_26 = arith.constant 16 : i32
      %mul3A_27 = arith.muli %scan3A_25, %mul3A_26 : i32
      %swap3A = arith.index_cast %mul3A_27 : i32 to index
      %swap3A_28 = tpu.vector_load %arg6[%swap3A] {strides = array<i32>} : memref<10240xf32, #tpu.memory_space<vmem>>, vector<16xf32>,
      tpu.vector_store %arg6[%swap3A], %broadcast_in_dim3A_1 {strides = array<i32>} : memref<10240xf32, #tpu.memory_space<vmem>>, vector<16xf32>,
    }
    %scan3A_8 = arith.constant 640 : i32
    %scan3A_9 = arith.constant 0 : i32
    %scan3A_10 = arith.constant 0 : i32
    %scan3A_11 = arith.constant 632 : i32
    %scan3A_12 = arith.addi %scan3A_10, %scan3A_11 : i32
    %scan3A_13 = arith.constant 1 : i32
    scf.for %scan3A_25 = %scan3A_10 to %scan3A_12 step %scan3A_13  : i32 {
      %mul3A_26 = arith.constant 16 : i32
      %mul3A_27 = arith.muli %scan3A_25, %mul3A_26 : i32
      %get3A = arith.index_cast %mul3A_27 : i32 to index
      %get3A_28 = tpu.vector_load %arg5[%get3A] {strides = array<i32>} : memref<10112xi32, #tpu.memory_space<vmem>>, vector<16xi32>,
      tpu.vector_store_idx %arg6[%get3A_28], %broadcast_in_dim3A_3 {add = true} : memref<10240xf32, #tpu.memory_space<vmem>>[vector<16xi32>], vector<16xf32>,
    }
    %scan3A_14 = arith.constant 632 : i32
    "tpu.region"() ({
      %run_scoped3A = tpu.sem_alloc : memref<!tpu.dma_semaphore, #tpu.memory_space<semaphore_mem>>
      %dma_start3A = arith.constant 0 : i32
      %dma_start3A_25 = tpu.memref_slice %arg4[%arg0, %arg1, %dma_start3A] : memref<2x16x10240xf32, #tpu.memory_space<hbm>> -> memref<1x1x10240xf32, #tpu.memory_space<hbm>>
      %dma_start3A_26 = tpu.memref_squeeze %dma_start3A_25 : memref<1x1x10240xf32, #tpu.memory_space<hbm>> -> memref<10240xf32, #tpu.memory_space<hbm>>
      %dma_start3A_27 = arith.constant 0 : i32
      %dma_start3A_28 = tpu.memref_slice %arg4[%arg0, %arg1, %dma_start3A_27] : memref<2x16x10240xf32, #tpu.memory_space<hbm>> -> memref<1x1x10240xf32, #tpu.memory_space<hbm>>
      %dma_start3A_29 = tpu.memref_squeeze %dma_start3A_28 : memref<1x1x10240xf32, #tpu.memory_space<hbm>> -> memref<10240xf32, #tpu.memory_space<hbm>>
      tpu.enqueue_dma source(%arg6 : memref<10240xf32, #tpu.memory_space<vmem>>) target(%dma_start3A_29 : memref<10240xf32, #tpu.memory_space<hbm>>) target_semaphore(%run_scoped3A : memref<!tpu.dma_semaphore, #tpu.memory_space<semaphore_mem>>)
      %dma_wait3A = arith.constant 0 : i32
      %dma_wait3A_30 = tpu.memref_slice %arg4[%arg0, %arg1, %dma_wait3A] : memref<2x16x10240xf32, #tpu.memory_space<hbm>> -> memref<1x1x10240xf32, #tpu.memory_space<hbm>>
      %dma_wait3A_31 = tpu.memref_squeeze %dma_wait3A_30 : memref<1x1x10240xf32, #tpu.memory_space<hbm>> -> memref<10240xf32, #tpu.memory_space<hbm>>
      %dma_wait3A_32 = arith.constant 0 : i32
      %dma_wait3A_33 = tpu.memref_slice %arg4[%arg0, %arg1, %dma_wait3A_32] : memref<2x16x10240xf32, #tpu.memory_space<hbm>> -> memref<1x1x10240xf32, #tpu.memory_space<hbm>>
      %dma_wait3A_34 = tpu.memref_squeeze %dma_wait3A_33 : memref<1x1x10240xf32, #tpu.memory_space<hbm>> -> memref<10240xf32, #tpu.memory_space<hbm>>
      tpu.wait_dma2 semaphore(%run_scoped3A : memref<!tpu.dma_semaphore, #tpu.memory_space<semaphore_mem>>) src(%arg6 : memref<10240xf32, #tpu.memory_space<vmem>>) dst(%dma_wait3A_34 : memref<10240xf32, #tpu.memory_space<hbm>>)
      tpu.yield
    }) : () -> ()
    %barrier3A = arith.constant 0 : index
    tpu.barrier barrier_id(%barrier3A)
    %mul3A_15 = arith.constant 640 : i32
    %mul3A_16 = arith.muli %arg1, %mul3A_15 : i32
    "tpu.region"() ({
      %run_scoped3A = tpu.sem_alloc : memref<!tpu.dma_semaphore, #tpu.memory_space<semaphore_mem>>
      %dma_start3A = arith.constant 0 : i32
      %dma_start3A_25 = tpu.memref_slice %arg4[%arg0, %dma_start3A, %mul3A_16] : memref<2x16x10240xf32, #tpu.memory_space<hbm>> -> memref<1x16x640xf32, #tpu.memory_space<hbm>>
      %dma_start3A_26 = tpu.memref_squeeze %dma_start3A_25 : memref<1x16x640xf32, #tpu.memory_space<hbm>> -> memref<16x640xf32, #tpu.memory_space<hbm>>
      %dma_start3A_27 = arith.constant 0 : i32
      %dma_start3A_28 = tpu.memref_slice %arg4[%arg0, %dma_start3A_27, %mul3A_16] : memref<2x16x10240xf32, #tpu.memory_space<hbm>> -> memref<1x16x640xf32, #tpu.memory_space<hbm>>
      %dma_start3A_29 = tpu.memref_squeeze %dma_start3A_28 : memref<1x16x640xf32, #tpu.memory_space<hbm>> -> memref<16x640xf32, #tpu.memory_space<hbm>>
      tpu.enqueue_dma source(%dma_start3A_29 : memref<16x640xf32, #tpu.memory_space<hbm>>) target(%arg7 : memref<16x640xf32, #tpu.memory_space<vmem>>) target_semaphore(%run_scoped3A : memref<!tpu.dma_semaphore, #tpu.memory_space<semaphore_mem>>)
      %dma_wait3A = arith.constant 0 : i32
      %dma_wait3A_30 = tpu.memref_slice %arg4[%arg0, %dma_wait3A, %mul3A_16] : memref<2x16x10240xf32, #tpu.memory_space<hbm>> -> memref<1x16x640xf32, #tpu.memory_space<hbm>>
      %dma_wait3A_31 = tpu.memref_squeeze %dma_wait3A_30 : memref<1x16x640xf32, #tpu.memory_space<hbm>> -> memref<16x640xf32, #tpu.memory_space<hbm>>
      %dma_wait3A_32 = arith.constant 0 : i32
      %dma_wait3A_33 = tpu.memref_slice %arg4[%arg0, %dma_wait3A_32, %mul3A_16] : memref<2x16x10240xf32, #tpu.memory_space<hbm>> -> memref<1x16x640xf32, #tpu.memory_space<hbm>>
      %dma_wait3A_34 = tpu.memref_squeeze %dma_wait3A_33 : memref<1x16x640xf32, #tpu.memory_space<hbm>> -> memref<16x640xf32, #tpu.memory_space<hbm>>
      tpu.wait_dma2 semaphore(%run_scoped3A : memref<!tpu.dma_semaphore, #tpu.memory_space<semaphore_mem>>) src(%dma_wait3A_34 : memref<16x640xf32, #tpu.memory_space<hbm>>) dst(%arg7 : memref<16x640xf32, #tpu.memory_space<vmem>>)
      tpu.yield
    }) : () -> ()
    %scan3A_17 = arith.constant 0 : i32
    %scan3A_18 = arith.constant 0 : i32
    %scan3A_19 = arith.constant 40 : i32
    %scan3A_20 = arith.addi %scan3A_18, %scan3A_19 : i32
    %scan3A_21 = arith.constant 1 : i32
    scf.for %scan3A_25 = %scan3A_18 to %scan3A_20 step %scan3A_21  : i32 {
      %mul3A_26 = arith.constant 16 : i32
      %mul3A_27 = arith.muli %scan3A_25, %mul3A_26 : i32
      %get3A = arith.constant 0 : i32
      %get3A_28 = arith.index_cast %get3A : i32 to index
      %get3A_29 = arith.index_cast %mul3A_27 : i32 to index
      %get3A_30 = tpu.vector_load %arg7[%get3A_28, %get3A_29] {strides = array<i32>} : memref<16x640xf32, #tpu.memory_space<vmem>>, vector<16xf32>,
      %add3A_31 = arith.addf %broadcast_in_dim3A_1, %get3A_30 : vector<16xf32>
      %mul3A_32 = arith.constant 16 : i32
      %mul3A_33 = arith.muli %scan3A_25, %mul3A_32 : i32
      %get3A_34 = arith.constant 1 : i32
      %get3A_35 = arith.index_cast %get3A_34 : i32 to index
      %get3A_36 = arith.index_cast %mul3A_33 : i32 to index
      %get3A_37 = tpu.vector_load %arg7[%get3A_35, %get3A_36] {strides = array<i32>} : memref<16x640xf32, #tpu.memory_space<vmem>>, vector<16xf32>,
      %add3A_38 = arith.addf %add3A_31, %get3A_37 : vector<16xf32>
      %mul3A_39 = arith.constant 16 : i32
      %mul3A_40 = arith.muli %scan3A_25, %mul3A_39 : i32
      %get3A_41 = arith.constant 2 : i32
      %get3A_42 = arith.index_cast %get3A_41 : i32 to index
      %get3A_43 = arith.index_cast %mul3A_40 : i32 to index
      %get3A_44 = tpu.vector_load %arg7[%get3A_42, %get3A_43] {strides = array<i32>} : memref<16x640xf32, #tpu.memory_space<vmem>>, vector<16xf32>,
      %add3A_45 = arith.addf %add3A_38, %get3A_44 : vector<16xf32>
      %mul3A_46 = arith.constant 16 : i32
      %mul3A_47 = arith.muli %scan3A_25, %mul3A_46 : i32
      %get3A_48 = arith.constant 3 : i32
      %get3A_49 = arith.index_cast %get3A_48 : i32 to index
      %get3A_50 = arith.index_cast %mul3A_47 : i32 to index
      %get3A_51 = tpu.vector_load %arg7[%get3A_49, %get3A_50] {strides = array<i32>} : memref<16x640xf32, #tpu.memory_space<vmem>>, vector<16xf32>,
      %add3A_52 = arith.addf %add3A_45, %get3A_51 : vector<16xf32>
      %mul3A_53 = arith.constant 16 : i32
      %mul3A_54 = arith.muli %scan3A_25, %mul3A_53 : i32
      %get3A_55 = arith.constant 4 : i32
      %get3A_56 = arith.index_cast %get3A_55 : i32 to index
      %get3A_57 = arith.index_cast %mul3A_54 : i32 to index
      %get3A_58 = tpu.vector_load %arg7[%get3A_56, %get3A_57] {strides = array<i32>} : memref<16x640xf32, #tpu.memory_space<vmem>>, vector<16xf32>,
      %add3A_59 = arith.addf %add3A_52, %get3A_58 : vector<16xf32>
      %mul3A_60 = arith.constant 16 : i32
      %mul3A_61 = arith.muli %scan3A_25, %mul3A_60 : i32
      %get3A_62 = arith.constant 5 : i32
      %get3A_63 = arith.index_cast %get3A_62 : i32 to index
      %get3A_64 = arith.index_cast %mul3A_61 : i32 to index
      %get3A_65 = tpu.vector_load %arg7[%get3A_63, %get3A_64] {strides = array<i32>} : memref<16x640xf32, #tpu.memory_space<vmem>>, vector<16xf32>,
      %add3A_66 = arith.addf %add3A_59, %get3A_65 : vector<16xf32>
      %mul3A_67 = arith.constant 16 : i32
      %mul3A_68 = arith.muli %scan3A_25, %mul3A_67 : i32
      %get3A_69 = arith.constant 6 : i32
      %get3A_70 = arith.index_cast %get3A_69 : i32 to index
      %get3A_71 = arith.index_cast %mul3A_68 : i32 to index
      %get3A_72 = tpu.vector_load %arg7[%get3A_70, %get3A_71] {strides = array<i32>} : memref<16x640xf32, #tpu.memory_space<vmem>>, vector<16xf32>,
      %add3A_73 = arith.addf %add3A_66, %get3A_72 : vector<16xf32>
      %mul3A_74 = arith.constant 16 : i32
      %mul3A_75 = arith.muli %scan3A_25, %mul3A_74 : i32
      %get3A_76 = arith.constant 7 : i32
      %get3A_77 = arith.index_cast %get3A_76 : i32 to index
      %get3A_78 = arith.index_cast %mul3A_75 : i32 to index
      %get3A_79 = tpu.vector_load %arg7[%get3A_77, %get3A_78] {strides = array<i32>} : memref<16x640xf32, #tpu.memory_space<vmem>>, vector<16xf32>,
      %add3A_80 = arith.addf %add3A_73, %get3A_79 : vector<16xf32>
      %mul3A_81 = arith.constant 16 : i32
      %mul3A_82 = arith.muli %scan3A_25, %mul3A_81 : i32
      %get3A_83 = arith.constant 8 : i32
      %get3A_84 = arith.index_cast %get3A_83 : i32 to index
      %get3A_85 = arith.index_cast %mul3A_82 : i32 to index
      %get3A_86 = tpu.vector_load %arg7[%get3A_84, %get3A_85] {strides = array<i32>} : memref<16x640xf32, #tpu.memory_space<vmem>>, vector<16xf32>,
      %add3A_87 = arith.addf %add3A_80, %get3A_86 : vector<16xf32>
      %mul3A_88 = arith.constant 16 : i32
      %mul3A_89 = arith.muli %scan3A_25, %mul3A_88 : i32
      %get3A_90 = arith.constant 9 : i32
      %get3A_91 = arith.index_cast %get3A_90 : i32 to index
      %get3A_92 = arith.index_cast %mul3A_89 : i32 to index
      %get3A_93 = tpu.vector_load %arg7[%get3A_91, %get3A_92] {strides = array<i32>} : memref<16x640xf32, #tpu.memory_space<vmem>>, vector<16xf32>,
      %add3A_94 = arith.addf %add3A_87, %get3A_93 : vector<16xf32>
      %mul3A_95 = arith.constant 16 : i32
      %mul3A_96 = arith.muli %scan3A_25, %mul3A_95 : i32
      %get3A_97 = arith.constant 10 : i32
      %get3A_98 = arith.index_cast %get3A_97 : i32 to index
      %get3A_99 = arith.index_cast %mul3A_96 : i32 to index
      %get3A_100 = tpu.vector_load %arg7[%get3A_98, %get3A_99] {strides = array<i32>} : memref<16x640xf32, #tpu.memory_space<vmem>>, vector<16xf32>,
      %add3A_101 = arith.addf %add3A_94, %get3A_100 : vector<16xf32>
      %mul3A_102 = arith.constant 16 : i32
      %mul3A_103 = arith.muli %scan3A_25, %mul3A_102 : i32
      %get3A_104 = arith.constant 11 : i32
      %get3A_105 = arith.index_cast %get3A_104 : i32 to index
      %get3A_106 = arith.index_cast %mul3A_103 : i32 to index
      %get3A_107 = tpu.vector_load %arg7[%get3A_105, %get3A_106] {strides = array<i32>} : memref<16x640xf32, #tpu.memory_space<vmem>>, vector<16xf32>,
      %add3A_108 = arith.addf %add3A_101, %get3A_107 : vector<16xf32>
      %mul3A_109 = arith.constant 16 : i32
      %mul3A_110 = arith.muli %scan3A_25, %mul3A_109 : i32
      %get3A_111 = arith.constant 12 : i32
      %get3A_112 = arith.index_cast %get3A_111 : i32 to index
      %get3A_113 = arith.index_cast %mul3A_110 : i32 to index
      %get3A_114 = tpu.vector_load %arg7[%get3A_112, %get3A_113] {strides = array<i32>} : memref<16x640xf32, #tpu.memory_space<vmem>>, vector<16xf32>,
      %add3A_115 = arith.addf %add3A_108, %get3A_114 : vector<16xf32>
      %mul3A_116 = arith.constant 16 : i32
      %mul3A_117 = arith.muli %scan3A_25, %mul3A_116 : i32
      %get3A_118 = arith.constant 13 : i32
      %get3A_119 = arith.index_cast %get3A_118 : i32 to index
      %get3A_120 = arith.index_cast %mul3A_117 : i32 to index
      %get3A_121 = tpu.vector_load %arg7[%get3A_119, %get3A_120] {strides = array<i32>} : memref<16x640xf32, #tpu.memory_space<vmem>>, vector<16xf32>,
      %add3A_122 = arith.addf %add3A_115, %get3A_121 : vector<16xf32>
      %mul3A_123 = arith.constant 16 : i32
      %mul3A_124 = arith.muli %scan3A_25, %mul3A_123 : i32
      %get3A_125 = arith.constant 14 : i32
      %get3A_126 = arith.index_cast %get3A_125 : i32 to index
      %get3A_127 = arith.index_cast %mul3A_124 : i32 to index
      %get3A_128 = tpu.vector_load %arg7[%get3A_126, %get3A_127] {strides = array<i32>} : memref<16x640xf32, #tpu.memory_space<vmem>>, vector<16xf32>,
      %add3A_129 = arith.addf %add3A_122, %get3A_128 : vector<16xf32>
      %mul3A_130 = arith.constant 16 : i32
      %mul3A_131 = arith.muli %scan3A_25, %mul3A_130 : i32
      %get3A_132 = arith.constant 15 : i32
      %get3A_133 = arith.index_cast %get3A_132 : i32 to index
      %get3A_134 = arith.index_cast %mul3A_131 : i32 to index
      %get3A_135 = tpu.vector_load %arg7[%get3A_133, %get3A_134] {strides = array<i32>} : memref<16x640xf32, #tpu.memory_space<vmem>>, vector<16xf32>,
      %add3A_136 = arith.addf %add3A_129, %get3A_135 : vector<16xf32>
      %mul3A_137 = arith.constant 16 : i32
      %mul3A_138 = arith.muli %scan3A_25, %mul3A_137 : i32
      %swap3A = arith.index_cast %mul3A_138 : i32 to index
      %swap3A_139 = tpu.vector_load %arg8[%swap3A] {strides = array<i32>} : memref<640xf32, #tpu.memory_space<vmem>>, vector<16xf32>,
      tpu.vector_store %arg8[%swap3A], %add3A_136 {strides = array<i32>} : memref<640xf32, #tpu.memory_space<vmem>>, vector<16xf32>,
    }
    %scan3A_22 = arith.constant 40 : i32
    %mul3A_23 = arith.constant 640 : i32
    %mul3A_24 = arith.muli %arg1, %mul3A_23 : i32
    "tpu.region"() ({
      %run_scoped3A = tpu.sem_alloc : memref<!tpu.dma_semaphore, #tpu.memory_space<semaphore_mem>>
      %dma_start3A = tpu.memref_slice %arg3[%arg0, %mul3A_24] : memref<2x10240xf32, #tpu.memory_space<hbm>> -> memref<1x640xf32, #tpu.memory_space<hbm>>
      %dma_start3A_25 = tpu.memref_squeeze %dma_start3A : memref<1x640xf32, #tpu.memory_space<hbm>> -> memref<640xf32, #tpu.memory_space<hbm>>
      %dma_start3A_26 = tpu.memref_slice %arg3[%arg0, %mul3A_24] : memref<2x10240xf32, #tpu.memory_space<hbm>> -> memref<1x640xf32, #tpu.memory_space<hbm>>
      %dma_start3A_27 = tpu.memref_squeeze %dma_start3A_26 : memref<1x640xf32, #tpu.memory_space<hbm>> -> memref<640xf32, #tpu.memory_space<hbm>>
      tpu.enqueue_dma source(%arg8 : memref<640xf32, #tpu.memory_space<vmem>>) target(%dma_start3A_27 : memref<640xf32, #tpu.memory_space<hbm>>) target_semaphore(%run_scoped3A : memref<!tpu.dma_semaphore, #tpu.memory_space<semaphore_mem>>)
      %dma_wait3A = tpu.memref_slice %arg3[%arg0, %mul3A_24] : memref<2x10240xf32, #tpu.memory_space<hbm>> -> memref<1x640xf32, #tpu.memory_space<hbm>>
      %dma_wait3A_28 = tpu.memref_squeeze %dma_wait3A : memref<1x640xf32, #tpu.memory_space<hbm>> -> memref<640xf32, #tpu.memory_space<hbm>>
      %dma_wait3A_29 = tpu.memref_slice %arg3[%arg0, %mul3A_24] : memref<2x10240xf32, #tpu.memory_space<hbm>> -> memref<1x640xf32, #tpu.memory_space<hbm>>
      %dma_wait3A_30 = tpu.memref_squeeze %dma_wait3A_29 : memref<1x640xf32, #tpu.memory_space<hbm>> -> memref<640xf32, #tpu.memory_space<hbm>>
      tpu.wait_dma2 semaphore(%run_scoped3A : memref<!tpu.dma_semaphore, #tpu.memory_space<semaphore_mem>>) src(%arg8 : memref<640xf32, #tpu.memory_space<vmem>>) dst(%dma_wait3A_30 : memref<640xf32, #tpu.memory_space<hbm>>)
      tpu.yield
    }) : () -> ()
    return
  }
}

#map = affine_map<(d0, d1) -> (0, 0)>
#map1 = affine_map<(d0, d1) -> (0, 0, 0)>
#map2 = affine_map<(d0, d1) -> (0)>
module attributes {stable_mosaic.version = 14 : i64} {
  func.func @_seg(%arg0: i32, %arg1: i32, %arg2: memref<10240x128xf32, #tpu.memory_space<hbm>>, %arg3: memref<10240x128xf32, #tpu.memory_space<hbm>>, %arg4: memref<32x158x128xi32, #tpu.memory_space<hbm>>, %arg5: memref<32x158x128xi32, #tpu.memory_space<hbm>>, %arg6: memref<328x128xf32, #tpu.memory_space<hbm>>, %arg7: memref<16xi32, #tpu.memory_space<hbm>>, %arg8: memref<10240x128xf32, #tpu.memory_space<hbm>>, %arg9: memref<10240x128xf32, #tpu.memory_space<hbm>>, %arg10: memref<158x128xi32, #tpu.memory_space<vmem>>, %arg11: memref<158x128xi32, #tpu.memory_space<vmem>>, %arg12: memref<158x128xi32, #tpu.memory_space<vmem>>, %arg13: memref<128x128xf32, #tpu.memory_space<vmem>>, %arg14: memref<16xi32, #tpu.memory_space<vmem>>, %arg15: memref<5248x128xf32, #tpu.memory_space<vmem_shared>>) attributes {dimension_semantics = [#tpu.dimension_semantics<core_parallel>, #tpu.dimension_semantics<subcore_parallel>], iteration_bounds = array<i64: 2, 16>, scalar_prefetch = 0 : i64, scratch_operands = 6 : i64, tpu.core_type = #tpu.core_type<sc_vector_subcore>, window_params = [{transform_indices = #map}, {transform_indices = #map}, {transform_indices = #map1}, {transform_indices = #map1}, {transform_indices = #map}, {transform_indices = #map2}, {transform_indices = #map}, {transform_indices = #map}]} {
    %mul3A = arith.constant 16 : i32
    %mul3A_0 = arith.muli %arg0, %mul3A : i32
    %add3A = arith.addi %mul3A_0, %arg1 : i32
    "tpu.region"() ({
      %run_scoped3A = tpu.sem_alloc : memref<!tpu.dma_semaphore, #tpu.memory_space<semaphore_mem>>
      %dma_start3A = arith.constant 0 : i32
      %dma_start3A_10 = arith.constant 0 : i32
      %dma_start3A_11 = tpu.memref_slice %arg4[%add3A, %dma_start3A, %dma_start3A_10] : memref<32x158x128xi32, #tpu.memory_space<hbm>> -> memref<1x158x128xi32, #tpu.memory_space<hbm>>
      %dma_start3A_12 = tpu.memref_squeeze %dma_start3A_11 : memref<1x158x128xi32, #tpu.memory_space<hbm>> -> memref<158x128xi32, #tpu.memory_space<hbm>>
      %dma_start3A_13 = arith.constant 0 : i32
      %dma_start3A_14 = arith.constant 0 : i32
      %dma_start3A_15 = tpu.memref_slice %arg4[%add3A, %dma_start3A_13, %dma_start3A_14] : memref<32x158x128xi32, #tpu.memory_space<hbm>> -> memref<1x158x128xi32, #tpu.memory_space<hbm>>
      %dma_start3A_16 = tpu.memref_squeeze %dma_start3A_15 : memref<1x158x128xi32, #tpu.memory_space<hbm>> -> memref<158x128xi32, #tpu.memory_space<hbm>>
      tpu.enqueue_dma source(%dma_start3A_16 : memref<158x128xi32, #tpu.memory_space<hbm>>) target(%arg10 : memref<158x128xi32, #tpu.memory_space<vmem>>) target_semaphore(%run_scoped3A : memref<!tpu.dma_semaphore, #tpu.memory_space<semaphore_mem>>)
      %dma_wait3A = arith.constant 0 : i32
      %dma_wait3A_17 = arith.constant 0 : i32
      %dma_wait3A_18 = tpu.memref_slice %arg4[%add3A, %dma_wait3A, %dma_wait3A_17] : memref<32x158x128xi32, #tpu.memory_space<hbm>> -> memref<1x158x128xi32, #tpu.memory_space<hbm>>
      %dma_wait3A_19 = tpu.memref_squeeze %dma_wait3A_18 : memref<1x158x128xi32, #tpu.memory_space<hbm>> -> memref<158x128xi32, #tpu.memory_space<hbm>>
      %dma_wait3A_20 = arith.constant 0 : i32
      %dma_wait3A_21 = arith.constant 0 : i32
      %dma_wait3A_22 = tpu.memref_slice %arg4[%add3A, %dma_wait3A_20, %dma_wait3A_21] : memref<32x158x128xi32, #tpu.memory_space<hbm>> -> memref<1x158x128xi32, #tpu.memory_space<hbm>>
      %dma_wait3A_23 = tpu.memref_squeeze %dma_wait3A_22 : memref<1x158x128xi32, #tpu.memory_space<hbm>> -> memref<158x128xi32, #tpu.memory_space<hbm>>
      tpu.wait_dma2 semaphore(%run_scoped3A : memref<!tpu.dma_semaphore, #tpu.memory_space<semaphore_mem>>) src(%dma_wait3A_23 : memref<158x128xi32, #tpu.memory_space<hbm>>) dst(%arg10 : memref<158x128xi32, #tpu.memory_space<vmem>>)
      tpu.yield
    }) : () -> ()
    "tpu.region"() ({
      %run_scoped3A = tpu.sem_alloc : memref<!tpu.dma_semaphore, #tpu.memory_space<semaphore_mem>>
      %dma_start3A = arith.constant 0 : i32
      %dma_start3A_10 = arith.constant 0 : i32
      %dma_start3A_11 = tpu.memref_slice %arg5[%add3A, %dma_start3A, %dma_start3A_10] : memref<32x158x128xi32, #tpu.memory_space<hbm>> -> memref<1x158x128xi32, #tpu.memory_space<hbm>>
      %dma_start3A_12 = tpu.memref_squeeze %dma_start3A_11 : memref<1x158x128xi32, #tpu.memory_space<hbm>> -> memref<158x128xi32, #tpu.memory_space<hbm>>
      %dma_start3A_13 = arith.constant 0 : i32
      %dma_start3A_14 = arith.constant 0 : i32
      %dma_start3A_15 = tpu.memref_slice %arg5[%add3A, %dma_start3A_13, %dma_start3A_14] : memref<32x158x128xi32, #tpu.memory_space<hbm>> -> memref<1x158x128xi32, #tpu.memory_space<hbm>>
      %dma_start3A_16 = tpu.memref_squeeze %dma_start3A_15 : memref<1x158x128xi32, #tpu.memory_space<hbm>> -> memref<158x128xi32, #tpu.memory_space<hbm>>
      tpu.enqueue_dma source(%dma_start3A_16 : memref<158x128xi32, #tpu.memory_space<hbm>>) target(%arg11 : memref<158x128xi32, #tpu.memory_space<vmem>>) target_semaphore(%run_scoped3A : memref<!tpu.dma_semaphore, #tpu.memory_space<semaphore_mem>>)
      %dma_wait3A = arith.constant 0 : i32
      %dma_wait3A_17 = arith.constant 0 : i32
      %dma_wait3A_18 = tpu.memref_slice %arg5[%add3A, %dma_wait3A, %dma_wait3A_17] : memref<32x158x128xi32, #tpu.memory_space<hbm>> -> memref<1x158x128xi32, #tpu.memory_space<hbm>>
      %dma_wait3A_19 = tpu.memref_squeeze %dma_wait3A_18 : memref<1x158x128xi32, #tpu.memory_space<hbm>> -> memref<158x128xi32, #tpu.memory_space<hbm>>
      %dma_wait3A_20 = arith.constant 0 : i32
      %dma_wait3A_21 = arith.constant 0 : i32
      %dma_wait3A_22 = tpu.memref_slice %arg5[%add3A, %dma_wait3A_20, %dma_wait3A_21] : memref<32x158x128xi32, #tpu.memory_space<hbm>> -> memref<1x158x128xi32, #tpu.memory_space<hbm>>
      %dma_wait3A_23 = tpu.memref_squeeze %dma_wait3A_22 : memref<1x158x128xi32, #tpu.memory_space<hbm>> -> memref<158x128xi32, #tpu.memory_space<hbm>>
      tpu.wait_dma2 semaphore(%run_scoped3A : memref<!tpu.dma_semaphore, #tpu.memory_space<semaphore_mem>>) src(%dma_wait3A_23 : memref<158x128xi32, #tpu.memory_space<hbm>>) dst(%arg11 : memref<158x128xi32, #tpu.memory_space<vmem>>)
      tpu.yield
    }) : () -> ()
    "tpu.region"() ({
      %run_scoped3A = tpu.sem_alloc : memref<!tpu.dma_semaphore, #tpu.memory_space<semaphore_mem>>
      tpu.enqueue_dma source(%arg7 : memref<16xi32, #tpu.memory_space<hbm>>) target(%arg14 : memref<16xi32, #tpu.memory_space<vmem>>) target_semaphore(%run_scoped3A : memref<!tpu.dma_semaphore, #tpu.memory_space<semaphore_mem>>)
      tpu.wait_dma2 semaphore(%run_scoped3A : memref<!tpu.dma_semaphore, #tpu.memory_space<semaphore_mem>>) src(%arg7 : memref<16xi32, #tpu.memory_space<hbm>>) dst(%arg14 : memref<16xi32, #tpu.memory_space<vmem>>)
      tpu.yield
    }) : () -> ()
    %get3A = arith.constant 0 : index
    %get3A_1 = tpu.vector_load %arg14[%get3A] {strides = array<i32>} : memref<16xi32, #tpu.memory_space<vmem>>, vector<16xi32>,
    %get3A_2 = vector.shape_cast %get3A_1 : vector<16xi32> to vector<16xi32>
    %slice3A = vector.extract_strided_slice %get3A_2 {offsets = [0], sizes = [1], strides = [1]} : vector<16xi32> to vector<1xi32>
    %squeeze3A = vector.extract %slice3A[0] : i32 from vector<1xi32>
    %eq3A = arith.constant 0 : i32
    %eq3A_3 = arith.cmpi eq, %arg0, %eq3A : i32
    %convert_element_type3A = arith.extui %eq3A_3 : i1 to i32
    %cond3A = arith.constant 0 : i32
    %cond3A_4 = arith.cmpi ne, %convert_element_type3A, %cond3A : i32
    scf.if %cond3A_4 {
      %mul3A_10 = arith.constant 8 : i32
      %mul3A_11 = arith.muli %squeeze3A, %mul3A_10 : i32
      %while3A = arith.constant 0 : i32
      %while3A_12 = arith.constant 0 : i32
      %while3A_13 = arith.subi %mul3A_11, %while3A_12 : i32
      %while3A_14 = arith.addi %while3A_12, %while3A_13 : i32
      %while3A_15 = arith.constant 1 : i32
      %while3A_16 = arith.divsi %while3A_13, %while3A_15 : i32
      %while3A_17 = arith.muli %while3A_16, %while3A_15 : i32
      %while3A_18 = arith.addi %while3A_12, %while3A_17 : i32
      %while3A_19 = arith.constant 1 : i32
      scf.for %while3A_74 = %while3A_12 to %while3A_18 step %while3A_19  : i32 {
        %jit3A = arith.constant 8 : i32
        %div3A = arith.divsi %while3A_74, %jit3A : i32
        %sign3A = arith.constant 0 : i32
        %sign3A_75 = arith.cmpi sgt, %while3A_74, %sign3A : i32
        %sign3A_76 = arith.extui %sign3A_75 : i1 to i32
        %sign3A_77 = arith.constant 0 : i32
        %sign3A_78 = arith.cmpi slt, %while3A_74, %sign3A_77 : i32
        %sign3A_79 = arith.extui %sign3A_78 : i1 to i32
        %sign3A_80 = arith.subi %sign3A_76, %sign3A_79 : i32
        %sign3A_81 = arith.constant 0 : i32
        %sign3A_82 = arith.cmpi sgt, %jit3A, %sign3A_81 : i32
        %sign3A_83 = arith.extui %sign3A_82 : i1 to i32
        %sign3A_84 = arith.constant 0 : i32
        %sign3A_85 = arith.cmpi slt, %jit3A, %sign3A_84 : i32
        %sign3A_86 = arith.extui %sign3A_85 : i1 to i32
        %sign3A_87 = arith.subi %sign3A_83, %sign3A_86 : i32
        %ne3A = arith.cmpi ne, %sign3A_80, %sign3A_87 : i32
        %rem3A = arith.remsi %while3A_74, %jit3A : i32
        %ne3A_88 = arith.constant 0 : i32
        %ne3A_89 = arith.cmpi ne, %rem3A, %ne3A_88 : i32
        %and3A = arith.andi %ne3A, %ne3A_89 : i1
        %sub3A = arith.constant 1 : i32
        %sub3A_90 = arith.subi %div3A, %sub3A : i32
        %select_n3A = arith.select %and3A, %sub3A_90, %div3A : i32
        %jit3A_91 = arith.constant 8 : i32
        %eq3A_92 = arith.constant 0 : i32
        %eq3A_93 = arith.cmpi eq, %jit3A_91, %eq3A_92 : i32
        %jit3A_94 = arith.constant 1 : i32
        %select_n3A_95 = arith.select %eq3A_93, %jit3A_94, %jit3A_91 : i32
        %rem3A_96 = arith.remsi %while3A_74, %select_n3A_95 : i32
        %ne3A_97 = arith.constant 0 : i32
        %ne3A_98 = arith.cmpi ne, %rem3A_96, %ne3A_97 : i32
        %lt3A = arith.constant 0 : i32
        %lt3A_99 = arith.cmpi slt, %rem3A_96, %lt3A : i32
        %lt3A_100 = arith.constant 0 : i32
        %lt3A_101 = arith.cmpi slt, %select_n3A_95, %lt3A_100 : i32
        %ne3A_102 = arith.xori %lt3A_99, %lt3A_101 : i1
        %and3A_103 = arith.andi %ne3A_102, %ne3A_98 : i1
        %add3A_104 = arith.addi %rem3A_96, %select_n3A_95 : i32
        %select_n3A_105 = arith.select %and3A_103, %add3A_104, %rem3A_96 : i32
        %mul3A_106 = arith.constant 16 : i32
        %mul3A_107 = arith.muli %select_n3A_105, %mul3A_106 : i32
        %get3A_108 = arith.index_cast %select_n3A : i32 to index
        %get3A_109 = arith.index_cast %mul3A_107 : i32 to index
        %get3A_110 = tpu.vector_load %arg11[%get3A_108, %get3A_109] {strides = array<i32>} : memref<158x128xi32, #tpu.memory_space<vmem>>, vector<1x16xi32>,
        %get3A_111 = vector.shape_cast %get3A_110 : vector<1x16xi32> to vector<16xi32>
        %ge3A = arith.constant 0 : i32
        %ge3A_112 = vector.broadcast %ge3A : i32 to vector<16xi32>
        %ge3A_113 = arith.cmpi sge, %get3A_111, %ge3A_112 : vector<16xi32>
        %lt3A_114 = arith.constant 5120 : i32
        %lt3A_115 = vector.broadcast %lt3A_114 : i32 to vector<16xi32>
        %lt3A_116 = arith.cmpi slt, %get3A_111, %lt3A_115 : vector<16xi32>
        %and3A_117 = arith.andi %ge3A_113, %lt3A_116 : vector<16xi1>
        %sub3A_118 = arith.constant 0 : i32
        %sub3A_119 = vector.broadcast %sub3A_118 : i32 to vector<16xi32>
        %sub3A_120 = arith.subi %get3A_111, %sub3A_119 : vector<16xi32>
        %jit3A_121 = arith.constant 5120 : i32
        %broadcast_in_dim3A = vector.broadcast %jit3A_121 : i32 to vector<16xi32>
        %select_n3A_122 = arith.select %and3A_117, %sub3A_120, %broadcast_in_dim3A : vector<16xi1>, vector<16xi32>
        %swap3A = arith.index_cast %select_n3A : i32 to index
        %swap3A_123 = arith.index_cast %mul3A_107 : i32 to index
        %swap3A_124 = tpu.vector_load %arg12[%swap3A, %swap3A_123] {strides = array<i32>} : memref<158x128xi32, #tpu.memory_space<vmem>>, vector<1x16xi32>,
        %swap3A_125 = vector.shape_cast %swap3A_124 : vector<1x16xi32> to vector<16xi32>
        %swap3A_126 = vector.shape_cast %select_n3A_122 : vector<16xi32> to vector<1x16xi32>
        tpu.vector_store %arg12[%swap3A, %swap3A_123], %swap3A_126 {strides = array<i32>} : memref<158x128xi32, #tpu.memory_space<vmem>>, vector<1x16xi32>,
      }
      %while3A_20 = arith.constant 1 : i32
      scf.for %while3A_74 = %while3A_18 to %while3A_14 step %while3A_20  : i32 {
        %jit3A = arith.constant 8 : i32
        %div3A = arith.divsi %while3A_74, %jit3A : i32
        %sign3A = arith.constant 0 : i32
        %sign3A_75 = arith.cmpi sgt, %while3A_74, %sign3A : i32
        %sign3A_76 = arith.extui %sign3A_75 : i1 to i32
        %sign3A_77 = arith.constant 0 : i32
        %sign3A_78 = arith.cmpi slt, %while3A_74, %sign3A_77 : i32
        %sign3A_79 = arith.extui %sign3A_78 : i1 to i32
        %sign3A_80 = arith.subi %sign3A_76, %sign3A_79 : i32
        %sign3A_81 = arith.constant 0 : i32
        %sign3A_82 = arith.cmpi sgt, %jit3A, %sign3A_81 : i32
        %sign3A_83 = arith.extui %sign3A_82 : i1 to i32
        %sign3A_84 = arith.constant 0 : i32
        %sign3A_85 = arith.cmpi slt, %jit3A, %sign3A_84 : i32
        %sign3A_86 = arith.extui %sign3A_85 : i1 to i32
        %sign3A_87 = arith.subi %sign3A_83, %sign3A_86 : i32
        %ne3A = arith.cmpi ne, %sign3A_80, %sign3A_87 : i32
        %rem3A = arith.remsi %while3A_74, %jit3A : i32
        %ne3A_88 = arith.constant 0 : i32
        %ne3A_89 = arith.cmpi ne, %rem3A, %ne3A_88 : i32
        %and3A = arith.andi %ne3A, %ne3A_89 : i1
        %sub3A = arith.constant 1 : i32
        %sub3A_90 = arith.subi %div3A, %sub3A : i32
        %select_n3A = arith.select %and3A, %sub3A_90, %div3A : i32
        %jit3A_91 = arith.constant 8 : i32
        %eq3A_92 = arith.constant 0 : i32
        %eq3A_93 = arith.cmpi eq, %jit3A_91, %eq3A_92 : i32
        %jit3A_94 = arith.constant 1 : i32
        %select_n3A_95 = arith.select %eq3A_93, %jit3A_94, %jit3A_91 : i32
        %rem3A_96 = arith.remsi %while3A_74, %select_n3A_95 : i32
        %ne3A_97 = arith.constant 0 : i32
        %ne3A_98 = arith.cmpi ne, %rem3A_96, %ne3A_97 : i32
        %lt3A = arith.constant 0 : i32
        %lt3A_99 = arith.cmpi slt, %rem3A_96, %lt3A : i32
        %lt3A_100 = arith.constant 0 : i32
        %lt3A_101 = arith.cmpi slt, %select_n3A_95, %lt3A_100 : i32
        %ne3A_102 = arith.xori %lt3A_99, %lt3A_101 : i1
        %and3A_103 = arith.andi %ne3A_102, %ne3A_98 : i1
        %add3A_104 = arith.addi %rem3A_96, %select_n3A_95 : i32
        %select_n3A_105 = arith.select %and3A_103, %add3A_104, %rem3A_96 : i32
        %mul3A_106 = arith.constant 16 : i32
        %mul3A_107 = arith.muli %select_n3A_105, %mul3A_106 : i32
        %get3A_108 = arith.index_cast %select_n3A : i32 to index
        %get3A_109 = arith.index_cast %mul3A_107 : i32 to index
        %get3A_110 = tpu.vector_load %arg11[%get3A_108, %get3A_109] {strides = array<i32>} : memref<158x128xi32, #tpu.memory_space<vmem>>, vector<1x16xi32>,
        %get3A_111 = vector.shape_cast %get3A_110 : vector<1x16xi32> to vector<16xi32>
        %ge3A = arith.constant 0 : i32
        %ge3A_112 = vector.broadcast %ge3A : i32 to vector<16xi32>
        %ge3A_113 = arith.cmpi sge, %get3A_111, %ge3A_112 : vector<16xi32>
        %lt3A_114 = arith.constant 5120 : i32
        %lt3A_115 = vector.broadcast %lt3A_114 : i32 to vector<16xi32>
        %lt3A_116 = arith.cmpi slt, %get3A_111, %lt3A_115 : vector<16xi32>
        %and3A_117 = arith.andi %ge3A_113, %lt3A_116 : vector<16xi1>
        %sub3A_118 = arith.constant 0 : i32
        %sub3A_119 = vector.broadcast %sub3A_118 : i32 to vector<16xi32>
        %sub3A_120 = arith.subi %get3A_111, %sub3A_119 : vector<16xi32>
        %jit3A_121 = arith.constant 5120 : i32
        %broadcast_in_dim3A = vector.broadcast %jit3A_121 : i32 to vector<16xi32>
        %select_n3A_122 = arith.select %and3A_117, %sub3A_120, %broadcast_in_dim3A : vector<16xi1>, vector<16xi32>
        %swap3A = arith.index_cast %select_n3A : i32 to index
        %swap3A_123 = arith.index_cast %mul3A_107 : i32 to index
        %swap3A_124 = tpu.vector_load %arg12[%swap3A, %swap3A_123] {strides = array<i32>} : memref<158x128xi32, #tpu.memory_space<vmem>>, vector<1x16xi32>,
        %swap3A_125 = vector.shape_cast %swap3A_124 : vector<1x16xi32> to vector<16xi32>
        %swap3A_126 = vector.shape_cast %select_n3A_122 : vector<16xi32> to vector<1x16xi32>
        tpu.vector_store %arg12[%swap3A, %swap3A_123], %swap3A_126 {strides = array<i32>} : memref<158x128xi32, #tpu.memory_space<vmem>>, vector<1x16xi32>,
      }
      %mul3A_21 = arith.constant 328 : i32
      %mul3A_22 = arith.muli %arg1, %mul3A_21 : i32
      "tpu.region"() ({
        %run_scoped3A = tpu.sem_alloc : memref<!tpu.dma_semaphore, #tpu.memory_space<semaphore_mem>>
        %dma_start3A = arith.constant 0 : i32
        %dma_start3A_74 = tpu.memref_slice %arg15[%mul3A_22, %dma_start3A] : memref<5248x128xf32, #tpu.memory_space<vmem_shared>> -> memref<328x128xf32, #tpu.memory_space<vmem_shared>>
        tpu.enqueue_dma source(%arg6 : memref<328x128xf32, #tpu.memory_space<hbm>>) target(%dma_start3A_74 : memref<328x128xf32, #tpu.memory_space<vmem_shared>>) target_semaphore(%run_scoped3A : memref<!tpu.dma_semaphore, #tpu.memory_space<semaphore_mem>>)
        %dma_wait3A = arith.constant 0 : i32
        %dma_wait3A_75 = tpu.memref_slice %arg15[%mul3A_22, %dma_wait3A] : memref<5248x128xf32, #tpu.memory_space<vmem_shared>> -> memref<328x128xf32, #tpu.memory_space<vmem_shared>>
        tpu.wait_dma2 semaphore(%run_scoped3A : memref<!tpu.dma_semaphore, #tpu.memory_space<semaphore_mem>>) src(%arg6 : memref<328x128xf32, #tpu.memory_space<hbm>>) dst(%dma_wait3A_75 : memref<328x128xf32, #tpu.memory_space<vmem_shared>>)
        tpu.yield
      }) : () -> ()
      %barrier3A = arith.constant 0 : index
      tpu.barrier barrier_id(%barrier3A)
      %while3A_23 = arith.constant 0 : i32
      %while3A_24 = arith.constant 0 : i32
      %while3A_25 = arith.subi %squeeze3A, %while3A_24 : i32
      %while3A_26 = arith.addi %while3A_24, %while3A_25 : i32
      %while3A_27 = arith.constant 1 : i32
      %while3A_28 = arith.divsi %while3A_25, %while3A_27 : i32
      %while3A_29 = arith.muli %while3A_28, %while3A_27 : i32
      %while3A_30 = arith.addi %while3A_24, %while3A_29 : i32
      %while3A_31 = arith.constant 1 : i32
      scf.for %while3A_74 = %while3A_24 to %while3A_30 step %while3A_31  : i32 {
        "tpu.region"() ({
          %run_scoped3A = tpu.sem_alloc : memref<!tpu.dma_semaphore, #tpu.memory_space<semaphore_mem>>
          %dma_start3A = arith.constant 0 : i32
          %dma_start3A_75 = tpu.memref_slice %arg10[%while3A_74, %dma_start3A] : memref<158x128xi32, #tpu.memory_space<vmem>> -> memref<1x128xi32, #tpu.memory_space<vmem>>
          %dma_start3A_76 = tpu.memref_squeeze %dma_start3A_75 : memref<1x128xi32, #tpu.memory_space<vmem>> -> memref<128xi32, #tpu.memory_space<vmem>>
          %dma_start3A_77 = arith.constant 0 : i32
          %dma_start3A_78 = arith.constant 0 : i32
          %dma_start3A_79 = tpu.memref_slice %arg2[%dma_start3A_77, %dma_start3A_78] : memref<10240x128xf32, #tpu.memory_space<hbm>> -> memref<10240x128xf32, #tpu.memory_space<hbm>>
          tpu.enqueue_indirect_dma source(%dma_start3A_79 : memref<10240x128xf32, #tpu.memory_space<hbm>>) target(%arg13 : memref<128x128xf32, #tpu.memory_space<vmem>>) offsets(%dma_start3A_76 : memref<128xi32, #tpu.memory_space<vmem>>) semaphore(%run_scoped3A : memref<!tpu.dma_semaphore, #tpu.memory_space<semaphore_mem>>)
          %dma_wait3A = arith.constant 0 : i32
          %dma_wait3A_80 = tpu.memref_slice %arg10[%while3A_74, %dma_wait3A] : memref<158x128xi32, #tpu.memory_space<vmem>> -> memref<1x128xi32, #tpu.memory_space<vmem>>
          %dma_wait3A_81 = tpu.memref_squeeze %dma_wait3A_80 : memref<1x128xi32, #tpu.memory_space<vmem>> -> memref<128xi32, #tpu.memory_space<vmem>>
          %dma_wait3A_82 = arith.constant 0 : i32
          %dma_wait3A_83 = arith.constant 0 : i32
          %dma_wait3A_84 = tpu.memref_slice %arg2[%dma_wait3A_82, %dma_wait3A_83] : memref<10240x128xf32, #tpu.memory_space<hbm>> -> memref<10240x128xf32, #tpu.memory_space<hbm>>
          tpu.wait_indirect_dma semaphore(%run_scoped3A : memref<!tpu.dma_semaphore, #tpu.memory_space<semaphore_mem>>) src(%dma_wait3A_84 : memref<10240x128xf32, #tpu.memory_space<hbm>>) dst(%arg13 : memref<128x128xf32, #tpu.memory_space<vmem>>)
          tpu.yield
        }) : () -> ()
        "tpu.region"() ({
          %run_scoped3A = tpu.sem_alloc : memref<!tpu.dma_semaphore, #tpu.memory_space<semaphore_mem>>
          %dma_start3A = arith.constant 0 : i32
          %dma_start3A_75 = tpu.memref_slice %arg12[%while3A_74, %dma_start3A] : memref<158x128xi32, #tpu.memory_space<vmem>> -> memref<1x128xi32, #tpu.memory_space<vmem>>
          %dma_start3A_76 = tpu.memref_squeeze %dma_start3A_75 : memref<1x128xi32, #tpu.memory_space<vmem>> -> memref<128xi32, #tpu.memory_space<vmem>>
          %dma_start3A_77 = arith.constant 0 : i32
          %dma_start3A_78 = arith.constant 0 : i32
          %dma_start3A_79 = tpu.memref_slice %arg15[%dma_start3A_77, %dma_start3A_78] : memref<5248x128xf32, #tpu.memory_space<vmem_shared>> -> memref<5248x128xf32, #tpu.memory_space<vmem_shared>>
          tpu.enqueue_indirect_dma source(%arg13 : memref<128x128xf32, #tpu.memory_space<vmem>>) target(%dma_start3A_79 : memref<5248x128xf32, #tpu.memory_space<vmem_shared>>) offsets(%dma_start3A_76 : memref<128xi32, #tpu.memory_space<vmem>>) semaphore(%run_scoped3A : memref<!tpu.dma_semaphore, #tpu.memory_space<semaphore_mem>>) {add = true}
          %dma_wait3A = arith.constant 0 : i32
          %dma_wait3A_80 = tpu.memref_slice %arg12[%while3A_74, %dma_wait3A] : memref<158x128xi32, #tpu.memory_space<vmem>> -> memref<1x128xi32, #tpu.memory_space<vmem>>
          %dma_wait3A_81 = tpu.memref_squeeze %dma_wait3A_80 : memref<1x128xi32, #tpu.memory_space<vmem>> -> memref<128xi32, #tpu.memory_space<vmem>>
          %dma_wait3A_82 = arith.constant 0 : i32
          %dma_wait3A_83 = arith.constant 0 : i32
          %dma_wait3A_84 = tpu.memref_slice %arg15[%dma_wait3A_82, %dma_wait3A_83] : memref<5248x128xf32, #tpu.memory_space<vmem_shared>> -> memref<5248x128xf32, #tpu.memory_space<vmem_shared>>
          tpu.wait_indirect_dma semaphore(%run_scoped3A : memref<!tpu.dma_semaphore, #tpu.memory_space<semaphore_mem>>) src(%arg13 : memref<128x128xf32, #tpu.memory_space<vmem>>) dst(%dma_wait3A_84 : memref<5248x128xf32, #tpu.memory_space<vmem_shared>>)
          tpu.yield
        }) : () -> ()
      }
      %while3A_32 = arith.constant 1 : i32
      scf.for %while3A_74 = %while3A_30 to %while3A_26 step %while3A_32  : i32 {
        "tpu.region"() ({
          %run_scoped3A = tpu.sem_alloc : memref<!tpu.dma_semaphore, #tpu.memory_space<semaphore_mem>>
          %dma_start3A = arith.constant 0 : i32
          %dma_start3A_75 = tpu.memref_slice %arg10[%while3A_74, %dma_start3A] : memref<158x128xi32, #tpu.memory_space<vmem>> -> memref<1x128xi32, #tpu.memory_space<vmem>>
          %dma_start3A_76 = tpu.memref_squeeze %dma_start3A_75 : memref<1x128xi32, #tpu.memory_space<vmem>> -> memref<128xi32, #tpu.memory_space<vmem>>
          %dma_start3A_77 = arith.constant 0 : i32
          %dma_start3A_78 = arith.constant 0 : i32
          %dma_start3A_79 = tpu.memref_slice %arg2[%dma_start3A_77, %dma_start3A_78] : memref<10240x128xf32, #tpu.memory_space<hbm>> -> memref<10240x128xf32, #tpu.memory_space<hbm>>
          tpu.enqueue_indirect_dma source(%dma_start3A_79 : memref<10240x128xf32, #tpu.memory_space<hbm>>) target(%arg13 : memref<128x128xf32, #tpu.memory_space<vmem>>) offsets(%dma_start3A_76 : memref<128xi32, #tpu.memory_space<vmem>>) semaphore(%run_scoped3A : memref<!tpu.dma_semaphore, #tpu.memory_space<semaphore_mem>>)
          %dma_wait3A = arith.constant 0 : i32
          %dma_wait3A_80 = tpu.memref_slice %arg10[%while3A_74, %dma_wait3A] : memref<158x128xi32, #tpu.memory_space<vmem>> -> memref<1x128xi32, #tpu.memory_space<vmem>>
          %dma_wait3A_81 = tpu.memref_squeeze %dma_wait3A_80 : memref<1x128xi32, #tpu.memory_space<vmem>> -> memref<128xi32, #tpu.memory_space<vmem>>
          %dma_wait3A_82 = arith.constant 0 : i32
          %dma_wait3A_83 = arith.constant 0 : i32
          %dma_wait3A_84 = tpu.memref_slice %arg2[%dma_wait3A_82, %dma_wait3A_83] : memref<10240x128xf32, #tpu.memory_space<hbm>> -> memref<10240x128xf32, #tpu.memory_space<hbm>>
          tpu.wait_indirect_dma semaphore(%run_scoped3A : memref<!tpu.dma_semaphore, #tpu.memory_space<semaphore_mem>>) src(%dma_wait3A_84 : memref<10240x128xf32, #tpu.memory_space<hbm>>) dst(%arg13 : memref<128x128xf32, #tpu.memory_space<vmem>>)
          tpu.yield
        }) : () -> ()
        "tpu.region"() ({
          %run_scoped3A = tpu.sem_alloc : memref<!tpu.dma_semaphore, #tpu.memory_space<semaphore_mem>>
          %dma_start3A = arith.constant 0 : i32
          %dma_start3A_75 = tpu.memref_slice %arg12[%while3A_74, %dma_start3A] : memref<158x128xi32, #tpu.memory_space<vmem>> -> memref<1x128xi32, #tpu.memory_space<vmem>>
          %dma_start3A_76 = tpu.memref_squeeze %dma_start3A_75 : memref<1x128xi32, #tpu.memory_space<vmem>> -> memref<128xi32, #tpu.memory_space<vmem>>
          %dma_start3A_77 = arith.constant 0 : i32
          %dma_start3A_78 = arith.constant 0 : i32
          %dma_start3A_79 = tpu.memref_slice %arg15[%dma_start3A_77, %dma_start3A_78] : memref<5248x128xf32, #tpu.memory_space<vmem_shared>> -> memref<5248x128xf32, #tpu.memory_space<vmem_shared>>
          tpu.enqueue_indirect_dma source(%arg13 : memref<128x128xf32, #tpu.memory_space<vmem>>) target(%dma_start3A_79 : memref<5248x128xf32, #tpu.memory_space<vmem_shared>>) offsets(%dma_start3A_76 : memref<128xi32, #tpu.memory_space<vmem>>) semaphore(%run_scoped3A : memref<!tpu.dma_semaphore, #tpu.memory_space<semaphore_mem>>) {add = true}
          %dma_wait3A = arith.constant 0 : i32
          %dma_wait3A_80 = tpu.memref_slice %arg12[%while3A_74, %dma_wait3A] : memref<158x128xi32, #tpu.memory_space<vmem>> -> memref<1x128xi32, #tpu.memory_space<vmem>>
          %dma_wait3A_81 = tpu.memref_squeeze %dma_wait3A_80 : memref<1x128xi32, #tpu.memory_space<vmem>> -> memref<128xi32, #tpu.memory_space<vmem>>
          %dma_wait3A_82 = arith.constant 0 : i32
          %dma_wait3A_83 = arith.constant 0 : i32
          %dma_wait3A_84 = tpu.memref_slice %arg15[%dma_wait3A_82, %dma_wait3A_83] : memref<5248x128xf32, #tpu.memory_space<vmem_shared>> -> memref<5248x128xf32, #tpu.memory_space<vmem_shared>>
          tpu.wait_indirect_dma semaphore(%run_scoped3A : memref<!tpu.dma_semaphore, #tpu.memory_space<semaphore_mem>>) src(%arg13 : memref<128x128xf32, #tpu.memory_space<vmem>>) dst(%dma_wait3A_84 : memref<5248x128xf32, #tpu.memory_space<vmem_shared>>)
          tpu.yield
        }) : () -> ()
      }
      %barrier3A_33 = arith.constant 0 : index
      tpu.barrier barrier_id(%barrier3A_33)
      %mul3A_34 = arith.constant 320 : i32
      %mul3A_35 = arith.muli %arg1, %mul3A_34 : i32
      %mul3A_36 = arith.constant 320 : i32
      %mul3A_37 = arith.muli %arg1, %mul3A_36 : i32
      %add3A_38 = arith.constant 0 : i32
      %add3A_39 = arith.addi %add3A_38, %mul3A_37 : i32
      "tpu.region"() ({
        %run_scoped3A = tpu.sem_alloc : memref<!tpu.dma_semaphore, #tpu.memory_space<semaphore_mem>>
        %dma_start3A = arith.constant 0 : i32
        %dma_start3A_74 = tpu.memref_slice %arg8[%add3A_39, %dma_start3A] : memref<10240x128xf32, #tpu.memory_space<hbm>> -> memref<320x128xf32, #tpu.memory_space<hbm>>
        %dma_start3A_75 = arith.constant 0 : i32
        %dma_start3A_76 = tpu.memref_slice %arg15[%mul3A_35, %dma_start3A_75] : memref<5248x128xf32, #tpu.memory_space<vmem_shared>> -> memref<320x128xf32, #tpu.memory_space<vmem_shared>>
        tpu.enqueue_dma source(%dma_start3A_76 : memref<320x128xf32, #tpu.memory_space<vmem_shared>>) target(%dma_start3A_74 : memref<320x128xf32, #tpu.memory_space<hbm>>) target_semaphore(%run_scoped3A : memref<!tpu.dma_semaphore, #tpu.memory_space<semaphore_mem>>)
        %dma_wait3A = arith.constant 0 : i32
        %dma_wait3A_77 = tpu.memref_slice %arg8[%add3A_39, %dma_wait3A] : memref<10240x128xf32, #tpu.memory_space<hbm>> -> memref<320x128xf32, #tpu.memory_space<hbm>>
        %dma_wait3A_78 = arith.constant 0 : i32
        %dma_wait3A_79 = tpu.memref_slice %arg15[%mul3A_35, %dma_wait3A_78] : memref<5248x128xf32, #tpu.memory_space<vmem_shared>> -> memref<320x128xf32, #tpu.memory_space<vmem_shared>>
        tpu.wait_dma2 semaphore(%run_scoped3A : memref<!tpu.dma_semaphore, #tpu.memory_space<semaphore_mem>>) src(%dma_wait3A_79 : memref<320x128xf32, #tpu.memory_space<vmem_shared>>) dst(%dma_wait3A_77 : memref<320x128xf32, #tpu.memory_space<hbm>>)
        tpu.yield
      }) : () -> ()
      %barrier3A_40 = arith.constant 0 : index
      tpu.barrier barrier_id(%barrier3A_40)
      %mul3A_41 = arith.constant 8 : i32
      %mul3A_42 = arith.muli %squeeze3A, %mul3A_41 : i32
      %while3A_43 = arith.constant 0 : i32
      %while3A_44 = arith.constant 0 : i32
      %while3A_45 = arith.subi %mul3A_42, %while3A_44 : i32
      %while3A_46 = arith.addi %while3A_44, %while3A_45 : i32
      %while3A_47 = arith.constant 1 : i32
      %while3A_48 = arith.divsi %while3A_45, %while3A_47 : i32
      %while3A_49 = arith.muli %while3A_48, %while3A_47 : i32
      %while3A_50 = arith.addi %while3A_44, %while3A_49 : i32
      %while3A_51 = arith.constant 1 : i32
      scf.for %while3A_74 = %while3A_44 to %while3A_50 step %while3A_51  : i32 {
        %jit3A = arith.constant 8 : i32
        %div3A = arith.divsi %while3A_74, %jit3A : i32
        %sign3A = arith.constant 0 : i32
        %sign3A_75 = arith.cmpi sgt, %while3A_74, %sign3A : i32
        %sign3A_76 = arith.extui %sign3A_75 : i1 to i32
        %sign3A_77 = arith.constant 0 : i32
        %sign3A_78 = arith.cmpi slt, %while3A_74, %sign3A_77 : i32
        %sign3A_79 = arith.extui %sign3A_78 : i1 to i32
        %sign3A_80 = arith.subi %sign3A_76, %sign3A_79 : i32
        %sign3A_81 = arith.constant 0 : i32
        %sign3A_82 = arith.cmpi sgt, %jit3A, %sign3A_81 : i32
        %sign3A_83 = arith.extui %sign3A_82 : i1 to i32
        %sign3A_84 = arith.constant 0 : i32
        %sign3A_85 = arith.cmpi slt, %jit3A, %sign3A_84 : i32
        %sign3A_86 = arith.extui %sign3A_85 : i1 to i32
        %sign3A_87 = arith.subi %sign3A_83, %sign3A_86 : i32
        %ne3A = arith.cmpi ne, %sign3A_80, %sign3A_87 : i32
        %rem3A = arith.remsi %while3A_74, %jit3A : i32
        %ne3A_88 = arith.constant 0 : i32
        %ne3A_89 = arith.cmpi ne, %rem3A, %ne3A_88 : i32
        %and3A = arith.andi %ne3A, %ne3A_89 : i1
        %sub3A = arith.constant 1 : i32
        %sub3A_90 = arith.subi %div3A, %sub3A : i32
        %select_n3A = arith.select %and3A, %sub3A_90, %div3A : i32
        %jit3A_91 = arith.constant 8 : i32
        %eq3A_92 = arith.constant 0 : i32
        %eq3A_93 = arith.cmpi eq, %jit3A_91, %eq3A_92 : i32
        %jit3A_94 = arith.constant 1 : i32
        %select_n3A_95 = arith.select %eq3A_93, %jit3A_94, %jit3A_91 : i32
        %rem3A_96 = arith.remsi %while3A_74, %select_n3A_95 : i32
        %ne3A_97 = arith.constant 0 : i32
        %ne3A_98 = arith.cmpi ne, %rem3A_96, %ne3A_97 : i32
        %lt3A = arith.constant 0 : i32
        %lt3A_99 = arith.cmpi slt, %rem3A_96, %lt3A : i32
        %lt3A_100 = arith.constant 0 : i32
        %lt3A_101 = arith.cmpi slt, %select_n3A_95, %lt3A_100 : i32
        %ne3A_102 = arith.xori %lt3A_99, %lt3A_101 : i1
        %and3A_103 = arith.andi %ne3A_102, %ne3A_98 : i1
        %add3A_104 = arith.addi %rem3A_96, %select_n3A_95 : i32
        %select_n3A_105 = arith.select %and3A_103, %add3A_104, %rem3A_96 : i32
        %mul3A_106 = arith.constant 16 : i32
        %mul3A_107 = arith.muli %select_n3A_105, %mul3A_106 : i32
        %get3A_108 = arith.index_cast %select_n3A : i32 to index
        %get3A_109 = arith.index_cast %mul3A_107 : i32 to index
        %get3A_110 = tpu.vector_load %arg11[%get3A_108, %get3A_109] {strides = array<i32>} : memref<158x128xi32, #tpu.memory_space<vmem>>, vector<1x16xi32>,
        %get3A_111 = vector.shape_cast %get3A_110 : vector<1x16xi32> to vector<16xi32>
        %ge3A = arith.constant 5120 : i32
        %ge3A_112 = vector.broadcast %ge3A : i32 to vector<16xi32>
        %ge3A_113 = arith.cmpi sge, %get3A_111, %ge3A_112 : vector<16xi32>
        %lt3A_114 = arith.constant 10240 : i32
        %lt3A_115 = vector.broadcast %lt3A_114 : i32 to vector<16xi32>
        %lt3A_116 = arith.cmpi slt, %get3A_111, %lt3A_115 : vector<16xi32>
        %and3A_117 = arith.andi %ge3A_113, %lt3A_116 : vector<16xi1>
        %sub3A_118 = arith.constant 5120 : i32
        %sub3A_119 = vector.broadcast %sub3A_118 : i32 to vector<16xi32>
        %sub3A_120 = arith.subi %get3A_111, %sub3A_119 : vector<16xi32>
        %jit3A_121 = arith.constant 5120 : i32
        %broadcast_in_dim3A = vector.broadcast %jit3A_121 : i32 to vector<16xi32>
        %select_n3A_122 = arith.select %and3A_117, %sub3A_120, %broadcast_in_dim3A : vector<16xi1>, vector<16xi32>
        %swap3A = arith.index_cast %select_n3A : i32 to index
        %swap3A_123 = arith.index_cast %mul3A_107 : i32 to index
        %swap3A_124 = tpu.vector_load %arg12[%swap3A, %swap3A_123] {strides = array<i32>} : memref<158x128xi32, #tpu.memory_space<vmem>>, vector<1x16xi32>,
        %swap3A_125 = vector.shape_cast %swap3A_124 : vector<1x16xi32> to vector<16xi32>
        %swap3A_126 = vector.shape_cast %select_n3A_122 : vector<16xi32> to vector<1x16xi32>
        tpu.vector_store %arg12[%swap3A, %swap3A_123], %swap3A_126 {strides = array<i32>} : memref<158x128xi32, #tpu.memory_space<vmem>>, vector<1x16xi32>,
      }
      %while3A_52 = arith.constant 1 : i32
      scf.for %while3A_74 = %while3A_50 to %while3A_46 step %while3A_52  : i32 {
        %jit3A = arith.constant 8 : i32
        %div3A = arith.divsi %while3A_74, %jit3A : i32
        %sign3A = arith.constant 0 : i32
        %sign3A_75 = arith.cmpi sgt, %while3A_74, %sign3A : i32
        %sign3A_76 = arith.extui %sign3A_75 : i1 to i32
        %sign3A_77 = arith.constant 0 : i32
        %sign3A_78 = arith.cmpi slt, %while3A_74, %sign3A_77 : i32
        %sign3A_79 = arith.extui %sign3A_78 : i1 to i32
        %sign3A_80 = arith.subi %sign3A_76, %sign3A_79 : i32
        %sign3A_81 = arith.constant 0 : i32
        %sign3A_82 = arith.cmpi sgt, %jit3A, %sign3A_81 : i32
        %sign3A_83 = arith.extui %sign3A_82 : i1 to i32
        %sign3A_84 = arith.constant 0 : i32
        %sign3A_85 = arith.cmpi slt, %jit3A, %sign3A_84 : i32
        %sign3A_86 = arith.extui %sign3A_85 : i1 to i32
        %sign3A_87 = arith.subi %sign3A_83, %sign3A_86 : i32
        %ne3A = arith.cmpi ne, %sign3A_80, %sign3A_87 : i32
        %rem3A = arith.remsi %while3A_74, %jit3A : i32
        %ne3A_88 = arith.constant 0 : i32
        %ne3A_89 = arith.cmpi ne, %rem3A, %ne3A_88 : i32
        %and3A = arith.andi %ne3A, %ne3A_89 : i1
        %sub3A = arith.constant 1 : i32
        %sub3A_90 = arith.subi %div3A, %sub3A : i32
        %select_n3A = arith.select %and3A, %sub3A_90, %div3A : i32
        %jit3A_91 = arith.constant 8 : i32
        %eq3A_92 = arith.constant 0 : i32
        %eq3A_93 = arith.cmpi eq, %jit3A_91, %eq3A_92 : i32
        %jit3A_94 = arith.constant 1 : i32
        %select_n3A_95 = arith.select %eq3A_93, %jit3A_94, %jit3A_91 : i32
        %rem3A_96 = arith.remsi %while3A_74, %select_n3A_95 : i32
        %ne3A_97 = arith.constant 0 : i32
        %ne3A_98 = arith.cmpi ne, %rem3A_96, %ne3A_97 : i32
        %lt3A = arith.constant 0 : i32
        %lt3A_99 = arith.cmpi slt, %rem3A_96, %lt3A : i32
        %lt3A_100 = arith.constant 0 : i32
        %lt3A_101 = arith.cmpi slt, %select_n3A_95, %lt3A_100 : i32
        %ne3A_102 = arith.xori %lt3A_99, %lt3A_101 : i1
        %and3A_103 = arith.andi %ne3A_102, %ne3A_98 : i1
        %add3A_104 = arith.addi %rem3A_96, %select_n3A_95 : i32
        %select_n3A_105 = arith.select %and3A_103, %add3A_104, %rem3A_96 : i32
        %mul3A_106 = arith.constant 16 : i32
        %mul3A_107 = arith.muli %select_n3A_105, %mul3A_106 : i32
        %get3A_108 = arith.index_cast %select_n3A : i32 to index
        %get3A_109 = arith.index_cast %mul3A_107 : i32 to index
        %get3A_110 = tpu.vector_load %arg11[%get3A_108, %get3A_109] {strides = array<i32>} : memref<158x128xi32, #tpu.memory_space<vmem>>, vector<1x16xi32>,
        %get3A_111 = vector.shape_cast %get3A_110 : vector<1x16xi32> to vector<16xi32>
        %ge3A = arith.constant 5120 : i32
        %ge3A_112 = vector.broadcast %ge3A : i32 to vector<16xi32>
        %ge3A_113 = arith.cmpi sge, %get3A_111, %ge3A_112 : vector<16xi32>
        %lt3A_114 = arith.constant 10240 : i32
        %lt3A_115 = vector.broadcast %lt3A_114 : i32 to vector<16xi32>
        %lt3A_116 = arith.cmpi slt, %get3A_111, %lt3A_115 : vector<16xi32>
        %and3A_117 = arith.andi %ge3A_113, %lt3A_116 : vector<16xi1>
        %sub3A_118 = arith.constant 5120 : i32
        %sub3A_119 = vector.broadcast %sub3A_118 : i32 to vector<16xi32>
        %sub3A_120 = arith.subi %get3A_111, %sub3A_119 : vector<16xi32>
        %jit3A_121 = arith.constant 5120 : i32
        %broadcast_in_dim3A = vector.broadcast %jit3A_121 : i32 to vector<16xi32>
        %select_n3A_122 = arith.select %and3A_117, %sub3A_120, %broadcast_in_dim3A : vector<16xi1>, vector<16xi32>
        %swap3A = arith.index_cast %select_n3A : i32 to index
        %swap3A_123 = arith.index_cast %mul3A_107 : i32 to index
        %swap3A_124 = tpu.vector_load %arg12[%swap3A, %swap3A_123] {strides = array<i32>} : memref<158x128xi32, #tpu.memory_space<vmem>>, vector<1x16xi32>,
        %swap3A_125 = vector.shape_cast %swap3A_124 : vector<1x16xi32> to vector<16xi32>
        %swap3A_126 = vector.shape_cast %select_n3A_122 : vector<16xi32> to vector<1x16xi32>
        tpu.vector_store %arg12[%swap3A, %swap3A_123], %swap3A_126 {strides = array<i32>} : memref<158x128xi32, #tpu.memory_space<vmem>>, vector<1x16xi32>,
      }
      %mul3A_53 = arith.constant 328 : i32
      %mul3A_54 = arith.muli %arg1, %mul3A_53 : i32
      "tpu.region"() ({
        %run_scoped3A = tpu.sem_alloc : memref<!tpu.dma_semaphore, #tpu.memory_space<semaphore_mem>>
        %dma_start3A = arith.constant 0 : i32
        %dma_start3A_74 = tpu.memref_slice %arg15[%mul3A_54, %dma_start3A] : memref<5248x128xf32, #tpu.memory_space<vmem_shared>> -> memref<328x128xf32, #tpu.memory_space<vmem_shared>>
        tpu.enqueue_dma source(%arg6 : memref<328x128xf32, #tpu.memory_space<hbm>>) target(%dma_start3A_74 : memref<328x128xf32, #tpu.memory_space<vmem_shared>>) target_semaphore(%run_scoped3A : memref<!tpu.dma_semaphore, #tpu.memory_space<semaphore_mem>>)
        %dma_wait3A = arith.constant 0 : i32
        %dma_wait3A_75 = tpu.memref_slice %arg15[%mul3A_54, %dma_wait3A] : memref<5248x128xf32, #tpu.memory_space<vmem_shared>> -> memref<328x128xf32, #tpu.memory_space<vmem_shared>>
        tpu.wait_dma2 semaphore(%run_scoped3A : memref<!tpu.dma_semaphore, #tpu.memory_space<semaphore_mem>>) src(%arg6 : memref<328x128xf32, #tpu.memory_space<hbm>>) dst(%dma_wait3A_75 : memref<328x128xf32, #tpu.memory_space<vmem_shared>>)
        tpu.yield
      }) : () -> ()
      %barrier3A_55 = arith.constant 0 : index
      tpu.barrier barrier_id(%barrier3A_55)
      %while3A_56 = arith.constant 0 : i32
      %while3A_57 = arith.constant 0 : i32
      %while3A_58 = arith.subi %squeeze3A, %while3A_57 : i32
      %while3A_59 = arith.addi %while3A_57, %while3A_58 : i32
      %while3A_60 = arith.constant 1 : i32
      %while3A_61 = arith.divsi %while3A_58, %while3A_60 : i32
      %while3A_62 = arith.muli %while3A_61, %while3A_60 : i32
      %while3A_63 = arith.addi %while3A_57, %while3A_62 : i32
      %while3A_64 = arith.constant 1 : i32
      scf.for %while3A_74 = %while3A_57 to %while3A_63 step %while3A_64  : i32 {
        "tpu.region"() ({
          %run_scoped3A = tpu.sem_alloc : memref<!tpu.dma_semaphore, #tpu.memory_space<semaphore_mem>>
          %dma_start3A = arith.constant 0 : i32
          %dma_start3A_75 = tpu.memref_slice %arg10[%while3A_74, %dma_start3A] : memref<158x128xi32, #tpu.memory_space<vmem>> -> memref<1x128xi32, #tpu.memory_space<vmem>>
          %dma_start3A_76 = tpu.memref_squeeze %dma_start3A_75 : memref<1x128xi32, #tpu.memory_space<vmem>> -> memref<128xi32, #tpu.memory_space<vmem>>
          %dma_start3A_77 = arith.constant 0 : i32
          %dma_start3A_78 = arith.constant 0 : i32
          %dma_start3A_79 = tpu.memref_slice %arg2[%dma_start3A_77, %dma_start3A_78] : memref<10240x128xf32, #tpu.memory_space<hbm>> -> memref<10240x128xf32, #tpu.memory_space<hbm>>
          tpu.enqueue_indirect_dma source(%dma_start3A_79 : memref<10240x128xf32, #tpu.memory_space<hbm>>) target(%arg13 : memref<128x128xf32, #tpu.memory_space<vmem>>) offsets(%dma_start3A_76 : memref<128xi32, #tpu.memory_space<vmem>>) semaphore(%run_scoped3A : memref<!tpu.dma_semaphore, #tpu.memory_space<semaphore_mem>>)
          %dma_wait3A = arith.constant 0 : i32
          %dma_wait3A_80 = tpu.memref_slice %arg10[%while3A_74, %dma_wait3A] : memref<158x128xi32, #tpu.memory_space<vmem>> -> memref<1x128xi32, #tpu.memory_space<vmem>>
          %dma_wait3A_81 = tpu.memref_squeeze %dma_wait3A_80 : memref<1x128xi32, #tpu.memory_space<vmem>> -> memref<128xi32, #tpu.memory_space<vmem>>
          %dma_wait3A_82 = arith.constant 0 : i32
          %dma_wait3A_83 = arith.constant 0 : i32
          %dma_wait3A_84 = tpu.memref_slice %arg2[%dma_wait3A_82, %dma_wait3A_83] : memref<10240x128xf32, #tpu.memory_space<hbm>> -> memref<10240x128xf32, #tpu.memory_space<hbm>>
          tpu.wait_indirect_dma semaphore(%run_scoped3A : memref<!tpu.dma_semaphore, #tpu.memory_space<semaphore_mem>>) src(%dma_wait3A_84 : memref<10240x128xf32, #tpu.memory_space<hbm>>) dst(%arg13 : memref<128x128xf32, #tpu.memory_space<vmem>>)
          tpu.yield
        }) : () -> ()
        "tpu.region"() ({
          %run_scoped3A = tpu.sem_alloc : memref<!tpu.dma_semaphore, #tpu.memory_space<semaphore_mem>>
          %dma_start3A = arith.constant 0 : i32
          %dma_start3A_75 = tpu.memref_slice %arg12[%while3A_74, %dma_start3A] : memref<158x128xi32, #tpu.memory_space<vmem>> -> memref<1x128xi32, #tpu.memory_space<vmem>>
          %dma_start3A_76 = tpu.memref_squeeze %dma_start3A_75 : memref<1x128xi32, #tpu.memory_space<vmem>> -> memref<128xi32, #tpu.memory_space<vmem>>
          %dma_start3A_77 = arith.constant 0 : i32
          %dma_start3A_78 = arith.constant 0 : i32
          %dma_start3A_79 = tpu.memref_slice %arg15[%dma_start3A_77, %dma_start3A_78] : memref<5248x128xf32, #tpu.memory_space<vmem_shared>> -> memref<5248x128xf32, #tpu.memory_space<vmem_shared>>
          tpu.enqueue_indirect_dma source(%arg13 : memref<128x128xf32, #tpu.memory_space<vmem>>) target(%dma_start3A_79 : memref<5248x128xf32, #tpu.memory_space<vmem_shared>>) offsets(%dma_start3A_76 : memref<128xi32, #tpu.memory_space<vmem>>) semaphore(%run_scoped3A : memref<!tpu.dma_semaphore, #tpu.memory_space<semaphore_mem>>) {add = true}
          %dma_wait3A = arith.constant 0 : i32
          %dma_wait3A_80 = tpu.memref_slice %arg12[%while3A_74, %dma_wait3A] : memref<158x128xi32, #tpu.memory_space<vmem>> -> memref<1x128xi32, #tpu.memory_space<vmem>>
          %dma_wait3A_81 = tpu.memref_squeeze %dma_wait3A_80 : memref<1x128xi32, #tpu.memory_space<vmem>> -> memref<128xi32, #tpu.memory_space<vmem>>
          %dma_wait3A_82 = arith.constant 0 : i32
          %dma_wait3A_83 = arith.constant 0 : i32
          %dma_wait3A_84 = tpu.memref_slice %arg15[%dma_wait3A_82, %dma_wait3A_83] : memref<5248x128xf32, #tpu.memory_space<vmem_shared>> -> memref<5248x128xf32, #tpu.memory_space<vmem_shared>>
          tpu.wait_indirect_dma semaphore(%run_scoped3A : memref<!tpu.dma_semaphore, #tpu.memory_space<semaphore_mem>>) src(%arg13 : memref<128x128xf32, #tpu.memory_space<vmem>>) dst(%dma_wait3A_84 : memref<5248x128xf32, #tpu.memory_space<vmem_shared>>)
          tpu.yield
        }) : () -> ()
      }
      %while3A_65 = arith.constant 1 : i32
      scf.for %while3A_74 = %while3A_63 to %while3A_59 step %while3A_65  : i32 {
        "tpu.region"() ({
          %run_scoped3A = tpu.sem_alloc : memref<!tpu.dma_semaphore, #tpu.memory_space<semaphore_mem>>
          %dma_start3A = arith.constant 0 : i32
          %dma_start3A_75 = tpu.memref_slice %arg10[%while3A_74, %dma_start3A] : memref<158x128xi32, #tpu.memory_space<vmem>> -> memref<1x128xi32, #tpu.memory_space<vmem>>
          %dma_start3A_76 = tpu.memref_squeeze %dma_start3A_75 : memref<1x128xi32, #tpu.memory_space<vmem>> -> memref<128xi32, #tpu.memory_space<vmem>>
          %dma_start3A_77 = arith.constant 0 : i32
          %dma_start3A_78 = arith.constant 0 : i32
          %dma_start3A_79 = tpu.memref_slice %arg2[%dma_start3A_77, %dma_start3A_78] : memref<10240x128xf32, #tpu.memory_space<hbm>> -> memref<10240x128xf32, #tpu.memory_space<hbm>>
          tpu.enqueue_indirect_dma source(%dma_start3A_79 : memref<10240x128xf32, #tpu.memory_space<hbm>>) target(%arg13 : memref<128x128xf32, #tpu.memory_space<vmem>>) offsets(%dma_start3A_76 : memref<128xi32, #tpu.memory_space<vmem>>) semaphore(%run_scoped3A : memref<!tpu.dma_semaphore, #tpu.memory_space<semaphore_mem>>)
          %dma_wait3A = arith.constant 0 : i32
          %dma_wait3A_80 = tpu.memref_slice %arg10[%while3A_74, %dma_wait3A] : memref<158x128xi32, #tpu.memory_space<vmem>> -> memref<1x128xi32, #tpu.memory_space<vmem>>
          %dma_wait3A_81 = tpu.memref_squeeze %dma_wait3A_80 : memref<1x128xi32, #tpu.memory_space<vmem>> -> memref<128xi32, #tpu.memory_space<vmem>>
          %dma_wait3A_82 = arith.constant 0 : i32
          %dma_wait3A_83 = arith.constant 0 : i32
          %dma_wait3A_84 = tpu.memref_slice %arg2[%dma_wait3A_82, %dma_wait3A_83] : memref<10240x128xf32, #tpu.memory_space<hbm>> -> memref<10240x128xf32, #tpu.memory_space<hbm>>
          tpu.wait_indirect_dma semaphore(%run_scoped3A : memref<!tpu.dma_semaphore, #tpu.memory_space<semaphore_mem>>) src(%dma_wait3A_84 : memref<10240x128xf32, #tpu.memory_space<hbm>>) dst(%arg13 : memref<128x128xf32, #tpu.memory_space<vmem>>)
          tpu.yield
        }) : () -> ()
        "tpu.region"() ({
          %run_scoped3A = tpu.sem_alloc : memref<!tpu.dma_semaphore, #tpu.memory_space<semaphore_mem>>
          %dma_start3A = arith.constant 0 : i32
          %dma_start3A_75 = tpu.memref_slice %arg12[%while3A_74, %dma_start3A] : memref<158x128xi32, #tpu.memory_space<vmem>> -> memref<1x128xi32, #tpu.memory_space<vmem>>
          %dma_start3A_76 = tpu.memref_squeeze %dma_start3A_75 : memref<1x128xi32, #tpu.memory_space<vmem>> -> memref<128xi32, #tpu.memory_space<vmem>>
          %dma_start3A_77 = arith.constant 0 : i32
          %dma_start3A_78 = arith.constant 0 : i32
          %dma_start3A_79 = tpu.memref_slice %arg15[%dma_start3A_77, %dma_start3A_78] : memref<5248x128xf32, #tpu.memory_space<vmem_shared>> -> memref<5248x128xf32, #tpu.memory_space<vmem_shared>>
          tpu.enqueue_indirect_dma source(%arg13 : memref<128x128xf32, #tpu.memory_space<vmem>>) target(%dma_start3A_79 : memref<5248x128xf32, #tpu.memory_space<vmem_shared>>) offsets(%dma_start3A_76 : memref<128xi32, #tpu.memory_space<vmem>>) semaphore(%run_scoped3A : memref<!tpu.dma_semaphore, #tpu.memory_space<semaphore_mem>>) {add = true}
          %dma_wait3A = arith.constant 0 : i32
          %dma_wait3A_80 = tpu.memref_slice %arg12[%while3A_74, %dma_wait3A] : memref<158x128xi32, #tpu.memory_space<vmem>> -> memref<1x128xi32, #tpu.memory_space<vmem>>
          %dma_wait3A_81 = tpu.memref_squeeze %dma_wait3A_80 : memref<1x128xi32, #tpu.memory_space<vmem>> -> memref<128xi32, #tpu.memory_space<vmem>>
          %dma_wait3A_82 = arith.constant 0 : i32
          %dma_wait3A_83 = arith.constant 0 : i32
          %dma_wait3A_84 = tpu.memref_slice %arg15[%dma_wait3A_82, %dma_wait3A_83] : memref<5248x128xf32, #tpu.memory_space<vmem_shared>> -> memref<5248x128xf32, #tpu.memory_space<vmem_shared>>
          tpu.wait_indirect_dma semaphore(%run_scoped3A : memref<!tpu.dma_semaphore, #tpu.memory_space<semaphore_mem>>) src(%arg13 : memref<128x128xf32, #tpu.memory_space<vmem>>) dst(%dma_wait3A_84 : memref<5248x128xf32, #tpu.memory_space<vmem_shared>>)
          tpu.yield
        }) : () -> ()
      }
      %barrier3A_66 = arith.constant 0 : index
      tpu.barrier barrier_id(%barrier3A_66)
      %mul3A_67 = arith.constant 320 : i32
      %mul3A_68 = arith.muli %arg1, %mul3A_67 : i32
      %mul3A_69 = arith.constant 320 : i32
      %mul3A_70 = arith.muli %arg1, %mul3A_69 : i32
      %add3A_71 = arith.constant 5120 : i32
      %add3A_72 = arith.addi %add3A_71, %mul3A_70 : i32
      "tpu.region"() ({
        %run_scoped3A = tpu.sem_alloc : memref<!tpu.dma_semaphore, #tpu.memory_space<semaphore_mem>>
        %dma_start3A = arith.constant 0 : i32
        %dma_start3A_74 = tpu.memref_slice %arg8[%add3A_72, %dma_start3A] : memref<10240x128xf32, #tpu.memory_space<hbm>> -> memref<320x128xf32, #tpu.memory_space<hbm>>
        %dma_start3A_75 = arith.constant 0 : i32
        %dma_start3A_76 = tpu.memref_slice %arg15[%mul3A_68, %dma_start3A_75] : memref<5248x128xf32, #tpu.memory_space<vmem_shared>> -> memref<320x128xf32, #tpu.memory_space<vmem_shared>>
        tpu.enqueue_dma source(%dma_start3A_76 : memref<320x128xf32, #tpu.memory_space<vmem_shared>>) target(%dma_start3A_74 : memref<320x128xf32, #tpu.memory_space<hbm>>) target_semaphore(%run_scoped3A : memref<!tpu.dma_semaphore, #tpu.memory_space<semaphore_mem>>)
        %dma_wait3A = arith.constant 0 : i32
        %dma_wait3A_77 = tpu.memref_slice %arg8[%add3A_72, %dma_wait3A] : memref<10240x128xf32, #tpu.memory_space<hbm>> -> memref<320x128xf32, #tpu.memory_space<hbm>>
        %dma_wait3A_78 = arith.constant 0 : i32
        %dma_wait3A_79 = tpu.memref_slice %arg15[%mul3A_68, %dma_wait3A_78] : memref<5248x128xf32, #tpu.memory_space<vmem_shared>> -> memref<320x128xf32, #tpu.memory_space<vmem_shared>>
        tpu.wait_dma2 semaphore(%run_scoped3A : memref<!tpu.dma_semaphore, #tpu.memory_space<semaphore_mem>>) src(%dma_wait3A_79 : memref<320x128xf32, #tpu.memory_space<vmem_shared>>) dst(%dma_wait3A_77 : memref<320x128xf32, #tpu.memory_space<hbm>>)
        tpu.yield
      }) : () -> ()
      %barrier3A_73 = arith.constant 0 : index
      tpu.barrier barrier_id(%barrier3A_73)
    } else {
    }
    %eq3A_5 = arith.constant 1 : i32
    %eq3A_6 = arith.cmpi eq, %arg0, %eq3A_5 : i32
    %convert_element_type3A_7 = arith.extui %eq3A_6 : i1 to i32
    %cond3A_8 = arith.constant 0 : i32
    %cond3A_9 = arith.cmpi ne, %convert_element_type3A_7, %cond3A_8 : i32
    scf.if %cond3A_9 {
      %mul3A_10 = arith.constant 8 : i32
      %mul3A_11 = arith.muli %squeeze3A, %mul3A_10 : i32
      %while3A = arith.constant 0 : i32
      %while3A_12 = arith.constant 0 : i32
      %while3A_13 = arith.subi %mul3A_11, %while3A_12 : i32
      %while3A_14 = arith.addi %while3A_12, %while3A_13 : i32
      %while3A_15 = arith.constant 1 : i32
      %while3A_16 = arith.divsi %while3A_13, %while3A_15 : i32
      %while3A_17 = arith.muli %while3A_16, %while3A_15 : i32
      %while3A_18 = arith.addi %while3A_12, %while3A_17 : i32
      %while3A_19 = arith.constant 1 : i32
      scf.for %while3A_74 = %while3A_12 to %while3A_18 step %while3A_19  : i32 {
        %jit3A = arith.constant 8 : i32
        %div3A = arith.divsi %while3A_74, %jit3A : i32
        %sign3A = arith.constant 0 : i32
        %sign3A_75 = arith.cmpi sgt, %while3A_74, %sign3A : i32
        %sign3A_76 = arith.extui %sign3A_75 : i1 to i32
        %sign3A_77 = arith.constant 0 : i32
        %sign3A_78 = arith.cmpi slt, %while3A_74, %sign3A_77 : i32
        %sign3A_79 = arith.extui %sign3A_78 : i1 to i32
        %sign3A_80 = arith.subi %sign3A_76, %sign3A_79 : i32
        %sign3A_81 = arith.constant 0 : i32
        %sign3A_82 = arith.cmpi sgt, %jit3A, %sign3A_81 : i32
        %sign3A_83 = arith.extui %sign3A_82 : i1 to i32
        %sign3A_84 = arith.constant 0 : i32
        %sign3A_85 = arith.cmpi slt, %jit3A, %sign3A_84 : i32
        %sign3A_86 = arith.extui %sign3A_85 : i1 to i32
        %sign3A_87 = arith.subi %sign3A_83, %sign3A_86 : i32
        %ne3A = arith.cmpi ne, %sign3A_80, %sign3A_87 : i32
        %rem3A = arith.remsi %while3A_74, %jit3A : i32
        %ne3A_88 = arith.constant 0 : i32
        %ne3A_89 = arith.cmpi ne, %rem3A, %ne3A_88 : i32
        %and3A = arith.andi %ne3A, %ne3A_89 : i1
        %sub3A = arith.constant 1 : i32
        %sub3A_90 = arith.subi %div3A, %sub3A : i32
        %select_n3A = arith.select %and3A, %sub3A_90, %div3A : i32
        %jit3A_91 = arith.constant 8 : i32
        %eq3A_92 = arith.constant 0 : i32
        %eq3A_93 = arith.cmpi eq, %jit3A_91, %eq3A_92 : i32
        %jit3A_94 = arith.constant 1 : i32
        %select_n3A_95 = arith.select %eq3A_93, %jit3A_94, %jit3A_91 : i32
        %rem3A_96 = arith.remsi %while3A_74, %select_n3A_95 : i32
        %ne3A_97 = arith.constant 0 : i32
        %ne3A_98 = arith.cmpi ne, %rem3A_96, %ne3A_97 : i32
        %lt3A = arith.constant 0 : i32
        %lt3A_99 = arith.cmpi slt, %rem3A_96, %lt3A : i32
        %lt3A_100 = arith.constant 0 : i32
        %lt3A_101 = arith.cmpi slt, %select_n3A_95, %lt3A_100 : i32
        %ne3A_102 = arith.xori %lt3A_99, %lt3A_101 : i1
        %and3A_103 = arith.andi %ne3A_102, %ne3A_98 : i1
        %add3A_104 = arith.addi %rem3A_96, %select_n3A_95 : i32
        %select_n3A_105 = arith.select %and3A_103, %add3A_104, %rem3A_96 : i32
        %mul3A_106 = arith.constant 16 : i32
        %mul3A_107 = arith.muli %select_n3A_105, %mul3A_106 : i32
        %get3A_108 = arith.index_cast %select_n3A : i32 to index
        %get3A_109 = arith.index_cast %mul3A_107 : i32 to index
        %get3A_110 = tpu.vector_load %arg11[%get3A_108, %get3A_109] {strides = array<i32>} : memref<158x128xi32, #tpu.memory_space<vmem>>, vector<1x16xi32>,
        %get3A_111 = vector.shape_cast %get3A_110 : vector<1x16xi32> to vector<16xi32>
        %ge3A = arith.constant 0 : i32
        %ge3A_112 = vector.broadcast %ge3A : i32 to vector<16xi32>
        %ge3A_113 = arith.cmpi sge, %get3A_111, %ge3A_112 : vector<16xi32>
        %lt3A_114 = arith.constant 5120 : i32
        %lt3A_115 = vector.broadcast %lt3A_114 : i32 to vector<16xi32>
        %lt3A_116 = arith.cmpi slt, %get3A_111, %lt3A_115 : vector<16xi32>
        %and3A_117 = arith.andi %ge3A_113, %lt3A_116 : vector<16xi1>
        %sub3A_118 = arith.constant 0 : i32
        %sub3A_119 = vector.broadcast %sub3A_118 : i32 to vector<16xi32>
        %sub3A_120 = arith.subi %get3A_111, %sub3A_119 : vector<16xi32>
        %jit3A_121 = arith.constant 5120 : i32
        %broadcast_in_dim3A = vector.broadcast %jit3A_121 : i32 to vector<16xi32>
        %select_n3A_122 = arith.select %and3A_117, %sub3A_120, %broadcast_in_dim3A : vector<16xi1>, vector<16xi32>
        %swap3A = arith.index_cast %select_n3A : i32 to index
        %swap3A_123 = arith.index_cast %mul3A_107 : i32 to index
        %swap3A_124 = tpu.vector_load %arg12[%swap3A, %swap3A_123] {strides = array<i32>} : memref<158x128xi32, #tpu.memory_space<vmem>>, vector<1x16xi32>,
        %swap3A_125 = vector.shape_cast %swap3A_124 : vector<1x16xi32> to vector<16xi32>
        %swap3A_126 = vector.shape_cast %select_n3A_122 : vector<16xi32> to vector<1x16xi32>
        tpu.vector_store %arg12[%swap3A, %swap3A_123], %swap3A_126 {strides = array<i32>} : memref<158x128xi32, #tpu.memory_space<vmem>>, vector<1x16xi32>,
      }
      %while3A_20 = arith.constant 1 : i32
      scf.for %while3A_74 = %while3A_18 to %while3A_14 step %while3A_20  : i32 {
        %jit3A = arith.constant 8 : i32
        %div3A = arith.divsi %while3A_74, %jit3A : i32
        %sign3A = arith.constant 0 : i32
        %sign3A_75 = arith.cmpi sgt, %while3A_74, %sign3A : i32
        %sign3A_76 = arith.extui %sign3A_75 : i1 to i32
        %sign3A_77 = arith.constant 0 : i32
        %sign3A_78 = arith.cmpi slt, %while3A_74, %sign3A_77 : i32
        %sign3A_79 = arith.extui %sign3A_78 : i1 to i32
        %sign3A_80 = arith.subi %sign3A_76, %sign3A_79 : i32
        %sign3A_81 = arith.constant 0 : i32
        %sign3A_82 = arith.cmpi sgt, %jit3A, %sign3A_81 : i32
        %sign3A_83 = arith.extui %sign3A_82 : i1 to i32
        %sign3A_84 = arith.constant 0 : i32
        %sign3A_85 = arith.cmpi slt, %jit3A, %sign3A_84 : i32
        %sign3A_86 = arith.extui %sign3A_85 : i1 to i32
        %sign3A_87 = arith.subi %sign3A_83, %sign3A_86 : i32
        %ne3A = arith.cmpi ne, %sign3A_80, %sign3A_87 : i32
        %rem3A = arith.remsi %while3A_74, %jit3A : i32
        %ne3A_88 = arith.constant 0 : i32
        %ne3A_89 = arith.cmpi ne, %rem3A, %ne3A_88 : i32
        %and3A = arith.andi %ne3A, %ne3A_89 : i1
        %sub3A = arith.constant 1 : i32
        %sub3A_90 = arith.subi %div3A, %sub3A : i32
        %select_n3A = arith.select %and3A, %sub3A_90, %div3A : i32
        %jit3A_91 = arith.constant 8 : i32
        %eq3A_92 = arith.constant 0 : i32
        %eq3A_93 = arith.cmpi eq, %jit3A_91, %eq3A_92 : i32
        %jit3A_94 = arith.constant 1 : i32
        %select_n3A_95 = arith.select %eq3A_93, %jit3A_94, %jit3A_91 : i32
        %rem3A_96 = arith.remsi %while3A_74, %select_n3A_95 : i32
        %ne3A_97 = arith.constant 0 : i32
        %ne3A_98 = arith.cmpi ne, %rem3A_96, %ne3A_97 : i32
        %lt3A = arith.constant 0 : i32
        %lt3A_99 = arith.cmpi slt, %rem3A_96, %lt3A : i32
        %lt3A_100 = arith.constant 0 : i32
        %lt3A_101 = arith.cmpi slt, %select_n3A_95, %lt3A_100 : i32
        %ne3A_102 = arith.xori %lt3A_99, %lt3A_101 : i1
        %and3A_103 = arith.andi %ne3A_102, %ne3A_98 : i1
        %add3A_104 = arith.addi %rem3A_96, %select_n3A_95 : i32
        %select_n3A_105 = arith.select %and3A_103, %add3A_104, %rem3A_96 : i32
        %mul3A_106 = arith.constant 16 : i32
        %mul3A_107 = arith.muli %select_n3A_105, %mul3A_106 : i32
        %get3A_108 = arith.index_cast %select_n3A : i32 to index
        %get3A_109 = arith.index_cast %mul3A_107 : i32 to index
        %get3A_110 = tpu.vector_load %arg11[%get3A_108, %get3A_109] {strides = array<i32>} : memref<158x128xi32, #tpu.memory_space<vmem>>, vector<1x16xi32>,
        %get3A_111 = vector.shape_cast %get3A_110 : vector<1x16xi32> to vector<16xi32>
        %ge3A = arith.constant 0 : i32
        %ge3A_112 = vector.broadcast %ge3A : i32 to vector<16xi32>
        %ge3A_113 = arith.cmpi sge, %get3A_111, %ge3A_112 : vector<16xi32>
        %lt3A_114 = arith.constant 5120 : i32
        %lt3A_115 = vector.broadcast %lt3A_114 : i32 to vector<16xi32>
        %lt3A_116 = arith.cmpi slt, %get3A_111, %lt3A_115 : vector<16xi32>
        %and3A_117 = arith.andi %ge3A_113, %lt3A_116 : vector<16xi1>
        %sub3A_118 = arith.constant 0 : i32
        %sub3A_119 = vector.broadcast %sub3A_118 : i32 to vector<16xi32>
        %sub3A_120 = arith.subi %get3A_111, %sub3A_119 : vector<16xi32>
        %jit3A_121 = arith.constant 5120 : i32
        %broadcast_in_dim3A = vector.broadcast %jit3A_121 : i32 to vector<16xi32>
        %select_n3A_122 = arith.select %and3A_117, %sub3A_120, %broadcast_in_dim3A : vector<16xi1>, vector<16xi32>
        %swap3A = arith.index_cast %select_n3A : i32 to index
        %swap3A_123 = arith.index_cast %mul3A_107 : i32 to index
        %swap3A_124 = tpu.vector_load %arg12[%swap3A, %swap3A_123] {strides = array<i32>} : memref<158x128xi32, #tpu.memory_space<vmem>>, vector<1x16xi32>,
        %swap3A_125 = vector.shape_cast %swap3A_124 : vector<1x16xi32> to vector<16xi32>
        %swap3A_126 = vector.shape_cast %select_n3A_122 : vector<16xi32> to vector<1x16xi32>
        tpu.vector_store %arg12[%swap3A, %swap3A_123], %swap3A_126 {strides = array<i32>} : memref<158x128xi32, #tpu.memory_space<vmem>>, vector<1x16xi32>,
      }
      %mul3A_21 = arith.constant 328 : i32
      %mul3A_22 = arith.muli %arg1, %mul3A_21 : i32
      "tpu.region"() ({
        %run_scoped3A = tpu.sem_alloc : memref<!tpu.dma_semaphore, #tpu.memory_space<semaphore_mem>>
        %dma_start3A = arith.constant 0 : i32
        %dma_start3A_74 = tpu.memref_slice %arg15[%mul3A_22, %dma_start3A] : memref<5248x128xf32, #tpu.memory_space<vmem_shared>> -> memref<328x128xf32, #tpu.memory_space<vmem_shared>>
        tpu.enqueue_dma source(%arg6 : memref<328x128xf32, #tpu.memory_space<hbm>>) target(%dma_start3A_74 : memref<328x128xf32, #tpu.memory_space<vmem_shared>>) target_semaphore(%run_scoped3A : memref<!tpu.dma_semaphore, #tpu.memory_space<semaphore_mem>>)
        %dma_wait3A = arith.constant 0 : i32
        %dma_wait3A_75 = tpu.memref_slice %arg15[%mul3A_22, %dma_wait3A] : memref<5248x128xf32, #tpu.memory_space<vmem_shared>> -> memref<328x128xf32, #tpu.memory_space<vmem_shared>>
        tpu.wait_dma2 semaphore(%run_scoped3A : memref<!tpu.dma_semaphore, #tpu.memory_space<semaphore_mem>>) src(%arg6 : memref<328x128xf32, #tpu.memory_space<hbm>>) dst(%dma_wait3A_75 : memref<328x128xf32, #tpu.memory_space<vmem_shared>>)
        tpu.yield
      }) : () -> ()
      %barrier3A = arith.constant 0 : index
      tpu.barrier barrier_id(%barrier3A)
      %while3A_23 = arith.constant 0 : i32
      %while3A_24 = arith.constant 0 : i32
      %while3A_25 = arith.subi %squeeze3A, %while3A_24 : i32
      %while3A_26 = arith.addi %while3A_24, %while3A_25 : i32
      %while3A_27 = arith.constant 1 : i32
      %while3A_28 = arith.divsi %while3A_25, %while3A_27 : i32
      %while3A_29 = arith.muli %while3A_28, %while3A_27 : i32
      %while3A_30 = arith.addi %while3A_24, %while3A_29 : i32
      %while3A_31 = arith.constant 1 : i32
      scf.for %while3A_74 = %while3A_24 to %while3A_30 step %while3A_31  : i32 {
        "tpu.region"() ({
          %run_scoped3A = tpu.sem_alloc : memref<!tpu.dma_semaphore, #tpu.memory_space<semaphore_mem>>
          %dma_start3A = arith.constant 0 : i32
          %dma_start3A_75 = tpu.memref_slice %arg10[%while3A_74, %dma_start3A] : memref<158x128xi32, #tpu.memory_space<vmem>> -> memref<1x128xi32, #tpu.memory_space<vmem>>
          %dma_start3A_76 = tpu.memref_squeeze %dma_start3A_75 : memref<1x128xi32, #tpu.memory_space<vmem>> -> memref<128xi32, #tpu.memory_space<vmem>>
          %dma_start3A_77 = arith.constant 0 : i32
          %dma_start3A_78 = arith.constant 0 : i32
          %dma_start3A_79 = tpu.memref_slice %arg3[%dma_start3A_77, %dma_start3A_78] : memref<10240x128xf32, #tpu.memory_space<hbm>> -> memref<10240x128xf32, #tpu.memory_space<hbm>>
          tpu.enqueue_indirect_dma source(%dma_start3A_79 : memref<10240x128xf32, #tpu.memory_space<hbm>>) target(%arg13 : memref<128x128xf32, #tpu.memory_space<vmem>>) offsets(%dma_start3A_76 : memref<128xi32, #tpu.memory_space<vmem>>) semaphore(%run_scoped3A : memref<!tpu.dma_semaphore, #tpu.memory_space<semaphore_mem>>)
          %dma_wait3A = arith.constant 0 : i32
          %dma_wait3A_80 = tpu.memref_slice %arg10[%while3A_74, %dma_wait3A] : memref<158x128xi32, #tpu.memory_space<vmem>> -> memref<1x128xi32, #tpu.memory_space<vmem>>
          %dma_wait3A_81 = tpu.memref_squeeze %dma_wait3A_80 : memref<1x128xi32, #tpu.memory_space<vmem>> -> memref<128xi32, #tpu.memory_space<vmem>>
          %dma_wait3A_82 = arith.constant 0 : i32
          %dma_wait3A_83 = arith.constant 0 : i32
          %dma_wait3A_84 = tpu.memref_slice %arg3[%dma_wait3A_82, %dma_wait3A_83] : memref<10240x128xf32, #tpu.memory_space<hbm>> -> memref<10240x128xf32, #tpu.memory_space<hbm>>
          tpu.wait_indirect_dma semaphore(%run_scoped3A : memref<!tpu.dma_semaphore, #tpu.memory_space<semaphore_mem>>) src(%dma_wait3A_84 : memref<10240x128xf32, #tpu.memory_space<hbm>>) dst(%arg13 : memref<128x128xf32, #tpu.memory_space<vmem>>)
          tpu.yield
        }) : () -> ()
        "tpu.region"() ({
          %run_scoped3A = tpu.sem_alloc : memref<!tpu.dma_semaphore, #tpu.memory_space<semaphore_mem>>
          %dma_start3A = arith.constant 0 : i32
          %dma_start3A_75 = tpu.memref_slice %arg12[%while3A_74, %dma_start3A] : memref<158x128xi32, #tpu.memory_space<vmem>> -> memref<1x128xi32, #tpu.memory_space<vmem>>
          %dma_start3A_76 = tpu.memref_squeeze %dma_start3A_75 : memref<1x128xi32, #tpu.memory_space<vmem>> -> memref<128xi32, #tpu.memory_space<vmem>>
          %dma_start3A_77 = arith.constant 0 : i32
          %dma_start3A_78 = arith.constant 0 : i32
          %dma_start3A_79 = tpu.memref_slice %arg15[%dma_start3A_77, %dma_start3A_78] : memref<5248x128xf32, #tpu.memory_space<vmem_shared>> -> memref<5248x128xf32, #tpu.memory_space<vmem_shared>>
          tpu.enqueue_indirect_dma source(%arg13 : memref<128x128xf32, #tpu.memory_space<vmem>>) target(%dma_start3A_79 : memref<5248x128xf32, #tpu.memory_space<vmem_shared>>) offsets(%dma_start3A_76 : memref<128xi32, #tpu.memory_space<vmem>>) semaphore(%run_scoped3A : memref<!tpu.dma_semaphore, #tpu.memory_space<semaphore_mem>>) {add = true}
          %dma_wait3A = arith.constant 0 : i32
          %dma_wait3A_80 = tpu.memref_slice %arg12[%while3A_74, %dma_wait3A] : memref<158x128xi32, #tpu.memory_space<vmem>> -> memref<1x128xi32, #tpu.memory_space<vmem>>
          %dma_wait3A_81 = tpu.memref_squeeze %dma_wait3A_80 : memref<1x128xi32, #tpu.memory_space<vmem>> -> memref<128xi32, #tpu.memory_space<vmem>>
          %dma_wait3A_82 = arith.constant 0 : i32
          %dma_wait3A_83 = arith.constant 0 : i32
          %dma_wait3A_84 = tpu.memref_slice %arg15[%dma_wait3A_82, %dma_wait3A_83] : memref<5248x128xf32, #tpu.memory_space<vmem_shared>> -> memref<5248x128xf32, #tpu.memory_space<vmem_shared>>
          tpu.wait_indirect_dma semaphore(%run_scoped3A : memref<!tpu.dma_semaphore, #tpu.memory_space<semaphore_mem>>) src(%arg13 : memref<128x128xf32, #tpu.memory_space<vmem>>) dst(%dma_wait3A_84 : memref<5248x128xf32, #tpu.memory_space<vmem_shared>>)
          tpu.yield
        }) : () -> ()
      }
      %while3A_32 = arith.constant 1 : i32
      scf.for %while3A_74 = %while3A_30 to %while3A_26 step %while3A_32  : i32 {
        "tpu.region"() ({
          %run_scoped3A = tpu.sem_alloc : memref<!tpu.dma_semaphore, #tpu.memory_space<semaphore_mem>>
          %dma_start3A = arith.constant 0 : i32
          %dma_start3A_75 = tpu.memref_slice %arg10[%while3A_74, %dma_start3A] : memref<158x128xi32, #tpu.memory_space<vmem>> -> memref<1x128xi32, #tpu.memory_space<vmem>>
          %dma_start3A_76 = tpu.memref_squeeze %dma_start3A_75 : memref<1x128xi32, #tpu.memory_space<vmem>> -> memref<128xi32, #tpu.memory_space<vmem>>
          %dma_start3A_77 = arith.constant 0 : i32
          %dma_start3A_78 = arith.constant 0 : i32
          %dma_start3A_79 = tpu.memref_slice %arg3[%dma_start3A_77, %dma_start3A_78] : memref<10240x128xf32, #tpu.memory_space<hbm>> -> memref<10240x128xf32, #tpu.memory_space<hbm>>
          tpu.enqueue_indirect_dma source(%dma_start3A_79 : memref<10240x128xf32, #tpu.memory_space<hbm>>) target(%arg13 : memref<128x128xf32, #tpu.memory_space<vmem>>) offsets(%dma_start3A_76 : memref<128xi32, #tpu.memory_space<vmem>>) semaphore(%run_scoped3A : memref<!tpu.dma_semaphore, #tpu.memory_space<semaphore_mem>>)
          %dma_wait3A = arith.constant 0 : i32
          %dma_wait3A_80 = tpu.memref_slice %arg10[%while3A_74, %dma_wait3A] : memref<158x128xi32, #tpu.memory_space<vmem>> -> memref<1x128xi32, #tpu.memory_space<vmem>>
          %dma_wait3A_81 = tpu.memref_squeeze %dma_wait3A_80 : memref<1x128xi32, #tpu.memory_space<vmem>> -> memref<128xi32, #tpu.memory_space<vmem>>
          %dma_wait3A_82 = arith.constant 0 : i32
          %dma_wait3A_83 = arith.constant 0 : i32
          %dma_wait3A_84 = tpu.memref_slice %arg3[%dma_wait3A_82, %dma_wait3A_83] : memref<10240x128xf32, #tpu.memory_space<hbm>> -> memref<10240x128xf32, #tpu.memory_space<hbm>>
          tpu.wait_indirect_dma semaphore(%run_scoped3A : memref<!tpu.dma_semaphore, #tpu.memory_space<semaphore_mem>>) src(%dma_wait3A_84 : memref<10240x128xf32, #tpu.memory_space<hbm>>) dst(%arg13 : memref<128x128xf32, #tpu.memory_space<vmem>>)
          tpu.yield
        }) : () -> ()
        "tpu.region"() ({
          %run_scoped3A = tpu.sem_alloc : memref<!tpu.dma_semaphore, #tpu.memory_space<semaphore_mem>>
          %dma_start3A = arith.constant 0 : i32
          %dma_start3A_75 = tpu.memref_slice %arg12[%while3A_74, %dma_start3A] : memref<158x128xi32, #tpu.memory_space<vmem>> -> memref<1x128xi32, #tpu.memory_space<vmem>>
          %dma_start3A_76 = tpu.memref_squeeze %dma_start3A_75 : memref<1x128xi32, #tpu.memory_space<vmem>> -> memref<128xi32, #tpu.memory_space<vmem>>
          %dma_start3A_77 = arith.constant 0 : i32
          %dma_start3A_78 = arith.constant 0 : i32
          %dma_start3A_79 = tpu.memref_slice %arg15[%dma_start3A_77, %dma_start3A_78] : memref<5248x128xf32, #tpu.memory_space<vmem_shared>> -> memref<5248x128xf32, #tpu.memory_space<vmem_shared>>
          tpu.enqueue_indirect_dma source(%arg13 : memref<128x128xf32, #tpu.memory_space<vmem>>) target(%dma_start3A_79 : memref<5248x128xf32, #tpu.memory_space<vmem_shared>>) offsets(%dma_start3A_76 : memref<128xi32, #tpu.memory_space<vmem>>) semaphore(%run_scoped3A : memref<!tpu.dma_semaphore, #tpu.memory_space<semaphore_mem>>) {add = true}
          %dma_wait3A = arith.constant 0 : i32
          %dma_wait3A_80 = tpu.memref_slice %arg12[%while3A_74, %dma_wait3A] : memref<158x128xi32, #tpu.memory_space<vmem>> -> memref<1x128xi32, #tpu.memory_space<vmem>>
          %dma_wait3A_81 = tpu.memref_squeeze %dma_wait3A_80 : memref<1x128xi32, #tpu.memory_space<vmem>> -> memref<128xi32, #tpu.memory_space<vmem>>
          %dma_wait3A_82 = arith.constant 0 : i32
          %dma_wait3A_83 = arith.constant 0 : i32
          %dma_wait3A_84 = tpu.memref_slice %arg15[%dma_wait3A_82, %dma_wait3A_83] : memref<5248x128xf32, #tpu.memory_space<vmem_shared>> -> memref<5248x128xf32, #tpu.memory_space<vmem_shared>>
          tpu.wait_indirect_dma semaphore(%run_scoped3A : memref<!tpu.dma_semaphore, #tpu.memory_space<semaphore_mem>>) src(%arg13 : memref<128x128xf32, #tpu.memory_space<vmem>>) dst(%dma_wait3A_84 : memref<5248x128xf32, #tpu.memory_space<vmem_shared>>)
          tpu.yield
        }) : () -> ()
      }
      %barrier3A_33 = arith.constant 0 : index
      tpu.barrier barrier_id(%barrier3A_33)
      %mul3A_34 = arith.constant 320 : i32
      %mul3A_35 = arith.muli %arg1, %mul3A_34 : i32
      %mul3A_36 = arith.constant 320 : i32
      %mul3A_37 = arith.muli %arg1, %mul3A_36 : i32
      %add3A_38 = arith.constant 0 : i32
      %add3A_39 = arith.addi %add3A_38, %mul3A_37 : i32
      "tpu.region"() ({
        %run_scoped3A = tpu.sem_alloc : memref<!tpu.dma_semaphore, #tpu.memory_space<semaphore_mem>>
        %dma_start3A = arith.constant 0 : i32
        %dma_start3A_74 = tpu.memref_slice %arg9[%add3A_39, %dma_start3A] : memref<10240x128xf32, #tpu.memory_space<hbm>> -> memref<320x128xf32, #tpu.memory_space<hbm>>
        %dma_start3A_75 = arith.constant 0 : i32
        %dma_start3A_76 = tpu.memref_slice %arg15[%mul3A_35, %dma_start3A_75] : memref<5248x128xf32, #tpu.memory_space<vmem_shared>> -> memref<320x128xf32, #tpu.memory_space<vmem_shared>>
        tpu.enqueue_dma source(%dma_start3A_76 : memref<320x128xf32, #tpu.memory_space<vmem_shared>>) target(%dma_start3A_74 : memref<320x128xf32, #tpu.memory_space<hbm>>) target_semaphore(%run_scoped3A : memref<!tpu.dma_semaphore, #tpu.memory_space<semaphore_mem>>)
        %dma_wait3A = arith.constant 0 : i32
        %dma_wait3A_77 = tpu.memref_slice %arg9[%add3A_39, %dma_wait3A] : memref<10240x128xf32, #tpu.memory_space<hbm>> -> memref<320x128xf32, #tpu.memory_space<hbm>>
        %dma_wait3A_78 = arith.constant 0 : i32
        %dma_wait3A_79 = tpu.memref_slice %arg15[%mul3A_35, %dma_wait3A_78] : memref<5248x128xf32, #tpu.memory_space<vmem_shared>> -> memref<320x128xf32, #tpu.memory_space<vmem_shared>>
        tpu.wait_dma2 semaphore(%run_scoped3A : memref<!tpu.dma_semaphore, #tpu.memory_space<semaphore_mem>>) src(%dma_wait3A_79 : memref<320x128xf32, #tpu.memory_space<vmem_shared>>) dst(%dma_wait3A_77 : memref<320x128xf32, #tpu.memory_space<hbm>>)
        tpu.yield
      }) : () -> ()
      %barrier3A_40 = arith.constant 0 : index
      tpu.barrier barrier_id(%barrier3A_40)
      %mul3A_41 = arith.constant 8 : i32
      %mul3A_42 = arith.muli %squeeze3A, %mul3A_41 : i32
      %while3A_43 = arith.constant 0 : i32
      %while3A_44 = arith.constant 0 : i32
      %while3A_45 = arith.subi %mul3A_42, %while3A_44 : i32
      %while3A_46 = arith.addi %while3A_44, %while3A_45 : i32
      %while3A_47 = arith.constant 1 : i32
      %while3A_48 = arith.divsi %while3A_45, %while3A_47 : i32
      %while3A_49 = arith.muli %while3A_48, %while3A_47 : i32
      %while3A_50 = arith.addi %while3A_44, %while3A_49 : i32
      %while3A_51 = arith.constant 1 : i32
      scf.for %while3A_74 = %while3A_44 to %while3A_50 step %while3A_51  : i32 {
        %jit3A = arith.constant 8 : i32
        %div3A = arith.divsi %while3A_74, %jit3A : i32
        %sign3A = arith.constant 0 : i32
        %sign3A_75 = arith.cmpi sgt, %while3A_74, %sign3A : i32
        %sign3A_76 = arith.extui %sign3A_75 : i1 to i32
        %sign3A_77 = arith.constant 0 : i32
        %sign3A_78 = arith.cmpi slt, %while3A_74, %sign3A_77 : i32
        %sign3A_79 = arith.extui %sign3A_78 : i1 to i32
        %sign3A_80 = arith.subi %sign3A_76, %sign3A_79 : i32
        %sign3A_81 = arith.constant 0 : i32
        %sign3A_82 = arith.cmpi sgt, %jit3A, %sign3A_81 : i32
        %sign3A_83 = arith.extui %sign3A_82 : i1 to i32
        %sign3A_84 = arith.constant 0 : i32
        %sign3A_85 = arith.cmpi slt, %jit3A, %sign3A_84 : i32
        %sign3A_86 = arith.extui %sign3A_85 : i1 to i32
        %sign3A_87 = arith.subi %sign3A_83, %sign3A_86 : i32
        %ne3A = arith.cmpi ne, %sign3A_80, %sign3A_87 : i32
        %rem3A = arith.remsi %while3A_74, %jit3A : i32
        %ne3A_88 = arith.constant 0 : i32
        %ne3A_89 = arith.cmpi ne, %rem3A, %ne3A_88 : i32
        %and3A = arith.andi %ne3A, %ne3A_89 : i1
        %sub3A = arith.constant 1 : i32
        %sub3A_90 = arith.subi %div3A, %sub3A : i32
        %select_n3A = arith.select %and3A, %sub3A_90, %div3A : i32
        %jit3A_91 = arith.constant 8 : i32
        %eq3A_92 = arith.constant 0 : i32
        %eq3A_93 = arith.cmpi eq, %jit3A_91, %eq3A_92 : i32
        %jit3A_94 = arith.constant 1 : i32
        %select_n3A_95 = arith.select %eq3A_93, %jit3A_94, %jit3A_91 : i32
        %rem3A_96 = arith.remsi %while3A_74, %select_n3A_95 : i32
        %ne3A_97 = arith.constant 0 : i32
        %ne3A_98 = arith.cmpi ne, %rem3A_96, %ne3A_97 : i32
        %lt3A = arith.constant 0 : i32
        %lt3A_99 = arith.cmpi slt, %rem3A_96, %lt3A : i32
        %lt3A_100 = arith.constant 0 : i32
        %lt3A_101 = arith.cmpi slt, %select_n3A_95, %lt3A_100 : i32
        %ne3A_102 = arith.xori %lt3A_99, %lt3A_101 : i1
        %and3A_103 = arith.andi %ne3A_102, %ne3A_98 : i1
        %add3A_104 = arith.addi %rem3A_96, %select_n3A_95 : i32
        %select_n3A_105 = arith.select %and3A_103, %add3A_104, %rem3A_96 : i32
        %mul3A_106 = arith.constant 16 : i32
        %mul3A_107 = arith.muli %select_n3A_105, %mul3A_106 : i32
        %get3A_108 = arith.index_cast %select_n3A : i32 to index
        %get3A_109 = arith.index_cast %mul3A_107 : i32 to index
        %get3A_110 = tpu.vector_load %arg11[%get3A_108, %get3A_109] {strides = array<i32>} : memref<158x128xi32, #tpu.memory_space<vmem>>, vector<1x16xi32>,
        %get3A_111 = vector.shape_cast %get3A_110 : vector<1x16xi32> to vector<16xi32>
        %ge3A = arith.constant 5120 : i32
        %ge3A_112 = vector.broadcast %ge3A : i32 to vector<16xi32>
        %ge3A_113 = arith.cmpi sge, %get3A_111, %ge3A_112 : vector<16xi32>
        %lt3A_114 = arith.constant 10240 : i32
        %lt3A_115 = vector.broadcast %lt3A_114 : i32 to vector<16xi32>
        %lt3A_116 = arith.cmpi slt, %get3A_111, %lt3A_115 : vector<16xi32>
        %and3A_117 = arith.andi %ge3A_113, %lt3A_116 : vector<16xi1>
        %sub3A_118 = arith.constant 5120 : i32
        %sub3A_119 = vector.broadcast %sub3A_118 : i32 to vector<16xi32>
        %sub3A_120 = arith.subi %get3A_111, %sub3A_119 : vector<16xi32>
        %jit3A_121 = arith.constant 5120 : i32
        %broadcast_in_dim3A = vector.broadcast %jit3A_121 : i32 to vector<16xi32>
        %select_n3A_122 = arith.select %and3A_117, %sub3A_120, %broadcast_in_dim3A : vector<16xi1>, vector<16xi32>
        %swap3A = arith.index_cast %select_n3A : i32 to index
        %swap3A_123 = arith.index_cast %mul3A_107 : i32 to index
        %swap3A_124 = tpu.vector_load %arg12[%swap3A, %swap3A_123] {strides = array<i32>} : memref<158x128xi32, #tpu.memory_space<vmem>>, vector<1x16xi32>,
        %swap3A_125 = vector.shape_cast %swap3A_124 : vector<1x16xi32> to vector<16xi32>
        %swap3A_126 = vector.shape_cast %select_n3A_122 : vector<16xi32> to vector<1x16xi32>
        tpu.vector_store %arg12[%swap3A, %swap3A_123], %swap3A_126 {strides = array<i32>} : memref<158x128xi32, #tpu.memory_space<vmem>>, vector<1x16xi32>,
      }
      %while3A_52 = arith.constant 1 : i32
      scf.for %while3A_74 = %while3A_50 to %while3A_46 step %while3A_52  : i32 {
        %jit3A = arith.constant 8 : i32
        %div3A = arith.divsi %while3A_74, %jit3A : i32
        %sign3A = arith.constant 0 : i32
        %sign3A_75 = arith.cmpi sgt, %while3A_74, %sign3A : i32
        %sign3A_76 = arith.extui %sign3A_75 : i1 to i32
        %sign3A_77 = arith.constant 0 : i32
        %sign3A_78 = arith.cmpi slt, %while3A_74, %sign3A_77 : i32
        %sign3A_79 = arith.extui %sign3A_78 : i1 to i32
        %sign3A_80 = arith.subi %sign3A_76, %sign3A_79 : i32
        %sign3A_81 = arith.constant 0 : i32
        %sign3A_82 = arith.cmpi sgt, %jit3A, %sign3A_81 : i32
        %sign3A_83 = arith.extui %sign3A_82 : i1 to i32
        %sign3A_84 = arith.constant 0 : i32
        %sign3A_85 = arith.cmpi slt, %jit3A, %sign3A_84 : i32
        %sign3A_86 = arith.extui %sign3A_85 : i1 to i32
        %sign3A_87 = arith.subi %sign3A_83, %sign3A_86 : i32
        %ne3A = arith.cmpi ne, %sign3A_80, %sign3A_87 : i32
        %rem3A = arith.remsi %while3A_74, %jit3A : i32
        %ne3A_88 = arith.constant 0 : i32
        %ne3A_89 = arith.cmpi ne, %rem3A, %ne3A_88 : i32
        %and3A = arith.andi %ne3A, %ne3A_89 : i1
        %sub3A = arith.constant 1 : i32
        %sub3A_90 = arith.subi %div3A, %sub3A : i32
        %select_n3A = arith.select %and3A, %sub3A_90, %div3A : i32
        %jit3A_91 = arith.constant 8 : i32
        %eq3A_92 = arith.constant 0 : i32
        %eq3A_93 = arith.cmpi eq, %jit3A_91, %eq3A_92 : i32
        %jit3A_94 = arith.constant 1 : i32
        %select_n3A_95 = arith.select %eq3A_93, %jit3A_94, %jit3A_91 : i32
        %rem3A_96 = arith.remsi %while3A_74, %select_n3A_95 : i32
        %ne3A_97 = arith.constant 0 : i32
        %ne3A_98 = arith.cmpi ne, %rem3A_96, %ne3A_97 : i32
        %lt3A = arith.constant 0 : i32
        %lt3A_99 = arith.cmpi slt, %rem3A_96, %lt3A : i32
        %lt3A_100 = arith.constant 0 : i32
        %lt3A_101 = arith.cmpi slt, %select_n3A_95, %lt3A_100 : i32
        %ne3A_102 = arith.xori %lt3A_99, %lt3A_101 : i1
        %and3A_103 = arith.andi %ne3A_102, %ne3A_98 : i1
        %add3A_104 = arith.addi %rem3A_96, %select_n3A_95 : i32
        %select_n3A_105 = arith.select %and3A_103, %add3A_104, %rem3A_96 : i32
        %mul3A_106 = arith.constant 16 : i32
        %mul3A_107 = arith.muli %select_n3A_105, %mul3A_106 : i32
        %get3A_108 = arith.index_cast %select_n3A : i32 to index
        %get3A_109 = arith.index_cast %mul3A_107 : i32 to index
        %get3A_110 = tpu.vector_load %arg11[%get3A_108, %get3A_109] {strides = array<i32>} : memref<158x128xi32, #tpu.memory_space<vmem>>, vector<1x16xi32>,
        %get3A_111 = vector.shape_cast %get3A_110 : vector<1x16xi32> to vector<16xi32>
        %ge3A = arith.constant 5120 : i32
        %ge3A_112 = vector.broadcast %ge3A : i32 to vector<16xi32>
        %ge3A_113 = arith.cmpi sge, %get3A_111, %ge3A_112 : vector<16xi32>
        %lt3A_114 = arith.constant 10240 : i32
        %lt3A_115 = vector.broadcast %lt3A_114 : i32 to vector<16xi32>
        %lt3A_116 = arith.cmpi slt, %get3A_111, %lt3A_115 : vector<16xi32>
        %and3A_117 = arith.andi %ge3A_113, %lt3A_116 : vector<16xi1>
        %sub3A_118 = arith.constant 5120 : i32
        %sub3A_119 = vector.broadcast %sub3A_118 : i32 to vector<16xi32>
        %sub3A_120 = arith.subi %get3A_111, %sub3A_119 : vector<16xi32>
        %jit3A_121 = arith.constant 5120 : i32
        %broadcast_in_dim3A = vector.broadcast %jit3A_121 : i32 to vector<16xi32>
        %select_n3A_122 = arith.select %and3A_117, %sub3A_120, %broadcast_in_dim3A : vector<16xi1>, vector<16xi32>
        %swap3A = arith.index_cast %select_n3A : i32 to index
        %swap3A_123 = arith.index_cast %mul3A_107 : i32 to index
        %swap3A_124 = tpu.vector_load %arg12[%swap3A, %swap3A_123] {strides = array<i32>} : memref<158x128xi32, #tpu.memory_space<vmem>>, vector<1x16xi32>,
        %swap3A_125 = vector.shape_cast %swap3A_124 : vector<1x16xi32> to vector<16xi32>
        %swap3A_126 = vector.shape_cast %select_n3A_122 : vector<16xi32> to vector<1x16xi32>
        tpu.vector_store %arg12[%swap3A, %swap3A_123], %swap3A_126 {strides = array<i32>} : memref<158x128xi32, #tpu.memory_space<vmem>>, vector<1x16xi32>,
      }
      %mul3A_53 = arith.constant 328 : i32
      %mul3A_54 = arith.muli %arg1, %mul3A_53 : i32
      "tpu.region"() ({
        %run_scoped3A = tpu.sem_alloc : memref<!tpu.dma_semaphore, #tpu.memory_space<semaphore_mem>>
        %dma_start3A = arith.constant 0 : i32
        %dma_start3A_74 = tpu.memref_slice %arg15[%mul3A_54, %dma_start3A] : memref<5248x128xf32, #tpu.memory_space<vmem_shared>> -> memref<328x128xf32, #tpu.memory_space<vmem_shared>>
        tpu.enqueue_dma source(%arg6 : memref<328x128xf32, #tpu.memory_space<hbm>>) target(%dma_start3A_74 : memref<328x128xf32, #tpu.memory_space<vmem_shared>>) target_semaphore(%run_scoped3A : memref<!tpu.dma_semaphore, #tpu.memory_space<semaphore_mem>>)
        %dma_wait3A = arith.constant 0 : i32
        %dma_wait3A_75 = tpu.memref_slice %arg15[%mul3A_54, %dma_wait3A] : memref<5248x128xf32, #tpu.memory_space<vmem_shared>> -> memref<328x128xf32, #tpu.memory_space<vmem_shared>>
        tpu.wait_dma2 semaphore(%run_scoped3A : memref<!tpu.dma_semaphore, #tpu.memory_space<semaphore_mem>>) src(%arg6 : memref<328x128xf32, #tpu.memory_space<hbm>>) dst(%dma_wait3A_75 : memref<328x128xf32, #tpu.memory_space<vmem_shared>>)
        tpu.yield
      }) : () -> ()
      %barrier3A_55 = arith.constant 0 : index
      tpu.barrier barrier_id(%barrier3A_55)
      %while3A_56 = arith.constant 0 : i32
      %while3A_57 = arith.constant 0 : i32
      %while3A_58 = arith.subi %squeeze3A, %while3A_57 : i32
      %while3A_59 = arith.addi %while3A_57, %while3A_58 : i32
      %while3A_60 = arith.constant 1 : i32
      %while3A_61 = arith.divsi %while3A_58, %while3A_60 : i32
      %while3A_62 = arith.muli %while3A_61, %while3A_60 : i32
      %while3A_63 = arith.addi %while3A_57, %while3A_62 : i32
      %while3A_64 = arith.constant 1 : i32
      scf.for %while3A_74 = %while3A_57 to %while3A_63 step %while3A_64  : i32 {
        "tpu.region"() ({
          %run_scoped3A = tpu.sem_alloc : memref<!tpu.dma_semaphore, #tpu.memory_space<semaphore_mem>>
          %dma_start3A = arith.constant 0 : i32
          %dma_start3A_75 = tpu.memref_slice %arg10[%while3A_74, %dma_start3A] : memref<158x128xi32, #tpu.memory_space<vmem>> -> memref<1x128xi32, #tpu.memory_space<vmem>>
          %dma_start3A_76 = tpu.memref_squeeze %dma_start3A_75 : memref<1x128xi32, #tpu.memory_space<vmem>> -> memref<128xi32, #tpu.memory_space<vmem>>
          %dma_start3A_77 = arith.constant 0 : i32
          %dma_start3A_78 = arith.constant 0 : i32
          %dma_start3A_79 = tpu.memref_slice %arg3[%dma_start3A_77, %dma_start3A_78] : memref<10240x128xf32, #tpu.memory_space<hbm>> -> memref<10240x128xf32, #tpu.memory_space<hbm>>
          tpu.enqueue_indirect_dma source(%dma_start3A_79 : memref<10240x128xf32, #tpu.memory_space<hbm>>) target(%arg13 : memref<128x128xf32, #tpu.memory_space<vmem>>) offsets(%dma_start3A_76 : memref<128xi32, #tpu.memory_space<vmem>>) semaphore(%run_scoped3A : memref<!tpu.dma_semaphore, #tpu.memory_space<semaphore_mem>>)
          %dma_wait3A = arith.constant 0 : i32
          %dma_wait3A_80 = tpu.memref_slice %arg10[%while3A_74, %dma_wait3A] : memref<158x128xi32, #tpu.memory_space<vmem>> -> memref<1x128xi32, #tpu.memory_space<vmem>>
          %dma_wait3A_81 = tpu.memref_squeeze %dma_wait3A_80 : memref<1x128xi32, #tpu.memory_space<vmem>> -> memref<128xi32, #tpu.memory_space<vmem>>
          %dma_wait3A_82 = arith.constant 0 : i32
          %dma_wait3A_83 = arith.constant 0 : i32
          %dma_wait3A_84 = tpu.memref_slice %arg3[%dma_wait3A_82, %dma_wait3A_83] : memref<10240x128xf32, #tpu.memory_space<hbm>> -> memref<10240x128xf32, #tpu.memory_space<hbm>>
          tpu.wait_indirect_dma semaphore(%run_scoped3A : memref<!tpu.dma_semaphore, #tpu.memory_space<semaphore_mem>>) src(%dma_wait3A_84 : memref<10240x128xf32, #tpu.memory_space<hbm>>) dst(%arg13 : memref<128x128xf32, #tpu.memory_space<vmem>>)
          tpu.yield
        }) : () -> ()
        "tpu.region"() ({
          %run_scoped3A = tpu.sem_alloc : memref<!tpu.dma_semaphore, #tpu.memory_space<semaphore_mem>>
          %dma_start3A = arith.constant 0 : i32
          %dma_start3A_75 = tpu.memref_slice %arg12[%while3A_74, %dma_start3A] : memref<158x128xi32, #tpu.memory_space<vmem>> -> memref<1x128xi32, #tpu.memory_space<vmem>>
          %dma_start3A_76 = tpu.memref_squeeze %dma_start3A_75 : memref<1x128xi32, #tpu.memory_space<vmem>> -> memref<128xi32, #tpu.memory_space<vmem>>
          %dma_start3A_77 = arith.constant 0 : i32
          %dma_start3A_78 = arith.constant 0 : i32
          %dma_start3A_79 = tpu.memref_slice %arg15[%dma_start3A_77, %dma_start3A_78] : memref<5248x128xf32, #tpu.memory_space<vmem_shared>> -> memref<5248x128xf32, #tpu.memory_space<vmem_shared>>
          tpu.enqueue_indirect_dma source(%arg13 : memref<128x128xf32, #tpu.memory_space<vmem>>) target(%dma_start3A_79 : memref<5248x128xf32, #tpu.memory_space<vmem_shared>>) offsets(%dma_start3A_76 : memref<128xi32, #tpu.memory_space<vmem>>) semaphore(%run_scoped3A : memref<!tpu.dma_semaphore, #tpu.memory_space<semaphore_mem>>) {add = true}
          %dma_wait3A = arith.constant 0 : i32
          %dma_wait3A_80 = tpu.memref_slice %arg12[%while3A_74, %dma_wait3A] : memref<158x128xi32, #tpu.memory_space<vmem>> -> memref<1x128xi32, #tpu.memory_space<vmem>>
          %dma_wait3A_81 = tpu.memref_squeeze %dma_wait3A_80 : memref<1x128xi32, #tpu.memory_space<vmem>> -> memref<128xi32, #tpu.memory_space<vmem>>
          %dma_wait3A_82 = arith.constant 0 : i32
          %dma_wait3A_83 = arith.constant 0 : i32
          %dma_wait3A_84 = tpu.memref_slice %arg15[%dma_wait3A_82, %dma_wait3A_83] : memref<5248x128xf32, #tpu.memory_space<vmem_shared>> -> memref<5248x128xf32, #tpu.memory_space<vmem_shared>>
          tpu.wait_indirect_dma semaphore(%run_scoped3A : memref<!tpu.dma_semaphore, #tpu.memory_space<semaphore_mem>>) src(%arg13 : memref<128x128xf32, #tpu.memory_space<vmem>>) dst(%dma_wait3A_84 : memref<5248x128xf32, #tpu.memory_space<vmem_shared>>)
          tpu.yield
        }) : () -> ()
      }
      %while3A_65 = arith.constant 1 : i32
      scf.for %while3A_74 = %while3A_63 to %while3A_59 step %while3A_65  : i32 {
        "tpu.region"() ({
          %run_scoped3A = tpu.sem_alloc : memref<!tpu.dma_semaphore, #tpu.memory_space<semaphore_mem>>
          %dma_start3A = arith.constant 0 : i32
          %dma_start3A_75 = tpu.memref_slice %arg10[%while3A_74, %dma_start3A] : memref<158x128xi32, #tpu.memory_space<vmem>> -> memref<1x128xi32, #tpu.memory_space<vmem>>
          %dma_start3A_76 = tpu.memref_squeeze %dma_start3A_75 : memref<1x128xi32, #tpu.memory_space<vmem>> -> memref<128xi32, #tpu.memory_space<vmem>>
          %dma_start3A_77 = arith.constant 0 : i32
          %dma_start3A_78 = arith.constant 0 : i32
          %dma_start3A_79 = tpu.memref_slice %arg3[%dma_start3A_77, %dma_start3A_78] : memref<10240x128xf32, #tpu.memory_space<hbm>> -> memref<10240x128xf32, #tpu.memory_space<hbm>>
          tpu.enqueue_indirect_dma source(%dma_start3A_79 : memref<10240x128xf32, #tpu.memory_space<hbm>>) target(%arg13 : memref<128x128xf32, #tpu.memory_space<vmem>>) offsets(%dma_start3A_76 : memref<128xi32, #tpu.memory_space<vmem>>) semaphore(%run_scoped3A : memref<!tpu.dma_semaphore, #tpu.memory_space<semaphore_mem>>)
          %dma_wait3A = arith.constant 0 : i32
          %dma_wait3A_80 = tpu.memref_slice %arg10[%while3A_74, %dma_wait3A] : memref<158x128xi32, #tpu.memory_space<vmem>> -> memref<1x128xi32, #tpu.memory_space<vmem>>
          %dma_wait3A_81 = tpu.memref_squeeze %dma_wait3A_80 : memref<1x128xi32, #tpu.memory_space<vmem>> -> memref<128xi32, #tpu.memory_space<vmem>>
          %dma_wait3A_82 = arith.constant 0 : i32
          %dma_wait3A_83 = arith.constant 0 : i32
          %dma_wait3A_84 = tpu.memref_slice %arg3[%dma_wait3A_82, %dma_wait3A_83] : memref<10240x128xf32, #tpu.memory_space<hbm>> -> memref<10240x128xf32, #tpu.memory_space<hbm>>
          tpu.wait_indirect_dma semaphore(%run_scoped3A : memref<!tpu.dma_semaphore, #tpu.memory_space<semaphore_mem>>) src(%dma_wait3A_84 : memref<10240x128xf32, #tpu.memory_space<hbm>>) dst(%arg13 : memref<128x128xf32, #tpu.memory_space<vmem>>)
          tpu.yield
        }) : () -> ()
        "tpu.region"() ({
          %run_scoped3A = tpu.sem_alloc : memref<!tpu.dma_semaphore, #tpu.memory_space<semaphore_mem>>
          %dma_start3A = arith.constant 0 : i32
          %dma_start3A_75 = tpu.memref_slice %arg12[%while3A_74, %dma_start3A] : memref<158x128xi32, #tpu.memory_space<vmem>> -> memref<1x128xi32, #tpu.memory_space<vmem>>
          %dma_start3A_76 = tpu.memref_squeeze %dma_start3A_75 : memref<1x128xi32, #tpu.memory_space<vmem>> -> memref<128xi32, #tpu.memory_space<vmem>>
          %dma_start3A_77 = arith.constant 0 : i32
          %dma_start3A_78 = arith.constant 0 : i32
          %dma_start3A_79 = tpu.memref_slice %arg15[%dma_start3A_77, %dma_start3A_78] : memref<5248x128xf32, #tpu.memory_space<vmem_shared>> -> memref<5248x128xf32, #tpu.memory_space<vmem_shared>>
          tpu.enqueue_indirect_dma source(%arg13 : memref<128x128xf32, #tpu.memory_space<vmem>>) target(%dma_start3A_79 : memref<5248x128xf32, #tpu.memory_space<vmem_shared>>) offsets(%dma_start3A_76 : memref<128xi32, #tpu.memory_space<vmem>>) semaphore(%run_scoped3A : memref<!tpu.dma_semaphore, #tpu.memory_space<semaphore_mem>>) {add = true}
          %dma_wait3A = arith.constant 0 : i32
          %dma_wait3A_80 = tpu.memref_slice %arg12[%while3A_74, %dma_wait3A] : memref<158x128xi32, #tpu.memory_space<vmem>> -> memref<1x128xi32, #tpu.memory_space<vmem>>
          %dma_wait3A_81 = tpu.memref_squeeze %dma_wait3A_80 : memref<1x128xi32, #tpu.memory_space<vmem>> -> memref<128xi32, #tpu.memory_space<vmem>>
          %dma_wait3A_82 = arith.constant 0 : i32
          %dma_wait3A_83 = arith.constant 0 : i32
          %dma_wait3A_84 = tpu.memref_slice %arg15[%dma_wait3A_82, %dma_wait3A_83] : memref<5248x128xf32, #tpu.memory_space<vmem_shared>> -> memref<5248x128xf32, #tpu.memory_space<vmem_shared>>
          tpu.wait_indirect_dma semaphore(%run_scoped3A : memref<!tpu.dma_semaphore, #tpu.memory_space<semaphore_mem>>) src(%arg13 : memref<128x128xf32, #tpu.memory_space<vmem>>) dst(%dma_wait3A_84 : memref<5248x128xf32, #tpu.memory_space<vmem_shared>>)
          tpu.yield
        }) : () -> ()
      }
      %barrier3A_66 = arith.constant 0 : index
      tpu.barrier barrier_id(%barrier3A_66)
      %mul3A_67 = arith.constant 320 : i32
      %mul3A_68 = arith.muli %arg1, %mul3A_67 : i32
      %mul3A_69 = arith.constant 320 : i32
      %mul3A_70 = arith.muli %arg1, %mul3A_69 : i32
      %add3A_71 = arith.constant 5120 : i32
      %add3A_72 = arith.addi %add3A_71, %mul3A_70 : i32
      "tpu.region"() ({
        %run_scoped3A = tpu.sem_alloc : memref<!tpu.dma_semaphore, #tpu.memory_space<semaphore_mem>>
        %dma_start3A = arith.constant 0 : i32
        %dma_start3A_74 = tpu.memref_slice %arg9[%add3A_72, %dma_start3A] : memref<10240x128xf32, #tpu.memory_space<hbm>> -> memref<320x128xf32, #tpu.memory_space<hbm>>
        %dma_start3A_75 = arith.constant 0 : i32
        %dma_start3A_76 = tpu.memref_slice %arg15[%mul3A_68, %dma_start3A_75] : memref<5248x128xf32, #tpu.memory_space<vmem_shared>> -> memref<320x128xf32, #tpu.memory_space<vmem_shared>>
        tpu.enqueue_dma source(%dma_start3A_76 : memref<320x128xf32, #tpu.memory_space<vmem_shared>>) target(%dma_start3A_74 : memref<320x128xf32, #tpu.memory_space<hbm>>) target_semaphore(%run_scoped3A : memref<!tpu.dma_semaphore, #tpu.memory_space<semaphore_mem>>)
        %dma_wait3A = arith.constant 0 : i32
        %dma_wait3A_77 = tpu.memref_slice %arg9[%add3A_72, %dma_wait3A] : memref<10240x128xf32, #tpu.memory_space<hbm>> -> memref<320x128xf32, #tpu.memory_space<hbm>>
        %dma_wait3A_78 = arith.constant 0 : i32
        %dma_wait3A_79 = tpu.memref_slice %arg15[%mul3A_68, %dma_wait3A_78] : memref<5248x128xf32, #tpu.memory_space<vmem_shared>> -> memref<320x128xf32, #tpu.memory_space<vmem_shared>>
        tpu.wait_dma2 semaphore(%run_scoped3A : memref<!tpu.dma_semaphore, #tpu.memory_space<semaphore_mem>>) src(%dma_wait3A_79 : memref<320x128xf32, #tpu.memory_space<vmem_shared>>) dst(%dma_wait3A_77 : memref<320x128xf32, #tpu.memory_space<hbm>>)
        tpu.yield
      }) : () -> ()
      %barrier3A_73 = arith.constant 0 : index
      tpu.barrier barrier_id(%barrier3A_73)
    } else {
    }
    return
  }
}

#map = affine_map<(d0, d1) -> (0, 0)>
#map1 = affine_map<(d0, d1) -> (0)>
module attributes {stable_mosaic.version = 14 : i64} {
  func.func @_rate(%arg0: i32, %arg1: i32, %arg2: memref<32x10000xi32, #tpu.memory_space<hbm>>, %arg3: memref<32x10000xi32, #tpu.memory_space<hbm>>, %arg4: memref<10240xf32, #tpu.memory_space<hbm>>, %arg5: memref<10240xf32, #tpu.memory_space<hbm>>, %arg6: memref<320000xf32, #tpu.memory_space<hbm>>, %arg7: memref<10000xi32, #tpu.memory_space<vmem>>, %arg8: memref<10000xi32, #tpu.memory_space<vmem>>, %arg9: memref<10240xf32, #tpu.memory_space<vmem>>, %arg10: memref<10240xf32, #tpu.memory_space<vmem>>, %arg11: memref<10000xf32, #tpu.memory_space<vmem>>) attributes {dimension_semantics = [#tpu.dimension_semantics<core_parallel>, #tpu.dimension_semantics<subcore_parallel>], iteration_bounds = array<i64: 2, 16>, scalar_prefetch = 0 : i64, scratch_operands = 5 : i64, tpu.core_type = #tpu.core_type<sc_vector_subcore>, window_params = [{transform_indices = #map}, {transform_indices = #map}, {transform_indices = #map1}, {transform_indices = #map1}, {transform_indices = #map1}]} {
    %mul3A = arith.constant 16 : i32
    %mul3A_0 = arith.muli %arg0, %mul3A : i32
    %add3A = arith.addi %mul3A_0, %arg1 : i32
    "tpu.region"() ({
      %run_scoped3A = tpu.sem_alloc : memref<!tpu.dma_semaphore, #tpu.memory_space<semaphore_mem>>
      %dma_start3A = arith.constant 0 : i32
      %dma_start3A_8 = tpu.memref_slice %arg2[%add3A, %dma_start3A] : memref<32x10000xi32, #tpu.memory_space<hbm>> -> memref<1x10000xi32, #tpu.memory_space<hbm>>
      %dma_start3A_9 = tpu.memref_squeeze %dma_start3A_8 : memref<1x10000xi32, #tpu.memory_space<hbm>> -> memref<10000xi32, #tpu.memory_space<hbm>>
      %dma_start3A_10 = arith.constant 0 : i32
      %dma_start3A_11 = tpu.memref_slice %arg2[%add3A, %dma_start3A_10] : memref<32x10000xi32, #tpu.memory_space<hbm>> -> memref<1x10000xi32, #tpu.memory_space<hbm>>
      %dma_start3A_12 = tpu.memref_squeeze %dma_start3A_11 : memref<1x10000xi32, #tpu.memory_space<hbm>> -> memref<10000xi32, #tpu.memory_space<hbm>>
      tpu.enqueue_dma source(%dma_start3A_12 : memref<10000xi32, #tpu.memory_space<hbm>>) target(%arg7 : memref<10000xi32, #tpu.memory_space<vmem>>) target_semaphore(%run_scoped3A : memref<!tpu.dma_semaphore, #tpu.memory_space<semaphore_mem>>)
      %dma_wait3A = arith.constant 0 : i32
      %dma_wait3A_13 = tpu.memref_slice %arg2[%add3A, %dma_wait3A] : memref<32x10000xi32, #tpu.memory_space<hbm>> -> memref<1x10000xi32, #tpu.memory_space<hbm>>
      %dma_wait3A_14 = tpu.memref_squeeze %dma_wait3A_13 : memref<1x10000xi32, #tpu.memory_space<hbm>> -> memref<10000xi32, #tpu.memory_space<hbm>>
      %dma_wait3A_15 = arith.constant 0 : i32
      %dma_wait3A_16 = tpu.memref_slice %arg2[%add3A, %dma_wait3A_15] : memref<32x10000xi32, #tpu.memory_space<hbm>> -> memref<1x10000xi32, #tpu.memory_space<hbm>>
      %dma_wait3A_17 = tpu.memref_squeeze %dma_wait3A_16 : memref<1x10000xi32, #tpu.memory_space<hbm>> -> memref<10000xi32, #tpu.memory_space<hbm>>
      tpu.wait_dma2 semaphore(%run_scoped3A : memref<!tpu.dma_semaphore, #tpu.memory_space<semaphore_mem>>) src(%dma_wait3A_17 : memref<10000xi32, #tpu.memory_space<hbm>>) dst(%arg7 : memref<10000xi32, #tpu.memory_space<vmem>>)
      tpu.yield
    }) : () -> ()
    "tpu.region"() ({
      %run_scoped3A = tpu.sem_alloc : memref<!tpu.dma_semaphore, #tpu.memory_space<semaphore_mem>>
      %dma_start3A = arith.constant 0 : i32
      %dma_start3A_8 = tpu.memref_slice %arg3[%add3A, %dma_start3A] : memref<32x10000xi32, #tpu.memory_space<hbm>> -> memref<1x10000xi32, #tpu.memory_space<hbm>>
      %dma_start3A_9 = tpu.memref_squeeze %dma_start3A_8 : memref<1x10000xi32, #tpu.memory_space<hbm>> -> memref<10000xi32, #tpu.memory_space<hbm>>
      %dma_start3A_10 = arith.constant 0 : i32
      %dma_start3A_11 = tpu.memref_slice %arg3[%add3A, %dma_start3A_10] : memref<32x10000xi32, #tpu.memory_space<hbm>> -> memref<1x10000xi32, #tpu.memory_space<hbm>>
      %dma_start3A_12 = tpu.memref_squeeze %dma_start3A_11 : memref<1x10000xi32, #tpu.memory_space<hbm>> -> memref<10000xi32, #tpu.memory_space<hbm>>
      tpu.enqueue_dma source(%dma_start3A_12 : memref<10000xi32, #tpu.memory_space<hbm>>) target(%arg8 : memref<10000xi32, #tpu.memory_space<vmem>>) target_semaphore(%run_scoped3A : memref<!tpu.dma_semaphore, #tpu.memory_space<semaphore_mem>>)
      %dma_wait3A = arith.constant 0 : i32
      %dma_wait3A_13 = tpu.memref_slice %arg3[%add3A, %dma_wait3A] : memref<32x10000xi32, #tpu.memory_space<hbm>> -> memref<1x10000xi32, #tpu.memory_space<hbm>>
      %dma_wait3A_14 = tpu.memref_squeeze %dma_wait3A_13 : memref<1x10000xi32, #tpu.memory_space<hbm>> -> memref<10000xi32, #tpu.memory_space<hbm>>
      %dma_wait3A_15 = arith.constant 0 : i32
      %dma_wait3A_16 = tpu.memref_slice %arg3[%add3A, %dma_wait3A_15] : memref<32x10000xi32, #tpu.memory_space<hbm>> -> memref<1x10000xi32, #tpu.memory_space<hbm>>
      %dma_wait3A_17 = tpu.memref_squeeze %dma_wait3A_16 : memref<1x10000xi32, #tpu.memory_space<hbm>> -> memref<10000xi32, #tpu.memory_space<hbm>>
      tpu.wait_dma2 semaphore(%run_scoped3A : memref<!tpu.dma_semaphore, #tpu.memory_space<semaphore_mem>>) src(%dma_wait3A_17 : memref<10000xi32, #tpu.memory_space<hbm>>) dst(%arg8 : memref<10000xi32, #tpu.memory_space<vmem>>)
      tpu.yield
    }) : () -> ()
    "tpu.region"() ({
      %run_scoped3A = tpu.sem_alloc : memref<!tpu.dma_semaphore, #tpu.memory_space<semaphore_mem>>
      tpu.enqueue_dma source(%arg4 : memref<10240xf32, #tpu.memory_space<hbm>>) target(%arg9 : memref<10240xf32, #tpu.memory_space<vmem>>) target_semaphore(%run_scoped3A : memref<!tpu.dma_semaphore, #tpu.memory_space<semaphore_mem>>)
      tpu.wait_dma2 semaphore(%run_scoped3A : memref<!tpu.dma_semaphore, #tpu.memory_space<semaphore_mem>>) src(%arg4 : memref<10240xf32, #tpu.memory_space<hbm>>) dst(%arg9 : memref<10240xf32, #tpu.memory_space<vmem>>)
      tpu.yield
    }) : () -> ()
    "tpu.region"() ({
      %run_scoped3A = tpu.sem_alloc : memref<!tpu.dma_semaphore, #tpu.memory_space<semaphore_mem>>
      tpu.enqueue_dma source(%arg5 : memref<10240xf32, #tpu.memory_space<hbm>>) target(%arg10 : memref<10240xf32, #tpu.memory_space<vmem>>) target_semaphore(%run_scoped3A : memref<!tpu.dma_semaphore, #tpu.memory_space<semaphore_mem>>)
      tpu.wait_dma2 semaphore(%run_scoped3A : memref<!tpu.dma_semaphore, #tpu.memory_space<semaphore_mem>>) src(%arg5 : memref<10240xf32, #tpu.memory_space<hbm>>) dst(%arg10 : memref<10240xf32, #tpu.memory_space<vmem>>)
      tpu.yield
    }) : () -> ()
    %scan3A = arith.constant 0 : i32
    %scan3A_1 = arith.constant 0 : i32
    %scan3A_2 = arith.constant 625 : i32
    %scan3A_3 = arith.addi %scan3A_1, %scan3A_2 : i32
    %scan3A_4 = arith.constant 1 : i32
    scf.for %scan3A_8 = %scan3A_1 to %scan3A_3 step %scan3A_4  : i32 {
      %mul3A_9 = arith.constant 16 : i32
      %mul3A_10 = arith.muli %scan3A_8, %mul3A_9 : i32
      %get3A = arith.index_cast %mul3A_10 : i32 to index
      %get3A_11 = tpu.vector_load %arg7[%get3A] {strides = array<i32>} : memref<10000xi32, #tpu.memory_space<vmem>>, vector<16xi32>,
      %mul3A_12 = arith.constant 16 : i32
      %mul3A_13 = arith.muli %scan3A_8, %mul3A_12 : i32
      %get3A_14 = arith.index_cast %mul3A_13 : i32 to index
      %get3A_15 = tpu.vector_load %arg8[%get3A_14] {strides = array<i32>} : memref<10000xi32, #tpu.memory_space<vmem>>, vector<16xi32>,
      %gather3A = tpu.vector_load_idx %arg9[%get3A_11] : memref<10240xf32, #tpu.memory_space<vmem>>[vector<16xi32>], vector<16xf32>,
      %gather3A_16 = tpu.vector_load_idx %arg10[%get3A_15] : memref<10240xf32, #tpu.memory_space<vmem>>[vector<16xi32>], vector<16xf32>,
      %add3A_17 = arith.addf %gather3A, %gather3A_16 : vector<16xf32>
      %neg3A = arith.constant 0.000000e+00 : f32
      %neg3A_18 = vector.broadcast %neg3A : f32 to vector<16xf32>
      %neg3A_19 = arith.subf %neg3A_18, %add3A_17 : vector<16xf32>
      %exp3A = math.exp %neg3A_19 : vector<16xf32>
      %add3A_20 = arith.constant 1.000000e+00 : f32
      %add3A_21 = vector.broadcast %add3A_20 : f32 to vector<16xf32>
      %add3A_22 = arith.addf %add3A_21, %exp3A : vector<16xf32>
      %div3A = arith.constant 4.000000e+00 : f32
      %div3A_23 = vector.broadcast %div3A : f32 to vector<16xf32>
      %div3A_24 = arith.divf %div3A_23, %add3A_22 : vector<16xf32>
      %add3A_25 = arith.constant 1.000000e+00 : f32
      %add3A_26 = vector.broadcast %add3A_25 : f32 to vector<16xf32>
      %add3A_27 = arith.addf %div3A_24, %add3A_26 : vector<16xf32>
      %mul3A_28 = arith.constant 16 : i32
      %mul3A_29 = arith.muli %scan3A_8, %mul3A_28 : i32
      %swap3A = arith.index_cast %mul3A_29 : i32 to index
      %swap3A_30 = tpu.vector_load %arg11[%swap3A] {strides = array<i32>} : memref<10000xf32, #tpu.memory_space<vmem>>, vector<16xf32>,
      tpu.vector_store %arg11[%swap3A], %add3A_27 {strides = array<i32>} : memref<10000xf32, #tpu.memory_space<vmem>>, vector<16xf32>,
    }
    %scan3A_5 = arith.constant 625 : i32
    %mul3A_6 = arith.constant 10000 : i32
    %mul3A_7 = arith.muli %add3A, %mul3A_6 : i32
    "tpu.region"() ({
      %run_scoped3A = tpu.sem_alloc : memref<!tpu.dma_semaphore, #tpu.memory_space<semaphore_mem>>
      %dma_start3A = tpu.memref_slice %arg6[%mul3A_7] : memref<320000xf32, #tpu.memory_space<hbm>> -> memref<10000xf32, #tpu.memory_space<hbm>>
      %dma_start3A_8 = tpu.memref_slice %arg6[%mul3A_7] : memref<320000xf32, #tpu.memory_space<hbm>> -> memref<10000xf32, #tpu.memory_space<hbm>>
      tpu.enqueue_dma source(%arg11 : memref<10000xf32, #tpu.memory_space<vmem>>) target(%dma_start3A_8 : memref<10000xf32, #tpu.memory_space<hbm>>) target_semaphore(%run_scoped3A : memref<!tpu.dma_semaphore, #tpu.memory_space<semaphore_mem>>)
      %dma_wait3A = tpu.memref_slice %arg6[%mul3A_7] : memref<320000xf32, #tpu.memory_space<hbm>> -> memref<10000xf32, #tpu.memory_space<hbm>>
      %dma_wait3A_9 = tpu.memref_slice %arg6[%mul3A_7] : memref<320000xf32, #tpu.memory_space<hbm>> -> memref<10000xf32, #tpu.memory_space<hbm>>
      tpu.wait_dma2 semaphore(%run_scoped3A : memref<!tpu.dma_semaphore, #tpu.memory_space<semaphore_mem>>) src(%arg11 : memref<10000xf32, #tpu.memory_space<vmem>>) dst(%dma_wait3A_9 : memref<10000xf32, #tpu.memory_space<hbm>>)
      tpu.yield
    }) : () -> ()
    return
  }
}

module attributes {stable_mosaic.version = 14 : i64} {
  func.func @body(%arg0: i32, %arg1: memref<1280x128xf32, #tpu.memory_space<vmem>>, %arg2: memref<1280x128xf32, #tpu.memory_space<vmem>>, %arg3: memref<1280x1xf32, #tpu.memory_space<vmem>>, %arg4: memref<1280x1xf32, #tpu.memory_space<vmem>>, %arg5: memref<1280x128xf32, #tpu.memory_space<vmem>>, %arg6: memref<1280x128xf32, #tpu.memory_space<vmem>>, %arg7: memref<128x256xf32, #tpu.memory_space<vmem>>, %arg8: memref<128x256xf32, #tpu.memory_space<vmem>>, %arg9: memref<1x256xf32, #tpu.memory_space<vmem>>, %arg10: memref<1280x128xf32, #tpu.memory_space<vmem>>, %arg11: memref<1280x128xf32, #tpu.memory_space<vmem>>) attributes {dimension_semantics = [#tpu.dimension_semantics<arbitrary>], iteration_bounds = array<i64: 8>, scalar_prefetch = 0 : i64, scratch_operands = 0 : i64, tpu.core_type = #tpu.core_type<tc>, window_params = [{transform_indices = @transform_0, window_bounds = array<i64: 1280, 128>}, {transform_indices = @transform_1, window_bounds = array<i64: 1280, 128>}, {transform_indices = @transform_2, window_bounds = array<i64: 1280, 1>}, {transform_indices = @transform_3, window_bounds = array<i64: 1280, 1>}, {transform_indices = @transform_4, window_bounds = array<i64: 1280, 128>}, {transform_indices = @transform_5, window_bounds = array<i64: 1280, 128>}, {pipeline_mode = #tpu.pipeline_mode<synchronous>, transform_indices = @transform_6, window_bounds = array<i64: 128, 256>}, {pipeline_mode = #tpu.pipeline_mode<synchronous>, transform_indices = @transform_7, window_bounds = array<i64: 128, 256>}, {pipeline_mode = #tpu.pipeline_mode<synchronous>, transform_indices = @transform_8, window_bounds = array<i64: 1, 256>}, {transform_indices = @transform_9, window_bounds = array<i64: 1280, 128>}, {transform_indices = @transform_10, window_bounds = array<i64: 1280, 128>}]} {
    %get3A = arith.constant 0 : index
    %get3A_0 = arith.constant 0 : index
    %get3A_1 = vector.load %arg3[%get3A, %get3A_0] : memref<1280x1xf32, #tpu.memory_space<vmem>>, vector<1280x1xf32>
    %get3A_2 = arith.constant 0 : index
    %get3A_3 = arith.constant 0 : index
    %get3A_4 = vector.load %arg4[%get3A_2, %get3A_3] : memref<1280x1xf32, #tpu.memory_space<vmem>>, vector<1280x1xf32>
    %add3A = arith.addf %get3A_1, %get3A_4 : vector<1280x1xf32>
    %max3A = arith.constant 1.000000e+00 : f32
    %max3A_5 = vector.broadcast %max3A : f32 to vector<1280x1xf32>
    %max3A_6 = arith.maximumf %add3A, %max3A_5 : vector<1280x1xf32>
    %div3A = arith.constant 1.000000e+00 : f32
    %div3A_7 = vector.broadcast %div3A : f32 to vector<1280x1xf32>
    %div3A_8 = arith.divf %div3A_7, %max3A_6 : vector<1280x1xf32>
    %get3A_9 = arith.constant 0 : index
    %get3A_10 = arith.constant 0 : index
    %get3A_11 = vector.load %arg1[%get3A_9, %get3A_10] : memref<1280x128xf32, #tpu.memory_space<vmem>>, vector<1280x128xf32>
    %get3A_12 = arith.constant 0 : index
    %get3A_13 = arith.constant 0 : index
    %get3A_14 = vector.load %arg2[%get3A_12, %get3A_13] : memref<1280x128xf32, #tpu.memory_space<vmem>>, vector<1280x128xf32>
    %add3A_15 = arith.addf %get3A_11, %get3A_14 : vector<1280x128xf32>
    %mul3A = vector.broadcast %div3A_8 : vector<1280x1xf32> to vector<1280x128xf32>
    %mul3A_16 = arith.mulf %add3A_15, %mul3A : vector<1280x128xf32>
    %get3A_17 = arith.constant 0 : index
    %get3A_18 = arith.constant 0 : index
    %get3A_19 = vector.load %arg5[%get3A_17, %get3A_18] : memref<1280x128xf32, #tpu.memory_space<vmem>>, vector<1280x128xf32>
    %get3A_20 = arith.constant 0 : index
    %get3A_21 = arith.constant 0 : index
    %get3A_22 = vector.load %arg7[%get3A_20, %get3A_21] : memref<128x256xf32, #tpu.memory_space<vmem>>, vector<128x256xf32>
    %dot_general3A = arith.constant dense<0.000000e+00> : vector<1280x256xf32>
    %dot_general3A_23 = tpu.matmul %mul3A_16, %get3A_22, %dot_general3A {dimension_numbers = #tpu.dot_dimension_numbers<[1], [0], [0], [1], [0, 0, 1, 1], [], []>, transpose_lhs_hint = false} : vector<1280x128xf32>, vector<128x256xf32>, vector<1280x256xf32> -> vector<1280x256xf32>
    %get3A_24 = arith.constant 0 : index
    %get3A_25 = arith.constant 0 : index
    %get3A_26 = vector.load %arg9[%get3A_24, %get3A_25] : memref<1x256xf32, #tpu.memory_space<vmem>>, vector<1x256xf32>
    %add3A_27 = vector.broadcast %get3A_26 : vector<1x256xf32> to vector<1280x256xf32>
    %add3A_28 = arith.addf %dot_general3A_23, %add3A_27 : vector<1280x256xf32>
    %get3A_29 = arith.constant 0 : index
    %get3A_30 = arith.constant 0 : index
    %get3A_31 = vector.load %arg8[%get3A_29, %get3A_30] : memref<128x256xf32, #tpu.memory_space<vmem>>, vector<128x256xf32>
    %dot_general3A_32 = arith.constant dense<0.000000e+00> : vector<1280x256xf32>
    %dot_general3A_33 = tpu.matmul %get3A_19, %get3A_31, %dot_general3A_32 {dimension_numbers = #tpu.dot_dimension_numbers<[1], [0], [0], [1], [0, 0, 1, 1], [], []>, transpose_lhs_hint = false} : vector<1280x128xf32>, vector<128x256xf32>, vector<1280x256xf32> -> vector<1280x256xf32>
    %add3A_34 = arith.addf %add3A_28, %dot_general3A_33 : vector<1280x256xf32>
    %max3A_35 = arith.constant 0.000000e+00 : f32
    %max3A_36 = vector.broadcast %max3A_35 : f32 to vector<1280x256xf32>
    %max3A_37 = arith.maximumf %add3A_34, %max3A_36 : vector<1280x256xf32>
    %slice3A = vector.extract_strided_slice %max3A_37 {offsets = [0, 0], sizes = [1280, 128], strides = [1, 1]} : vector<1280x256xf32> to vector<1280x128xf32>
    %swap3A = arith.constant 0 : index
    %swap3A_38 = arith.constant 0 : index
    %swap3A_39 = vector.load %arg10[%swap3A, %swap3A_38] : memref<1280x128xf32, #tpu.memory_space<vmem>>, vector<1280x128xf32>
    tpu.vector_store %arg10[%swap3A, %swap3A_38], %slice3A {strides = array<i32>} : memref<1280x128xf32, #tpu.memory_space<vmem>>, vector<1280x128xf32>,
    %slice3A_40 = vector.extract_strided_slice %max3A_37 {offsets = [0, 128], sizes = [1280, 128], strides = [1, 1]} : vector<1280x256xf32> to vector<1280x128xf32>
    %swap3A_41 = arith.constant 0 : index
    %swap3A_42 = arith.constant 0 : index
    %swap3A_43 = vector.load %arg11[%swap3A_41, %swap3A_42] : memref<1280x128xf32, #tpu.memory_space<vmem>>, vector<1280x128xf32>
    tpu.vector_store %arg11[%swap3A_41, %swap3A_42], %slice3A_40 {strides = array<i32>} : memref<1280x128xf32, #tpu.memory_space<vmem>>, vector<1280x128xf32>,
    return
  }
  func.func @transform_0(%arg0: i32) -> (i32, i32) {
    %c0_i32 = arith.constant 0 : i32
    %c0_i32_0 = arith.constant 0 : i32
    return %arg0, %c0_i32 : i32, i32
  }
  func.func @transform_1(%arg0: i32) -> (i32, i32) {
    %c0_i32 = arith.constant 0 : i32
    %c0_i32_0 = arith.constant 0 : i32
    return %arg0, %c0_i32 : i32, i32
  }
  func.func @transform_2(%arg0: i32) -> (i32, i32) {
    %c0_i32 = arith.constant 0 : i32
    %c0_i32_0 = arith.constant 0 : i32
    return %arg0, %c0_i32 : i32, i32
  }
  func.func @transform_3(%arg0: i32) -> (i32, i32) {
    %c0_i32 = arith.constant 0 : i32
    %c0_i32_0 = arith.constant 0 : i32
    return %arg0, %c0_i32 : i32, i32
  }
  func.func @transform_4(%arg0: i32) -> (i32, i32) {
    %c0_i32 = arith.constant 0 : i32
    %c0_i32_0 = arith.constant 0 : i32
    return %arg0, %c0_i32 : i32, i32
  }
  func.func @transform_5(%arg0: i32) -> (i32, i32) {
    %c0_i32 = arith.constant 0 : i32
    %c0_i32_0 = arith.constant 0 : i32
    return %arg0, %c0_i32 : i32, i32
  }
  func.func @transform_6(%arg0: i32) -> (i32, i32) {
    %c0_i32 = arith.constant 0 : i32
    %c0_i32_0 = arith.constant 0 : i32
    %c0_i32_1 = arith.constant 0 : i32
    return %c0_i32, %c0_i32_0 : i32, i32
  }
  func.func @transform_7(%arg0: i32) -> (i32, i32) {
    %c0_i32 = arith.constant 0 : i32
    %c0_i32_0 = arith.constant 0 : i32
    %c0_i32_1 = arith.constant 0 : i32
    return %c0_i32, %c0_i32_0 : i32, i32
  }
  func.func @transform_8(%arg0: i32) -> (i32, i32) {
    %c0_i32 = arith.constant 0 : i32
    %c0_i32_0 = arith.constant 0 : i32
    %c0_i32_1 = arith.constant 0 : i32
    return %c0_i32, %c0_i32_0 : i32, i32
  }
  func.func @transform_9(%arg0: i32) -> (i32, i32) {
    %c0_i32 = arith.constant 0 : i32
    %c0_i32_0 = arith.constant 0 : i32
    return %arg0, %c0_i32 : i32, i32
  }
  func.func @transform_10(%arg0: i32) -> (i32, i32) {
    %c0_i32 = arith.constant 0 : i32
    %c0_i32_0 = arith.constant 0 : i32
    return %arg0, %c0_i32 : i32, i32
  }
}

module attributes {stable_mosaic.version = 14 : i64} {
  func.func @body(%arg0: i32, %arg1: memref<1280x128xf32, #tpu.memory_space<vmem>>, %arg2: memref<1280x128xf32, #tpu.memory_space<vmem>>, %arg3: memref<1280x1xf32, #tpu.memory_space<vmem>>, %arg4: memref<1280x1xf32, #tpu.memory_space<vmem>>, %arg5: memref<1280x128xf32, #tpu.memory_space<vmem>>, %arg6: memref<1280x128xf32, #tpu.memory_space<vmem>>, %arg7: memref<256x256xf32, #tpu.memory_space<vmem>>, %arg8: memref<256x256xf32, #tpu.memory_space<vmem>>, %arg9: memref<1x256xf32, #tpu.memory_space<vmem>>, %arg10: memref<1280x128xf32, #tpu.memory_space<vmem>>, %arg11: memref<1280x128xf32, #tpu.memory_space<vmem>>) attributes {dimension_semantics = [#tpu.dimension_semantics<arbitrary>], iteration_bounds = array<i64: 8>, scalar_prefetch = 0 : i64, scratch_operands = 0 : i64, tpu.core_type = #tpu.core_type<tc>, window_params = [{transform_indices = @transform_0, window_bounds = array<i64: 1280, 128>}, {transform_indices = @transform_1, window_bounds = array<i64: 1280, 128>}, {transform_indices = @transform_2, window_bounds = array<i64: 1280, 1>}, {transform_indices = @transform_3, window_bounds = array<i64: 1280, 1>}, {transform_indices = @transform_4, window_bounds = array<i64: 1280, 128>}, {transform_indices = @transform_5, window_bounds = array<i64: 1280, 128>}, {pipeline_mode = #tpu.pipeline_mode<synchronous>, transform_indices = @transform_6, window_bounds = array<i64: 256, 256>}, {pipeline_mode = #tpu.pipeline_mode<synchronous>, transform_indices = @transform_7, window_bounds = array<i64: 256, 256>}, {pipeline_mode = #tpu.pipeline_mode<synchronous>, transform_indices = @transform_8, window_bounds = array<i64: 1, 256>}, {transform_indices = @transform_9, window_bounds = array<i64: 1280, 128>}, {transform_indices = @transform_10, window_bounds = array<i64: 1280, 128>}]} {
    %get3A = arith.constant 0 : index
    %get3A_0 = arith.constant 0 : index
    %get3A_1 = vector.load %arg3[%get3A, %get3A_0] : memref<1280x1xf32, #tpu.memory_space<vmem>>, vector<1280x1xf32>
    %get3A_2 = arith.constant 0 : index
    %get3A_3 = arith.constant 0 : index
    %get3A_4 = vector.load %arg4[%get3A_2, %get3A_3] : memref<1280x1xf32, #tpu.memory_space<vmem>>, vector<1280x1xf32>
    %add3A = arith.addf %get3A_1, %get3A_4 : vector<1280x1xf32>
    %max3A = arith.constant 1.000000e+00 : f32
    %max3A_5 = vector.broadcast %max3A : f32 to vector<1280x1xf32>
    %max3A_6 = arith.maximumf %add3A, %max3A_5 : vector<1280x1xf32>
    %div3A = arith.constant 1.000000e+00 : f32
    %div3A_7 = vector.broadcast %div3A : f32 to vector<1280x1xf32>
    %div3A_8 = arith.divf %div3A_7, %max3A_6 : vector<1280x1xf32>
    %get3A_9 = arith.constant 0 : index
    %get3A_10 = arith.constant 0 : index
    %get3A_11 = vector.load %arg1[%get3A_9, %get3A_10] : memref<1280x128xf32, #tpu.memory_space<vmem>>, vector<1280x128xf32>
    %get3A_12 = arith.constant 0 : index
    %get3A_13 = arith.constant 0 : index
    %get3A_14 = vector.load %arg2[%get3A_12, %get3A_13] : memref<1280x128xf32, #tpu.memory_space<vmem>>, vector<1280x128xf32>
    %concatenate3A = tpu.concatenate %get3A_11, %get3A_14 in 1 : vector<1280x128xf32>, vector<1280x128xf32> -> vector<1280x256xf32>
    %mul3A = vector.broadcast %div3A_8 : vector<1280x1xf32> to vector<1280x256xf32>
    %mul3A_15 = arith.mulf %concatenate3A, %mul3A : vector<1280x256xf32>
    %get3A_16 = arith.constant 0 : index
    %get3A_17 = arith.constant 0 : index
    %get3A_18 = vector.load %arg5[%get3A_16, %get3A_17] : memref<1280x128xf32, #tpu.memory_space<vmem>>, vector<1280x128xf32>
    %get3A_19 = arith.constant 0 : index
    %get3A_20 = arith.constant 0 : index
    %get3A_21 = vector.load %arg6[%get3A_19, %get3A_20] : memref<1280x128xf32, #tpu.memory_space<vmem>>, vector<1280x128xf32>
    %concatenate3A_22 = tpu.concatenate %get3A_18, %get3A_21 in 1 : vector<1280x128xf32>, vector<1280x128xf32> -> vector<1280x256xf32>
    %get3A_23 = arith.constant 0 : index
    %get3A_24 = arith.constant 0 : index
    %get3A_25 = vector.load %arg7[%get3A_23, %get3A_24] : memref<256x256xf32, #tpu.memory_space<vmem>>, vector<256x256xf32>
    %dot_general3A = arith.constant dense<0.000000e+00> : vector<1280x256xf32>
    %dot_general3A_26 = tpu.matmul %mul3A_15, %get3A_25, %dot_general3A {dimension_numbers = #tpu.dot_dimension_numbers<[1], [0], [0], [1], [0, 0, 1, 1], [], []>, transpose_lhs_hint = false} : vector<1280x256xf32>, vector<256x256xf32>, vector<1280x256xf32> -> vector<1280x256xf32>
    %get3A_27 = arith.constant 0 : index
    %get3A_28 = arith.constant 0 : index
    %get3A_29 = vector.load %arg9[%get3A_27, %get3A_28] : memref<1x256xf32, #tpu.memory_space<vmem>>, vector<1x256xf32>
    %add3A_30 = vector.broadcast %get3A_29 : vector<1x256xf32> to vector<1280x256xf32>
    %add3A_31 = arith.addf %dot_general3A_26, %add3A_30 : vector<1280x256xf32>
    %get3A_32 = arith.constant 0 : index
    %get3A_33 = arith.constant 0 : index
    %get3A_34 = vector.load %arg8[%get3A_32, %get3A_33] : memref<256x256xf32, #tpu.memory_space<vmem>>, vector<256x256xf32>
    %dot_general3A_35 = arith.constant dense<0.000000e+00> : vector<1280x256xf32>
    %dot_general3A_36 = tpu.matmul %concatenate3A_22, %get3A_34, %dot_general3A_35 {dimension_numbers = #tpu.dot_dimension_numbers<[1], [0], [0], [1], [0, 0, 1, 1], [], []>, transpose_lhs_hint = false} : vector<1280x256xf32>, vector<256x256xf32>, vector<1280x256xf32> -> vector<1280x256xf32>
    %add3A_37 = arith.addf %add3A_31, %dot_general3A_36 : vector<1280x256xf32>
    %max3A_38 = arith.constant 0.000000e+00 : f32
    %max3A_39 = vector.broadcast %max3A_38 : f32 to vector<1280x256xf32>
    %max3A_40 = arith.maximumf %add3A_37, %max3A_39 : vector<1280x256xf32>
    %slice3A = vector.extract_strided_slice %max3A_40 {offsets = [0, 0], sizes = [1280, 128], strides = [1, 1]} : vector<1280x256xf32> to vector<1280x128xf32>
    %swap3A = arith.constant 0 : index
    %swap3A_41 = arith.constant 0 : index
    %swap3A_42 = vector.load %arg10[%swap3A, %swap3A_41] : memref<1280x128xf32, #tpu.memory_space<vmem>>, vector<1280x128xf32>
    tpu.vector_store %arg10[%swap3A, %swap3A_41], %slice3A {strides = array<i32>} : memref<1280x128xf32, #tpu.memory_space<vmem>>, vector<1280x128xf32>,
    %slice3A_43 = vector.extract_strided_slice %max3A_40 {offsets = [0, 128], sizes = [1280, 128], strides = [1, 1]} : vector<1280x256xf32> to vector<1280x128xf32>
    %swap3A_44 = arith.constant 0 : index
    %swap3A_45 = arith.constant 0 : index
    %swap3A_46 = vector.load %arg11[%swap3A_44, %swap3A_45] : memref<1280x128xf32, #tpu.memory_space<vmem>>, vector<1280x128xf32>
    tpu.vector_store %arg11[%swap3A_44, %swap3A_45], %slice3A_43 {strides = array<i32>} : memref<1280x128xf32, #tpu.memory_space<vmem>>, vector<1280x128xf32>,
    return
  }
  func.func @transform_0(%arg0: i32) -> (i32, i32) {
    %c0_i32 = arith.constant 0 : i32
    %c0_i32_0 = arith.constant 0 : i32
    return %arg0, %c0_i32 : i32, i32
  }
  func.func @transform_1(%arg0: i32) -> (i32, i32) {
    %c0_i32 = arith.constant 0 : i32
    %c0_i32_0 = arith.constant 0 : i32
    return %arg0, %c0_i32 : i32, i32
  }
  func.func @transform_2(%arg0: i32) -> (i32, i32) {
    %c0_i32 = arith.constant 0 : i32
    %c0_i32_0 = arith.constant 0 : i32
    return %arg0, %c0_i32 : i32, i32
  }
  func.func @transform_3(%arg0: i32) -> (i32, i32) {
    %c0_i32 = arith.constant 0 : i32
    %c0_i32_0 = arith.constant 0 : i32
    return %arg0, %c0_i32 : i32, i32
  }
  func.func @transform_4(%arg0: i32) -> (i32, i32) {
    %c0_i32 = arith.constant 0 : i32
    %c0_i32_0 = arith.constant 0 : i32
    return %arg0, %c0_i32 : i32, i32
  }
  func.func @transform_5(%arg0: i32) -> (i32, i32) {
    %c0_i32 = arith.constant 0 : i32
    %c0_i32_0 = arith.constant 0 : i32
    return %arg0, %c0_i32 : i32, i32
  }
  func.func @transform_6(%arg0: i32) -> (i32, i32) {
    %c0_i32 = arith.constant 0 : i32
    %c0_i32_0 = arith.constant 0 : i32
    %c0_i32_1 = arith.constant 0 : i32
    return %c0_i32, %c0_i32_0 : i32, i32
  }
  func.func @transform_7(%arg0: i32) -> (i32, i32) {
    %c0_i32 = arith.constant 0 : i32
    %c0_i32_0 = arith.constant 0 : i32
    %c0_i32_1 = arith.constant 0 : i32
    return %c0_i32, %c0_i32_0 : i32, i32
  }
  func.func @transform_8(%arg0: i32) -> (i32, i32) {
    %c0_i32 = arith.constant 0 : i32
    %c0_i32_0 = arith.constant 0 : i32
    %c0_i32_1 = arith.constant 0 : i32
    return %c0_i32, %c0_i32_0 : i32, i32
  }
  func.func @transform_9(%arg0: i32) -> (i32, i32) {
    %c0_i32 = arith.constant 0 : i32
    %c0_i32_0 = arith.constant 0 : i32
    return %arg0, %c0_i32 : i32, i32
  }
  func.func @transform_10(%arg0: i32) -> (i32, i32) {
    %c0_i32 = arith.constant 0 : i32
    %c0_i32_0 = arith.constant 0 : i32
    return %arg0, %c0_i32 : i32, i32
  }
}

module attributes {stable_mosaic.version = 14 : i64} {
  func.func @_tc3_body(%arg0: i32, %arg1: memref<1280x128xf32, #tpu.memory_space<vmem>>, %arg2: memref<1280x128xf32, #tpu.memory_space<vmem>>, %arg3: memref<1280x1xf32, #tpu.memory_space<vmem>>, %arg4: memref<1280x1xf32, #tpu.memory_space<vmem>>, %arg5: memref<1280x128xf32, #tpu.memory_space<vmem>>, %arg6: memref<1280x128xf32, #tpu.memory_space<vmem>>, %arg7: memref<256x256xf32, #tpu.memory_space<vmem>>, %arg8: memref<256x256xf32, #tpu.memory_space<vmem>>, %arg9: memref<1x256xf32, #tpu.memory_space<vmem>>, %arg10: memref<1x256xf32, #tpu.memory_space<vmem>>, %arg11: memref<1x256xf32, #tpu.memory_space<vmem>>, %arg12: memref<1x1xf32, #tpu.memory_space<vmem>>, %arg13: memref<1280x1xf32, #tpu.memory_space<vmem>>, %arg14: memref<1280x1xf32, #tpu.memory_space<vmem>>) attributes {dimension_semantics = [#tpu.dimension_semantics<arbitrary>], iteration_bounds = array<i64: 8>, scalar_prefetch = 0 : i64, scratch_operands = 0 : i64, tpu.core_type = #tpu.core_type<tc>, window_params = [{transform_indices = @transform_0, window_bounds = array<i64: 1280, 128>}, {transform_indices = @transform_1, window_bounds = array<i64: 1280, 128>}, {transform_indices = @transform_2, window_bounds = array<i64: 1280, 1>}, {transform_indices = @transform_3, window_bounds = array<i64: 1280, 1>}, {transform_indices = @transform_4, window_bounds = array<i64: 1280, 128>}, {transform_indices = @transform_5, window_bounds = array<i64: 1280, 128>}, {pipeline_mode = #tpu.pipeline_mode<synchronous>, transform_indices = @transform_6, window_bounds = array<i64: 256, 256>}, {pipeline_mode = #tpu.pipeline_mode<synchronous>, transform_indices = @transform_7, window_bounds = array<i64: 256, 256>}, {pipeline_mode = #tpu.pipeline_mode<synchronous>, transform_indices = @transform_8, window_bounds = array<i64: 1, 256>}, {pipeline_mode = #tpu.pipeline_mode<synchronous>, transform_indices = @transform_9, window_bounds = array<i64: 1, 256>}, {pipeline_mode = #tpu.pipeline_mode<synchronous>, transform_indices = @transform_10, window_bounds = array<i64: 1, 256>}, {pipeline_mode = #tpu.pipeline_mode<synchronous>, transform_indices = @transform_11, window_bounds = array<i64: 1, 1>}, {transform_indices = @transform_12, window_bounds = array<i64: 1280, 1>}, {transform_indices = @transform_13, window_bounds = array<i64: 1280, 1>}]} {
    %get3A = arith.constant 0 : index
    %get3A_0 = arith.constant 0 : index
    %get3A_1 = vector.load %arg3[%get3A, %get3A_0] : memref<1280x1xf32, #tpu.memory_space<vmem>>, vector<1280x1xf32>
    %get3A_2 = arith.constant 0 : index
    %get3A_3 = arith.constant 0 : index
    %get3A_4 = vector.load %arg4[%get3A_2, %get3A_3] : memref<1280x1xf32, #tpu.memory_space<vmem>>, vector<1280x1xf32>
    %add3A = arith.addf %get3A_1, %get3A_4 : vector<1280x1xf32>
    %max3A = arith.constant 1.000000e+00 : f32
    %max3A_5 = vector.broadcast %max3A : f32 to vector<1280x1xf32>
    %max3A_6 = arith.maximumf %add3A, %max3A_5 : vector<1280x1xf32>
    %div3A = arith.constant 1.000000e+00 : f32
    %div3A_7 = vector.broadcast %div3A : f32 to vector<1280x1xf32>
    %div3A_8 = arith.divf %div3A_7, %max3A_6 : vector<1280x1xf32>
    %get3A_9 = arith.constant 0 : index
    %get3A_10 = arith.constant 0 : index
    %get3A_11 = vector.load %arg1[%get3A_9, %get3A_10] : memref<1280x128xf32, #tpu.memory_space<vmem>>, vector<1280x128xf32>
    %get3A_12 = arith.constant 0 : index
    %get3A_13 = arith.constant 0 : index
    %get3A_14 = vector.load %arg2[%get3A_12, %get3A_13] : memref<1280x128xf32, #tpu.memory_space<vmem>>, vector<1280x128xf32>
    %concatenate3A = tpu.concatenate %get3A_11, %get3A_14 in 1 : vector<1280x128xf32>, vector<1280x128xf32> -> vector<1280x256xf32>
    %mul3A = vector.broadcast %div3A_8 : vector<1280x1xf32> to vector<1280x256xf32>
    %mul3A_15 = arith.mulf %concatenate3A, %mul3A : vector<1280x256xf32>
    %get3A_16 = arith.constant 0 : index
    %get3A_17 = arith.constant 0 : index
    %get3A_18 = vector.load %arg5[%get3A_16, %get3A_17] : memref<1280x128xf32, #tpu.memory_space<vmem>>, vector<1280x128xf32>
    %get3A_19 = arith.constant 0 : index
    %get3A_20 = arith.constant 0 : index
    %get3A_21 = vector.load %arg6[%get3A_19, %get3A_20] : memref<1280x128xf32, #tpu.memory_space<vmem>>, vector<1280x128xf32>
    %concatenate3A_22 = tpu.concatenate %get3A_18, %get3A_21 in 1 : vector<1280x128xf32>, vector<1280x128xf32> -> vector<1280x256xf32>
    %get3A_23 = arith.constant 0 : index
    %get3A_24 = arith.constant 0 : index
    %get3A_25 = vector.load %arg7[%get3A_23, %get3A_24] : memref<256x256xf32, #tpu.memory_space<vmem>>, vector<256x256xf32>
    %dot_general3A = arith.constant dense<0.000000e+00> : vector<1280x256xf32>
    %dot_general3A_26 = tpu.matmul %mul3A_15, %get3A_25, %dot_general3A {dimension_numbers = #tpu.dot_dimension_numbers<[1], [0], [0], [1], [0, 0, 1, 1], [], []>, transpose_lhs_hint = false} : vector<1280x256xf32>, vector<256x256xf32>, vector<1280x256xf32> -> vector<1280x256xf32>
    %get3A_27 = arith.constant 0 : index
    %get3A_28 = arith.constant 0 : index
    %get3A_29 = vector.load %arg9[%get3A_27, %get3A_28] : memref<1x256xf32, #tpu.memory_space<vmem>>, vector<1x256xf32>
    %add3A_30 = vector.broadcast %get3A_29 : vector<1x256xf32> to vector<1280x256xf32>
    %add3A_31 = arith.addf %dot_general3A_26, %add3A_30 : vector<1280x256xf32>
    %get3A_32 = arith.constant 0 : index
    %get3A_33 = arith.constant 0 : index
    %get3A_34 = vector.load %arg8[%get3A_32, %get3A_33] : memref<256x256xf32, #tpu.memory_space<vmem>>, vector<256x256xf32>
    %dot_general3A_35 = arith.constant dense<0.000000e+00> : vector<1280x256xf32>
    %dot_general3A_36 = tpu.matmul %concatenate3A_22, %get3A_34, %dot_general3A_35 {dimension_numbers = #tpu.dot_dimension_numbers<[1], [0], [0], [1], [0, 0, 1, 1], [], []>, transpose_lhs_hint = false} : vector<1280x256xf32>, vector<256x256xf32>, vector<1280x256xf32> -> vector<1280x256xf32>
    %add3A_37 = arith.addf %add3A_31, %dot_general3A_36 : vector<1280x256xf32>
    %max3A_38 = arith.constant 0.000000e+00 : f32
    %max3A_39 = vector.broadcast %max3A_38 : f32 to vector<1280x256xf32>
    %max3A_40 = arith.maximumf %add3A_37, %max3A_39 : vector<1280x256xf32>
    %get3A_41 = arith.constant 0 : index
    %get3A_42 = arith.constant 0 : index
    %get3A_43 = vector.load %arg10[%get3A_41, %get3A_42] : memref<1x256xf32, #tpu.memory_space<vmem>>, vector<1x256xf32>
    %mul3A_44 = vector.broadcast %get3A_43 : vector<1x256xf32> to vector<1280x256xf32>
    %mul3A_45 = arith.mulf %max3A_40, %mul3A_44 : vector<1280x256xf32>
    %reduce_sum3A = arith.constant dense<0.000000e+00> : vector<1280xf32>
    %reduce_sum3A_46 = vector.multi_reduction <add>, %mul3A_45, %reduce_sum3A [1] : vector<1280x256xf32> to vector<1280xf32>
    %broadcast_in_dim3A = vector.shape_cast %reduce_sum3A_46 : vector<1280xf32> to vector<1280x1xf32>
    %get3A_47 = arith.constant 0 : index
    %get3A_48 = arith.constant 0 : index
    %get3A_49 = vector.load %arg12[%get3A_47, %get3A_48] : memref<1x1xf32, #tpu.memory_space<vmem>>, vector<1x1xf32>
    %get3A_50 = vector.extract %get3A_49[0, 0] : f32 from vector<1x1xf32>
    %add3A_51 = vector.broadcast %get3A_50 : f32 to vector<1280x1xf32>
    %add3A_52 = arith.addf %broadcast_in_dim3A, %add3A_51 : vector<1280x1xf32>
    %swap3A = arith.constant 0 : index
    %swap3A_53 = arith.constant 0 : index
    %swap3A_54 = vector.load %arg13[%swap3A, %swap3A_53] : memref<1280x1xf32, #tpu.memory_space<vmem>>, vector<1280x1xf32>
    tpu.vector_store %arg13[%swap3A, %swap3A_53], %add3A_52 {strides = array<i32>} : memref<1280x1xf32, #tpu.memory_space<vmem>>, vector<1280x1xf32>,
    %get3A_55 = arith.constant 0 : index
    %get3A_56 = arith.constant 0 : index
    %get3A_57 = vector.load %arg11[%get3A_55, %get3A_56] : memref<1x256xf32, #tpu.memory_space<vmem>>, vector<1x256xf32>
    %mul3A_58 = vector.broadcast %get3A_57 : vector<1x256xf32> to vector<1280x256xf32>
    %mul3A_59 = arith.mulf %max3A_40, %mul3A_58 : vector<1280x256xf32>
    %reduce_sum3A_60 = arith.constant dense<0.000000e+00> : vector<1280xf32>
    %reduce_sum3A_61 = vector.multi_reduction <add>, %mul3A_59, %reduce_sum3A_60 [1] : vector<1280x256xf32> to vector<1280xf32>
    %broadcast_in_dim3A_62 = vector.shape_cast %reduce_sum3A_61 : vector<1280xf32> to vector<1280x1xf32>
    %swap3A_63 = arith.constant 0 : index
    %swap3A_64 = arith.constant 0 : index
    %swap3A_65 = vector.load %arg14[%swap3A_63, %swap3A_64] : memref<1280x1xf32, #tpu.memory_space<vmem>>, vector<1280x1xf32>
    tpu.vector_store %arg14[%swap3A_63, %swap3A_64], %broadcast_in_dim3A_62 {strides = array<i32>} : memref<1280x1xf32, #tpu.memory_space<vmem>>, vector<1280x1xf32>,
    return
  }
  func.func @transform_0(%arg0: i32) -> (i32, i32) {
    %c0_i32 = arith.constant 0 : i32
    %c0_i32_0 = arith.constant 0 : i32
    return %arg0, %c0_i32 : i32, i32
  }
  func.func @transform_1(%arg0: i32) -> (i32, i32) {
    %c0_i32 = arith.constant 0 : i32
    %c0_i32_0 = arith.constant 0 : i32
    return %arg0, %c0_i32 : i32, i32
  }
  func.func @transform_2(%arg0: i32) -> (i32, i32) {
    %c0_i32 = arith.constant 0 : i32
    %c0_i32_0 = arith.constant 0 : i32
    return %arg0, %c0_i32 : i32, i32
  }
  func.func @transform_3(%arg0: i32) -> (i32, i32) {
    %c0_i32 = arith.constant 0 : i32
    %c0_i32_0 = arith.constant 0 : i32
    return %arg0, %c0_i32 : i32, i32
  }
  func.func @transform_4(%arg0: i32) -> (i32, i32) {
    %c0_i32 = arith.constant 0 : i32
    %c0_i32_0 = arith.constant 0 : i32
    return %arg0, %c0_i32 : i32, i32
  }
  func.func @transform_5(%arg0: i32) -> (i32, i32) {
    %c0_i32 = arith.constant 0 : i32
    %c0_i32_0 = arith.constant 0 : i32
    return %arg0, %c0_i32 : i32, i32
  }
  func.func @transform_6(%arg0: i32) -> (i32, i32) {
    %c0_i32 = arith.constant 0 : i32
    %c0_i32_0 = arith.constant 0 : i32
    %c0_i32_1 = arith.constant 0 : i32
    return %c0_i32, %c0_i32_0 : i32, i32
  }
  func.func @transform_7(%arg0: i32) -> (i32, i32) {
    %c0_i32 = arith.constant 0 : i32
    %c0_i32_0 = arith.constant 0 : i32
    %c0_i32_1 = arith.constant 0 : i32
    return %c0_i32, %c0_i32_0 : i32, i32
  }
  func.func @transform_8(%arg0: i32) -> (i32, i32) {
    %c0_i32 = arith.constant 0 : i32
    %c0_i32_0 = arith.constant 0 : i32
    %c0_i32_1 = arith.constant 0 : i32
    return %c0_i32, %c0_i32_0 : i32, i32
  }
  func.func @transform_9(%arg0: i32) -> (i32, i32) {
    %c0_i32 = arith.constant 0 : i32
    %c0_i32_0 = arith.constant 0 : i32
    %c0_i32_1 = arith.constant 0 : i32
    return %c0_i32, %c0_i32_0 : i32, i32
  }
  func.func @transform_10(%arg0: i32) -> (i32, i32) {
    %c0_i32 = arith.constant 0 : i32
    %c0_i32_0 = arith.constant 0 : i32
    %c0_i32_1 = arith.constant 0 : i32
    return %c0_i32, %c0_i32_0 : i32, i32
  }
  func.func @transform_11(%arg0: i32) -> (i32, i32) {
    %c0_i32 = arith.constant 0 : i32
    %c0_i32_0 = arith.constant 0 : i32
    %c0_i32_1 = arith.constant 0 : i32
    return %c0_i32, %c0_i32_0 : i32, i32
  }
  func.func @transform_12(%arg0: i32) -> (i32, i32) {
    %c0_i32 = arith.constant 0 : i32
    %c0_i32_0 = arith.constant 0 : i32
    return %arg0, %c0_i32 : i32, i32
  }
  func.func @transform_13(%arg0: i32) -> (i32, i32) {
    %c0_i32 = arith.constant 0 : i32
    %c0_i32_0 = arith.constant 0 : i32
    return %arg0, %c0_i32 : i32, i32
  }
}

</mosaic_0001>

<sc_bundles>
// kernel: kernel.10.cloned.1.call-start
scs
__scs_entry_jumppad:
0x0: {  	(pc) =	sbr.rel $0x88, $3  }
0x1: {  	(tag) =	ssettag $0x0;
	lr =	simm.s32 $0x1  }
0x2: {  	[smem:$0x3F94] =	sst lr;
	_ =	strace $0xD0000000  }
0x3: {  	_ = 	snop  }
0x4: {  	_ = 	snop  }
0x5: {  	_ = 	snop  }
0x6: {  	_ = 	snop  }
0x7: {  	_ = 	snop  }
__scs_overlays_trampoline_lowered:
0x8: {  	[smem:$0x3FA3] =	sst s0  }
0x9: {  	[smem:$0x3FA4] =	sst s1  }
0xa: {  	[smem:$0x3FA5] =	sst s2  }
0xb: {  	[smem:$0x3FA6] =	sst s3  }
0xc: {  	[smem:$0x3FA7] =	sst s4  }
0xd: {  	[smem:$0x3FA8] =	sst s5  }
0xe: {  	[smem:$0x3FA9] =	sst s6  }
0xf: {  	[smem:$0x3FAA] =	sst s7  }
0x10: {  	[smem:$0x3FAB] =	sst s8  }
0x11: {  	[smem:$0x3FAC] =	sst s9;
	s0 =	simm.s32 @!p0 $0x0  }
0x12: {  	s1 =	sld [smem:$0x3F92];
	s0 =	simm.s32 @p0 $0x1  }
0x13: {  	[smem:$0x3FAD] =	sst s0;
	s0 =	simm.s32 @!p1 $0x0  }
0x14: {  	s2 =	sld [smem:$0x3F91];
	s0 =	simm.s32 @p1 $0x1  }
0x15: {  	[smem:$0x3FAE] =	sst s0;
	s0 =	simm.s32 @!p2 $0x0  }
0x16: {  	s3 =	sld [smem:$0x3FDB];
	s0 =	simm.s32 @p2 $0x1  }
0x17: {  	s4 =	simm.s32 $0x1BF5;
	[smem:$0x3FB0] =	sst s0  }
0x18: {  	s0 =	sld [smem:$0x3F93];
	_ =	swait.ge [sflag:s4], $0x0  }
0x19: {  	s7 =	sld [smem:$0x3F94]  }
0x1a: {  	s8 =	sadd.s32 $0xFFFFE003, lr  }
0x1b: {  	s9 =	sadd.s32 $0xFFFFFEF7, lr;
	s5 =	simm.s32 $0xFFFFFFFF;
	p2 =	slt.u32 s8, $0xFFFFF086  }
0x1c: {  	p1 =	slt.u32 s9, $0xF7A;
	s5 =	simm.s32 @!p2 $0x0  }
0x1d: {  	s5 =	simm.s32 @p1 $0x1;
	p0 =	seq.s32 s7, s2  }
0x1e: {  	s7 =	smul.u32 @!p0 $0xF7A, s2;
	p2 =	seq.s32 @!p0 s5, $0x0  }
0x1f: {  	s9 =	smul.u32 $0xF7A, s1;
	s8 =	simm.s32 @!p0 $0x1BF5;
	p2 =	por !p2, p0  }
0x20: {  	[sflag:s8] =	ssyncset.s32 @!p0 $0xFFFFF086;
	s6 =	sadd.s32 @!p0 s3, s7;
	s7 =	simm.s32 @!p0 $0x108  }
0x21: {  	s3 =	sadd.s32 s3, s9;
	s6 =	sadd.s32 @!p0 $0x88, s6;
	s7 =	simm.s32 @p2 $0x1082  }
0x22: {  	[simem:s7], [sflag:s8] =	dma.local @!p0 [hbm:s6], $0xF7A  }
0x23: {  	s9 =	sor.u32 $0xD0000000, s2;
	s6 =	simm.s32 $0x108;
	_ =	swait.ge @!p0 [sflag:s8], $0x0  }
0x24: {  	s3 =	sadd.s32 $0x88, s3;
	s6 =	simm.s32 @!p1 $0x1082;
	[sflag:s4] =	ssyncset.s32 $0xFFFFF086  }
0x25: {  	[simem:s6], [sflag:s4] =	dma.local [hbm:s3], $0xF7A  }
0x26: {  	[smem:$0x3F94] =	sst s1;
	(tag) =	ssettag s2;
	_ =	strace s9  }
0x27: {  	s1 =	sld [smem:$0x3FA4]  }
0x28: {  	s2 =	sld [smem:$0x3FA5]  }
0x29: {  	s4 =	sld [smem:$0x3FA7]  }
0x2a: {  	p0 =	seq.s32 s5, $0x0;
	s5 =	sld [smem:$0x3FA8]  }
0x2b: {  	s6 =	sld [smem:$0x3FA9]  }
0x2c: {  	s7 =	sld [smem:$0x3FAA]  }
0x2d: {  	s3 =	simm.s32 $0x108;
	s8 =	sld [smem:$0x3FAB]  }
0x2e: {  	s3 =	simm.s32 @!p0 $0x1082;
	s9 =	sld [smem:$0x3FAC]  }
0x2f: {  	lr =	sadd.s32 s0, s3;
	s0 =	sld [smem:$0x3FA3]  }
0x30: {  	s3 =	sld [smem:$0x3FA6]  }
0x31: {  	[smem:$0x3FAF] =	sst s10  }
0x32: {  	s10 =	sld [smem:$0x3FAD];
	_ =	sdelay $0x3  }
0x33: {  	p0 =	seq.s32 s10, $0x1;
	s10 =	sld [smem:$0x3FAF];
	_ =	sdelay $0x3  }
0x34: {  	[smem:$0x3FAF] =	sst s10  }
0x35: {  	s10 =	sld [smem:$0x3FAE];
	_ =	sdelay $0x3  }
0x36: {  	p1 =	seq.s32 s10, $0x1;
	s10 =	sld [smem:$0x3FAF];
	_ =	sdelay $0x3  }
0x37: {  	[smem:$0x3FAF] =	sst s10  }
0x38: {  	s10 =	sld [smem:$0x3FB0]  }
0x39: {  	_ = 	snop;
	(pc) =	sbr.ind lr, $3  }
0x3a: {  	_ = 	snop  }
0x3b: {  	_ = 	snop  }
0x3c: {  	p2 =	seq.s32 s10, $0x1;
	s10 =	sld [smem:$0x3FAF]  }
0x3d: {  	_ =	shalt  }
0x3e: {  	_ =	shalt  }
0x3f: {  	_ =	shalt  }
0x40: {  	_ =	shalt  }
0x41: {  	_ =	shalt  }
0x42: {  	_ =	shalt  }
0x43: {  	_ =	shalt  }
0x44: {  	_ =	shalt  }
0x45: {  	_ =	shalt  }
0x46: {  	_ =	shalt  }
0x47: {  	_ =	shalt  }
0x48: {  	_ =	shalt  }
0x49: {  	_ =	shalt  }
0x4a: {  	_ =	shalt  }
0x4b: {  	_ =	shalt  }
0x4c: {  	_ =	shalt  }
0x4d: {  	_ =	shalt  }
0x4e: {  	_ =	shalt  }
0x4f: {  	_ =	shalt  }
0x50: {  	_ =	shalt  }
0x51: {  	_ =	shalt  }
0x52: {  	_ =	shalt  }
0x53: {  	_ =	shalt  }
0x54: {  	_ =	shalt  }
0x55: {  	_ =	shalt  }
0x56: {  	_ =	shalt  }
0x57: {  	_ =	shalt  }
0x58: {  	_ =	shalt  }
0x59: {  	_ =	shalt  }
0x5a: {  	_ =	shalt  }
0x5b: {  	_ =	shalt  }
0x5c: {  	_ =	shalt  }
0x5d: {  	_ =	shalt  }
0x5e: {  	_ =	shalt  }
0x5f: {  	_ =	shalt  }
0x60: {  	_ =	shalt  }
0x61: {  	_ =	shalt  }
0x62: {  	_ =	shalt  }
0x63: {  	_ =	shalt  }
0x64: {  	_ =	shalt  }
0x65: {  	_ =	shalt  }
0x66: {  	_ =	shalt  }
0x67: {  	_ =	shalt  }
0x68: {  	_ =	shalt  }
0x69: {  	_ =	shalt  }
0x6a: {  	_ =	shalt  }
0x6b: {  	_ =	shalt  }
0x6c: {  	_ =	shalt  }
0x6d: {  	_ =	shalt  }
0x6e: {  	_ =	shalt  }
0x6f: {  	_ =	shalt  }
0x70: {  	_ =	shalt  }
0x71: {  	_ =	shalt  }
0x72: {  	_ =	shalt  }
0x73: {  	_ =	shalt  }
0x74: {  	_ =	shalt  }
0x75: {  	_ =	shalt  }
0x76: {  	_ =	shalt  }
0x77: {  	_ =	shalt  }
0x78: {  	_ =	shalt  }
0x79: {  	_ =	shalt  }
0x7a: {  	_ =	shalt  }
0x7b: {  	_ =	shalt  }
0x7c: {  	_ =	shalt  }
0x7d: {  	_ =	shalt  }
0x7e: {  	_ =	shalt  }
0x7f: {  	_ =	shalt  }
0x80: {  	_ =	shalt  }
0x81: {  	_ =	shalt  }
0x82: {  	_ =	shalt  }
0x83: {  	_ =	shalt  }
0x84: {  	_ =	shalt  }
0x85: {  	_ =	shalt  }
0x86: {  	_ =	shalt  }
0x87: {  	_ =	shalt  }
.Lfunc_end0:
.L_simem_size_0:
called_computation_lowered:
.L_overlay_start_0:
0x88: {  	s2 =	sld [smem:$0x3FD9]  }
0x89: {  	s3 =	sld [smem:$0x3FFE];
	_ =	sdelay $0x1  }
0x8a: {  	s1 =	srdreg.scid  }
0x8b: {  	s0 =	sand.u32 $0x1, s1  }
0x8c: {  	s16 =	sshll.u32 s0, $0xA;
	s2 =	sadd.s32 s3, s2  }
0x8d: {  	s2 =	sadd.s32 s2, s16  }
0x8e: {  	[smem:$0x3FBB] =	sst s2  }
0x8f: {  	_ = 	snop  }
0x90: {  	(tm) =	ssettm $0x1  }
0x91: {  	s17 =	sld [smem:$0x3FFB];
	_ =	sdelay $0x3  }
0x92: {  	_ =	strace s17  }
0x93: {  	s2 =	sld [smem:$0x3FFC];
	_ =	sdelay $0x3  }
0x94: {  	_ =	strace s2  }
0x95: {  	s2 =	sld [smem:$0x3FFD];
	_ =	sdelay $0x3  }
0x96: {  	_ =	strace s2  }
0x97: {  	_ =	strace $0x8FFFFFFF  }
0x98: {  	s18 =	sld [smem:$0x3FDB];
	_ =	sdelay $0x1  }
0x99: {  	s19 =	simm.s32 $_scs_section_size  }
0x9a: {  	s4 =	simm.s32 $_size__tile_overlayer_lowered;
	s5 =	simm.s32 $_tile_overlayer_lowered  }
0x9b: {  	s22 =	simm.s32 $0x1BFF;
	s21 =	sshll.u32 s5, $0x1;
	s2 =	sadd.s32 s19, s18  }
0x9c: {  	s6 =	simm.s32 $0x0;
	s20 =	sshll.u32 s4, $0x1;
	s4 =	sadd.s32 s21, s2  }
0x9d: {  	[timem:s6], [sflag:s22] =	dma.local [hbm:s4], s20  }
0x9e: {  	_ =	swait.ge [sflag:s22], s20  }
0x9f: {  	s3 =	ssub.s32 $0x0, s20;
	[sflag:s22] =	ssyncset.done $0x0  }
0xa0: {  	[sflag:s22] =	ssyncadd.s32 s3;
	_ =	sdelay $0x1  }
0xa1: {  	s23 =	simm.s32 $0x1B8B  }
0xa2: {  	_ =	swait.ge [sflag:s23], $0x1  }
0xa3: {  	[sflag:s23] =	ssyncset.done $0x0  }
0xa4: {  	s25 =	simm.s32 $0x1B8E;
	s24 =	sld [smem:$0x3FFE];
	[sflag:s23] =	ssyncadd.s32 $0xFFFFFFFF  }
0xa5: {  	s26 =	simm.s32 $execute0_lowered;
	[smem:$0x3FD2] =	sst s25  }
0xa6: {  	s4 =	sshll.u32 s26, $0x1;
	_ =	strace $0x80000046;
	[dreg:$0x1] =	wrdreg $0xFFFFFFFF  }
0xa7: {  	s28 =	simm.s32 $_size_execute0_lowered;
	s2 =	sadd.s32 s2, s4;
	[dreg:$0x0] =	wrdreg $0x0  }
0xa8: {  	s4 =	sshll.u32 s28, $0x1;
	[dreg:$0x2] =	wrdreg s2  }
0xa9: {  	[dreg:$0x3] =	wrdreg s4  }
0xaa: {  	[dreg:$0x4] =	wrdreg $0xC0  }
0xab: {  	_ =	task [dreg:s6], $0x5FFFF  }
0xac: {  	[dreg:$0x1] =	wrdreg $0xFFFFFFFF  }
0xad: {  	[dreg:$0x0] =	wrdreg $0x60  }
0xae: {  	[dreg:$0x2] =	wrdreg s24  }
0xaf: {  	[dreg:$0x3] =	wrdreg $0x9  }
0xb0: {  	_ =	task.clear_ibuf [dreg:s6], $0x4FFFF;
	_ =	strace $0x90000046  }
0xb1: {  	s29 =	simm.s32 $0x9;
	_ =	strace $0x80000048  }
0xb2: {  	_ =	swait.ge [sflag:s29], $0x1  }
0xb3: {  	[sflag:s29] =	ssyncadd.s32 $0xFFFFFFFF  }
0xb4: {  	_ =	strace $0x90000048  }
0xb5: {  	_ =	sfence  }
0xb6: {  	s30 =	sld [smem:$0x0];
	_ =	sdelay $0x2  }
0xb7: {  	s31 =	sshll.u32 s1, $0xD;
	s1 =	sshrl.u32 s1, $0x2  }
0xb8: {  	s3 =	sand.u32 $0x4000, s31;
	s1 =	sadd.s32 s1, s30  }
0xb9: {  	s0 =	sor.u32 s3, s0;
	s1 =	sshll.u32 s1, $0x11  }
0xba: {  	s0 =	sor.u32 s1, s0  }
0xbb: {  	s0 =	sadd.s32 $0x8F2B, s0  }
0xbc: {  	[sflag:s0] =	ssyncadd.remote.s32 $0x1  }
0xbd: {  	_ =	sfence.sel $0xFFFF  }
0xbe: {  	[dreg:$0x0] =	wrdreg $0xFFFFFFFF;
	(pc) =	sbr.abs _section_cstart, $3  }
0xbf: {  	[dreg:$0x1] =	wrdreg $0xFFFFFFFF  }
0xc0: {  	_ =	task.clear_ibuf [dreg:s6], $0x2FFFF;
	_ =	strace $0x9FFFFFFF  }
0xc1: {  	(tm) =	ssettm $0x7FFFFFFF  }
tec
execute0_lowered:
.L_overlay_start_1:
0x0: {  	(tag) =	ssettag $0x1  }
0x1: {  	s0 =	srdreg.scid;
	s4 =	rddreg [dreg:$0x0]  }
0x2: {  	s12 =	simm.s32 $0x1400;
	s13 =	simm.s32 $0x14000;
	s14 =	simm.s32 $0x4F80  }
0x3: {  	s15 =	simm.s32 $0x100;
	s16 =	simm.s32 $0x7780;
	s17 =	simm.s32 $0x0  }
0x4: {  	s3 =	sand.u32 $0x1, s0;
	s0 =	stileid.u32;
	s11 =	sadd.s32 $0xEE00, s4  }
0x5: {  	s1 =	sshll.u32 s3, $0x4;
	s6 =	sshll.u32 s0, $0x7;
	s7 =	smul.u32 $0x500, s0  }
0x6: {  	s8 =	sshll.u32 s3, $0x7;
	s26 =	smul.u32 $0x28000, s3;
	s9 =	sshrl.u32 s0, $0x3  }
0x7: {  	s10 =	smul.u32 $0x1400, s0;
	s3 =	ssub.s32 $0x2, s3;
	s2 =	sor.u32 s0, s1  }
0x8: {  	s1 =	rddreg [dreg:$0x1];
	s6 =	sand.u32 $0x380, s6;
	s9 =	smul.u32 $0x14000, s9  }
0x9: {  	s29 =	sshrl.u32 s3, $0x1;
	s5 =	sshrl.u32 s2, $0x3;
	s2 =	simm.s32 $0x0  }
0xa: {  	s7 =	sor.u32 s8, s7;
	s30 =	sadd.s32 s10, s26;
	s5 =	smul.u32 $0x13C00, s5  }
0xb: {  	s31 =	ssub.s32 s3, s29;
	s8 =	simm.s32 $0x80;
	s10 =	simm.s32 $0x1  }
0xc: {  	[smem:$0x7FF] =	sst s2;
	s7 =	sshrl.u32 s7, $0x3;
	s5 =	sor.u32 s6, s5  }
0xd: {  	s28 =	sadd.s32 s26, s9;
	s9 =	simm.s32 $0x400;
	s5 =	sshrl.u32 s5, $0x3  }
0xe: {  	s7 =	sadd.s32 s7, s4;
	s5 =	sadd.s32 s5, s4;
	s4 =	sor.u32 s6, s28  }
0xf: {  	_ =	strace $0x80000047;
	s6 =	sshrl.u32 s30, $0x3;
	s4 =	sshrl.u32 s4, $0x3  }
0x10: {  	s3 =	sadd.s32 $0x5000, s5;
	s5 =	sadd.s32 s11, s6;
	s6 =	sadd.s32 $0x18E00, s7  }
0x11: {  	v0 =	vimm.f32 $0.0e+00;
	v1 =	vimm.f32 $1.000000000e+00;
	s7 =	smax.u32 s31, $0x1;
	s4 =	sadd.s32 s11, s4;
	s11 =	simm.s32 $0x2780  }
.LBB2_1:
0x12: {  	[tilespmem:s2], [sflag:$0x1] =	stream.strided.gather [hbm4b:s3+s8], $0x2780, s9, s8, $0x38;
	[tilespmem:$0x7A00] =	vst v63  }
0x13: {  	_ =	swait.ge [sflag:s10], $0x2780  }
0x14: {  	[sflag:s10] =	ssyncset.done $0x0  }
0x15: {  	s18 =	simm.s32 $0x0;
	[sflag:s10] =	ssyncadd.s32 $0xFFFFD880  }
.LBB2_2:
0x16: {  	p0 =	sne.s32 s18, $0x9FC0  }
.Ltmp0:
0x17: {  	_ = 	snop;
	(pc) =	sbr.rel @p0 .LBB2_2-.Ltmp0, $3  }
0x18: {  	_ =	sdelay $0x1  }
0x19: {  	s19 =	sshra.s32 s18, $0x2  }
0x1a: {  	s18 =	sadd.s32 $0x40, s18;
	[tilespmem:s19+$0x2780] =	vst v0  }
0x1b: {  	s19 =	simm.s32 $0x0;
	s18 =	simm.s32 $0x40  }
.LBB2_4:
0x1c: {  	p0 =	sne.s32 s18, $0x9DC0;
	v2 =	vld [tilespmem:s19+$0x0];
	_ =	sdelay $0x3  }
.Ltmp1:
0x1d: {  	(pc) =	sbr.rel @p0 .LBB2_4-.Ltmp1, $2  }
0x1e: {  	_ =	sdelay $0x2  }
0x1f: {  	s19 =	sshra.s32 s18, $0x2;
	s18 =	sadd.s32 $0x40, s18;
	[tilespmem:v2+s11+$0x0] =	vst.idx.add.f32.msk $0xffff, v1  }
0x20: {  	v2 =	vld [tilespmem:s19+$0x0];
	_ =	sdelay $0x7  }
0x21: {  	[tilespmem:v2+s11+$0x0] =	vst.idx.add.f32.msk $0xffff, v1  }
0x22: {  	[hbm4b:s4+s8] =	stream.strided.scatter [tilespmem:s11], [sflag:$0x1], $0x2800, s9, s8, $0x38;
	[tilespmem:$0x7A00] =	vst v63  }
0x23: {  	_ =	swait.ge [sflag:s10], $0x2800  }
0x24: {  	[sflag:s10] =	ssyncset.done $0x0  }
0x25: {  	[sflag:s10] =	ssyncadd.s32 $0xFFFFD800  }
0x26: {  	[bflag:$0x0] =	sbarrier.arrive $0xFFFF  }
0x27: {  	[tilespmem:s14], [sflag:$0x1] =	stream.strided.gather [hbm4b:s5+s12], $0x2800, s13, s12, $0x38;
	[tilespmem:$0x7A00] =	vst v63  }
0x28: {  	s18 =	simm.s32 $0x0;
	_ =	swait.ge [sflag:s10], $0x2800  }
0x29: {  	s31 =	sand.u32 $0x70, s18;
	s18 =	sand.u32 $0x1C00, s18;
	[sflag:s10] =	ssyncset.done $0x0  }
0x2a: {  	s18 =	sor.u32 s31, s18;
	[sflag:s10] =	ssyncadd.s32 $0xFFFFD800  }
0x2b: {  	v2 =	vld [tilespmem:s18+$0x4F80];
	_ =	sdelay $0x1  }
0x2c: {  	v3 =	vld [tilespmem:s18+$0x5000];
	_ =	sdelay $0x1  }
0x2d: {  	v4 =	vld [tilespmem:s18+$0x5080]  }
0x2e: {  	v2 =	vadd.f32 $0.0e+00, v2  }
0x2f: {  	v5 =	vld [tilespmem:s18+$0x5100]  }
0x30: {  	v2 =	vadd.f32 v3, v2  }
0x31: {  	v3 =	vld [tilespmem:s18+$0x5180]  }
0x32: {  	v2 =	vadd.f32 v4, v2  }
0x33: {  	v56 =	vld [tilespmem:s18+$0x5200]  }
0x34: {  	v2 =	vadd.f32 v5, v2  }
0x35: {  	v57 =	vld [tilespmem:s18+$0x5280]  }
0x36: {  	v2 =	vadd.f32 v3, v2  }
0x37: {  	v3 =	vld [tilespmem:s18+$0x5300]  }
0x38: {  	v2 =	vadd.f32 v56, v2  }
0x39: {  	v58 =	vld [tilespmem:s18+$0x6380]  }
0x3a: {  	v2 =	vadd.f32 v57, v2  }
0x3b: {  	v59 =	vld [tilespmem:s18+$0x6400]  }
0x3c: {  	v2 =	vadd.f32 v3, v2  }
0x3d: {  	v3 =	vld [tilespmem:s18+$0x6480]  }
0x3e: {  	v2 =	vadd.f32 v58, v2  }
0x3f: {  	v60 =	vld [tilespmem:s18+$0x6500]  }
0x40: {  	v2 =	vadd.f32 v59, v2  }
0x41: {  	v61 =	vld [tilespmem:s18+$0x6580]  }
0x42: {  	v2 =	vadd.f32 v3, v2  }
0x43: {  	v3 =	vld [tilespmem:s18+$0x6600]  }
0x44: {  	v2 =	vadd.f32 v60, v2  }
0x45: {  	v62 =	vld [tilespmem:s18+$0x6680]  }
0x46: {  	v2 =	vadd.f32 v61, v2  }
0x47: {  	v63 =	vld [tilespmem:s18+$0x6700]  }
0x48: {  	v2 =	vadd.f32 v3, v2;
	_ =	sdelay $0x1  }
0x49: {  	v2 =	vadd.f32 v62, v2  }
0x4a: {  	s20 =	simm.s32 $0x10  }
0x4b: {  	s19 =	simm.s32 $0x80;
	s21 =	sand.u32 $0x70, s20;
	v2 =	vadd.f32 v63, v2  }
0x4c: {  	s22 =	sand.u32 $0x1C00, s19;
	s20 =	simm.s32 $0x20;
	s18 =	simm.s32 $0x7780  }
.LBB2_6:
0x4d: {  	p0 =	sne.s32 s20, $0x270;
	s21 =	sor.u32 s21, s22;
	[tilespmem:s18+$0x0] =	vst v2  }
0x4e: {  	v2 =	vld [tilespmem:s21+$0x4F80];
	_ =	sdelay $0x1  }
0x4f: {  	v3 =	vld [tilespmem:s21+$0x5000];
	_ =	sdelay $0x1  }
0x50: {  	v4 =	vld [tilespmem:s21+$0x5080]  }
0x51: {  	v2 =	vadd.f32 $0.0e+00, v2  }
0x52: {  	v5 =	vld [tilespmem:s21+$0x5100]  }
0x53: {  	v2 =	vadd.f32 v3, v2  }
0x54: {  	v3 =	vld [tilespmem:s21+$0x5180]  }
0x55: {  	v2 =	vadd.f32 v4, v2  }
0x56: {  	v4 =	vld [tilespmem:s21+$0x5200]  }
0x57: {  	v2 =	vadd.f32 v5, v2  }
0x58: {  	v5 =	vld [tilespmem:s21+$0x5280]  }
0x59: {  	v2 =	vadd.f32 v3, v2  }
0x5a: {  	v3 =	vld [tilespmem:s21+$0x5300]  }
0x5b: {  	v2 =	vadd.f32 v4, v2  }
0x5c: {  	v4 =	vld [tilespmem:s21+$0x6380]  }
0x5d: {  	v2 =	vadd.f32 v5, v2  }
0x5e: {  	v5 =	vld [tilespmem:s21+$0x6400]  }
0x5f: {  	v2 =	vadd.f32 v3, v2  }
0x60: {  	v3 =	vld [tilespmem:s21+$0x6480]  }
0x61: {  	v2 =	vadd.f32 v4, v2  }
0x62: {  	v4 =	vld [tilespmem:s21+$0x6500]  }
0x63: {  	v2 =	vadd.f32 v5, v2  }
0x64: {  	v5 =	vld [tilespmem:s21+$0x6580]  }
0x65: {  	v2 =	vadd.f32 v3, v2  }
0x66: {  	v3 =	vld [tilespmem:s21+$0x6600]  }
0x67: {  	v2 =	vadd.f32 v4, v2  }
0x68: {  	v4 =	vld [tilespmem:s21+$0x6680]  }
0x69: {  	v2 =	vadd.f32 v5, v2  }
0x6a: {  	v5 =	vld [tilespmem:s21+$0x6700]  }
0x6b: {  	v2 =	vadd.f32 v3, v2  }
.Ltmp2:
0x6c: {  	(pc) =	sbr.rel @p0 .LBB2_6-.Ltmp2, $3  }
0x6d: {  	v2 =	vadd.f32 v4, v2;
	_ =	sdelay $0x1  }
0x6e: {  	s19 =	sadd.s32 $0x80, s19;
	s18 =	sadd.s32 $0x10, s18;
	v2 =	vadd.f32 v5, v2  }
0x6f: {  	s22 =	sand.u32 $0x1C00, s19;
	s21 =	sand.u32 $0x70, s20;
	s20 =	sadd.s32 $0x10, s20  }
0x70: {  	s19 =	sor.u32 s21, s22;
	[tilespmem:s18+$0x0] =	vst v2  }
0x71: {  	v2 =	vld [tilespmem:s19+$0x4F80];
	_ =	sdelay $0x1  }
0x72: {  	v3 =	vld [tilespmem:s19+$0x5000];
	_ =	sdelay $0x1  }
0x73: {  	v4 =	vld [tilespmem:s19+$0x5080]  }
0x74: {  	v2 =	vadd.f32 $0.0e+00, v2  }
0x75: {  	v5 =	vld [tilespmem:s19+$0x5100]  }
0x76: {  	v2 =	vadd.f32 v3, v2  }
0x77: {  	v3 =	vld [tilespmem:s19+$0x5180]  }
0x78: {  	v2 =	vadd.f32 v4, v2  }
0x79: {  	v56 =	vld [tilespmem:s19+$0x5200]  }
0x7a: {  	v2 =	vadd.f32 v5, v2  }
0x7b: {  	v57 =	vld [tilespmem:s19+$0x5280]  }
0x7c: {  	v2 =	vadd.f32 v3, v2  }
0x7d: {  	v3 =	vld [tilespmem:s19+$0x5300]  }
0x7e: {  	v2 =	vadd.f32 v56, v2  }
0x7f: {  	v58 =	vld [tilespmem:s19+$0x6380]  }
0x80: {  	v2 =	vadd.f32 v57, v2  }
0x81: {  	v59 =	vld [tilespmem:s19+$0x6400]  }
0x82: {  	v2 =	vadd.f32 v3, v2  }
0x83: {  	v3 =	vld [tilespmem:s19+$0x6480]  }
0x84: {  	v2 =	vadd.f32 v58, v2  }
0x85: {  	v60 =	vld [tilespmem:s19+$0x6500]  }
0x86: {  	v2 =	vadd.f32 v59, v2  }
0x87: {  	v61 =	vld [tilespmem:s19+$0x6580]  }
0x88: {  	v2 =	vadd.f32 v3, v2  }
0x89: {  	v3 =	vld [tilespmem:s19+$0x6600]  }
0x8a: {  	v2 =	vadd.f32 v60, v2  }
0x8b: {  	v62 =	vld [tilespmem:s19+$0x6680]  }
0x8c: {  	v2 =	vadd.f32 v61, v2  }
0x8d: {  	v63 =	vld [tilespmem:s19+$0x6700]  }
0x8e: {  	v2 =	vadd.f32 v3, v2;
	_ =	sdelay $0x1  }
0x8f: {  	v2 =	vadd.f32 v62, v2;
	_ =	sdelay $0x1  }
0x90: {  	s17 =	sadd.s32 $0x1, s17;
	v2 =	vadd.f32 v63, v2  }
0x91: {  	s31 =	sadd.s32 $0x10, s18;
	p0 =	sne.s32 s17, s7  }
.Ltmp3:
0x92: {  	[tilespmem:s31+$0x0] =	vst v2;
	(pc) =	sbr.rel @p0 .LBB2_1-.Ltmp3, $4  }
0x93: {  	[hbm4b:s6+s8] =	stream.strided.scatter [tilespmem:s16], [sflag:$0x1], $0x280, s15, s8, $0x38;
	[tilespmem:$0x7A00] =	vst v63  }
0x94: {  	_ =	swait.ge [sflag:s10], $0x280  }
0x95: {  	[sflag:s10] =	ssyncset.done $0x0  }
0x96: {  	[sflag:s10] =	ssyncadd.s32 $0xFFFFFD80  }
0x97: {  	_ =	sfence.sel $0x180000  }
0x98: {  	[bflag:$0x0] =	sbarrier.arrive $0xFFFF  }
0x99: {  	p0 =	sne.s32 s0, $0x0;
	_ =	strace $0x90000047  }
0x9a: {  	s0 =	sadd.s32 @!p0 $0x100000, s1;
	[bflag:$0x2] =	sbarrier.arrive $0xFFFF  }
0x9b: {  	[sflag:s0] =	ssyncadd.tile.s32 @!p0 $0x1;
	_ =	shalt  }
.Lfunc_end2:
_tile_overlayer_lowered:
.L_overlay_start_2:
0x9c: {  	(tag) =	ssettag $0x2  }
0x9d: {  	s0 =	rddreg [dreg:$0x0];
	s2 =	stileid.u32  }
0x9e: {  	s1 =	rddreg [dreg:$0x1];
	p0 =	sne.s32 s2, $0x0  }
0x9f: {  	s3 =	rddreg [dreg:$0x2];
	[bflag:$0x3] =	sbarrier.arrive $0xFFFF;
	s2 =	simm.s32 @!p0 $0x1C01  }
0xa0: {  	[timem:s3], [sflag:s2] =	dma.local @!p0 [hbm:s0], s1  }
0xa1: {  	s0 =	simm.s32 @!p0 $0x1  }
0xa2: {  	_ =	swait.ge @!p0 [sflag:s0], s1  }
0xa3: {  	s1 =	ssub.s32 @!p0 $0x0, s1;
	[sflag:s0] =	ssyncset.done @!p0 $0x0  }
0xa4: {  	[sflag:s0] =	ssyncadd.s32 @!p0 s1  }
0xa5: {  	[bflag:$0x3] =	sbarrier.arrive $0xFFFF  }
0xa6: {  	_ =	shalt  }

// kernel: kernel.13.cloned.1.call-start
scs
__scs_entry_jumppad:
0x0: {  	(pc) =	sbr.rel $0x88, $3  }
0x1: {  	(tag) =	ssettag $0x0;
	lr =	simm.s32 $0x1  }
0x2: {  	[smem:$0x3F94] =	sst lr;
	_ =	strace $0xD0000000  }
0x3: {  	_ = 	snop  }
0x4: {  	_ = 	snop  }
0x5: {  	_ = 	snop  }
0x6: {  	_ = 	snop  }
0x7: {  	_ = 	snop  }
__scs_overlays_trampoline_lowered:
0x8: {  	[smem:$0x3FA3] =	sst s0  }
0x9: {  	[smem:$0x3FA4] =	sst s1  }
0xa: {  	[smem:$0x3FA5] =	sst s2  }
0xb: {  	[smem:$0x3FA6] =	sst s3  }
0xc: {  	[smem:$0x3FA7] =	sst s4  }
0xd: {  	[smem:$0x3FA8] =	sst s5  }
0xe: {  	[smem:$0x3FA9] =	sst s6  }
0xf: {  	[smem:$0x3FAA] =	sst s7  }
0x10: {  	[smem:$0x3FAB] =	sst s8  }
0x11: {  	[smem:$0x3FAC] =	sst s9;
	s0 =	simm.s32 @!p0 $0x0  }
0x12: {  	s1 =	sld [smem:$0x3F92];
	s0 =	simm.s32 @p0 $0x1  }
0x13: {  	[smem:$0x3FAD] =	sst s0;
	s0 =	simm.s32 @!p1 $0x0  }
0x14: {  	s2 =	sld [smem:$0x3F91];
	s0 =	simm.s32 @p1 $0x1  }
0x15: {  	[smem:$0x3FAE] =	sst s0;
	s0 =	simm.s32 @!p2 $0x0  }
0x16: {  	s3 =	sld [smem:$0x3FDB];
	s0 =	simm.s32 @p2 $0x1  }
0x17: {  	s4 =	simm.s32 $0x1BF5;
	[smem:$0x3FB0] =	sst s0  }
0x18: {  	s0 =	sld [smem:$0x3F93];
	_ =	swait.ge [sflag:s4], $0x0  }
0x19: {  	s7 =	sld [smem:$0x3F94]  }
0x1a: {  	s8 =	sadd.s32 $0xFFFFE003, lr  }
0x1b: {  	s9 =	sadd.s32 $0xFFFFFEF7, lr;
	s5 =	simm.s32 $0xFFFFFFFF;
	p2 =	slt.u32 s8, $0xFFFFF086  }
0x1c: {  	p1 =	slt.u32 s9, $0xF7A;
	s5 =	simm.s32 @!p2 $0x0  }
0x1d: {  	s5 =	simm.s32 @p1 $0x1;
	p0 =	seq.s32 s7, s2  }
0x1e: {  	s7 =	smul.u32 @!p0 $0xF7A, s2;
	p2 =	seq.s32 @!p0 s5, $0x0  }
0x1f: {  	s9 =	smul.u32 $0xF7A, s1;
	s8 =	simm.s32 @!p0 $0x1BF5;
	p2 =	por !p2, p0  }
0x20: {  	[sflag:s8] =	ssyncset.s32 @!p0 $0xFFFFF086;
	s6 =	sadd.s32 @!p0 s3, s7;
	s7 =	simm.s32 @!p0 $0x108  }
0x21: {  	s3 =	sadd.s32 s3, s9;
	s6 =	sadd.s32 @!p0 $0x88, s6;
	s7 =	simm.s32 @p2 $0x1082  }
0x22: {  	[simem:s7], [sflag:s8] =	dma.local @!p0 [hbm:s6], $0xF7A  }
0x23: {  	s9 =	sor.u32 $0xD0000000, s2;
	s6 =	simm.s32 $0x108;
	_ =	swait.ge @!p0 [sflag:s8], $0x0  }
0x24: {  	s3 =	sadd.s32 $0x88, s3;
	s6 =	simm.s32 @!p1 $0x1082;
	[sflag:s4] =	ssyncset.s32 $0xFFFFF086  }
0x25: {  	[simem:s6], [sflag:s4] =	dma.local [hbm:s3], $0xF7A  }
0x26: {  	[smem:$0x3F94] =	sst s1;
	(tag) =	ssettag s2;
	_ =	strace s9  }
0x27: {  	s1 =	sld [smem:$0x3FA4]  }
0x28: {  	s2 =	sld [smem:$0x3FA5]  }
0x29: {  	s4 =	sld [smem:$0x3FA7]  }
0x2a: {  	p0 =	seq.s32 s5, $0x0;
	s5 =	sld [smem:$0x3FA8]  }
0x2b: {  	s6 =	sld [smem:$0x3FA9]  }
0x2c: {  	s7 =	sld [smem:$0x3FAA]  }
0x2d: {  	s3 =	simm.s32 $0x108;
	s8 =	sld [smem:$0x3FAB]  }
0x2e: {  	s3 =	simm.s32 @!p0 $0x1082;
	s9 =	sld [smem:$0x3FAC]  }
0x2f: {  	lr =	sadd.s32 s0, s3;
	s0 =	sld [smem:$0x3FA3]  }
0x30: {  	s3 =	sld [smem:$0x3FA6]  }
0x31: {  	[smem:$0x3FAF] =	sst s10  }
0x32: {  	s10 =	sld [smem:$0x3FAD];
	_ =	sdelay $0x3  }
0x33: {  	p0 =	seq.s32 s10, $0x1;
	s10 =	sld [smem:$0x3FAF];
	_ =	sdelay $0x3  }
0x34: {  	[smem:$0x3FAF] =	sst s10  }
0x35: {  	s10 =	sld [smem:$0x3FAE];
	_ =	sdelay $0x3  }
0x36: {  	p1 =	seq.s32 s10, $0x1;
	s10 =	sld [smem:$0x3FAF];
	_ =	sdelay $0x3  }
0x37: {  	[smem:$0x3FAF] =	sst s10  }
0x38: {  	s10 =	sld [smem:$0x3FB0]  }
0x39: {  	_ = 	snop;
	(pc) =	sbr.ind lr, $3  }
0x3a: {  	_ = 	snop  }
0x3b: {  	_ = 	snop  }
0x3c: {  	p2 =	seq.s32 s10, $0x1;
	s10 =	sld [smem:$0x3FAF]  }
0x3d: {  	_ =	shalt  }
0x3e: {  	_ =	shalt  }
0x3f: {  	_ =	shalt  }
0x40: {  	_ =	shalt  }
0x41: {  	_ =	shalt  }
0x42: {  	_ =	shalt  }
0x43: {  	_ =	shalt  }
0x44: {  	_ =	shalt  }
0x45: {  	_ =	shalt  }
0x46: {  	_ =	shalt  }
0x47: {  	_ =	shalt  }
0x48: {  	_ =	shalt  }
0x49: {  	_ =	shalt  }
0x4a: {  	_ =	shalt  }
0x4b: {  	_ =	shalt  }
0x4c: {  	_ =	shalt  }
0x4d: {  	_ =	shalt  }
0x4e: {  	_ =	shalt  }
0x4f: {  	_ =	shalt  }
0x50: {  	_ =	shalt  }
0x51: {  	_ =	shalt  }
0x52: {  	_ =	shalt  }
0x53: {  	_ =	shalt  }
0x54: {  	_ =	shalt  }
0x55: {  	_ =	shalt  }
0x56: {  	_ =	shalt  }
0x57: {  	_ =	shalt  }
0x58: {  	_ =	shalt  }
0x59: {  	_ =	shalt  }
0x5a: {  	_ =	shalt  }
0x5b: {  	_ =	shalt  }
0x5c: {  	_ =	shalt  }
0x5d: {  	_ =	shalt  }
0x5e: {  	_ =	shalt  }
0x5f: {  	_ =	shalt  }
0x60: {  	_ =	shalt  }
0x61: {  	_ =	shalt  }
0x62: {  	_ =	shalt  }
0x63: {  	_ =	shalt  }
0x64: {  	_ =	shalt  }
0x65: {  	_ =	shalt  }
0x66: {  	_ =	shalt  }
0x67: {  	_ =	shalt  }
0x68: {  	_ =	shalt  }
0x69: {  	_ =	shalt  }
0x6a: {  	_ =	shalt  }
0x6b: {  	_ =	shalt  }
0x6c: {  	_ =	shalt  }
0x6d: {  	_ =	shalt  }
0x6e: {  	_ =	shalt  }
0x6f: {  	_ =	shalt  }
0x70: {  	_ =	shalt  }
0x71: {  	_ =	shalt  }
0x72: {  	_ =	shalt  }
0x73: {  	_ =	shalt  }
0x74: {  	_ =	shalt  }
0x75: {  	_ =	shalt  }
0x76: {  	_ =	shalt  }
0x77: {  	_ =	shalt  }
0x78: {  	_ =	shalt  }
0x79: {  	_ =	shalt  }
0x7a: {  	_ =	shalt  }
0x7b: {  	_ =	shalt  }
0x7c: {  	_ =	shalt  }
0x7d: {  	_ =	shalt  }
0x7e: {  	_ =	shalt  }
0x7f: {  	_ =	shalt  }
0x80: {  	_ =	shalt  }
0x81: {  	_ =	shalt  }
0x82: {  	_ =	shalt  }
0x83: {  	_ =	shalt  }
0x84: {  	_ =	shalt  }
0x85: {  	_ =	shalt  }
0x86: {  	_ =	shalt  }
0x87: {  	_ =	shalt  }
.Lfunc_end0:
.L_simem_size_0:
called_computation.1_lowered:
.L_overlay_start_0:
0x88: {  	s2 =	sld [smem:$0x3FD9]  }
0x89: {  	s3 =	sld [smem:$0x3FFE];
	_ =	sdelay $0x1  }
0x8a: {  	s1 =	srdreg.scid  }
0x8b: {  	s0 =	sand.u32 $0x1, s1  }
0x8c: {  	s17 =	sshll.u32 s0, $0xA;
	s2 =	sadd.s32 s3, s2  }
0x8d: {  	s2 =	sadd.s32 s2, s17  }
0x8e: {  	[smem:$0x3FBB] =	sst s2  }
0x8f: {  	_ = 	snop  }
0x90: {  	s18 =	sld [smem:$0x3FD0];
	(tm) =	ssettm $0x1  }
0x91: {  	s19 =	sld [smem:$0x3FFB];
	_ =	sdelay $0x3  }
0x92: {  	_ =	strace s19  }
0x93: {  	s2 =	sld [smem:$0x3FFC];
	_ =	sdelay $0x3  }
0x94: {  	_ =	strace s2  }
0x95: {  	s2 =	sld [smem:$0x3FFD];
	_ =	sdelay $0x3  }
0x96: {  	_ =	strace s2  }
0x97: {  	_ =	strace $0x8FFFFFFF  }
0x98: {  	s20 =	sld [smem:$0x3FDB];
	_ =	sdelay $0x1  }
0x99: {  	s4 =	simm.s32 $_scs_section_size  }
0x9a: {  	s5 =	simm.s32 $_size__tile_overlayer_lowered;
	s6 =	simm.s32 $_tile_overlayer_lowered  }
0x9b: {  	s7 =	simm.s32 $0x1BFF;
	s21 =	sshll.u32 s6, $0x1;
	s4 =	sadd.s32 s4, s20  }
0x9c: {  	s22 =	simm.s32 $0x0;
	s5 =	sshll.u32 s5, $0x1;
	s6 =	sadd.s32 s21, s4  }
0x9d: {  	[timem:s22], [sflag:s7] =	dma.local [hbm:s6], s5  }
0x9e: {  	_ =	swait.ge [sflag:s7], s5  }
0x9f: {  	s5 =	ssub.s32 $0x0, s5;
	[sflag:s7] =	ssyncset.done $0x0  }
0xa0: {  	[sflag:s7] =	ssyncadd.s32 s5;
	_ =	sdelay $0x1  }
0xa1: {  	s23 =	simm.s32 $0x1B8B  }
0xa2: {  	_ =	swait.ge [sflag:s23], $0x1  }
0xa3: {  	[sflag:s23] =	ssyncset.done $0x0  }
0xa4: {  	[sflag:s23] =	ssyncadd.s32 $0xFFFFFFFF  }
0xa5: {  	s5 =	sld [smem:$0x0]  }
0xa6: {  	s6 =	sand.u32 $0xFFFFFFFE, s1  }
0xa7: {  	p0 =	sne.s32 s1, s6  }
0xa8: {  	s6 =	sshll.u32 @p0 s6, $0xE  }
0xa9: {  	s6 =	sadd.s32 @p0 $0x11B8D, s6;
	s7 =	sshll.u32 @p0 s5, $0x11  }
0xaa: {  	s6 =	sor.u32 @p0 s7, s6  }
0xab: {  	[sflag:s6] =	ssyncadd.remote.s32 @p0 $0x1;
	_ =	sdelay $0x1  }
0xac: {  	s6 =	simm.s32 @p0 $0x1B8D  }
0xad: {  	_ =	swait.eq @p0 [sflag:s6], $0x1  }
0xae: {  	[sflag:s6] =	ssyncadd.s32 @p0 $0xFFFFFFFF  }
0xaf: {  	s7 =	sshll.u32 @!p0 s1, $0xE  }
0xb0: {  	s7 =	sor.u32 @!p0 $0x4000, s7;
	s6 =	simm.s32 @!p0 $0x1B8D  }
0xb1: {  	s5 =	sshll.u32 @!p0 s5, $0x11;
	s7 =	sadd.s32 @!p0 $0x11B8D, s7;
	_ =	swait.eq @!p0 [sflag:s6], $0x1  }
0xb2: {  	s5 =	sor.u32 @!p0 s5, s7;
	[sflag:s6] =	ssyncadd.s32 @!p0 $0xFFFFFFFF  }
0xb3: {  	s25 =	simm.s32 $0x1B8E;
	s24 =	sld [smem:$0x3FFE];
	[sflag:s5] =	ssyncadd.remote.s32 @!p0 $0x1  }
0xb4: {  	s26 =	simm.s32 $execute0_lowered;
	[smem:$0x3FD2] =	sst s25  }
0xb5: {  	s6 =	sshll.u32 s26, $0x1;
	_ =	strace $0x80000049;
	[dreg:$0x1] =	wrdreg $0xFFFFFFFF  }
0xb6: {  	s28 =	simm.s32 $_size_execute0_lowered;
	s4 =	sadd.s32 s4, s6;
	[dreg:$0x0] =	wrdreg $0x0  }
0xb7: {  	s6 =	sshll.u32 s28, $0x1;
	[dreg:$0x2] =	wrdreg s4  }
0xb8: {  	[dreg:$0x3] =	wrdreg s6  }
0xb9: {  	[dreg:$0x4] =	wrdreg $0xC0  }
0xba: {  	_ =	task [dreg:s22], $0x5FFFF  }
0xbb: {  	[dreg:$0x1] =	wrdreg $0xFFFFFFFF  }
0xbc: {  	[dreg:$0x0] =	wrdreg $0x60  }
0xbd: {  	[dreg:$0x2] =	wrdreg s24  }
0xbe: {  	[dreg:$0x3] =	wrdreg s18  }
0xbf: {  	[dreg:$0x4] =	wrdreg $0x130800  }
0xc0: {  	[dreg:$0x5] =	wrdreg $0xA  }
0xc1: {  	_ =	task.clear_ibuf [dreg:s22], $0x6FFFF;
	_ =	strace $0x90000049  }
0xc2: {  	s29 =	simm.s32 $0xA;
	_ =	strace $0x8000004B  }
0xc3: {  	_ =	swait.ge [sflag:s29], $0x1  }
0xc4: {  	[sflag:s29] =	ssyncadd.s32 $0xFFFFFFFF  }
0xc5: {  	_ =	strace $0x9000004B  }
0xc6: {  	_ =	sfence  }
0xc7: {  	s30 =	sld [smem:$0x0];
	_ =	sdelay $0x2  }
0xc8: {  	s31 =	sshll.u32 s1, $0xD;
	s1 =	sshrl.u32 s1, $0x2  }
0xc9: {  	s4 =	sand.u32 $0x4000, s31;
	s1 =	sadd.s32 s1, s30  }
0xca: {  	s0 =	sor.u32 s4, s0;
	s1 =	sshll.u32 s1, $0x11  }
0xcb: {  	s0 =	sor.u32 s1, s0  }
0xcc: {  	s0 =	sadd.s32 $0x8F2B, s0  }
0xcd: {  	[sflag:s0] =	ssyncadd.remote.s32 $0x1  }
0xce: {  	_ =	sfence.sel $0xFFFF  }
0xcf: {  	[dreg:$0x0] =	wrdreg $0xFFFFFFFF;
	(pc) =	sbr.abs _section_cstart, $3  }
0xd0: {  	[dreg:$0x1] =	wrdreg $0xFFFFFFFF  }
0xd1: {  	_ =	task.clear_ibuf [dreg:s22], $0x2FFFF;
	_ =	strace $0x9FFFFFFF  }
0xd2: {  	(tm) =	ssettm $0x7FFFFFFF  }
0xd3: {  	_ =	shalt  }
tec
execute0_lowered:
.L_overlay_start_1:
0x0: {  	(tag) =	ssettag $0x1  }
0x1: {  	s8 =	rddreg [dreg:$0x0]  }
0x2: {  	s0 =	srdreg.scid;
	s2 =	rddreg [dreg:$0x1]  }
0x3: {  	s3 =	rddreg [dreg:$0x2];
	s1 =	stileid.u32  }
0x4: {  	s4 =	simm.s32 $0x0;
	s18 =	simm.s32 $0x5000;
	s19 =	simm.s32 $0x13000  }
0x5: {  	s20 =	simm.s32 $0x80;
	s21 =	simm.s32 $0xF000;
	s12 =	smul.u32 $0x29000, s1  }
0x6: {  	s11 =	sand.u32 $0x1, s0;
	s0 =	rddreg [dreg:$0x3];
	s14 =	smul.u32 $0x28000, s1  }
0x7: {  	s22 =	simm.s32 $0x0;
	[smem:$0x7FF] =	sst s4;
	s15 =	smul.u32 $0x1400, s1  }
0x8: {  	s7 =	sadd.s32 $0x69A00, s8;
	s17 =	smul.u32 $0xA000, s1;
	s5 =	sshll.u32 s11, $0x4  }
0x9: {  	_ =	strace $0x8000004A;
	s9 =	ssub.s32 $0x2, s11;
	p0 =	seq.s32 s11, $0x1  }
0xa: {  	s5 =	sor.u32 s1, s5;
	s13 =	sshrl.u32 s9, $0x1;
	s12 =	sshrl.u32 s12, $0x2  }
0xb: {  	s30 =	sshrl.u32 s14, $0x2;
	s31 =	sshrl.u32 s17, $0x3;
	s6 =	smul.u32 $0xA00, s5  }
.Ltmp0:
0xc: {  	s17 =	simm.s32 $0x1;
	s5 =	sadd.s32 $0x41800, s8;
	(pc) =	sbr.rel .LBB2_1-.Ltmp0, $4  }
0xd: {  	s16 =	ssub.s32 s9, s13;
	s11 =	sadd.s32 s12, s3;
	s12 =	sadd.s32 s30, s3  }
0xe: {  	s13 =	sadd.s32 s7, s15;
	s14 =	sadd.s32 $0x14000, s31;
	s16 =	smax.u32 s16, $0x1  }
0xf: {  	s10 =	sadd.s32 s6, s8;
	s6 =	sadd.s32 $0x69800, s8;
	s8 =	sadd.s32 $0x91A00, s8  }
0x10: {  	s9 =	sadd.s32 $0x2D800, s10;
	s10 =	sadd.s32 $0x19800, s10;
	s15 =	sadd.s32 s8, s15  }
.LBB2_21:
0x11: {  	s23 =	smov.u32 s7  }
.LBB2_48:
0x12: {  	s23 =	sadd.s32 s23, s14  }
0x13: {  	[bflag:$0x0] =	sbarrier.arrive $0xFFFF;
	s25 =	sshrl.u32 s12, $0x3;
	s22 =	sadd.s32 $0x1, s22  }
0x14: {  	[hbm:s23], [sflag:s24] =	dma.local [spmem:s25], $0x1400  }
0x15: {  	p1 =	sne.s32 s22, s16  }
.Ltmp1:
0x16: {  	_ =	swait.ge [sflag:s17], $0x1400;
	(pc) =	sbr.rel @!p1 .LBB2_49-.Ltmp1, $3  }
0x17: {  	[sflag:s17] =	ssyncset.done $0x0  }
0x18: {  	[sflag:s17] =	ssyncadd.s32 $0xFFFFEC00  }
0x19: {  	[bflag:$0x0] =	sbarrier.arrive $0xFFFF;
	_ =	sdelay $0x1  }
.LBB2_1:
0x1a: {  	[tilespmem:s4], [sflag:$0x1] =	stream.linear.gather [hbm4b:s9+s4], $0x4F00, $0x38;
	[tilespmem:$0x1D480] =	vst v63  }
0x1b: {  	_ =	swait.ge [sflag:s17], $0x4F00  }
0x1c: {  	[sflag:s17] =	ssyncset.done $0x0  }
0x1d: {  	[sflag:s17] =	ssyncadd.s32 $0xFFFFB100  }
0x1e: {  	[tilespmem:s18], [sflag:$0x1] =	stream.linear.gather [hbm4b:s10+s4], $0x4F00, $0x38;
	[tilespmem:$0x1D480] =	vst v63  }
0x1f: {  	_ =	swait.ge [sflag:s17], $0x4F00  }
0x20: {  	[sflag:s17] =	ssyncset.done $0x0  }
0x21: {  	[sflag:s17] =	ssyncadd.s32 $0xFFFFB100  }
0x22: {  	[tilespmem:s19], [sflag:$0x1] =	stream.linear.gather [hbm4b:s6+s4], $0x80, $0x38;
	[tilespmem:$0x1D480] =	vst v63  }
0x23: {  	_ =	swait.ge [sflag:s17], $0x80  }
0x24: {  	[sflag:s17] =	ssyncset.done $0x0  }
0x25: {  	[sflag:s17] =	ssyncadd.s32 $0xFFFFFF80  }
0x26: {  	v0 =	vld [tilespmem:$0x13000];
	_ =	sdelay $0x4  }
0x27: {  	(v2sf) =	vpush v0, $0x0;
	_ =	sdelay $0xc  }
.Ltmp2:
0x28: {  	_ = 	snop;
	(pc) =	sbr.rel @!p0 .LBB2_2-.Ltmp2, $4  }
0x29: {  	_ = 	snop  }
0x2a: {  	s23 =	spop (v2sf)  }
0x2b: {  	s25 =	sshll.u32 s23, $0x3  }
0x2c: {  	p1 =	slt.s32 s25, $0x1  }
.Ltmp3:
0x2d: {  	(pc) =	sbr.rel @p1 .LBB2_32-.Ltmp3, $1  }
0x2e: {  	_ =	sdelay $0x3  }
0x2f: {  	p3 =	sne.s32 s25, $0x1  }
.Ltmp4:
0x30: {  	_ = 	snop;
	(pc) =	sbr.rel @!p3 .LBB2_27-.Ltmp4, $3  }
0x31: {  	_ =	sdelay $0x1  }
0x32: {  	s26 =	simm.s32 $0x5000  }
0x33: {  	s24 =	simm.s32 $0xA000;
	p2 =	por $0x0, $0x0;
	v0 =	vld [tilespmem:s26+$0x0];
	s26 =	sadd.s32 $0xFFFFFFFF, s25  }
0x34: {  	_ = 	snop  }
0x35: {  	p3 =	sne.s32 s26, $0x1  }
.Ltmp5:
0x36: {  	_ = 	snop;
	(pc) =	sbr.rel @!p3 .LBB2_29-.Ltmp5, $4  }
0x37: {  	_ = 	snop  }
0x38: {  	v0 =	vmin.u32 v0, $0x1400  }
0x39: {  	s28 =	simm.s32 $0x5010;
	[tilespmem:s24+$0x0] =	vst v0  }
0x3a: {  	s29 =	sadd.s32 $0xFFFFFFFF, s26;
	p2 =	por $0x1, $0x1;
	s26 =	simm.s32 $0xA000;
	v0 =	vld [tilespmem:s28+$0x0]  }
.LBB2_30:
0x3b: {  	p3 =	sne.s32 s29, $0x1;
	_ =	sdelay $0x1  }
.Ltmp6:
0x3c: {  	(pc) =	sbr.rel @p3 .LBB2_30-.Ltmp6, $4  }
0x3d: {  	_ = 	snop  }
0x3e: {  	s26 =	sadd.s32 $0x10, s26;
	v0 =	vmin.u32 v0, $0x1400  }
0x3f: {  	s28 =	sadd.s32 $0x10, s28;
	[tilespmem:s26+$0x0] =	vst v0  }
0x40: {  	s29 =	sadd.s32 $0xFFFFFFFF, s29;
	v0 =	vld [tilespmem:s28+$0x0]  }
.LBB2_31:
0x41: {  	_ =	sdelay $0x2  }
0x42: {  	s26 =	sadd.s32 @p2 $0x10, s26  }
0x43: {  	s24 =	smov.u32 @p2 s26;
	v0 =	vmin.u32 v0, $0x1400  }
0x44: {  	[tilespmem:s24+$0x0] =	vst v0  }
.LBB2_32:
0x45: {  	s24 =	sshll.u32 s1, $0x6  }
0x46: {  	s26 =	sshrl.u32 s11, $0x3;
	p2 =	slt.s32 s23, $0x1;
	s24 =	sor.u32 $0x1C01, s24  }
0x47: {  	[spmem:s26], [sflag:s24] =	dma.local [hbm:s2], $0x1480  }
.Ltmp7:
0x48: {  	_ =	swait.ge [sflag:s17], $0x1480;
	(pc) =	sbr.rel @p2 .LBB2_36-.Ltmp7, $3  }
0x49: {  	[sflag:s17] =	ssyncset.done $0x0  }
0x4a: {  	[sflag:s17] =	ssyncadd.s32 $0xFFFFEB80  }
0x4b: {  	[bflag:$0x0] =	sbarrier.arrive $0xFFFF;
	_ =	sdelay $0x1  }
0x4c: {  	s28 =	simm.s32 $0x0  }
0x4d: {  	[tilespmem:s21], [sflag:$0x1] =	stream.indirect.gather [hbm4b:s5+s20], $0x80, s28, s20, $0xb8;
	[tilespmem:$0x1D480] =	vst v63  }
0x4e: {  	p3 =	sne.s32 s23, $0x1;
	_ =	swait.ge [sflag:s17], $0x4000  }
.Ltmp8:
0x4f: {  	[sflag:s17] =	ssyncset.done $0x0;
	(pc) =	sbr.rel @!p3 .LBB2_35-.Ltmp8, $4  }
0x50: {  	s29 =	simm.s32 $0xA000;
	[sflag:s17] =	ssyncadd.s32 $0xFFFFC000  }
0x51: {  	[spmem:s3] =	stream.indirect.scatter.add.f32 [tilespmem:s21], [sflag:$0x1], $0x80, s29, s20, $0xb8;
	[tilespmem:$0x1D480] =	vst v63  }
0x52: {  	_ =	swait.ge [sflag:s17], $0x4000  }
0x53: {  	s30 =	sadd.s32 $0xFFFFFFFF, s23;
	[sflag:s17] =	ssyncset.done $0x0  }
.LBB2_34:
0x54: {  	[sflag:s17] =	ssyncadd.s32 $0xFFFFC000;
	s28 =	sadd.s32 $0x80, s28;
	s29 =	sadd.s32 $0x80, s29  }
0x55: {  	[tilespmem:s21], [sflag:$0x1] =	stream.indirect.gather [hbm4b:s5+s20], $0x80, s28, s20, $0xb8;
	[tilespmem:$0x1D480] =	vst v63  }
0x56: {  	p3 =	sne.s32 s30, $0x1;
	s30 =	sadd.s32 $0xFFFFFFFF, s30;
	_ =	swait.ge [sflag:s17], $0x4000  }
.Ltmp9:
0x57: {  	[sflag:s17] =	ssyncset.done $0x0;
	(pc) =	sbr.rel @p3 .LBB2_34-.Ltmp9, $4  }
0x58: {  	[sflag:s17] =	ssyncadd.s32 $0xFFFFC000  }
0x59: {  	[spmem:s3] =	stream.indirect.scatter.add.f32 [tilespmem:s21], [sflag:$0x1], $0x80, s29, s20, $0xb8;
	[tilespmem:$0x1D480] =	vst v63  }
0x5a: {  	_ =	swait.ge [sflag:s17], $0x4000  }
0x5b: {  	[sflag:s17] =	ssyncset.done $0x0  }
.LBB2_35:
0x5c: {  	[sflag:s17] =	ssyncadd.s32 $0xFFFFC000  }
.LBB2_36:
0x5d: {  	[bflag:$0x0] =	sbarrier.arrive $0xFFFF;
	s28 =	sshrl.u32 s12, $0x3  }
0x5e: {  	[hbm:s15], [sflag:s24] =	dma.local [spmem:s28], $0x1400  }
.Ltmp10:
0x5f: {  	_ =	swait.ge [sflag:s17], $0x1400;
	(pc) =	sbr.rel @p1 .LBB2_43-.Ltmp10, $3  }
0x60: {  	[sflag:s17] =	ssyncset.done $0x0  }
0x61: {  	[sflag:s17] =	ssyncadd.s32 $0xFFFFEC00  }
0x62: {  	[bflag:$0x0] =	sbarrier.arrive $0xFFFF;
	_ =	sdelay $0x1  }
0x63: {  	p3 =	sne.s32 s25, $0x1  }
.Ltmp11:
0x64: {  	_ = 	snop;
	(pc) =	sbr.rel @!p3 .LBB2_38-.Ltmp11, $3  }
0x65: {  	_ =	sdelay $0x1  }
0x66: {  	s29 =	simm.s32 $0x5000  }
0x67: {  	s28 =	simm.s32 $0xA000;
	s25 =	sadd.s32 $0xFFFFFFFF, s25;
	p1 =	por $0x0, $0x0;
	v0 =	vld [tilespmem:s29+$0x0]  }
0x68: {  	_ =	sdelay $0x1  }
0x69: {  	p3 =	sne.s32 s25, $0x1  }
.Ltmp12:
0x6a: {  	_ = 	snop;
	(pc) =	sbr.rel @!p3 .LBB2_40-.Ltmp12, $4  }
0x6b: {  	v0 =	vadd.s32 $0xFFFFEC00, v0  }
0x6c: {  	v0 =	vmin.u32 v0, $0x1400  }
0x6d: {  	s29 =	simm.s32 $0x5010;
	[tilespmem:s28+$0x0] =	vst v0  }
0x6e: {  	s30 =	sadd.s32 $0xFFFFFFFF, s25;
	p1 =	por $0x1, $0x1;
	s25 =	simm.s32 $0xA000;
	v0 =	vld [tilespmem:s29+$0x0]  }
.LBB2_41:
0x6f: {  	p3 =	sne.s32 s30, $0x1;
	_ =	sdelay $0x2  }
.Ltmp13:
0x70: {  	(pc) =	sbr.rel @p3 .LBB2_41-.Ltmp13, $4  }
0x71: {  	v0 =	vadd.s32 $0xFFFFEC00, v0  }
0x72: {  	s25 =	sadd.s32 $0x10, s25;
	v0 =	vmin.u32 v0, $0x1400  }
0x73: {  	s29 =	sadd.s32 $0x10, s29;
	[tilespmem:s25+$0x0] =	vst v0  }
0x74: {  	s30 =	sadd.s32 $0xFFFFFFFF, s30;
	v0 =	vld [tilespmem:s29+$0x0]  }
.LBB2_42:
0x75: {  	_ =	sdelay $0x3  }
0x76: {  	s25 =	sadd.s32 @p1 $0x10, s25;
	v0 =	vadd.s32 $0xFFFFEC00, v0  }
0x77: {  	s28 =	smov.u32 @p1 s25;
	v0 =	vmin.u32 v0, $0x1400  }
0x78: {  	[tilespmem:s28+$0x0] =	vst v0  }
.LBB2_43:
0x79: {  	[spmem:s26], [sflag:s24] =	dma.local [hbm:s2], $0x1480  }
.Ltmp14:
0x7a: {  	_ =	swait.ge [sflag:s17], $0x1480;
	(pc) =	sbr.rel @p2 .LBB2_44-.Ltmp14, $3  }
0x7b: {  	[sflag:s17] =	ssyncset.done $0x0  }
0x7c: {  	[sflag:s17] =	ssyncadd.s32 $0xFFFFEB80  }
0x7d: {  	[bflag:$0x0] =	sbarrier.arrive $0xFFFF;
	_ =	sdelay $0x1  }
0x7e: {  	s25 =	simm.s32 $0x0  }
0x7f: {  	[tilespmem:s21], [sflag:$0x1] =	stream.indirect.gather [hbm4b:s5+s20], $0x80, s25, s20, $0xb8;
	[tilespmem:$0x1D480] =	vst v63  }
0x80: {  	p1 =	sne.s32 s23, $0x1;
	_ =	swait.ge [sflag:s17], $0x4000  }
.Ltmp15:
0x81: {  	[sflag:s17] =	ssyncset.done $0x0;
	(pc) =	sbr.rel @!p1 .LBB2_47-.Ltmp15, $4  }
0x82: {  	s26 =	simm.s32 $0xA000;
	[sflag:s17] =	ssyncadd.s32 $0xFFFFC000  }
0x83: {  	[spmem:s3] =	stream.indirect.scatter.add.f32 [tilespmem:s21], [sflag:$0x1], $0x80, s26, s20, $0xb8;
	[tilespmem:$0x1D480] =	vst v63  }
0x84: {  	_ =	swait.ge [sflag:s17], $0x4000  }
0x85: {  	s23 =	sadd.s32 $0xFFFFFFFF, s23;
	[sflag:s17] =	ssyncset.done $0x0  }
.LBB2_46:
0x86: {  	[sflag:s17] =	ssyncadd.s32 $0xFFFFC000;
	s25 =	sadd.s32 $0x80, s25;
	s26 =	sadd.s32 $0x80, s26  }
0x87: {  	[tilespmem:s21], [sflag:$0x1] =	stream.indirect.gather [hbm4b:s5+s20], $0x80, s25, s20, $0xb8;
	[tilespmem:$0x1D480] =	vst v63  }
0x88: {  	p1 =	sne.s32 s23, $0x1;
	s23 =	sadd.s32 $0xFFFFFFFF, s23;
	_ =	swait.ge [sflag:s17], $0x4000  }
.Ltmp16:
0x89: {  	[sflag:s17] =	ssyncset.done $0x0;
	(pc) =	sbr.rel @p1 .LBB2_46-.Ltmp16, $4  }
0x8a: {  	[sflag:s17] =	ssyncadd.s32 $0xFFFFC000  }
0x8b: {  	[spmem:s3] =	stream.indirect.scatter.add.f32 [tilespmem:s21], [sflag:$0x1], $0x80, s26, s20, $0xb8;
	[tilespmem:$0x1D480] =	vst v63  }
0x8c: {  	_ =	swait.ge [sflag:s17], $0x4000  }
0x8d: {  	[sflag:s17] =	ssyncset.done $0x0  }
.LBB2_47:
.Ltmp17:
0x8e: {  	(pc) =	sbr.rel .LBB2_48-.Ltmp17, $2  }
0x8f: {  	_ =	sdelay $0x2  }
0x90: {  	[sflag:s17] =	ssyncadd.s32 $0xFFFFC000;
	s23 =	smov.u32 s8  }
.LBB2_2:
.Ltmp18:
0x91: {  	(pc) =	sbr.rel @p1 .LBB2_9-.Ltmp18, $1  }
0x92: {  	_ =	sdelay $0x3  }
0x93: {  	p3 =	sne.s32 s25, $0x1  }
.Ltmp19:
0x94: {  	_ = 	snop;
	(pc) =	sbr.rel @!p3 .LBB2_4-.Ltmp19, $3  }
0x95: {  	_ =	sdelay $0x1  }
0x96: {  	s26 =	simm.s32 $0x5000  }
0x97: {  	s24 =	simm.s32 $0xA000;
	p2 =	por $0x0, $0x0;
	v0 =	vld [tilespmem:s26+$0x0];
	s26 =	sadd.s32 $0xFFFFFFFF, s25  }
0x98: {  	_ = 	snop  }
0x99: {  	p3 =	sne.s32 s26, $0x1  }
.Ltmp20:
0x9a: {  	_ = 	snop;
	(pc) =	sbr.rel @!p3 .LBB2_6-.Ltmp20, $4  }
0x9b: {  	_ = 	snop  }
0x9c: {  	v0 =	vmin.u32 v0, $0x1400  }
0x9d: {  	s28 =	simm.s32 $0x5010;
	[tilespmem:s24+$0x0] =	vst v0  }
0x9e: {  	s29 =	sadd.s32 $0xFFFFFFFF, s26;
	p2 =	por $0x1, $0x1;
	s26 =	simm.s32 $0xA000;
	v0 =	vld [tilespmem:s28+$0x0]  }
.LBB2_7:
0x9f: {  	p3 =	sne.s32 s29, $0x1;
	_ =	sdelay $0x1  }
.Ltmp21:
0xa0: {  	(pc) =	sbr.rel @p3 .LBB2_7-.Ltmp21, $4  }
0xa1: {  	_ = 	snop  }
0xa2: {  	s26 =	sadd.s32 $0x10, s26;
	v0 =	vmin.u32 v0, $0x1400  }
0xa3: {  	s28 =	sadd.s32 $0x10, s28;
	[tilespmem:s26+$0x0] =	vst v0  }
0xa4: {  	s29 =	sadd.s32 $0xFFFFFFFF, s29;
	v0 =	vld [tilespmem:s28+$0x0]  }
.LBB2_8:
0xa5: {  	_ =	sdelay $0x2  }
0xa6: {  	s26 =	sadd.s32 @p2 $0x10, s26  }
0xa7: {  	s24 =	smov.u32 @p2 s26;
	v0 =	vmin.u32 v0, $0x1400  }
0xa8: {  	[tilespmem:s24+$0x0] =	vst v0  }
.LBB2_9:
0xa9: {  	s24 =	sshll.u32 s1, $0x6  }
0xaa: {  	s26 =	sshrl.u32 s11, $0x3;
	p2 =	slt.s32 s23, $0x1;
	s24 =	sor.u32 $0x1C01, s24  }
0xab: {  	[spmem:s26], [sflag:s24] =	dma.local [hbm:s2], $0x1480  }
.Ltmp22:
0xac: {  	_ =	swait.ge [sflag:s17], $0x1480;
	(pc) =	sbr.rel @p2 .LBB2_13-.Ltmp22, $3  }
0xad: {  	[sflag:s17] =	ssyncset.done $0x0  }
0xae: {  	[sflag:s17] =	ssyncadd.s32 $0xFFFFEB80  }
0xaf: {  	[bflag:$0x0] =	sbarrier.arrive $0xFFFF;
	_ =	sdelay $0x1  }
0xb0: {  	s28 =	simm.s32 $0x0  }
0xb1: {  	[tilespmem:s21], [sflag:$0x1] =	stream.indirect.gather [hbm4b:s5+s20], $0x80, s28, s20, $0xb8;
	[tilespmem:$0x1D480] =	vst v63  }
0xb2: {  	p3 =	sne.s32 s23, $0x1;
	_ =	swait.ge [sflag:s17], $0x4000  }
.Ltmp23:
0xb3: {  	[sflag:s17] =	ssyncset.done $0x0;
	(pc) =	sbr.rel @!p3 .LBB2_12-.Ltmp23, $4  }
0xb4: {  	s29 =	simm.s32 $0xA000;
	[sflag:s17] =	ssyncadd.s32 $0xFFFFC000  }
0xb5: {  	[spmem:s3] =	stream.indirect.scatter.add.f32 [tilespmem:s21], [sflag:$0x1], $0x80, s29, s20, $0xb8;
	[tilespmem:$0x1D480] =	vst v63  }
0xb6: {  	_ =	swait.ge [sflag:s17], $0x4000  }
0xb7: {  	s30 =	sadd.s32 $0xFFFFFFFF, s23;
	[sflag:s17] =	ssyncset.done $0x0  }
.LBB2_11:
0xb8: {  	[sflag:s17] =	ssyncadd.s32 $0xFFFFC000;
	s28 =	sadd.s32 $0x80, s28;
	s29 =	sadd.s32 $0x80, s29  }
0xb9: {  	[tilespmem:s21], [sflag:$0x1] =	stream.indirect.gather [hbm4b:s5+s20], $0x80, s28, s20, $0xb8;
	[tilespmem:$0x1D480] =	vst v63  }
0xba: {  	p3 =	sne.s32 s30, $0x1;
	s30 =	sadd.s32 $0xFFFFFFFF, s30;
	_ =	swait.ge [sflag:s17], $0x4000  }
.Ltmp24:
0xbb: {  	[sflag:s17] =	ssyncset.done $0x0;
	(pc) =	sbr.rel @p3 .LBB2_11-.Ltmp24, $4  }
0xbc: {  	[sflag:s17] =	ssyncadd.s32 $0xFFFFC000  }
0xbd: {  	[spmem:s3] =	stream.indirect.scatter.add.f32 [tilespmem:s21], [sflag:$0x1], $0x80, s29, s20, $0xb8;
	[tilespmem:$0x1D480] =	vst v63  }
0xbe: {  	_ =	swait.ge [sflag:s17], $0x4000  }
0xbf: {  	[sflag:s17] =	ssyncset.done $0x0  }
.LBB2_12:
0xc0: {  	[sflag:s17] =	ssyncadd.s32 $0xFFFFC000  }
.LBB2_13:
0xc1: {  	[bflag:$0x0] =	sbarrier.arrive $0xFFFF;
	s28 =	sshrl.u32 s12, $0x3  }
0xc2: {  	[hbm:s13], [sflag:s24] =	dma.local [spmem:s28], $0x1400  }
.Ltmp25:
0xc3: {  	_ =	swait.ge [sflag:s17], $0x1400;
	(pc) =	sbr.rel @p1 .LBB2_20-.Ltmp25, $3  }
0xc4: {  	[sflag:s17] =	ssyncset.done $0x0  }
0xc5: {  	[sflag:s17] =	ssyncadd.s32 $0xFFFFEC00  }
0xc6: {  	[bflag:$0x0] =	sbarrier.arrive $0xFFFF;
	_ =	sdelay $0x1  }
0xc7: {  	p3 =	sne.s32 s25, $0x1  }
.Ltmp26:
0xc8: {  	_ = 	snop;
	(pc) =	sbr.rel @!p3 .LBB2_15-.Ltmp26, $3  }
0xc9: {  	_ =	sdelay $0x1  }
0xca: {  	s29 =	simm.s32 $0x5000  }
0xcb: {  	s28 =	simm.s32 $0xA000;
	s25 =	sadd.s32 $0xFFFFFFFF, s25;
	p1 =	por $0x0, $0x0;
	v0 =	vld [tilespmem:s29+$0x0]  }
0xcc: {  	_ =	sdelay $0x1  }
0xcd: {  	p3 =	sne.s32 s25, $0x1  }
.Ltmp27:
0xce: {  	_ = 	snop;
	(pc) =	sbr.rel @!p3 .LBB2_17-.Ltmp27, $4  }
0xcf: {  	v0 =	vadd.s32 $0xFFFFEC00, v0  }
0xd0: {  	v0 =	vmin.u32 v0, $0x1400  }
0xd1: {  	s29 =	simm.s32 $0x5010;
	[tilespmem:s28+$0x0] =	vst v0  }
0xd2: {  	s30 =	sadd.s32 $0xFFFFFFFF, s25;
	p1 =	por $0x1, $0x1;
	s25 =	simm.s32 $0xA000;
	v0 =	vld [tilespmem:s29+$0x0]  }
.LBB2_18:
0xd3: {  	p3 =	sne.s32 s30, $0x1;
	_ =	sdelay $0x2  }
.Ltmp28:
0xd4: {  	(pc) =	sbr.rel @p3 .LBB2_18-.Ltmp28, $4  }
0xd5: {  	v0 =	vadd.s32 $0xFFFFEC00, v0  }
0xd6: {  	s25 =	sadd.s32 $0x10, s25;
	v0 =	vmin.u32 v0, $0x1400  }
0xd7: {  	s29 =	sadd.s32 $0x10, s29;
	[tilespmem:s25+$0x0] =	vst v0  }
0xd8: {  	s30 =	sadd.s32 $0xFFFFFFFF, s30;
	v0 =	vld [tilespmem:s29+$0x0]  }
.LBB2_19:
0xd9: {  	_ =	sdelay $0x3  }
0xda: {  	s25 =	sadd.s32 @p1 $0x10, s25;
	v0 =	vadd.s32 $0xFFFFEC00, v0  }
0xdb: {  	s28 =	smov.u32 @p1 s25;
	v0 =	vmin.u32 v0, $0x1400  }
0xdc: {  	[tilespmem:s28+$0x0] =	vst v0  }
.LBB2_20:
0xdd: {  	[spmem:s26], [sflag:s24] =	dma.local [hbm:s2], $0x1480  }
.Ltmp29:
0xde: {  	_ =	swait.ge [sflag:s17], $0x1480;
	(pc) =	sbr.rel @p2 .LBB2_21-.Ltmp29, $3  }
0xdf: {  	[sflag:s17] =	ssyncset.done $0x0  }
0xe0: {  	[sflag:s17] =	ssyncadd.s32 $0xFFFFEB80  }
0xe1: {  	[bflag:$0x0] =	sbarrier.arrive $0xFFFF;
	_ =	sdelay $0x1  }
0xe2: {  	s25 =	simm.s32 $0x0  }
0xe3: {  	[tilespmem:s21], [sflag:$0x1] =	stream.indirect.gather [hbm4b:s5+s20], $0x80, s25, s20, $0xb8;
	[tilespmem:$0x1D480] =	vst v63  }
0xe4: {  	p1 =	seq.s32 s23, $0x1;
	_ =	swait.ge [sflag:s17], $0x4000  }
.Ltmp30:
0xe5: {  	[sflag:s17] =	ssyncset.done $0x0;
	(pc) =	sbr.rel @p1 .LBB2_24-.Ltmp30, $4  }
0xe6: {  	s26 =	simm.s32 $0xA000;
	[sflag:s17] =	ssyncadd.s32 $0xFFFFC000  }
0xe7: {  	[spmem:s3] =	stream.indirect.scatter.add.f32 [tilespmem:s21], [sflag:$0x1], $0x80, s26, s20, $0xb8;
	[tilespmem:$0x1D480] =	vst v63  }
0xe8: {  	_ =	swait.ge [sflag:s17], $0x4000  }
0xe9: {  	s23 =	sadd.s32 $0xFFFFFFFF, s23;
	[sflag:s17] =	ssyncset.done $0x0  }
.LBB2_23:
0xea: {  	[sflag:s17] =	ssyncadd.s32 $0xFFFFC000;
	s25 =	sadd.s32 $0x80, s25;
	s26 =	sadd.s32 $0x80, s26  }
0xeb: {  	[tilespmem:s21], [sflag:$0x1] =	stream.indirect.gather [hbm4b:s5+s20], $0x80, s25, s20, $0xb8;
	[tilespmem:$0x1D480] =	vst v63  }
0xec: {  	p1 =	seq.s32 s23, $0x1;
	s23 =	sadd.s32 $0xFFFFFFFF, s23;
	_ =	swait.ge [sflag:s17], $0x4000  }
.Ltmp31:
0xed: {  	[sflag:s17] =	ssyncset.done $0x0;
	(pc) =	sbr.rel @!p1 .LBB2_23-.Ltmp31, $4  }
0xee: {  	[sflag:s17] =	ssyncadd.s32 $0xFFFFC000  }
0xef: {  	[spmem:s3] =	stream.indirect.scatter.add.f32 [tilespmem:s21], [sflag:$0x1], $0x80, s26, s20, $0xb8;
	[tilespmem:$0x1D480] =	vst v63  }
0xf0: {  	_ =	swait.ge [sflag:s17], $0x4000  }
0xf1: {  	[sflag:s17] =	ssyncset.done $0x0  }
.LBB2_24:
.Ltmp32:
0xf2: {  	(pc) =	sbr.rel .LBB2_48-.Ltmp32, $2  }
0xf3: {  	_ =	sdelay $0x2  }
0xf4: {  	[sflag:s17] =	ssyncadd.s32 $0xFFFFC000;
	s23 =	smov.u32 s7  }
.LBB2_44:
.Ltmp33:
0xf5: {  	(pc) =	sbr.rel .LBB2_48-.Ltmp33, $2  }
0xf6: {  	_ =	sdelay $0x2  }
0xf7: {  	s23 =	smov.u32 s8  }
.LBB2_27:
.Ltmp34:
0xf8: {  	(pc) =	sbr.rel .LBB2_31-.Ltmp34, $2  }
0xf9: {  	_ =	sdelay $0x2  }
0xfa: {  	s26 =	simm.s32 $0xA000  }
.LBB2_38:
.Ltmp35:
0xfb: {  	(pc) =	sbr.rel .LBB2_42-.Ltmp35, $2  }
0xfc: {  	_ =	sdelay $0x2  }
0xfd: {  	s25 =	simm.s32 $0xA000  }
.LBB2_4:
.Ltmp36:
0xfe: {  	(pc) =	sbr.rel .LBB2_8-.Ltmp36, $2  }
0xff: {  	_ =	sdelay $0x2  }
0x100: {  	s26 =	simm.s32 $0xA000  }
.LBB2_15:
.Ltmp37:
0x101: {  	(pc) =	sbr.rel .LBB2_19-.Ltmp37, $2  }
0x102: {  	_ =	sdelay $0x2  }
0x103: {  	s25 =	simm.s32 $0xA000  }
.LBB2_29:
.Ltmp38:
0x104: {  	(pc) =	sbr.rel .LBB2_31-.Ltmp38, $2  }
0x105: {  	_ =	sdelay $0x2  }
0x106: {  	s26 =	simm.s32 $0xA000  }
.LBB2_40:
.Ltmp39:
0x107: {  	(pc) =	sbr.rel .LBB2_42-.Ltmp39, $2  }
0x108: {  	_ =	sdelay $0x2  }
0x109: {  	s25 =	simm.s32 $0xA000  }
.LBB2_6:
.Ltmp40:
0x10a: {  	(pc) =	sbr.rel .LBB2_8-.Ltmp40, $2  }
0x10b: {  	_ =	sdelay $0x2  }
0x10c: {  	s26 =	simm.s32 $0xA000  }
.LBB2_17:
.Ltmp41:
0x10d: {  	(pc) =	sbr.rel .LBB2_19-.Ltmp41, $2  }
0x10e: {  	_ =	sdelay $0x2  }
0x10f: {  	s25 =	simm.s32 $0xA000  }
.LBB2_49:
0x110: {  	_ =	sfence.sel $0x180000  }
0x111: {  	[bflag:$0x0] =	sbarrier.arrive $0xFFFF  }
0x112: {  	p0 =	sne.s32 s1, $0x0;
	_ =	strace $0x9000004A  }
0x113: {  	s0 =	sadd.s32 @!p0 $0x100000, s0;
	[bflag:$0x2] =	sbarrier.arrive $0xFFFF  }
0x114: {  	[sflag:s0] =	ssyncadd.tile.s32 @!p0 $0x1;
	_ =	shalt  }
.Lfunc_end2:
_tile_overlayer_lowered:
.L_overlay_start_2:
0x115: {  	(tag) =	ssettag $0x2  }
0x116: {  	s0 =	rddreg [dreg:$0x0];
	s2 =	stileid.u32  }
0x117: {  	s1 =	rddreg [dreg:$0x1];
	p0 =	sne.s32 s2, $0x0  }
0x118: {  	s3 =	rddreg [dreg:$0x2];
	[bflag:$0x3] =	sbarrier.arrive $0xFFFF;
	s2 =	simm.s32 @!p0 $0x1C01  }
0x119: {  	[timem:s3], [sflag:s2] =	dma.local @!p0 [hbm:s0], s1  }
0x11a: {  	s0 =	simm.s32 @!p0 $0x1  }
0x11b: {  	_ =	swait.ge @!p0 [sflag:s0], s1  }
0x11c: {  	s1 =	ssub.s32 @!p0 $0x0, s1;
	[sflag:s0] =	ssyncset.done @!p0 $0x0  }
0x11d: {  	[sflag:s0] =	ssyncadd.s32 @!p0 s1  }
0x11e: {  	[bflag:$0x3] =	sbarrier.arrive $0xFFFF  }
0x11f: {  	_ =	shalt  }

// kernel: kernel.16.cloned.1.call-start
scs
__scs_entry_jumppad:
0x0: {  	(pc) =	sbr.rel $0x88, $3  }
0x1: {  	(tag) =	ssettag $0x0;
	lr =	simm.s32 $0x1  }
0x2: {  	[smem:$0x3F94] =	sst lr;
	_ =	strace $0xD0000000  }
0x3: {  	_ = 	snop  }
0x4: {  	_ = 	snop  }
0x5: {  	_ = 	snop  }
0x6: {  	_ = 	snop  }
0x7: {  	_ = 	snop  }
__scs_overlays_trampoline_lowered:
0x8: {  	[smem:$0x3FA3] =	sst s0  }
0x9: {  	[smem:$0x3FA4] =	sst s1  }
0xa: {  	[smem:$0x3FA5] =	sst s2  }
0xb: {  	[smem:$0x3FA6] =	sst s3  }
0xc: {  	[smem:$0x3FA7] =	sst s4  }
0xd: {  	[smem:$0x3FA8] =	sst s5  }
0xe: {  	[smem:$0x3FA9] =	sst s6  }
0xf: {  	[smem:$0x3FAA] =	sst s7  }
0x10: {  	[smem:$0x3FAB] =	sst s8  }
0x11: {  	[smem:$0x3FAC] =	sst s9;
	s0 =	simm.s32 @!p0 $0x0  }
0x12: {  	s1 =	sld [smem:$0x3F92];
	s0 =	simm.s32 @p0 $0x1  }
0x13: {  	[smem:$0x3FAD] =	sst s0;
	s0 =	simm.s32 @!p1 $0x0  }
0x14: {  	s2 =	sld [smem:$0x3F91];
	s0 =	simm.s32 @p1 $0x1  }
0x15: {  	[smem:$0x3FAE] =	sst s0;
	s0 =	simm.s32 @!p2 $0x0  }
0x16: {  	s3 =	sld [smem:$0x3FDB];
	s0 =	simm.s32 @p2 $0x1  }
0x17: {  	s4 =	simm.s32 $0x1BF5;
	[smem:$0x3FB0] =	sst s0  }
0x18: {  	s0 =	sld [smem:$0x3F93];
	_ =	swait.ge [sflag:s4], $0x0  }
0x19: {  	s7 =	sld [smem:$0x3F94]  }
0x1a: {  	s8 =	sadd.s32 $0xFFFFE003, lr  }
0x1b: {  	s9 =	sadd.s32 $0xFFFFFEF7, lr;
	s5 =	simm.s32 $0xFFFFFFFF;
	p2 =	slt.u32 s8, $0xFFFFF086  }
0x1c: {  	p1 =	slt.u32 s9, $0xF7A;
	s5 =	simm.s32 @!p2 $0x0  }
0x1d: {  	s5 =	simm.s32 @p1 $0x1;
	p0 =	seq.s32 s7, s2  }
0x1e: {  	s7 =	smul.u32 @!p0 $0xF7A, s2;
	p2 =	seq.s32 @!p0 s5, $0x0  }
0x1f: {  	s9 =	smul.u32 $0xF7A, s1;
	s8 =	simm.s32 @!p0 $0x1BF5;
	p2 =	por !p2, p0  }
0x20: {  	[sflag:s8] =	ssyncset.s32 @!p0 $0xFFFFF086;
	s6 =	sadd.s32 @!p0 s3, s7;
	s7 =	simm.s32 @!p0 $0x108  }
0x21: {  	s3 =	sadd.s32 s3, s9;
	s6 =	sadd.s32 @!p0 $0x88, s6;
	s7 =	simm.s32 @p2 $0x1082  }
0x22: {  	[simem:s7], [sflag:s8] =	dma.local @!p0 [hbm:s6], $0xF7A  }
0x23: {  	s9 =	sor.u32 $0xD0000000, s2;
	s6 =	simm.s32 $0x108;
	_ =	swait.ge @!p0 [sflag:s8], $0x0  }
0x24: {  	s3 =	sadd.s32 $0x88, s3;
	s6 =	simm.s32 @!p1 $0x1082;
	[sflag:s4] =	ssyncset.s32 $0xFFFFF086  }
0x25: {  	[simem:s6], [sflag:s4] =	dma.local [hbm:s3], $0xF7A  }
0x26: {  	[smem:$0x3F94] =	sst s1;
	(tag) =	ssettag s2;
	_ =	strace s9  }
0x27: {  	s1 =	sld [smem:$0x3FA4]  }
0x28: {  	s2 =	sld [smem:$0x3FA5]  }
0x29: {  	s4 =	sld [smem:$0x3FA7]  }
0x2a: {  	p0 =	seq.s32 s5, $0x0;
	s5 =	sld [smem:$0x3FA8]  }
0x2b: {  	s6 =	sld [smem:$0x3FA9]  }
0x2c: {  	s7 =	sld [smem:$0x3FAA]  }
0x2d: {  	s3 =	simm.s32 $0x108;
	s8 =	sld [smem:$0x3FAB]  }
0x2e: {  	s3 =	simm.s32 @!p0 $0x1082;
	s9 =	sld [smem:$0x3FAC]  }
0x2f: {  	lr =	sadd.s32 s0, s3;
	s0 =	sld [smem:$0x3FA3]  }
0x30: {  	s3 =	sld [smem:$0x3FA6]  }
0x31: {  	[smem:$0x3FAF] =	sst s10  }
0x32: {  	s10 =	sld [smem:$0x3FAD];
	_ =	sdelay $0x3  }
0x33: {  	p0 =	seq.s32 s10, $0x1;
	s10 =	sld [smem:$0x3FAF];
	_ =	sdelay $0x3  }
0x34: {  	[smem:$0x3FAF] =	sst s10  }
0x35: {  	s10 =	sld [smem:$0x3FAE];
	_ =	sdelay $0x3  }
0x36: {  	p1 =	seq.s32 s10, $0x1;
	s10 =	sld [smem:$0x3FAF];
	_ =	sdelay $0x3  }
0x37: {  	[smem:$0x3FAF] =	sst s10  }
0x38: {  	s10 =	sld [smem:$0x3FB0]  }
0x39: {  	_ = 	snop;
	(pc) =	sbr.ind lr, $3  }
0x3a: {  	_ = 	snop  }
0x3b: {  	_ = 	snop  }
0x3c: {  	p2 =	seq.s32 s10, $0x1;
	s10 =	sld [smem:$0x3FAF]  }
0x3d: {  	_ =	shalt  }
0x3e: {  	_ =	shalt  }
0x3f: {  	_ =	shalt  }
0x40: {  	_ =	shalt  }
0x41: {  	_ =	shalt  }
0x42: {  	_ =	shalt  }
0x43: {  	_ =	shalt  }
0x44: {  	_ =	shalt  }
0x45: {  	_ =	shalt  }
0x46: {  	_ =	shalt  }
0x47: {  	_ =	shalt  }
0x48: {  	_ =	shalt  }
0x49: {  	_ =	shalt  }
0x4a: {  	_ =	shalt  }
0x4b: {  	_ =	shalt  }
0x4c: {  	_ =	shalt  }
0x4d: {  	_ =	shalt  }
0x4e: {  	_ =	shalt  }
0x4f: {  	_ =	shalt  }
0x50: {  	_ =	shalt  }
0x51: {  	_ =	shalt  }
0x52: {  	_ =	shalt  }
0x53: {  	_ =	shalt  }
0x54: {  	_ =	shalt  }
0x55: {  	_ =	shalt  }
0x56: {  	_ =	shalt  }
0x57: {  	_ =	shalt  }
0x58: {  	_ =	shalt  }
0x59: {  	_ =	shalt  }
0x5a: {  	_ =	shalt  }
0x5b: {  	_ =	shalt  }
0x5c: {  	_ =	shalt  }
0x5d: {  	_ =	shalt  }
0x5e: {  	_ =	shalt  }
0x5f: {  	_ =	shalt  }
0x60: {  	_ =	shalt  }
0x61: {  	_ =	shalt  }
0x62: {  	_ =	shalt  }
0x63: {  	_ =	shalt  }
0x64: {  	_ =	shalt  }
0x65: {  	_ =	shalt  }
0x66: {  	_ =	shalt  }
0x67: {  	_ =	shalt  }
0x68: {  	_ =	shalt  }
0x69: {  	_ =	shalt  }
0x6a: {  	_ =	shalt  }
0x6b: {  	_ =	shalt  }
0x6c: {  	_ =	shalt  }
0x6d: {  	_ =	shalt  }
0x6e: {  	_ =	shalt  }
0x6f: {  	_ =	shalt  }
0x70: {  	_ =	shalt  }
0x71: {  	_ =	shalt  }
0x72: {  	_ =	shalt  }
0x73: {  	_ =	shalt  }
0x74: {  	_ =	shalt  }
0x75: {  	_ =	shalt  }
0x76: {  	_ =	shalt  }
0x77: {  	_ =	shalt  }
0x78: {  	_ =	shalt  }
0x79: {  	_ =	shalt  }
0x7a: {  	_ =	shalt  }
0x7b: {  	_ =	shalt  }
0x7c: {  	_ =	shalt  }
0x7d: {  	_ =	shalt  }
0x7e: {  	_ =	shalt  }
0x7f: {  	_ =	shalt  }
0x80: {  	_ =	shalt  }
0x81: {  	_ =	shalt  }
0x82: {  	_ =	shalt  }
0x83: {  	_ =	shalt  }
0x84: {  	_ =	shalt  }
0x85: {  	_ =	shalt  }
0x86: {  	_ =	shalt  }
0x87: {  	_ =	shalt  }
.Lfunc_end0:
.L_simem_size_0:
called_computation.2_lowered:
.L_overlay_start_0:
0x88: {  	s2 =	sld [smem:$0x3FD9]  }
0x89: {  	s3 =	sld [smem:$0x3FFE];
	_ =	sdelay $0x1  }
0x8a: {  	s1 =	srdreg.scid  }
0x8b: {  	s0 =	sand.u32 $0x1, s1  }
0x8c: {  	s17 =	sshll.u32 s0, $0xA;
	s2 =	sadd.s32 s3, s2  }
0x8d: {  	s2 =	sadd.s32 s2, s17  }
0x8e: {  	[smem:$0x3FBB] =	sst s2  }
0x8f: {  	_ = 	snop  }
0x90: {  	s2 =	sld [smem:$0x3FD0];
	(tm) =	ssettm $0x1  }
0x91: {  	s18 =	sld [smem:$0x3FFB];
	_ =	sdelay $0x3  }
0x92: {  	_ =	strace s18  }
0x93: {  	s3 =	sld [smem:$0x3FFC];
	_ =	sdelay $0x3  }
0x94: {  	_ =	strace s3  }
0x95: {  	s3 =	sld [smem:$0x3FFD];
	_ =	sdelay $0x3  }
0x96: {  	_ =	strace s3  }
0x97: {  	_ =	strace $0x8FFFFFFF  }
0x98: {  	s19 =	sld [smem:$0x3FDB];
	_ =	sdelay $0x1  }
0x99: {  	s4 =	simm.s32 $_scs_section_size  }
0x9a: {  	s5 =	simm.s32 $_size__tile_overlayer_lowered;
	s6 =	simm.s32 $_tile_overlayer_lowered  }
0x9b: {  	s22 =	simm.s32 $0x1BFF;
	s21 =	sshll.u32 s6, $0x1;
	s3 =	sadd.s32 s4, s19  }
0x9c: {  	s7 =	simm.s32 $0x0;
	s20 =	sshll.u32 s5, $0x1;
	s5 =	sadd.s32 s21, s3  }
0x9d: {  	[timem:s7], [sflag:s22] =	dma.local [hbm:s5], s20  }
0x9e: {  	_ =	swait.ge [sflag:s22], s20  }
0x9f: {  	s4 =	ssub.s32 $0x0, s20;
	[sflag:s22] =	ssyncset.done $0x0  }
0xa0: {  	[sflag:s22] =	ssyncadd.s32 s4;
	_ =	sdelay $0x1  }
0xa1: {  	s23 =	simm.s32 $0x1B8B  }
0xa2: {  	_ =	swait.ge [sflag:s23], $0x1  }
0xa3: {  	[sflag:s23] =	ssyncset.done $0x0  }
0xa4: {  	s25 =	simm.s32 $0x1B8E;
	s24 =	sld [smem:$0x3FFE];
	[sflag:s23] =	ssyncadd.s32 $0xFFFFFFFF  }
0xa5: {  	s26 =	simm.s32 $execute0_lowered;
	[smem:$0x3FD2] =	sst s25  }
0xa6: {  	s5 =	sshll.u32 s26, $0x1;
	_ =	strace $0x8000004C;
	[dreg:$0x1] =	wrdreg $0xFFFFFFFF  }
0xa7: {  	s28 =	simm.s32 $_size_execute0_lowered;
	s3 =	sadd.s32 s3, s5;
	[dreg:$0x0] =	wrdreg $0x0  }
0xa8: {  	s5 =	sshll.u32 s28, $0x1;
	[dreg:$0x2] =	wrdreg s3  }
0xa9: {  	[dreg:$0x3] =	wrdreg s5  }
0xaa: {  	[dreg:$0x4] =	wrdreg $0xC0  }
0xab: {  	_ =	task [dreg:s7], $0x5FFFF  }
0xac: {  	[dreg:$0x1] =	wrdreg $0xFFFFFFFF  }
0xad: {  	[dreg:$0x0] =	wrdreg $0x60  }
0xae: {  	[dreg:$0x2] =	wrdreg s24  }
0xaf: {  	[dreg:$0x3] =	wrdreg s2  }
0xb0: {  	[dreg:$0x4] =	wrdreg $0x130800  }
0xb1: {  	[dreg:$0x5] =	wrdreg $0x9  }
0xb2: {  	_ =	task.clear_ibuf [dreg:s7], $0x6FFFF;
	_ =	strace $0x9000004C  }
0xb3: {  	s29 =	simm.s32 $0x9;
	_ =	strace $0x8000004E  }
0xb4: {  	_ =	swait.ge [sflag:s29], $0x1  }
0xb5: {  	[sflag:s29] =	ssyncadd.s32 $0xFFFFFFFF  }
0xb6: {  	_ =	strace $0x9000004E  }
0xb7: {  	_ =	sfence  }
0xb8: {  	s30 =	sld [smem:$0x0];
	_ =	sdelay $0x2  }
0xb9: {  	s31 =	sshll.u32 s1, $0xD;
	s1 =	sshrl.u32 s1, $0x2  }
0xba: {  	s3 =	sand.u32 $0x4000, s31;
	s1 =	sadd.s32 s1, s30  }
0xbb: {  	s0 =	sor.u32 s3, s0;
	s1 =	sshll.u32 s1, $0x11  }
0xbc: {  	s0 =	sor.u32 s1, s0  }
0xbd: {  	s0 =	sadd.s32 $0x8F2B, s0  }
0xbe: {  	[sflag:s0] =	ssyncadd.remote.s32 $0x1  }
0xbf: {  	_ =	sfence.sel $0xFFFF  }
0xc0: {  	[dreg:$0x0] =	wrdreg $0xFFFFFFFF;
	(pc) =	sbr.abs _section_cstart, $3  }
0xc1: {  	[dreg:$0x1] =	wrdreg $0xFFFFFFFF  }
0xc2: {  	_ =	task.clear_ibuf [dreg:s7], $0x2FFFF;
	_ =	strace $0x9FFFFFFF  }
0xc3: {  	(tm) =	ssettm $0x7FFFFFFF  }
tec
execute0_lowered:
.L_overlay_start_1:
0x0: {  	(tag) =	ssettag $0x1  }
0x1: {  	s9 =	rddreg [dreg:$0x0]  }
0x2: {  	s0 =	srdreg.scid;
	s2 =	rddreg [dreg:$0x1]  }
0x3: {  	s3 =	rddreg [dreg:$0x2];
	s1 =	stileid.u32;
	s4 =	simm.s32 $0x0  }
0x4: {  	s19 =	simm.s32 $0x5000;
	s20 =	simm.s32 $0x13000;
	s21 =	simm.s32 $0x80  }
0x5: {  	s22 =	simm.s32 $0xF000;
	s23 =	simm.s32 $0x0;
	s13 =	smul.u32 $0x29000, s1  }
0x6: {  	s12 =	sand.u32 $0x1, s0;
	s0 =	rddreg [dreg:$0x3];
	s15 =	smul.u32 $0x28000, s1  }
0x7: {  	[smem:$0x7FF] =	sst s4;
	s6 =	sadd.s32 $0x2D000, s9;
	s16 =	smul.u32 $0x1400, s1  }
0x8: {  	s8 =	sadd.s32 $0x55200, s9;
	s18 =	smul.u32 $0xA000, s1;
	s5 =	sshll.u32 s12, $0x4  }
0x9: {  	_ =	strace $0x8000004D;
	s10 =	ssub.s32 $0x2, s12;
	p0 =	seq.s32 s12, $0x1  }
0xa: {  	s5 =	sor.u32 s1, s5;
	s14 =	sshrl.u32 s10, $0x1;
	s13 =	sshrl.u32 s13, $0x2  }
0xb: {  	s30 =	sshrl.u32 s15, $0x2;
	s31 =	sshrl.u32 s18, $0x3;
	s7 =	smul.u32 $0xA00, s5  }
.Ltmp0:
0xc: {  	s18 =	simm.s32 $0x1;
	s5 =	sadd.s32 $0x5000, s9;
	(pc) =	sbr.rel .LBB2_1-.Ltmp0, $4  }
0xd: {  	s17 =	ssub.s32 s10, s14;
	s12 =	sadd.s32 s13, s3;
	s13 =	sadd.s32 s30, s3  }
0xe: {  	s14 =	sadd.s32 s8, s16;
	s15 =	sadd.s32 $0x14000, s31;
	s17 =	smax.u32 s17, $0x1  }
0xf: {  	s11 =	sadd.s32 s7, s9;
	s7 =	sadd.s32 $0x55000, s9;
	s9 =	sadd.s32 $0x7D200, s9  }
0x10: {  	s10 =	sadd.s32 $0xCDA00, s11;
	s11 =	sadd.s32 $0xB9A00, s11;
	s16 =	sadd.s32 s9, s16  }
.LBB2_21:
0x11: {  	s24 =	smov.u32 s8  }
.LBB2_48:
0x12: {  	s24 =	sadd.s32 s24, s15  }
0x13: {  	[bflag:$0x0] =	sbarrier.arrive $0xFFFF;
	s26 =	sshrl.u32 s13, $0x3;
	s23 =	sadd.s32 $0x1, s23  }
0x14: {  	[hbm:s24], [sflag:s25] =	dma.local [spmem:s26], $0x1400  }
0x15: {  	p1 =	sne.s32 s23, s17  }
.Ltmp1:
0x16: {  	_ =	swait.ge [sflag:s18], $0x1400;
	(pc) =	sbr.rel @!p1 .LBB2_49-.Ltmp1, $3  }
0x17: {  	[sflag:s18] =	ssyncset.done $0x0  }
0x18: {  	[sflag:s18] =	ssyncadd.s32 $0xFFFFEC00  }
0x19: {  	[bflag:$0x0] =	sbarrier.arrive $0xFFFF;
	_ =	sdelay $0x1  }
.LBB2_1:
0x1a: {  	[tilespmem:s4], [sflag:$0x1] =	stream.linear.gather [hbm4b:s10+s4], $0x4F00, $0x38;
	[tilespmem:$0x1D480] =	vst v63  }
0x1b: {  	_ =	swait.ge [sflag:s18], $0x4F00  }
0x1c: {  	[sflag:s18] =	ssyncset.done $0x0  }
0x1d: {  	[sflag:s18] =	ssyncadd.s32 $0xFFFFB100  }
0x1e: {  	[tilespmem:s19], [sflag:$0x1] =	stream.linear.gather [hbm4b:s11+s4], $0x4F00, $0x38;
	[tilespmem:$0x1D480] =	vst v63  }
0x1f: {  	_ =	swait.ge [sflag:s18], $0x4F00  }
0x20: {  	[sflag:s18] =	ssyncset.done $0x0  }
0x21: {  	[sflag:s18] =	ssyncadd.s32 $0xFFFFB100  }
0x22: {  	[tilespmem:s20], [sflag:$0x1] =	stream.linear.gather [hbm4b:s7+s4], $0x80, $0x38;
	[tilespmem:$0x1D480] =	vst v63  }
0x23: {  	_ =	swait.ge [sflag:s18], $0x80  }
0x24: {  	[sflag:s18] =	ssyncset.done $0x0  }
0x25: {  	[sflag:s18] =	ssyncadd.s32 $0xFFFFFF80  }
0x26: {  	v0 =	vld [tilespmem:$0x13000];
	_ =	sdelay $0x4  }
0x27: {  	(v2sf) =	vpush v0, $0x0;
	_ =	sdelay $0xc  }
.Ltmp2:
0x28: {  	_ = 	snop;
	(pc) =	sbr.rel @!p0 .LBB2_2-.Ltmp2, $4  }
0x29: {  	_ = 	snop  }
0x2a: {  	s24 =	spop (v2sf)  }
0x2b: {  	s26 =	sshll.u32 s24, $0x3  }
0x2c: {  	p1 =	slt.s32 s26, $0x1  }
.Ltmp3:
0x2d: {  	(pc) =	sbr.rel @p1 .LBB2_32-.Ltmp3, $1  }
0x2e: {  	_ =	sdelay $0x3  }
0x2f: {  	p3 =	sne.s32 s26, $0x1  }
.Ltmp4:
0x30: {  	_ = 	snop;
	(pc) =	sbr.rel @!p3 .LBB2_27-.Ltmp4, $3  }
0x31: {  	_ =	sdelay $0x1  }
0x32: {  	s28 =	simm.s32 $0x5000  }
0x33: {  	s25 =	simm.s32 $0xA000;
	p2 =	por $0x0, $0x0;
	v0 =	vld [tilespmem:s28+$0x0];
	s28 =	sadd.s32 $0xFFFFFFFF, s26  }
0x34: {  	_ = 	snop  }
0x35: {  	p3 =	sne.s32 s28, $0x1  }
.Ltmp5:
0x36: {  	_ = 	snop;
	(pc) =	sbr.rel @!p3 .LBB2_29-.Ltmp5, $4  }
0x37: {  	_ = 	snop  }
0x38: {  	v0 =	vmin.u32 v0, $0x1400  }
0x39: {  	s29 =	simm.s32 $0x5010;
	[tilespmem:s25+$0x0] =	vst v0  }
0x3a: {  	s30 =	sadd.s32 $0xFFFFFFFF, s28;
	p2 =	por $0x1, $0x1;
	s28 =	simm.s32 $0xA000;
	v0 =	vld [tilespmem:s29+$0x0]  }
.LBB2_30:
0x3b: {  	p3 =	sne.s32 s30, $0x1;
	_ =	sdelay $0x1  }
.Ltmp6:
0x3c: {  	(pc) =	sbr.rel @p3 .LBB2_30-.Ltmp6, $4  }
0x3d: {  	_ = 	snop  }
0x3e: {  	s28 =	sadd.s32 $0x10, s28;
	v0 =	vmin.u32 v0, $0x1400  }
0x3f: {  	s29 =	sadd.s32 $0x10, s29;
	[tilespmem:s28+$0x0] =	vst v0  }
0x40: {  	s30 =	sadd.s32 $0xFFFFFFFF, s30;
	v0 =	vld [tilespmem:s29+$0x0]  }
.LBB2_31:
0x41: {  	_ =	sdelay $0x2  }
0x42: {  	s28 =	sadd.s32 @p2 $0x10, s28  }
0x43: {  	s25 =	smov.u32 @p2 s28;
	v0 =	vmin.u32 v0, $0x1400  }
0x44: {  	[tilespmem:s25+$0x0] =	vst v0  }
.LBB2_32:
0x45: {  	s25 =	sshll.u32 s1, $0x6  }
0x46: {  	s28 =	sshrl.u32 s12, $0x3;
	p2 =	slt.s32 s24, $0x1;
	s25 =	sor.u32 $0x1C01, s25  }
0x47: {  	[spmem:s28], [sflag:s25] =	dma.local [hbm:s2], $0x1480  }
.Ltmp7:
0x48: {  	_ =	swait.ge [sflag:s18], $0x1480;
	(pc) =	sbr.rel @p2 .LBB2_36-.Ltmp7, $3  }
0x49: {  	[sflag:s18] =	ssyncset.done $0x0  }
0x4a: {  	[sflag:s18] =	ssyncadd.s32 $0xFFFFEB80  }
0x4b: {  	[bflag:$0x0] =	sbarrier.arrive $0xFFFF;
	_ =	sdelay $0x1  }
0x4c: {  	s29 =	simm.s32 $0x0  }
0x4d: {  	[tilespmem:s22], [sflag:$0x1] =	stream.indirect.gather [hbm4b:s6+s21], $0x80, s29, s21, $0xb8;
	[tilespmem:$0x1D480] =	vst v63  }
0x4e: {  	p3 =	sne.s32 s24, $0x1;
	_ =	swait.ge [sflag:s18], $0x4000  }
.Ltmp8:
0x4f: {  	[sflag:s18] =	ssyncset.done $0x0;
	(pc) =	sbr.rel @!p3 .LBB2_35-.Ltmp8, $4  }
0x50: {  	s30 =	simm.s32 $0xA000;
	[sflag:s18] =	ssyncadd.s32 $0xFFFFC000  }
0x51: {  	[spmem:s3] =	stream.indirect.scatter.add.f32 [tilespmem:s22], [sflag:$0x1], $0x80, s30, s21, $0xb8;
	[tilespmem:$0x1D480] =	vst v63  }
0x52: {  	_ =	swait.ge [sflag:s18], $0x4000  }
0x53: {  	s31 =	sadd.s32 $0xFFFFFFFF, s24;
	[sflag:s18] =	ssyncset.done $0x0  }
.LBB2_34:
0x54: {  	[sflag:s18] =	ssyncadd.s32 $0xFFFFC000;
	s29 =	sadd.s32 $0x80, s29;
	s30 =	sadd.s32 $0x80, s30  }
0x55: {  	[tilespmem:s22], [sflag:$0x1] =	stream.indirect.gather [hbm4b:s6+s21], $0x80, s29, s21, $0xb8;
	[tilespmem:$0x1D480] =	vst v63  }
0x56: {  	p3 =	sne.s32 s31, $0x1;
	s31 =	sadd.s32 $0xFFFFFFFF, s31;
	_ =	swait.ge [sflag:s18], $0x4000  }
.Ltmp9:
0x57: {  	[sflag:s18] =	ssyncset.done $0x0;
	(pc) =	sbr.rel @p3 .LBB2_34-.Ltmp9, $4  }
0x58: {  	[sflag:s18] =	ssyncadd.s32 $0xFFFFC000  }
0x59: {  	[spmem:s3] =	stream.indirect.scatter.add.f32 [tilespmem:s22], [sflag:$0x1], $0x80, s30, s21, $0xb8;
	[tilespmem:$0x1D480] =	vst v63  }
0x5a: {  	_ =	swait.ge [sflag:s18], $0x4000  }
0x5b: {  	[sflag:s18] =	ssyncset.done $0x0  }
.LBB2_35:
0x5c: {  	[sflag:s18] =	ssyncadd.s32 $0xFFFFC000  }
.LBB2_36:
0x5d: {  	[bflag:$0x0] =	sbarrier.arrive $0xFFFF;
	s29 =	sshrl.u32 s13, $0x3  }
0x5e: {  	[hbm:s16], [sflag:s25] =	dma.local [spmem:s29], $0x1400  }
.Ltmp10:
0x5f: {  	_ =	swait.ge [sflag:s18], $0x1400;
	(pc) =	sbr.rel @p1 .LBB2_43-.Ltmp10, $3  }
0x60: {  	[sflag:s18] =	ssyncset.done $0x0  }
0x61: {  	[sflag:s18] =	ssyncadd.s32 $0xFFFFEC00  }
0x62: {  	[bflag:$0x0] =	sbarrier.arrive $0xFFFF;
	_ =	sdelay $0x1  }
0x63: {  	p3 =	sne.s32 s26, $0x1  }
.Ltmp11:
0x64: {  	_ = 	snop;
	(pc) =	sbr.rel @!p3 .LBB2_38-.Ltmp11, $3  }
0x65: {  	_ =	sdelay $0x1  }
0x66: {  	s30 =	simm.s32 $0x5000  }
0x67: {  	s29 =	simm.s32 $0xA000;
	s26 =	sadd.s32 $0xFFFFFFFF, s26;
	p1 =	por $0x0, $0x0;
	v0 =	vld [tilespmem:s30+$0x0]  }
0x68: {  	_ =	sdelay $0x1  }
0x69: {  	p3 =	sne.s32 s26, $0x1  }
.Ltmp12:
0x6a: {  	_ = 	snop;
	(pc) =	sbr.rel @!p3 .LBB2_40-.Ltmp12, $4  }
0x6b: {  	v0 =	vadd.s32 $0xFFFFEC00, v0  }
0x6c: {  	v0 =	vmin.u32 v0, $0x1400  }
0x6d: {  	s30 =	simm.s32 $0x5010;
	[tilespmem:s29+$0x0] =	vst v0  }
0x6e: {  	s31 =	sadd.s32 $0xFFFFFFFF, s26;
	p1 =	por $0x1, $0x1;
	s26 =	simm.s32 $0xA000;
	v0 =	vld [tilespmem:s30+$0x0]  }
.LBB2_41:
0x6f: {  	p3 =	sne.s32 s31, $0x1;
	_ =	sdelay $0x2  }
.Ltmp13:
0x70: {  	(pc) =	sbr.rel @p3 .LBB2_41-.Ltmp13, $4  }
0x71: {  	v0 =	vadd.s32 $0xFFFFEC00, v0  }
0x72: {  	s26 =	sadd.s32 $0x10, s26;
	v0 =	vmin.u32 v0, $0x1400  }
0x73: {  	s30 =	sadd.s32 $0x10, s30;
	[tilespmem:s26+$0x0] =	vst v0  }
0x74: {  	s31 =	sadd.s32 $0xFFFFFFFF, s31;
	v0 =	vld [tilespmem:s30+$0x0]  }
.LBB2_42:
0x75: {  	_ =	sdelay $0x3  }
0x76: {  	s26 =	sadd.s32 @p1 $0x10, s26;
	v0 =	vadd.s32 $0xFFFFEC00, v0  }
0x77: {  	s29 =	smov.u32 @p1 s26;
	v0 =	vmin.u32 v0, $0x1400  }
0x78: {  	[tilespmem:s29+$0x0] =	vst v0  }
.LBB2_43:
0x79: {  	[spmem:s28], [sflag:s25] =	dma.local [hbm:s2], $0x1480  }
.Ltmp14:
0x7a: {  	_ =	swait.ge [sflag:s18], $0x1480;
	(pc) =	sbr.rel @p2 .LBB2_44-.Ltmp14, $3  }
0x7b: {  	[sflag:s18] =	ssyncset.done $0x0  }
0x7c: {  	[sflag:s18] =	ssyncadd.s32 $0xFFFFEB80  }
0x7d: {  	[bflag:$0x0] =	sbarrier.arrive $0xFFFF;
	_ =	sdelay $0x1  }
0x7e: {  	s26 =	simm.s32 $0x0  }
0x7f: {  	[tilespmem:s22], [sflag:$0x1] =	stream.indirect.gather [hbm4b:s6+s21], $0x80, s26, s21, $0xb8;
	[tilespmem:$0x1D480] =	vst v63  }
0x80: {  	p1 =	sne.s32 s24, $0x1;
	_ =	swait.ge [sflag:s18], $0x4000  }
.Ltmp15:
0x81: {  	[sflag:s18] =	ssyncset.done $0x0;
	(pc) =	sbr.rel @!p1 .LBB2_47-.Ltmp15, $4  }
0x82: {  	s28 =	simm.s32 $0xA000;
	[sflag:s18] =	ssyncadd.s32 $0xFFFFC000  }
0x83: {  	[spmem:s3] =	stream.indirect.scatter.add.f32 [tilespmem:s22], [sflag:$0x1], $0x80, s28, s21, $0xb8;
	[tilespmem:$0x1D480] =	vst v63  }
0x84: {  	_ =	swait.ge [sflag:s18], $0x4000  }
0x85: {  	s24 =	sadd.s32 $0xFFFFFFFF, s24;
	[sflag:s18] =	ssyncset.done $0x0  }
.LBB2_46:
0x86: {  	[sflag:s18] =	ssyncadd.s32 $0xFFFFC000;
	s26 =	sadd.s32 $0x80, s26;
	s28 =	sadd.s32 $0x80, s28  }
0x87: {  	[tilespmem:s22], [sflag:$0x1] =	stream.indirect.gather [hbm4b:s6+s21], $0x80, s26, s21, $0xb8;
	[tilespmem:$0x1D480] =	vst v63  }
0x88: {  	p1 =	sne.s32 s24, $0x1;
	s24 =	sadd.s32 $0xFFFFFFFF, s24;
	_ =	swait.ge [sflag:s18], $0x4000  }
.Ltmp16:
0x89: {  	[sflag:s18] =	ssyncset.done $0x0;
	(pc) =	sbr.rel @p1 .LBB2_46-.Ltmp16, $4  }
0x8a: {  	[sflag:s18] =	ssyncadd.s32 $0xFFFFC000  }
0x8b: {  	[spmem:s3] =	stream.indirect.scatter.add.f32 [tilespmem:s22], [sflag:$0x1], $0x80, s28, s21, $0xb8;
	[tilespmem:$0x1D480] =	vst v63  }
0x8c: {  	_ =	swait.ge [sflag:s18], $0x4000  }
0x8d: {  	[sflag:s18] =	ssyncset.done $0x0  }
.LBB2_47:
.Ltmp17:
0x8e: {  	(pc) =	sbr.rel .LBB2_48-.Ltmp17, $2  }
0x8f: {  	_ =	sdelay $0x2  }
0x90: {  	[sflag:s18] =	ssyncadd.s32 $0xFFFFC000;
	s24 =	smov.u32 s9  }
.LBB2_2:
.Ltmp18:
0x91: {  	(pc) =	sbr.rel @p1 .LBB2_9-.Ltmp18, $1  }
0x92: {  	_ =	sdelay $0x3  }
0x93: {  	p3 =	sne.s32 s26, $0x1  }
.Ltmp19:
0x94: {  	_ = 	snop;
	(pc) =	sbr.rel @!p3 .LBB2_4-.Ltmp19, $3  }
0x95: {  	_ =	sdelay $0x1  }
0x96: {  	s28 =	simm.s32 $0x5000  }
0x97: {  	s25 =	simm.s32 $0xA000;
	p2 =	por $0x0, $0x0;
	v0 =	vld [tilespmem:s28+$0x0];
	s28 =	sadd.s32 $0xFFFFFFFF, s26  }
0x98: {  	_ = 	snop  }
0x99: {  	p3 =	sne.s32 s28, $0x1  }
.Ltmp20:
0x9a: {  	_ = 	snop;
	(pc) =	sbr.rel @!p3 .LBB2_6-.Ltmp20, $4  }
0x9b: {  	_ = 	snop  }
0x9c: {  	v0 =	vmin.u32 v0, $0x1400  }
0x9d: {  	s29 =	simm.s32 $0x5010;
	[tilespmem:s25+$0x0] =	vst v0  }
0x9e: {  	s30 =	sadd.s32 $0xFFFFFFFF, s28;
	p2 =	por $0x1, $0x1;
	s28 =	simm.s32 $0xA000;
	v0 =	vld [tilespmem:s29+$0x0]  }
.LBB2_7:
0x9f: {  	p3 =	sne.s32 s30, $0x1;
	_ =	sdelay $0x1  }
.Ltmp21:
0xa0: {  	(pc) =	sbr.rel @p3 .LBB2_7-.Ltmp21, $4  }
0xa1: {  	_ = 	snop  }
0xa2: {  	s28 =	sadd.s32 $0x10, s28;
	v0 =	vmin.u32 v0, $0x1400  }
0xa3: {  	s29 =	sadd.s32 $0x10, s29;
	[tilespmem:s28+$0x0] =	vst v0  }
0xa4: {  	s30 =	sadd.s32 $0xFFFFFFFF, s30;
	v0 =	vld [tilespmem:s29+$0x0]  }
.LBB2_8:
0xa5: {  	_ =	sdelay $0x2  }
0xa6: {  	s28 =	sadd.s32 @p2 $0x10, s28  }
0xa7: {  	s25 =	smov.u32 @p2 s28;
	v0 =	vmin.u32 v0, $0x1400  }
0xa8: {  	[tilespmem:s25+$0x0] =	vst v0  }
.LBB2_9:
0xa9: {  	s25 =	sshll.u32 s1, $0x6  }
0xaa: {  	s28 =	sshrl.u32 s12, $0x3;
	p2 =	slt.s32 s24, $0x1;
	s25 =	sor.u32 $0x1C01, s25  }
0xab: {  	[spmem:s28], [sflag:s25] =	dma.local [hbm:s2], $0x1480  }
.Ltmp22:
0xac: {  	_ =	swait.ge [sflag:s18], $0x1480;
	(pc) =	sbr.rel @p2 .LBB2_13-.Ltmp22, $3  }
0xad: {  	[sflag:s18] =	ssyncset.done $0x0  }
0xae: {  	[sflag:s18] =	ssyncadd.s32 $0xFFFFEB80  }
0xaf: {  	[bflag:$0x0] =	sbarrier.arrive $0xFFFF;
	_ =	sdelay $0x1  }
0xb0: {  	s29 =	simm.s32 $0x0  }
0xb1: {  	[tilespmem:s22], [sflag:$0x1] =	stream.indirect.gather [hbm4b:s5+s21], $0x80, s29, s21, $0xb8;
	[tilespmem:$0x1D480] =	vst v63  }
0xb2: {  	p3 =	sne.s32 s24, $0x1;
	_ =	swait.ge [sflag:s18], $0x4000  }
.Ltmp23:
0xb3: {  	[sflag:s18] =	ssyncset.done $0x0;
	(pc) =	sbr.rel @!p3 .LBB2_12-.Ltmp23, $4  }
0xb4: {  	s30 =	simm.s32 $0xA000;
	[sflag:s18] =	ssyncadd.s32 $0xFFFFC000  }
0xb5: {  	[spmem:s3] =	stream.indirect.scatter.add.f32 [tilespmem:s22], [sflag:$0x1], $0x80, s30, s21, $0xb8;
	[tilespmem:$0x1D480] =	vst v63  }
0xb6: {  	_ =	swait.ge [sflag:s18], $0x4000  }
0xb7: {  	s31 =	sadd.s32 $0xFFFFFFFF, s24;
	[sflag:s18] =	ssyncset.done $0x0  }
.LBB2_11:
0xb8: {  	[sflag:s18] =	ssyncadd.s32 $0xFFFFC000;
	s29 =	sadd.s32 $0x80, s29;
	s30 =	sadd.s32 $0x80, s30  }
0xb9: {  	[tilespmem:s22], [sflag:$0x1] =	stream.indirect.gather [hbm4b:s5+s21], $0x80, s29, s21, $0xb8;
	[tilespmem:$0x1D480] =	vst v63  }
0xba: {  	p3 =	sne.s32 s31, $0x1;
	s31 =	sadd.s32 $0xFFFFFFFF, s31;
	_ =	swait.ge [sflag:s18], $0x4000  }
.Ltmp24:
0xbb: {  	[sflag:s18] =	ssyncset.done $0x0;
	(pc) =	sbr.rel @p3 .LBB2_11-.Ltmp24, $4  }
0xbc: {  	[sflag:s18] =	ssyncadd.s32 $0xFFFFC000  }
0xbd: {  	[spmem:s3] =	stream.indirect.scatter.add.f32 [tilespmem:s22], [sflag:$0x1], $0x80, s30, s21, $0xb8;
	[tilespmem:$0x1D480] =	vst v63  }
0xbe: {  	_ =	swait.ge [sflag:s18], $0x4000  }
0xbf: {  	[sflag:s18] =	ssyncset.done $0x0  }
.LBB2_12:
0xc0: {  	[sflag:s18] =	ssyncadd.s32 $0xFFFFC000  }
.LBB2_13:
0xc1: {  	[bflag:$0x0] =	sbarrier.arrive $0xFFFF;
	s29 =	sshrl.u32 s13, $0x3  }
0xc2: {  	[hbm:s14], [sflag:s25] =	dma.local [spmem:s29], $0x1400  }
.Ltmp25:
0xc3: {  	_ =	swait.ge [sflag:s18], $0x1400;
	(pc) =	sbr.rel @p1 .LBB2_20-.Ltmp25, $3  }
0xc4: {  	[sflag:s18] =	ssyncset.done $0x0  }
0xc5: {  	[sflag:s18] =	ssyncadd.s32 $0xFFFFEC00  }
0xc6: {  	[bflag:$0x0] =	sbarrier.arrive $0xFFFF;
	_ =	sdelay $0x1  }
0xc7: {  	p3 =	sne.s32 s26, $0x1  }
.Ltmp26:
0xc8: {  	_ = 	snop;
	(pc) =	sbr.rel @!p3 .LBB2_15-.Ltmp26, $3  }
0xc9: {  	_ =	sdelay $0x1  }
0xca: {  	s30 =	simm.s32 $0x5000  }
0xcb: {  	s29 =	simm.s32 $0xA000;
	s26 =	sadd.s32 $0xFFFFFFFF, s26;
	p1 =	por $0x0, $0x0;
	v0 =	vld [tilespmem:s30+$0x0]  }
0xcc: {  	_ =	sdelay $0x1  }
0xcd: {  	p3 =	sne.s32 s26, $0x1  }
.Ltmp27:
0xce: {  	_ = 	snop;
	(pc) =	sbr.rel @!p3 .LBB2_17-.Ltmp27, $4  }
0xcf: {  	v0 =	vadd.s32 $0xFFFFEC00, v0  }
0xd0: {  	v0 =	vmin.u32 v0, $0x1400  }
0xd1: {  	s30 =	simm.s32 $0x5010;
	[tilespmem:s29+$0x0] =	vst v0  }
0xd2: {  	s31 =	sadd.s32 $0xFFFFFFFF, s26;
	p1 =	por $0x1, $0x1;
	s26 =	simm.s32 $0xA000;
	v0 =	vld [tilespmem:s30+$0x0]  }
.LBB2_18:
0xd3: {  	p3 =	sne.s32 s31, $0x1;
	_ =	sdelay $0x2  }
.Ltmp28:
0xd4: {  	(pc) =	sbr.rel @p3 .LBB2_18-.Ltmp28, $4  }
0xd5: {  	v0 =	vadd.s32 $0xFFFFEC00, v0  }
0xd6: {  	s26 =	sadd.s32 $0x10, s26;
	v0 =	vmin.u32 v0, $0x1400  }
0xd7: {  	s30 =	sadd.s32 $0x10, s30;
	[tilespmem:s26+$0x0] =	vst v0  }
0xd8: {  	s31 =	sadd.s32 $0xFFFFFFFF, s31;
	v0 =	vld [tilespmem:s30+$0x0]  }
.LBB2_19:
0xd9: {  	_ =	sdelay $0x3  }
0xda: {  	s26 =	sadd.s32 @p1 $0x10, s26;
	v0 =	vadd.s32 $0xFFFFEC00, v0  }
0xdb: {  	s29 =	smov.u32 @p1 s26;
	v0 =	vmin.u32 v0, $0x1400  }
0xdc: {  	[tilespmem:s29+$0x0] =	vst v0  }
.LBB2_20:
0xdd: {  	[spmem:s28], [sflag:s25] =	dma.local [hbm:s2], $0x1480  }
.Ltmp29:
0xde: {  	_ =	swait.ge [sflag:s18], $0x1480;
	(pc) =	sbr.rel @p2 .LBB2_21-.Ltmp29, $3  }
0xdf: {  	[sflag:s18] =	ssyncset.done $0x0  }
0xe0: {  	[sflag:s18] =	ssyncadd.s32 $0xFFFFEB80  }
0xe1: {  	[bflag:$0x0] =	sbarrier.arrive $0xFFFF;
	_ =	sdelay $0x1  }
0xe2: {  	s26 =	simm.s32 $0x0  }
0xe3: {  	[tilespmem:s22], [sflag:$0x1] =	stream.indirect.gather [hbm4b:s5+s21], $0x80, s26, s21, $0xb8;
	[tilespmem:$0x1D480] =	vst v63  }
0xe4: {  	p1 =	seq.s32 s24, $0x1;
	_ =	swait.ge [sflag:s18], $0x4000  }
.Ltmp30:
0xe5: {  	[sflag:s18] =	ssyncset.done $0x0;
	(pc) =	sbr.rel @p1 .LBB2_24-.Ltmp30, $4  }
0xe6: {  	s28 =	simm.s32 $0xA000;
	[sflag:s18] =	ssyncadd.s32 $0xFFFFC000  }
0xe7: {  	[spmem:s3] =	stream.indirect.scatter.add.f32 [tilespmem:s22], [sflag:$0x1], $0x80, s28, s21, $0xb8;
	[tilespmem:$0x1D480] =	vst v63  }
0xe8: {  	_ =	swait.ge [sflag:s18], $0x4000  }
0xe9: {  	s24 =	sadd.s32 $0xFFFFFFFF, s24;
	[sflag:s18] =	ssyncset.done $0x0  }
.LBB2_23:
0xea: {  	[sflag:s18] =	ssyncadd.s32 $0xFFFFC000;
	s26 =	sadd.s32 $0x80, s26;
	s28 =	sadd.s32 $0x80, s28  }
0xeb: {  	[tilespmem:s22], [sflag:$0x1] =	stream.indirect.gather [hbm4b:s5+s21], $0x80, s26, s21, $0xb8;
	[tilespmem:$0x1D480] =	vst v63  }
0xec: {  	p1 =	seq.s32 s24, $0x1;
	s24 =	sadd.s32 $0xFFFFFFFF, s24;
	_ =	swait.ge [sflag:s18], $0x4000  }
.Ltmp31:
0xed: {  	[sflag:s18] =	ssyncset.done $0x0;
	(pc) =	sbr.rel @!p1 .LBB2_23-.Ltmp31, $4  }
0xee: {  	[sflag:s18] =	ssyncadd.s32 $0xFFFFC000  }
0xef: {  	[spmem:s3] =	stream.indirect.scatter.add.f32 [tilespmem:s22], [sflag:$0x1], $0x80, s28, s21, $0xb8;
	[tilespmem:$0x1D480] =	vst v63  }
0xf0: {  	_ =	swait.ge [sflag:s18], $0x4000  }
0xf1: {  	[sflag:s18] =	ssyncset.done $0x0  }
.LBB2_24:
.Ltmp32:
0xf2: {  	(pc) =	sbr.rel .LBB2_48-.Ltmp32, $2  }
0xf3: {  	_ =	sdelay $0x2  }
0xf4: {  	[sflag:s18] =	ssyncadd.s32 $0xFFFFC000;
	s24 =	smov.u32 s8  }
.LBB2_44:
.Ltmp33:
0xf5: {  	(pc) =	sbr.rel .LBB2_48-.Ltmp33, $2  }
0xf6: {  	_ =	sdelay $0x2  }
0xf7: {  	s24 =	smov.u32 s9  }
.LBB2_27:
.Ltmp34:
0xf8: {  	(pc) =	sbr.rel .LBB2_31-.Ltmp34, $2  }
0xf9: {  	_ =	sdelay $0x2  }
0xfa: {  	s28 =	simm.s32 $0xA000  }
.LBB2_38:
.Ltmp35:
0xfb: {  	(pc) =	sbr.rel .LBB2_42-.Ltmp35, $2  }
0xfc: {  	_ =	sdelay $0x2  }
0xfd: {  	s26 =	simm.s32 $0xA000  }
.LBB2_4:
.Ltmp36:
0xfe: {  	(pc) =	sbr.rel .LBB2_8-.Ltmp36, $2  }
0xff: {  	_ =	sdelay $0x2  }
0x100: {  	s28 =	simm.s32 $0xA000  }
.LBB2_15:
.Ltmp37:
0x101: {  	(pc) =	sbr.rel .LBB2_19-.Ltmp37, $2  }
0x102: {  	_ =	sdelay $0x2  }
0x103: {  	s26 =	simm.s32 $0xA000  }
.LBB2_29:
.Ltmp38:
0x104: {  	(pc) =	sbr.rel .LBB2_31-.Ltmp38, $2  }
0x105: {  	_ =	sdelay $0x2  }
0x106: {  	s28 =	simm.s32 $0xA000  }
.LBB2_40:
.Ltmp39:
0x107: {  	(pc) =	sbr.rel .LBB2_42-.Ltmp39, $2  }
0x108: {  	_ =	sdelay $0x2  }
0x109: {  	s26 =	simm.s32 $0xA000  }
.LBB2_6:
.Ltmp40:
0x10a: {  	(pc) =	sbr.rel .LBB2_8-.Ltmp40, $2  }
0x10b: {  	_ =	sdelay $0x2  }
0x10c: {  	s28 =	simm.s32 $0xA000  }
.LBB2_17:
.Ltmp41:
0x10d: {  	(pc) =	sbr.rel .LBB2_19-.Ltmp41, $2  }
0x10e: {  	_ =	sdelay $0x2  }
0x10f: {  	s26 =	simm.s32 $0xA000  }
.LBB2_49:
0x110: {  	_ =	sfence.sel $0x180000  }
0x111: {  	[bflag:$0x0] =	sbarrier.arrive $0xFFFF  }
0x112: {  	p0 =	sne.s32 s1, $0x0;
	_ =	strace $0x9000004D  }
0x113: {  	s0 =	sadd.s32 @!p0 $0x100000, s0;
	[bflag:$0x2] =	sbarrier.arrive $0xFFFF  }
0x114: {  	[sflag:s0] =	ssyncadd.tile.s32 @!p0 $0x1;
	_ =	shalt  }
.Lfunc_end2:
_tile_overlayer_lowered:
.L_overlay_start_2:
0x115: {  	(tag) =	ssettag $0x2  }
0x116: {  	s0 =	rddreg [dreg:$0x0];
	s2 =	stileid.u32  }
0x117: {  	s1 =	rddreg [dreg:$0x1];
	p0 =	sne.s32 s2, $0x0  }
0x118: {  	s3 =	rddreg [dreg:$0x2];
	[bflag:$0x3] =	sbarrier.arrive $0xFFFF;
	s2 =	simm.s32 @!p0 $0x1C01  }
0x119: {  	[timem:s3], [sflag:s2] =	dma.local @!p0 [hbm:s0], s1  }
0x11a: {  	s0 =	simm.s32 @!p0 $0x1  }
0x11b: {  	_ =	swait.ge @!p0 [sflag:s0], s1  }
0x11c: {  	s1 =	ssub.s32 @!p0 $0x0, s1;
	[sflag:s0] =	ssyncset.done @!p0 $0x0  }
0x11d: {  	[sflag:s0] =	ssyncadd.s32 @!p0 s1  }
0x11e: {  	[bflag:$0x3] =	sbarrier.arrive $0xFFFF  }
0x11f: {  	_ =	shalt  }

// kernel: kernel.19.cloned.1.call-start
scs
__scs_entry_jumppad:
0x0: {  	(pc) =	sbr.rel $0x88, $3  }
0x1: {  	(tag) =	ssettag $0x0;
	lr =	simm.s32 $0x1  }
0x2: {  	[smem:$0x3F94] =	sst lr;
	_ =	strace $0xD0000000  }
0x3: {  	_ = 	snop  }
0x4: {  	_ = 	snop  }
0x5: {  	_ = 	snop  }
0x6: {  	_ = 	snop  }
0x7: {  	_ = 	snop  }
__scs_overlays_trampoline_lowered:
0x8: {  	[smem:$0x3FA3] =	sst s0  }
0x9: {  	[smem:$0x3FA4] =	sst s1  }
0xa: {  	[smem:$0x3FA5] =	sst s2  }
0xb: {  	[smem:$0x3FA6] =	sst s3  }
0xc: {  	[smem:$0x3FA7] =	sst s4  }
0xd: {  	[smem:$0x3FA8] =	sst s5  }
0xe: {  	[smem:$0x3FA9] =	sst s6  }
0xf: {  	[smem:$0x3FAA] =	sst s7  }
0x10: {  	[smem:$0x3FAB] =	sst s8  }
0x11: {  	[smem:$0x3FAC] =	sst s9;
	s0 =	simm.s32 @!p0 $0x0  }
0x12: {  	s1 =	sld [smem:$0x3F92];
	s0 =	simm.s32 @p0 $0x1  }
0x13: {  	[smem:$0x3FAD] =	sst s0;
	s0 =	simm.s32 @!p1 $0x0  }
0x14: {  	s2 =	sld [smem:$0x3F91];
	s0 =	simm.s32 @p1 $0x1  }
0x15: {  	[smem:$0x3FAE] =	sst s0;
	s0 =	simm.s32 @!p2 $0x0  }
0x16: {  	s3 =	sld [smem:$0x3FDB];
	s0 =	simm.s32 @p2 $0x1  }
0x17: {  	s4 =	simm.s32 $0x1BF5;
	[smem:$0x3FB0] =	sst s0  }
0x18: {  	s0 =	sld [smem:$0x3F93];
	_ =	swait.ge [sflag:s4], $0x0  }
0x19: {  	s7 =	sld [smem:$0x3F94]  }
0x1a: {  	s8 =	sadd.s32 $0xFFFFE003, lr  }
0x1b: {  	s9 =	sadd.s32 $0xFFFFFEF7, lr;
	s5 =	simm.s32 $0xFFFFFFFF;
	p2 =	slt.u32 s8, $0xFFFFF086  }
0x1c: {  	p1 =	slt.u32 s9, $0xF7A;
	s5 =	simm.s32 @!p2 $0x0  }
0x1d: {  	s5 =	simm.s32 @p1 $0x1;
	p0 =	seq.s32 s7, s2  }
0x1e: {  	s7 =	smul.u32 @!p0 $0xF7A, s2;
	p2 =	seq.s32 @!p0 s5, $0x0  }
0x1f: {  	s9 =	smul.u32 $0xF7A, s1;
	s8 =	simm.s32 @!p0 $0x1BF5;
	p2 =	por !p2, p0  }
0x20: {  	[sflag:s8] =	ssyncset.s32 @!p0 $0xFFFFF086;
	s6 =	sadd.s32 @!p0 s3, s7;
	s7 =	simm.s32 @!p0 $0x108  }
0x21: {  	s3 =	sadd.s32 s3, s9;
	s6 =	sadd.s32 @!p0 $0x88, s6;
	s7 =	simm.s32 @p2 $0x1082  }
0x22: {  	[simem:s7], [sflag:s8] =	dma.local @!p0 [hbm:s6], $0xF7A  }
0x23: {  	s9 =	sor.u32 $0xD0000000, s2;
	s6 =	simm.s32 $0x108;
	_ =	swait.ge @!p0 [sflag:s8], $0x0  }
0x24: {  	s3 =	sadd.s32 $0x88, s3;
	s6 =	simm.s32 @!p1 $0x1082;
	[sflag:s4] =	ssyncset.s32 $0xFFFFF086  }
0x25: {  	[simem:s6], [sflag:s4] =	dma.local [hbm:s3], $0xF7A  }
0x26: {  	[smem:$0x3F94] =	sst s1;
	(tag) =	ssettag s2;
	_ =	strace s9  }
0x27: {  	s1 =	sld [smem:$0x3FA4]  }
0x28: {  	s2 =	sld [smem:$0x3FA5]  }
0x29: {  	s4 =	sld [smem:$0x3FA7]  }
0x2a: {  	p0 =	seq.s32 s5, $0x0;
	s5 =	sld [smem:$0x3FA8]  }
0x2b: {  	s6 =	sld [smem:$0x3FA9]  }
0x2c: {  	s7 =	sld [smem:$0x3FAA]  }
0x2d: {  	s3 =	simm.s32 $0x108;
	s8 =	sld [smem:$0x3FAB]  }
0x2e: {  	s3 =	simm.s32 @!p0 $0x1082;
	s9 =	sld [smem:$0x3FAC]  }
0x2f: {  	lr =	sadd.s32 s0, s3;
	s0 =	sld [smem:$0x3FA3]  }
0x30: {  	s3 =	sld [smem:$0x3FA6]  }
0x31: {  	[smem:$0x3FAF] =	sst s10  }
0x32: {  	s10 =	sld [smem:$0x3FAD];
	_ =	sdelay $0x3  }
0x33: {  	p0 =	seq.s32 s10, $0x1;
	s10 =	sld [smem:$0x3FAF];
	_ =	sdelay $0x3  }
0x34: {  	[smem:$0x3FAF] =	sst s10  }
0x35: {  	s10 =	sld [smem:$0x3FAE];
	_ =	sdelay $0x3  }
0x36: {  	p1 =	seq.s32 s10, $0x1;
	s10 =	sld [smem:$0x3FAF];
	_ =	sdelay $0x3  }
0x37: {  	[smem:$0x3FAF] =	sst s10  }
0x38: {  	s10 =	sld [smem:$0x3FB0]  }
0x39: {  	_ = 	snop;
	(pc) =	sbr.ind lr, $3  }
0x3a: {  	_ = 	snop  }
0x3b: {  	_ = 	snop  }
0x3c: {  	p2 =	seq.s32 s10, $0x1;
	s10 =	sld [smem:$0x3FAF]  }
0x3d: {  	_ =	shalt  }
0x3e: {  	_ =	shalt  }
0x3f: {  	_ =	shalt  }
0x40: {  	_ =	shalt  }
0x41: {  	_ =	shalt  }
0x42: {  	_ =	shalt  }
0x43: {  	_ =	shalt  }
0x44: {  	_ =	shalt  }
0x45: {  	_ =	shalt  }
0x46: {  	_ =	shalt  }
0x47: {  	_ =	shalt  }
0x48: {  	_ =	shalt  }
0x49: {  	_ =	shalt  }
0x4a: {  	_ =	shalt  }
0x4b: {  	_ =	shalt  }
0x4c: {  	_ =	shalt  }
0x4d: {  	_ =	shalt  }
0x4e: {  	_ =	shalt  }
0x4f: {  	_ =	shalt  }
0x50: {  	_ =	shalt  }
0x51: {  	_ =	shalt  }
0x52: {  	_ =	shalt  }
0x53: {  	_ =	shalt  }
0x54: {  	_ =	shalt  }
0x55: {  	_ =	shalt  }
0x56: {  	_ =	shalt  }
0x57: {  	_ =	shalt  }
0x58: {  	_ =	shalt  }
0x59: {  	_ =	shalt  }
0x5a: {  	_ =	shalt  }
0x5b: {  	_ =	shalt  }
0x5c: {  	_ =	shalt  }
0x5d: {  	_ =	shalt  }
0x5e: {  	_ =	shalt  }
0x5f: {  	_ =	shalt  }
0x60: {  	_ =	shalt  }
0x61: {  	_ =	shalt  }
0x62: {  	_ =	shalt  }
0x63: {  	_ =	shalt  }
0x64: {  	_ =	shalt  }
0x65: {  	_ =	shalt  }
0x66: {  	_ =	shalt  }
0x67: {  	_ =	shalt  }
0x68: {  	_ =	shalt  }
0x69: {  	_ =	shalt  }
0x6a: {  	_ =	shalt  }
0x6b: {  	_ =	shalt  }
0x6c: {  	_ =	shalt  }
0x6d: {  	_ =	shalt  }
0x6e: {  	_ =	shalt  }
0x6f: {  	_ =	shalt  }
0x70: {  	_ =	shalt  }
0x71: {  	_ =	shalt  }
0x72: {  	_ =	shalt  }
0x73: {  	_ =	shalt  }
0x74: {  	_ =	shalt  }
0x75: {  	_ =	shalt  }
0x76: {  	_ =	shalt  }
0x77: {  	_ =	shalt  }
0x78: {  	_ =	shalt  }
0x79: {  	_ =	shalt  }
0x7a: {  	_ =	shalt  }
0x7b: {  	_ =	shalt  }
0x7c: {  	_ =	shalt  }
0x7d: {  	_ =	shalt  }
0x7e: {  	_ =	shalt  }
0x7f: {  	_ =	shalt  }
0x80: {  	_ =	shalt  }
0x81: {  	_ =	shalt  }
0x82: {  	_ =	shalt  }
0x83: {  	_ =	shalt  }
0x84: {  	_ =	shalt  }
0x85: {  	_ =	shalt  }
0x86: {  	_ =	shalt  }
0x87: {  	_ =	shalt  }
.Lfunc_end0:
.L_simem_size_0:
called_computation.3_lowered:
.L_overlay_start_0:
0x88: {  	s2 =	sld [smem:$0x3FD9]  }
0x89: {  	s3 =	sld [smem:$0x3FFE];
	_ =	sdelay $0x1  }
0x8a: {  	s1 =	srdreg.scid  }
0x8b: {  	s0 =	sand.u32 $0x1, s1  }
0x8c: {  	s17 =	sshll.u32 s0, $0xA;
	s2 =	sadd.s32 s3, s2  }
0x8d: {  	s2 =	sadd.s32 s2, s17  }
0x8e: {  	[smem:$0x3FBB] =	sst s2  }
0x8f: {  	_ = 	snop  }
0x90: {  	s2 =	sld [smem:$0x3FD0];
	(tm) =	ssettm $0x1  }
0x91: {  	s18 =	sld [smem:$0x3FFB];
	_ =	sdelay $0x3  }
0x92: {  	_ =	strace s18  }
0x93: {  	s3 =	sld [smem:$0x3FFC];
	_ =	sdelay $0x3  }
0x94: {  	_ =	strace s3  }
0x95: {  	s3 =	sld [smem:$0x3FFD];
	_ =	sdelay $0x3  }
0x96: {  	_ =	strace s3  }
0x97: {  	_ =	strace $0x8FFFFFFF  }
0x98: {  	s19 =	sld [smem:$0x3FDB];
	_ =	sdelay $0x1  }
0x99: {  	s4 =	simm.s32 $_scs_section_size  }
0x9a: {  	s5 =	simm.s32 $_size__tile_overlayer_lowered;
	s6 =	simm.s32 $_tile_overlayer_lowered  }
0x9b: {  	s22 =	simm.s32 $0x1BFF;
	s21 =	sshll.u32 s6, $0x1;
	s3 =	sadd.s32 s4, s19  }
0x9c: {  	s7 =	simm.s32 $0x0;
	s20 =	sshll.u32 s5, $0x1;
	s5 =	sadd.s32 s21, s3  }
0x9d: {  	[timem:s7], [sflag:s22] =	dma.local [hbm:s5], s20  }
0x9e: {  	_ =	swait.ge [sflag:s22], s20  }
0x9f: {  	s4 =	ssub.s32 $0x0, s20;
	[sflag:s22] =	ssyncset.done $0x0  }
0xa0: {  	[sflag:s22] =	ssyncadd.s32 s4;
	_ =	sdelay $0x1  }
0xa1: {  	s23 =	simm.s32 $0x1B8B  }
0xa2: {  	_ =	swait.ge [sflag:s23], $0x1  }
0xa3: {  	[sflag:s23] =	ssyncset.done $0x0  }
0xa4: {  	s25 =	simm.s32 $0x1B8E;
	s24 =	sld [smem:$0x3FFE];
	[sflag:s23] =	ssyncadd.s32 $0xFFFFFFFF  }
0xa5: {  	s26 =	simm.s32 $execute0_lowered;
	[smem:$0x3FD2] =	sst s25  }
0xa6: {  	s5 =	sshll.u32 s26, $0x1;
	_ =	strace $0x8000004F;
	[dreg:$0x1] =	wrdreg $0xFFFFFFFF  }
0xa7: {  	s28 =	simm.s32 $_size_execute0_lowered;
	s3 =	sadd.s32 s3, s5;
	[dreg:$0x0] =	wrdreg $0x0  }
0xa8: {  	s5 =	sshll.u32 s28, $0x1;
	[dreg:$0x2] =	wrdreg s3  }
0xa9: {  	[dreg:$0x3] =	wrdreg s5  }
0xaa: {  	[dreg:$0x4] =	wrdreg $0xC0  }
0xab: {  	_ =	task [dreg:s7], $0x5FFFF  }
0xac: {  	[dreg:$0x1] =	wrdreg $0xFFFFFFFF  }
0xad: {  	[dreg:$0x0] =	wrdreg $0x60  }
0xae: {  	[dreg:$0x2] =	wrdreg s24  }
0xaf: {  	[dreg:$0x3] =	wrdreg s2  }
0xb0: {  	[dreg:$0x4] =	wrdreg $0x130800  }
0xb1: {  	[dreg:$0x5] =	wrdreg $0x9  }
0xb2: {  	_ =	task.clear_ibuf [dreg:s7], $0x6FFFF;
	_ =	strace $0x9000004F  }
0xb3: {  	s29 =	simm.s32 $0x9;
	_ =	strace $0x80000051  }
0xb4: {  	_ =	swait.ge [sflag:s29], $0x1  }
0xb5: {  	[sflag:s29] =	ssyncadd.s32 $0xFFFFFFFF  }
0xb6: {  	_ =	strace $0x90000051  }
0xb7: {  	_ =	sfence  }
0xb8: {  	s30 =	sld [smem:$0x0];
	_ =	sdelay $0x2  }
0xb9: {  	s31 =	sshll.u32 s1, $0xD;
	s1 =	sshrl.u32 s1, $0x2  }
0xba: {  	s3 =	sand.u32 $0x4000, s31;
	s1 =	sadd.s32 s1, s30  }
0xbb: {  	s0 =	sor.u32 s3, s0;
	s1 =	sshll.u32 s1, $0x11  }
0xbc: {  	s0 =	sor.u32 s1, s0  }
0xbd: {  	s0 =	sadd.s32 $0x8F2B, s0  }
0xbe: {  	[sflag:s0] =	ssyncadd.remote.s32 $0x1  }
0xbf: {  	_ =	sfence.sel $0xFFFF  }
0xc0: {  	[dreg:$0x0] =	wrdreg $0xFFFFFFFF;
	(pc) =	sbr.abs _section_cstart, $3  }
0xc1: {  	[dreg:$0x1] =	wrdreg $0xFFFFFFFF  }
0xc2: {  	_ =	task.clear_ibuf [dreg:s7], $0x2FFFF;
	_ =	strace $0x9FFFFFFF  }
0xc3: {  	(tm) =	ssettm $0x7FFFFFFF  }
tec
execute0_lowered:
.L_overlay_start_1:
0x0: {  	(tag) =	ssettag $0x1  }
0x1: {  	s9 =	rddreg [dreg:$0x0]  }
0x2: {  	s0 =	srdreg.scid;
	s2 =	rddreg [dreg:$0x1]  }
0x3: {  	s3 =	rddreg [dreg:$0x2];
	s1 =	stileid.u32;
	s4 =	simm.s32 $0x0  }
0x4: {  	s19 =	simm.s32 $0x5000;
	s20 =	simm.s32 $0x13000;
	s21 =	simm.s32 $0x80  }
0x5: {  	s22 =	simm.s32 $0xF000;
	s23 =	simm.s32 $0x0;
	s13 =	smul.u32 $0x29000, s1  }
0x6: {  	s12 =	sand.u32 $0x1, s0;
	s0 =	rddreg [dreg:$0x3];
	s15 =	smul.u32 $0x28000, s1  }
0x7: {  	[smem:$0x7FF] =	sst s4;
	s6 =	sadd.s32 $0x2D000, s9;
	s16 =	smul.u32 $0x1400, s1  }
0x8: {  	s8 =	sadd.s32 $0x55200, s9;
	s18 =	smul.u32 $0xA000, s1;
	s5 =	sshll.u32 s12, $0x4  }
0x9: {  	_ =	strace $0x80000050;
	s10 =	ssub.s32 $0x2, s12;
	p0 =	seq.s32 s12, $0x1  }
0xa: {  	s5 =	sor.u32 s1, s5;
	s14 =	sshrl.u32 s10, $0x1;
	s13 =	sshrl.u32 s13, $0x2  }
0xb: {  	s30 =	sshrl.u32 s15, $0x2;
	s31 =	sshrl.u32 s18, $0x3;
	s7 =	smul.u32 $0xA00, s5  }
.Ltmp0:
0xc: {  	s18 =	simm.s32 $0x1;
	s5 =	sadd.s32 $0x5000, s9;
	(pc) =	sbr.rel .LBB2_1-.Ltmp0, $4  }
0xd: {  	s17 =	ssub.s32 s10, s14;
	s12 =	sadd.s32 s13, s3;
	s13 =	sadd.s32 s30, s3  }
0xe: {  	s14 =	sadd.s32 s8, s16;
	s15 =	sadd.s32 $0x14000, s31;
	s17 =	smax.u32 s17, $0x1  }
0xf: {  	s11 =	sadd.s32 s7, s9;
	s7 =	sadd.s32 $0x55000, s9;
	s9 =	sadd.s32 $0x7D200, s9  }
0x10: {  	s10 =	sadd.s32 $0xCDA00, s11;
	s11 =	sadd.s32 $0xB9A00, s11;
	s16 =	sadd.s32 s9, s16  }
.LBB2_21:
0x11: {  	s24 =	smov.u32 s8  }
.LBB2_48:
0x12: {  	s24 =	sadd.s32 s24, s15  }
0x13: {  	[bflag:$0x0] =	sbarrier.arrive $0xFFFF;
	s26 =	sshrl.u32 s13, $0x3;
	s23 =	sadd.s32 $0x1, s23  }
0x14: {  	[hbm:s24], [sflag:s25] =	dma.local [spmem:s26], $0x1400  }
0x15: {  	p1 =	sne.s32 s23, s17  }
.Ltmp1:
0x16: {  	_ =	swait.ge [sflag:s18], $0x1400;
	(pc) =	sbr.rel @!p1 .LBB2_49-.Ltmp1, $3  }
0x17: {  	[sflag:s18] =	ssyncset.done $0x0  }
0x18: {  	[sflag:s18] =	ssyncadd.s32 $0xFFFFEC00  }
0x19: {  	[bflag:$0x0] =	sbarrier.arrive $0xFFFF;
	_ =	sdelay $0x1  }
.LBB2_1:
0x1a: {  	[tilespmem:s4], [sflag:$0x1] =	stream.linear.gather [hbm4b:s10+s4], $0x4F00, $0x38;
	[tilespmem:$0x1D480] =	vst v63  }
0x1b: {  	_ =	swait.ge [sflag:s18], $0x4F00  }
0x1c: {  	[sflag:s18] =	ssyncset.done $0x0  }
0x1d: {  	[sflag:s18] =	ssyncadd.s32 $0xFFFFB100  }
0x1e: {  	[tilespmem:s19], [sflag:$0x1] =	stream.linear.gather [hbm4b:s11+s4], $0x4F00, $0x38;
	[tilespmem:$0x1D480] =	vst v63  }
0x1f: {  	_ =	swait.ge [sflag:s18], $0x4F00  }
0x20: {  	[sflag:s18] =	ssyncset.done $0x0  }
0x21: {  	[sflag:s18] =	ssyncadd.s32 $0xFFFFB100  }
0x22: {  	[tilespmem:s20], [sflag:$0x1] =	stream.linear.gather [hbm4b:s7+s4], $0x80, $0x38;
	[tilespmem:$0x1D480] =	vst v63  }
0x23: {  	_ =	swait.ge [sflag:s18], $0x80  }
0x24: {  	[sflag:s18] =	ssyncset.done $0x0  }
0x25: {  	[sflag:s18] =	ssyncadd.s32 $0xFFFFFF80  }
0x26: {  	v0 =	vld [tilespmem:$0x13000];
	_ =	sdelay $0x4  }
0x27: {  	(v2sf) =	vpush v0, $0x0;
	_ =	sdelay $0xc  }
.Ltmp2:
0x28: {  	_ = 	snop;
	(pc) =	sbr.rel @!p0 .LBB2_2-.Ltmp2, $4  }
0x29: {  	_ = 	snop  }
0x2a: {  	s24 =	spop (v2sf)  }
0x2b: {  	s26 =	sshll.u32 s24, $0x3  }
0x2c: {  	p1 =	slt.s32 s26, $0x1  }
.Ltmp3:
0x2d: {  	(pc) =	sbr.rel @p1 .LBB2_32-.Ltmp3, $1  }
0x2e: {  	_ =	sdelay $0x3  }
0x2f: {  	p3 =	sne.s32 s26, $0x1  }
.Ltmp4:
0x30: {  	_ = 	snop;
	(pc) =	sbr.rel @!p3 .LBB2_27-.Ltmp4, $3  }
0x31: {  	_ =	sdelay $0x1  }
0x32: {  	s28 =	simm.s32 $0x5000  }
0x33: {  	s25 =	simm.s32 $0xA000;
	p2 =	por $0x0, $0x0;
	v0 =	vld [tilespmem:s28+$0x0];
	s28 =	sadd.s32 $0xFFFFFFFF, s26  }
0x34: {  	_ = 	snop  }
0x35: {  	p3 =	sne.s32 s28, $0x1  }
.Ltmp5:
0x36: {  	_ = 	snop;
	(pc) =	sbr.rel @!p3 .LBB2_29-.Ltmp5, $4  }
0x37: {  	_ = 	snop  }
0x38: {  	v0 =	vmin.u32 v0, $0x1400  }
0x39: {  	s29 =	simm.s32 $0x5010;
	[tilespmem:s25+$0x0] =	vst v0  }
0x3a: {  	s30 =	sadd.s32 $0xFFFFFFFF, s28;
	p2 =	por $0x1, $0x1;
	s28 =	simm.s32 $0xA000;
	v0 =	vld [tilespmem:s29+$0x0]  }
.LBB2_30:
0x3b: {  	p3 =	sne.s32 s30, $0x1;
	_ =	sdelay $0x1  }
.Ltmp6:
0x3c: {  	(pc) =	sbr.rel @p3 .LBB2_30-.Ltmp6, $4  }
0x3d: {  	_ = 	snop  }
0x3e: {  	s28 =	sadd.s32 $0x10, s28;
	v0 =	vmin.u32 v0, $0x1400  }
0x3f: {  	s29 =	sadd.s32 $0x10, s29;
	[tilespmem:s28+$0x0] =	vst v0  }
0x40: {  	s30 =	sadd.s32 $0xFFFFFFFF, s30;
	v0 =	vld [tilespmem:s29+$0x0]  }
.LBB2_31:
0x41: {  	_ =	sdelay $0x2  }
0x42: {  	s28 =	sadd.s32 @p2 $0x10, s28  }
0x43: {  	s25 =	smov.u32 @p2 s28;
	v0 =	vmin.u32 v0, $0x1400  }
0x44: {  	[tilespmem:s25+$0x0] =	vst v0  }
.LBB2_32:
0x45: {  	s25 =	sshll.u32 s1, $0x6  }
0x46: {  	s28 =	sshrl.u32 s12, $0x3;
	p2 =	slt.s32 s24, $0x1;
	s25 =	sor.u32 $0x1C01, s25  }
0x47: {  	[spmem:s28], [sflag:s25] =	dma.local [hbm:s2], $0x1480  }
.Ltmp7:
0x48: {  	_ =	swait.ge [sflag:s18], $0x1480;
	(pc) =	sbr.rel @p2 .LBB2_36-.Ltmp7, $3  }
0x49: {  	[sflag:s18] =	ssyncset.done $0x0  }
0x4a: {  	[sflag:s18] =	ssyncadd.s32 $0xFFFFEB80  }
0x4b: {  	[bflag:$0x0] =	sbarrier.arrive $0xFFFF;
	_ =	sdelay $0x1  }
0x4c: {  	s29 =	simm.s32 $0x0  }
0x4d: {  	[tilespmem:s22], [sflag:$0x1] =	stream.indirect.gather [hbm4b:s6+s21], $0x80, s29, s21, $0xb8;
	[tilespmem:$0x1D480] =	vst v63  }
0x4e: {  	p3 =	sne.s32 s24, $0x1;
	_ =	swait.ge [sflag:s18], $0x4000  }
.Ltmp8:
0x4f: {  	[sflag:s18] =	ssyncset.done $0x0;
	(pc) =	sbr.rel @!p3 .LBB2_35-.Ltmp8, $4  }
0x50: {  	s30 =	simm.s32 $0xA000;
	[sflag:s18] =	ssyncadd.s32 $0xFFFFC000  }
0x51: {  	[spmem:s3] =	stream.indirect.scatter.add.f32 [tilespmem:s22], [sflag:$0x1], $0x80, s30, s21, $0xb8;
	[tilespmem:$0x1D480] =	vst v63  }
0x52: {  	_ =	swait.ge [sflag:s18], $0x4000  }
0x53: {  	s31 =	sadd.s32 $0xFFFFFFFF, s24;
	[sflag:s18] =	ssyncset.done $0x0  }
.LBB2_34:
0x54: {  	[sflag:s18] =	ssyncadd.s32 $0xFFFFC000;
	s29 =	sadd.s32 $0x80, s29;
	s30 =	sadd.s32 $0x80, s30  }
0x55: {  	[tilespmem:s22], [sflag:$0x1] =	stream.indirect.gather [hbm4b:s6+s21], $0x80, s29, s21, $0xb8;
	[tilespmem:$0x1D480] =	vst v63  }
0x56: {  	p3 =	sne.s32 s31, $0x1;
	s31 =	sadd.s32 $0xFFFFFFFF, s31;
	_ =	swait.ge [sflag:s18], $0x4000  }
.Ltmp9:
0x57: {  	[sflag:s18] =	ssyncset.done $0x0;
	(pc) =	sbr.rel @p3 .LBB2_34-.Ltmp9, $4  }
0x58: {  	[sflag:s18] =	ssyncadd.s32 $0xFFFFC000  }
0x59: {  	[spmem:s3] =	stream.indirect.scatter.add.f32 [tilespmem:s22], [sflag:$0x1], $0x80, s30, s21, $0xb8;
	[tilespmem:$0x1D480] =	vst v63  }
0x5a: {  	_ =	swait.ge [sflag:s18], $0x4000  }
0x5b: {  	[sflag:s18] =	ssyncset.done $0x0  }
.LBB2_35:
0x5c: {  	[sflag:s18] =	ssyncadd.s32 $0xFFFFC000  }
.LBB2_36:
0x5d: {  	[bflag:$0x0] =	sbarrier.arrive $0xFFFF;
	s29 =	sshrl.u32 s13, $0x3  }
0x5e: {  	[hbm:s16], [sflag:s25] =	dma.local [spmem:s29], $0x1400  }
.Ltmp10:
0x5f: {  	_ =	swait.ge [sflag:s18], $0x1400;
	(pc) =	sbr.rel @p1 .LBB2_43-.Ltmp10, $3  }
0x60: {  	[sflag:s18] =	ssyncset.done $0x0  }
0x61: {  	[sflag:s18] =	ssyncadd.s32 $0xFFFFEC00  }
0x62: {  	[bflag:$0x0] =	sbarrier.arrive $0xFFFF;
	_ =	sdelay $0x1  }
0x63: {  	p3 =	sne.s32 s26, $0x1  }
.Ltmp11:
0x64: {  	_ = 	snop;
	(pc) =	sbr.rel @!p3 .LBB2_38-.Ltmp11, $3  }
0x65: {  	_ =	sdelay $0x1  }
0x66: {  	s30 =	simm.s32 $0x5000  }
0x67: {  	s29 =	simm.s32 $0xA000;
	s26 =	sadd.s32 $0xFFFFFFFF, s26;
	p1 =	por $0x0, $0x0;
	v0 =	vld [tilespmem:s30+$0x0]  }
0x68: {  	_ =	sdelay $0x1  }
0x69: {  	p3 =	sne.s32 s26, $0x1  }
.Ltmp12:
0x6a: {  	_ = 	snop;
	(pc) =	sbr.rel @!p3 .LBB2_40-.Ltmp12, $4  }
0x6b: {  	v0 =	vadd.s32 $0xFFFFEC00, v0  }
0x6c: {  	v0 =	vmin.u32 v0, $0x1400  }
0x6d: {  	s30 =	simm.s32 $0x5010;
	[tilespmem:s29+$0x0] =	vst v0  }
0x6e: {  	s31 =	sadd.s32 $0xFFFFFFFF, s26;
	p1 =	por $0x1, $0x1;
	s26 =	simm.s32 $0xA000;
	v0 =	vld [tilespmem:s30+$0x0]  }
.LBB2_41:
0x6f: {  	p3 =	sne.s32 s31, $0x1;
	_ =	sdelay $0x2  }
.Ltmp13:
0x70: {  	(pc) =	sbr.rel @p3 .LBB2_41-.Ltmp13, $4  }
0x71: {  	v0 =	vadd.s32 $0xFFFFEC00, v0  }
0x72: {  	s26 =	sadd.s32 $0x10, s26;
	v0 =	vmin.u32 v0, $0x1400  }
0x73: {  	s30 =	sadd.s32 $0x10, s30;
	[tilespmem:s26+$0x0] =	vst v0  }
0x74: {  	s31 =	sadd.s32 $0xFFFFFFFF, s31;
	v0 =	vld [tilespmem:s30+$0x0]  }
.LBB2_42:
0x75: {  	_ =	sdelay $0x3  }
0x76: {  	s26 =	sadd.s32 @p1 $0x10, s26;
	v0 =	vadd.s32 $0xFFFFEC00, v0  }
0x77: {  	s29 =	smov.u32 @p1 s26;
	v0 =	vmin.u32 v0, $0x1400  }
0x78: {  	[tilespmem:s29+$0x0] =	vst v0  }
.LBB2_43:
0x79: {  	[spmem:s28], [sflag:s25] =	dma.local [hbm:s2], $0x1480  }
.Ltmp14:
0x7a: {  	_ =	swait.ge [sflag:s18], $0x1480;
	(pc) =	sbr.rel @p2 .LBB2_44-.Ltmp14, $3  }
0x7b: {  	[sflag:s18] =	ssyncset.done $0x0  }
0x7c: {  	[sflag:s18] =	ssyncadd.s32 $0xFFFFEB80  }
0x7d: {  	[bflag:$0x0] =	sbarrier.arrive $0xFFFF;
	_ =	sdelay $0x1  }
0x7e: {  	s26 =	simm.s32 $0x0  }
0x7f: {  	[tilespmem:s22], [sflag:$0x1] =	stream.indirect.gather [hbm4b:s6+s21], $0x80, s26, s21, $0xb8;
	[tilespmem:$0x1D480] =	vst v63  }
0x80: {  	p1 =	sne.s32 s24, $0x1;
	_ =	swait.ge [sflag:s18], $0x4000  }
.Ltmp15:
0x81: {  	[sflag:s18] =	ssyncset.done $0x0;
	(pc) =	sbr.rel @!p1 .LBB2_47-.Ltmp15, $4  }
0x82: {  	s28 =	simm.s32 $0xA000;
	[sflag:s18] =	ssyncadd.s32 $0xFFFFC000  }
0x83: {  	[spmem:s3] =	stream.indirect.scatter.add.f32 [tilespmem:s22], [sflag:$0x1], $0x80, s28, s21, $0xb8;
	[tilespmem:$0x1D480] =	vst v63  }
0x84: {  	_ =	swait.ge [sflag:s18], $0x4000  }
0x85: {  	s24 =	sadd.s32 $0xFFFFFFFF, s24;
	[sflag:s18] =	ssyncset.done $0x0  }
.LBB2_46:
0x86: {  	[sflag:s18] =	ssyncadd.s32 $0xFFFFC000;
	s26 =	sadd.s32 $0x80, s26;
	s28 =	sadd.s32 $0x80, s28  }
0x87: {  	[tilespmem:s22], [sflag:$0x1] =	stream.indirect.gather [hbm4b:s6+s21], $0x80, s26, s21, $0xb8;
	[tilespmem:$0x1D480] =	vst v63  }
0x88: {  	p1 =	sne.s32 s24, $0x1;
	s24 =	sadd.s32 $0xFFFFFFFF, s24;
	_ =	swait.ge [sflag:s18], $0x4000  }
.Ltmp16:
0x89: {  	[sflag:s18] =	ssyncset.done $0x0;
	(pc) =	sbr.rel @p1 .LBB2_46-.Ltmp16, $4  }
0x8a: {  	[sflag:s18] =	ssyncadd.s32 $0xFFFFC000  }
0x8b: {  	[spmem:s3] =	stream.indirect.scatter.add.f32 [tilespmem:s22], [sflag:$0x1], $0x80, s28, s21, $0xb8;
	[tilespmem:$0x1D480] =	vst v63  }
0x8c: {  	_ =	swait.ge [sflag:s18], $0x4000  }
0x8d: {  	[sflag:s18] =	ssyncset.done $0x0  }
.LBB2_47:
.Ltmp17:
0x8e: {  	(pc) =	sbr.rel .LBB2_48-.Ltmp17, $2  }
0x8f: {  	_ =	sdelay $0x2  }
0x90: {  	[sflag:s18] =	ssyncadd.s32 $0xFFFFC000;
	s24 =	smov.u32 s9  }
.LBB2_2:
.Ltmp18:
0x91: {  	(pc) =	sbr.rel @p1 .LBB2_9-.Ltmp18, $1  }
0x92: {  	_ =	sdelay $0x3  }
0x93: {  	p3 =	sne.s32 s26, $0x1  }
.Ltmp19:
0x94: {  	_ = 	snop;
	(pc) =	sbr.rel @!p3 .LBB2_4-.Ltmp19, $3  }
0x95: {  	_ =	sdelay $0x1  }
0x96: {  	s28 =	simm.s32 $0x5000  }
0x97: {  	s25 =	simm.s32 $0xA000;
	p2 =	por $0x0, $0x0;
	v0 =	vld [tilespmem:s28+$0x0];
	s28 =	sadd.s32 $0xFFFFFFFF, s26  }
0x98: {  	_ = 	snop  }
0x99: {  	p3 =	sne.s32 s28, $0x1  }
.Ltmp20:
0x9a: {  	_ = 	snop;
	(pc) =	sbr.rel @!p3 .LBB2_6-.Ltmp20, $4  }
0x9b: {  	_ = 	snop  }
0x9c: {  	v0 =	vmin.u32 v0, $0x1400  }
0x9d: {  	s29 =	simm.s32 $0x5010;
	[tilespmem:s25+$0x0] =	vst v0  }
0x9e: {  	s30 =	sadd.s32 $0xFFFFFFFF, s28;
	p2 =	por $0x1, $0x1;
	s28 =	simm.s32 $0xA000;
	v0 =	vld [tilespmem:s29+$0x0]  }
.LBB2_7:
0x9f: {  	p3 =	sne.s32 s30, $0x1;
	_ =	sdelay $0x1  }
.Ltmp21:
0xa0: {  	(pc) =	sbr.rel @p3 .LBB2_7-.Ltmp21, $4  }
0xa1: {  	_ = 	snop  }
0xa2: {  	s28 =	sadd.s32 $0x10, s28;
	v0 =	vmin.u32 v0, $0x1400  }
0xa3: {  	s29 =	sadd.s32 $0x10, s29;
	[tilespmem:s28+$0x0] =	vst v0  }
0xa4: {  	s30 =	sadd.s32 $0xFFFFFFFF, s30;
	v0 =	vld [tilespmem:s29+$0x0]  }
.LBB2_8:
0xa5: {  	_ =	sdelay $0x2  }
0xa6: {  	s28 =	sadd.s32 @p2 $0x10, s28  }
0xa7: {  	s25 =	smov.u32 @p2 s28;
	v0 =	vmin.u32 v0, $0x1400  }
0xa8: {  	[tilespmem:s25+$0x0] =	vst v0  }
.LBB2_9:
0xa9: {  	s25 =	sshll.u32 s1, $0x6  }
0xaa: {  	s28 =	sshrl.u32 s12, $0x3;
	p2 =	slt.s32 s24, $0x1;
	s25 =	sor.u32 $0x1C01, s25  }
0xab: {  	[spmem:s28], [sflag:s25] =	dma.local [hbm:s2], $0x1480  }
.Ltmp22:
0xac: {  	_ =	swait.ge [sflag:s18], $0x1480;
	(pc) =	sbr.rel @p2 .LBB2_13-.Ltmp22, $3  }
0xad: {  	[sflag:s18] =	ssyncset.done $0x0  }
0xae: {  	[sflag:s18] =	ssyncadd.s32 $0xFFFFEB80  }
0xaf: {  	[bflag:$0x0] =	sbarrier.arrive $0xFFFF;
	_ =	sdelay $0x1  }
0xb0: {  	s29 =	simm.s32 $0x0  }
0xb1: {  	[tilespmem:s22], [sflag:$0x1] =	stream.indirect.gather [hbm4b:s5+s21], $0x80, s29, s21, $0xb8;
	[tilespmem:$0x1D480] =	vst v63  }
0xb2: {  	p3 =	sne.s32 s24, $0x1;
	_ =	swait.ge [sflag:s18], $0x4000  }
.Ltmp23:
0xb3: {  	[sflag:s18] =	ssyncset.done $0x0;
	(pc) =	sbr.rel @!p3 .LBB2_12-.Ltmp23, $4  }
0xb4: {  	s30 =	simm.s32 $0xA000;
	[sflag:s18] =	ssyncadd.s32 $0xFFFFC000  }
0xb5: {  	[spmem:s3] =	stream.indirect.scatter.add.f32 [tilespmem:s22], [sflag:$0x1], $0x80, s30, s21, $0xb8;
	[tilespmem:$0x1D480] =	vst v63  }
0xb6: {  	_ =	swait.ge [sflag:s18], $0x4000  }
0xb7: {  	s31 =	sadd.s32 $0xFFFFFFFF, s24;
	[sflag:s18] =	ssyncset.done $0x0  }
.LBB2_11:
0xb8: {  	[sflag:s18] =	ssyncadd.s32 $0xFFFFC000;
	s29 =	sadd.s32 $0x80, s29;
	s30 =	sadd.s32 $0x80, s30  }
0xb9: {  	[tilespmem:s22], [sflag:$0x1] =	stream.indirect.gather [hbm4b:s5+s21], $0x80, s29, s21, $0xb8;
	[tilespmem:$0x1D480] =	vst v63  }
0xba: {  	p3 =	sne.s32 s31, $0x1;
	s31 =	sadd.s32 $0xFFFFFFFF, s31;
	_ =	swait.ge [sflag:s18], $0x4000  }
.Ltmp24:
0xbb: {  	[sflag:s18] =	ssyncset.done $0x0;
	(pc) =	sbr.rel @p3 .LBB2_11-.Ltmp24, $4  }
0xbc: {  	[sflag:s18] =	ssyncadd.s32 $0xFFFFC000  }
0xbd: {  	[spmem:s3] =	stream.indirect.scatter.add.f32 [tilespmem:s22], [sflag:$0x1], $0x80, s30, s21, $0xb8;
	[tilespmem:$0x1D480] =	vst v63  }
0xbe: {  	_ =	swait.ge [sflag:s18], $0x4000  }
0xbf: {  	[sflag:s18] =	ssyncset.done $0x0  }
.LBB2_12:
0xc0: {  	[sflag:s18] =	ssyncadd.s32 $0xFFFFC000  }
.LBB2_13:
0xc1: {  	[bflag:$0x0] =	sbarrier.arrive $0xFFFF;
	s29 =	sshrl.u32 s13, $0x3  }
0xc2: {  	[hbm:s14], [sflag:s25] =	dma.local [spmem:s29], $0x1400  }
.Ltmp25:
0xc3: {  	_ =	swait.ge [sflag:s18], $0x1400;
	(pc) =	sbr.rel @p1 .LBB2_20-.Ltmp25, $3  }
0xc4: {  	[sflag:s18] =	ssyncset.done $0x0  }
0xc5: {  	[sflag:s18] =	ssyncadd.s32 $0xFFFFEC00  }
0xc6: {  	[bflag:$0x0] =	sbarrier.arrive $0xFFFF;
	_ =	sdelay $0x1  }
0xc7: {  	p3 =	sne.s32 s26, $0x1  }
.Ltmp26:
0xc8: {  	_ = 	snop;
	(pc) =	sbr.rel @!p3 .LBB2_15-.Ltmp26, $3  }
0xc9: {  	_ =	sdelay $0x1  }
0xca: {  	s30 =	simm.s32 $0x5000  }
0xcb: {  	s29 =	simm.s32 $0xA000;
	s26 =	sadd.s32 $0xFFFFFFFF, s26;
	p1 =	por $0x0, $0x0;
	v0 =	vld [tilespmem:s30+$0x0]  }
0xcc: {  	_ =	sdelay $0x1  }
0xcd: {  	p3 =	sne.s32 s26, $0x1  }
.Ltmp27:
0xce: {  	_ = 	snop;
	(pc) =	sbr.rel @!p3 .LBB2_17-.Ltmp27, $4  }
0xcf: {  	v0 =	vadd.s32 $0xFFFFEC00, v0  }
0xd0: {  	v0 =	vmin.u32 v0, $0x1400  }
0xd1: {  	s30 =	simm.s32 $0x5010;
	[tilespmem:s29+$0x0] =	vst v0  }
0xd2: {  	s31 =	sadd.s32 $0xFFFFFFFF, s26;
	p1 =	por $0x1, $0x1;
	s26 =	simm.s32 $0xA000;
	v0 =	vld [tilespmem:s30+$0x0]  }
.LBB2_18:
0xd3: {  	p3 =	sne.s32 s31, $0x1;
	_ =	sdelay $0x2  }
.Ltmp28:
0xd4: {  	(pc) =	sbr.rel @p3 .LBB2_18-.Ltmp28, $4  }
0xd5: {  	v0 =	vadd.s32 $0xFFFFEC00, v0  }
0xd6: {  	s26 =	sadd.s32 $0x10, s26;
	v0 =	vmin.u32 v0, $0x1400  }
0xd7: {  	s30 =	sadd.s32 $0x10, s30;
	[tilespmem:s26+$0x0] =	vst v0  }
0xd8: {  	s31 =	sadd.s32 $0xFFFFFFFF, s31;
	v0 =	vld [tilespmem:s30+$0x0]  }
.LBB2_19:
0xd9: {  	_ =	sdelay $0x3  }
0xda: {  	s26 =	sadd.s32 @p1 $0x10, s26;
	v0 =	vadd.s32 $0xFFFFEC00, v0  }
0xdb: {  	s29 =	smov.u32 @p1 s26;
	v0 =	vmin.u32 v0, $0x1400  }
0xdc: {  	[tilespmem:s29+$0x0] =	vst v0  }
.LBB2_20:
0xdd: {  	[spmem:s28], [sflag:s25] =	dma.local [hbm:s2], $0x1480  }
.Ltmp29:
0xde: {  	_ =	swait.ge [sflag:s18], $0x1480;
	(pc) =	sbr.rel @p2 .LBB2_21-.Ltmp29, $3  }
0xdf: {  	[sflag:s18] =	ssyncset.done $0x0  }
0xe0: {  	[sflag:s18] =	ssyncadd.s32 $0xFFFFEB80  }
0xe1: {  	[bflag:$0x0] =	sbarrier.arrive $0xFFFF;
	_ =	sdelay $0x1  }
0xe2: {  	s26 =	simm.s32 $0x0  }
0xe3: {  	[tilespmem:s22], [sflag:$0x1] =	stream.indirect.gather [hbm4b:s5+s21], $0x80, s26, s21, $0xb8;
	[tilespmem:$0x1D480] =	vst v63  }
0xe4: {  	p1 =	seq.s32 s24, $0x1;
	_ =	swait.ge [sflag:s18], $0x4000  }
.Ltmp30:
0xe5: {  	[sflag:s18] =	ssyncset.done $0x0;
	(pc) =	sbr.rel @p1 .LBB2_24-.Ltmp30, $4  }
0xe6: {  	s28 =	simm.s32 $0xA000;
	[sflag:s18] =	ssyncadd.s32 $0xFFFFC000  }
0xe7: {  	[spmem:s3] =	stream.indirect.scatter.add.f32 [tilespmem:s22], [sflag:$0x1], $0x80, s28, s21, $0xb8;
	[tilespmem:$0x1D480] =	vst v63  }
0xe8: {  	_ =	swait.ge [sflag:s18], $0x4000  }
0xe9: {  	s24 =	sadd.s32 $0xFFFFFFFF, s24;
	[sflag:s18] =	ssyncset.done $0x0  }
.LBB2_23:
0xea: {  	[sflag:s18] =	ssyncadd.s32 $0xFFFFC000;
	s26 =	sadd.s32 $0x80, s26;
	s28 =	sadd.s32 $0x80, s28  }
0xeb: {  	[tilespmem:s22], [sflag:$0x1] =	stream.indirect.gather [hbm4b:s5+s21], $0x80, s26, s21, $0xb8;
	[tilespmem:$0x1D480] =	vst v63  }
0xec: {  	p1 =	seq.s32 s24, $0x1;
	s24 =	sadd.s32 $0xFFFFFFFF, s24;
	_ =	swait.ge [sflag:s18], $0x4000  }
.Ltmp31:
0xed: {  	[sflag:s18] =	ssyncset.done $0x0;
	(pc) =	sbr.rel @!p1 .LBB2_23-.Ltmp31, $4  }
0xee: {  	[sflag:s18] =	ssyncadd.s32 $0xFFFFC000  }
0xef: {  	[spmem:s3] =	stream.indirect.scatter.add.f32 [tilespmem:s22], [sflag:$0x1], $0x80, s28, s21, $0xb8;
	[tilespmem:$0x1D480] =	vst v63  }
0xf0: {  	_ =	swait.ge [sflag:s18], $0x4000  }
0xf1: {  	[sflag:s18] =	ssyncset.done $0x0  }
.LBB2_24:
.Ltmp32:
0xf2: {  	(pc) =	sbr.rel .LBB2_48-.Ltmp32, $2  }
0xf3: {  	_ =	sdelay $0x2  }
0xf4: {  	[sflag:s18] =	ssyncadd.s32 $0xFFFFC000;
	s24 =	smov.u32 s8  }
.LBB2_44:
.Ltmp33:
0xf5: {  	(pc) =	sbr.rel .LBB2_48-.Ltmp33, $2  }
0xf6: {  	_ =	sdelay $0x2  }
0xf7: {  	s24 =	smov.u32 s9  }
.LBB2_27:
.Ltmp34:
0xf8: {  	(pc) =	sbr.rel .LBB2_31-.Ltmp34, $2  }
0xf9: {  	_ =	sdelay $0x2  }
0xfa: {  	s28 =	simm.s32 $0xA000  }
.LBB2_38:
.Ltmp35:
0xfb: {  	(pc) =	sbr.rel .LBB2_42-.Ltmp35, $2  }
0xfc: {  	_ =	sdelay $0x2  }
0xfd: {  	s26 =	simm.s32 $0xA000  }
.LBB2_4:
.Ltmp36:
0xfe: {  	(pc) =	sbr.rel .LBB2_8-.Ltmp36, $2  }
0xff: {  	_ =	sdelay $0x2  }
0x100: {  	s28 =	simm.s32 $0xA000  }
.LBB2_15:
.Ltmp37:
0x101: {  	(pc) =	sbr.rel .LBB2_19-.Ltmp37, $2  }
0x102: {  	_ =	sdelay $0x2  }
0x103: {  	s26 =	simm.s32 $0xA000  }
.LBB2_29:
.Ltmp38:
0x104: {  	(pc) =	sbr.rel .LBB2_31-.Ltmp38, $2  }
0x105: {  	_ =	sdelay $0x2  }
0x106: {  	s28 =	simm.s32 $0xA000  }
.LBB2_40:
.Ltmp39:
0x107: {  	(pc) =	sbr.rel .LBB2_42-.Ltmp39, $2  }
0x108: {  	_ =	sdelay $0x2  }
0x109: {  	s26 =	simm.s32 $0xA000  }
.LBB2_6:
.Ltmp40:
0x10a: {  	(pc) =	sbr.rel .LBB2_8-.Ltmp40, $2  }
0x10b: {  	_ =	sdelay $0x2  }
0x10c: {  	s28 =	simm.s32 $0xA000  }
.LBB2_17:
.Ltmp41:
0x10d: {  	(pc) =	sbr.rel .LBB2_19-.Ltmp41, $2  }
0x10e: {  	_ =	sdelay $0x2  }
0x10f: {  	s26 =	simm.s32 $0xA000  }
.LBB2_49:
0x110: {  	_ =	sfence.sel $0x180000  }
0x111: {  	[bflag:$0x0] =	sbarrier.arrive $0xFFFF  }
0x112: {  	p0 =	sne.s32 s1, $0x0;
	_ =	strace $0x90000050  }
0x113: {  	s0 =	sadd.s32 @!p0 $0x100000, s0;
	[bflag:$0x2] =	sbarrier.arrive $0xFFFF  }
0x114: {  	[sflag:s0] =	ssyncadd.tile.s32 @!p0 $0x1;
	_ =	shalt  }
.Lfunc_end2:
_tile_overlayer_lowered:
.L_overlay_start_2:
0x115: {  	(tag) =	ssettag $0x2  }
0x116: {  	s0 =	rddreg [dreg:$0x0];
	s2 =	stileid.u32  }
0x117: {  	s1 =	rddreg [dreg:$0x1];
	p0 =	sne.s32 s2, $0x0  }
0x118: {  	s3 =	rddreg [dreg:$0x2];
	[bflag:$0x3] =	sbarrier.arrive $0xFFFF;
	s2 =	simm.s32 @!p0 $0x1C01  }
0x119: {  	[timem:s3], [sflag:s2] =	dma.local @!p0 [hbm:s0], s1  }
0x11a: {  	s0 =	simm.s32 @!p0 $0x1  }
0x11b: {  	_ =	swait.ge @!p0 [sflag:s0], s1  }
0x11c: {  	s1 =	ssub.s32 @!p0 $0x0, s1;
	[sflag:s0] =	ssyncset.done @!p0 $0x0  }
0x11d: {  	[sflag:s0] =	ssyncadd.s32 @!p0 s1  }
0x11e: {  	[bflag:$0x3] =	sbarrier.arrive $0xFFFF  }
0x11f: {  	_ =	shalt  }

// kernel: kernel.22.cloned.1.call-start
scs
__scs_entry_jumppad:
0x0: {  	(pc) =	sbr.rel $0x88, $3  }
0x1: {  	(tag) =	ssettag $0x0;
	lr =	simm.s32 $0x1  }
0x2: {  	[smem:$0x3F94] =	sst lr;
	_ =	strace $0xD0000000  }
0x3: {  	_ = 	snop  }
0x4: {  	_ = 	snop  }
0x5: {  	_ = 	snop  }
0x6: {  	_ = 	snop  }
0x7: {  	_ = 	snop  }
__scs_overlays_trampoline_lowered:
0x8: {  	[smem:$0x3FA3] =	sst s0  }
0x9: {  	[smem:$0x3FA4] =	sst s1  }
0xa: {  	[smem:$0x3FA5] =	sst s2  }
0xb: {  	[smem:$0x3FA6] =	sst s3  }
0xc: {  	[smem:$0x3FA7] =	sst s4  }
0xd: {  	[smem:$0x3FA8] =	sst s5  }
0xe: {  	[smem:$0x3FA9] =	sst s6  }
0xf: {  	[smem:$0x3FAA] =	sst s7  }
0x10: {  	[smem:$0x3FAB] =	sst s8  }
0x11: {  	[smem:$0x3FAC] =	sst s9;
	s0 =	simm.s32 @!p0 $0x0  }
0x12: {  	s1 =	sld [smem:$0x3F92];
	s0 =	simm.s32 @p0 $0x1  }
0x13: {  	[smem:$0x3FAD] =	sst s0;
	s0 =	simm.s32 @!p1 $0x0  }
0x14: {  	s2 =	sld [smem:$0x3F91];
	s0 =	simm.s32 @p1 $0x1  }
0x15: {  	[smem:$0x3FAE] =	sst s0;
	s0 =	simm.s32 @!p2 $0x0  }
0x16: {  	s3 =	sld [smem:$0x3FDB];
	s0 =	simm.s32 @p2 $0x1  }
0x17: {  	s4 =	simm.s32 $0x1BF5;
	[smem:$0x3FB0] =	sst s0  }
0x18: {  	s0 =	sld [smem:$0x3F93];
	_ =	swait.ge [sflag:s4], $0x0  }
0x19: {  	s7 =	sld [smem:$0x3F94]  }
0x1a: {  	s8 =	sadd.s32 $0xFFFFE003, lr  }
0x1b: {  	s9 =	sadd.s32 $0xFFFFFEF7, lr;
	s5 =	simm.s32 $0xFFFFFFFF;
	p2 =	slt.u32 s8, $0xFFFFF086  }
0x1c: {  	p1 =	slt.u32 s9, $0xF7A;
	s5 =	simm.s32 @!p2 $0x0  }
0x1d: {  	s5 =	simm.s32 @p1 $0x1;
	p0 =	seq.s32 s7, s2  }
0x1e: {  	s7 =	smul.u32 @!p0 $0xF7A, s2;
	p2 =	seq.s32 @!p0 s5, $0x0  }
0x1f: {  	s9 =	smul.u32 $0xF7A, s1;
	s8 =	simm.s32 @!p0 $0x1BF5;
	p2 =	por !p2, p0  }
0x20: {  	[sflag:s8] =	ssyncset.s32 @!p0 $0xFFFFF086;
	s6 =	sadd.s32 @!p0 s3, s7;
	s7 =	simm.s32 @!p0 $0x108  }
0x21: {  	s3 =	sadd.s32 s3, s9;
	s6 =	sadd.s32 @!p0 $0x88, s6;
	s7 =	simm.s32 @p2 $0x1082  }
0x22: {  	[simem:s7], [sflag:s8] =	dma.local @!p0 [hbm:s6], $0xF7A  }
0x23: {  	s9 =	sor.u32 $0xD0000000, s2;
	s6 =	simm.s32 $0x108;
	_ =	swait.ge @!p0 [sflag:s8], $0x0  }
0x24: {  	s3 =	sadd.s32 $0x88, s3;
	s6 =	simm.s32 @!p1 $0x1082;
	[sflag:s4] =	ssyncset.s32 $0xFFFFF086  }
0x25: {  	[simem:s6], [sflag:s4] =	dma.local [hbm:s3], $0xF7A  }
0x26: {  	[smem:$0x3F94] =	sst s1;
	(tag) =	ssettag s2;
	_ =	strace s9  }
0x27: {  	s1 =	sld [smem:$0x3FA4]  }
0x28: {  	s2 =	sld [smem:$0x3FA5]  }
0x29: {  	s4 =	sld [smem:$0x3FA7]  }
0x2a: {  	p0 =	seq.s32 s5, $0x0;
	s5 =	sld [smem:$0x3FA8]  }
0x2b: {  	s6 =	sld [smem:$0x3FA9]  }
0x2c: {  	s7 =	sld [smem:$0x3FAA]  }
0x2d: {  	s3 =	simm.s32 $0x108;
	s8 =	sld [smem:$0x3FAB]  }
0x2e: {  	s3 =	simm.s32 @!p0 $0x1082;
	s9 =	sld [smem:$0x3FAC]  }
0x2f: {  	lr =	sadd.s32 s0, s3;
	s0 =	sld [smem:$0x3FA3]  }
0x30: {  	s3 =	sld [smem:$0x3FA6]  }
0x31: {  	[smem:$0x3FAF] =	sst s10  }
0x32: {  	s10 =	sld [smem:$0x3FAD];
	_ =	sdelay $0x3  }
0x33: {  	p0 =	seq.s32 s10, $0x1;
	s10 =	sld [smem:$0x3FAF];
	_ =	sdelay $0x3  }
0x34: {  	[smem:$0x3FAF] =	sst s10  }
0x35: {  	s10 =	sld [smem:$0x3FAE];
	_ =	sdelay $0x3  }
0x36: {  	p1 =	seq.s32 s10, $0x1;
	s10 =	sld [smem:$0x3FAF];
	_ =	sdelay $0x3  }
0x37: {  	[smem:$0x3FAF] =	sst s10  }
0x38: {  	s10 =	sld [smem:$0x3FB0]  }
0x39: {  	_ = 	snop;
	(pc) =	sbr.ind lr, $3  }
0x3a: {  	_ = 	snop  }
0x3b: {  	_ = 	snop  }
0x3c: {  	p2 =	seq.s32 s10, $0x1;
	s10 =	sld [smem:$0x3FAF]  }
0x3d: {  	_ =	shalt  }
0x3e: {  	_ =	shalt  }
0x3f: {  	_ =	shalt  }
0x40: {  	_ =	shalt  }
0x41: {  	_ =	shalt  }
0x42: {  	_ =	shalt  }
0x43: {  	_ =	shalt  }
0x44: {  	_ =	shalt  }
0x45: {  	_ =	shalt  }
0x46: {  	_ =	shalt  }
0x47: {  	_ =	shalt  }
0x48: {  	_ =	shalt  }
0x49: {  	_ =	shalt  }
0x4a: {  	_ =	shalt  }
0x4b: {  	_ =	shalt  }
0x4c: {  	_ =	shalt  }
0x4d: {  	_ =	shalt  }
0x4e: {  	_ =	shalt  }
0x4f: {  	_ =	shalt  }
0x50: {  	_ =	shalt  }
0x51: {  	_ =	shalt  }
0x52: {  	_ =	shalt  }
0x53: {  	_ =	shalt  }
0x54: {  	_ =	shalt  }
0x55: {  	_ =	shalt  }
0x56: {  	_ =	shalt  }
0x57: {  	_ =	shalt  }
0x58: {  	_ =	shalt  }
0x59: {  	_ =	shalt  }
0x5a: {  	_ =	shalt  }
0x5b: {  	_ =	shalt  }
0x5c: {  	_ =	shalt  }
0x5d: {  	_ =	shalt  }
0x5e: {  	_ =	shalt  }
0x5f: {  	_ =	shalt  }
0x60: {  	_ =	shalt  }
0x61: {  	_ =	shalt  }
0x62: {  	_ =	shalt  }
0x63: {  	_ =	shalt  }
0x64: {  	_ =	shalt  }
0x65: {  	_ =	shalt  }
0x66: {  	_ =	shalt  }
0x67: {  	_ =	shalt  }
0x68: {  	_ =	shalt  }
0x69: {  	_ =	shalt  }
0x6a: {  	_ =	shalt  }
0x6b: {  	_ =	shalt  }
0x6c: {  	_ =	shalt  }
0x6d: {  	_ =	shalt  }
0x6e: {  	_ =	shalt  }
0x6f: {  	_ =	shalt  }
0x70: {  	_ =	shalt  }
0x71: {  	_ =	shalt  }
0x72: {  	_ =	shalt  }
0x73: {  	_ =	shalt  }
0x74: {  	_ =	shalt  }
0x75: {  	_ =	shalt  }
0x76: {  	_ =	shalt  }
0x77: {  	_ =	shalt  }
0x78: {  	_ =	shalt  }
0x79: {  	_ =	shalt  }
0x7a: {  	_ =	shalt  }
0x7b: {  	_ =	shalt  }
0x7c: {  	_ =	shalt  }
0x7d: {  	_ =	shalt  }
0x7e: {  	_ =	shalt  }
0x7f: {  	_ =	shalt  }
0x80: {  	_ =	shalt  }
0x81: {  	_ =	shalt  }
0x82: {  	_ =	shalt  }
0x83: {  	_ =	shalt  }
0x84: {  	_ =	shalt  }
0x85: {  	_ =	shalt  }
0x86: {  	_ =	shalt  }
0x87: {  	_ =	shalt  }
.Lfunc_end0:
.L_simem_size_0:
called_computation.4_lowered:
.L_overlay_start_0:
0x88: {  	s2 =	sld [smem:$0x3FD9]  }
0x89: {  	s3 =	sld [smem:$0x3FFE];
	_ =	sdelay $0x1  }
0x8a: {  	s1 =	srdreg.scid  }
0x8b: {  	s0 =	sand.u32 $0x1, s1  }
0x8c: {  	s17 =	sshll.u32 s0, $0xA;
	s2 =	sadd.s32 s3, s2  }
0x8d: {  	s2 =	sadd.s32 s2, s17  }
0x8e: {  	[smem:$0x3FBB] =	sst s2  }
0x8f: {  	_ = 	snop  }
0x90: {  	s2 =	sld [smem:$0x3FD0];
	(tm) =	ssettm $0x1  }
0x91: {  	s18 =	sld [smem:$0x3FFB];
	_ =	sdelay $0x3  }
0x92: {  	_ =	strace s18  }
0x93: {  	s3 =	sld [smem:$0x3FFC];
	_ =	sdelay $0x3  }
0x94: {  	_ =	strace s3  }
0x95: {  	s3 =	sld [smem:$0x3FFD];
	_ =	sdelay $0x3  }
0x96: {  	_ =	strace s3  }
0x97: {  	_ =	strace $0x8FFFFFFF  }
0x98: {  	s19 =	sld [smem:$0x3FDB];
	_ =	sdelay $0x1  }
0x99: {  	s4 =	simm.s32 $_scs_section_size  }
0x9a: {  	s5 =	simm.s32 $_size__tile_overlayer_lowered;
	s6 =	simm.s32 $_tile_overlayer_lowered  }
0x9b: {  	s22 =	simm.s32 $0x1BFF;
	s21 =	sshll.u32 s6, $0x1;
	s3 =	sadd.s32 s4, s19  }
0x9c: {  	s7 =	simm.s32 $0x0;
	s20 =	sshll.u32 s5, $0x1;
	s5 =	sadd.s32 s21, s3  }
0x9d: {  	[timem:s7], [sflag:s22] =	dma.local [hbm:s5], s20  }
0x9e: {  	_ =	swait.ge [sflag:s22], s20  }
0x9f: {  	s4 =	ssub.s32 $0x0, s20;
	[sflag:s22] =	ssyncset.done $0x0  }
0xa0: {  	[sflag:s22] =	ssyncadd.s32 s4;
	_ =	sdelay $0x1  }
0xa1: {  	s23 =	simm.s32 $0x1B8B  }
0xa2: {  	_ =	swait.ge [sflag:s23], $0x1  }
0xa3: {  	[sflag:s23] =	ssyncset.done $0x0  }
0xa4: {  	s25 =	simm.s32 $0x1B8E;
	s24 =	sld [smem:$0x3FFE];
	[sflag:s23] =	ssyncadd.s32 $0xFFFFFFFF  }
0xa5: {  	s26 =	simm.s32 $execute0_lowered;
	[smem:$0x3FD2] =	sst s25  }
0xa6: {  	s5 =	sshll.u32 s26, $0x1;
	_ =	strace $0x80000052;
	[dreg:$0x1] =	wrdreg $0xFFFFFFFF  }
0xa7: {  	s28 =	simm.s32 $_size_execute0_lowered;
	s3 =	sadd.s32 s3, s5;
	[dreg:$0x0] =	wrdreg $0x0  }
0xa8: {  	s5 =	sshll.u32 s28, $0x1;
	[dreg:$0x2] =	wrdreg s3  }
0xa9: {  	[dreg:$0x3] =	wrdreg s5  }
0xaa: {  	[dreg:$0x4] =	wrdreg $0xC0  }
0xab: {  	_ =	task [dreg:s7], $0x5FFFF  }
0xac: {  	[dreg:$0x1] =	wrdreg $0xFFFFFFFF  }
0xad: {  	[dreg:$0x0] =	wrdreg $0x60  }
0xae: {  	[dreg:$0x2] =	wrdreg s24  }
0xaf: {  	[dreg:$0x3] =	wrdreg s2  }
0xb0: {  	[dreg:$0x4] =	wrdreg $0x9  }
0xb1: {  	_ =	task.clear_ibuf [dreg:s7], $0x5FFFF;
	_ =	strace $0x90000052  }
0xb2: {  	s29 =	simm.s32 $0x9;
	_ =	strace $0x80000054  }
0xb3: {  	_ =	swait.ge [sflag:s29], $0x1  }
0xb4: {  	[sflag:s29] =	ssyncadd.s32 $0xFFFFFFFF  }
0xb5: {  	_ =	strace $0x90000054  }
0xb6: {  	_ =	sfence  }
0xb7: {  	s30 =	sld [smem:$0x0];
	_ =	sdelay $0x2  }
0xb8: {  	s31 =	sshll.u32 s1, $0xD;
	s1 =	sshrl.u32 s1, $0x2  }
0xb9: {  	s3 =	sand.u32 $0x4000, s31;
	s1 =	sadd.s32 s1, s30  }
0xba: {  	s0 =	sor.u32 s3, s0;
	s1 =	sshll.u32 s1, $0x11  }
0xbb: {  	s0 =	sor.u32 s1, s0  }
0xbc: {  	s0 =	sadd.s32 $0x8F2B, s0  }
0xbd: {  	[sflag:s0] =	ssyncadd.remote.s32 $0x1  }
0xbe: {  	_ =	sfence.sel $0xFFFF  }
0xbf: {  	[dreg:$0x0] =	wrdreg $0xFFFFFFFF;
	(pc) =	sbr.abs _section_cstart, $3  }
0xc0: {  	[dreg:$0x1] =	wrdreg $0xFFFFFFFF  }
0xc1: {  	_ =	task.clear_ibuf [dreg:s7], $0x2FFFF;
	_ =	strace $0x9FFFFFFF  }
0xc2: {  	(tm) =	ssettm $0x7FFFFFFF  }
0xc3: {  	_ =	shalt  }
tec
execute0_lowered:
.L_overlay_start_1:
0x0: {  	(tag) =	ssettag $0x1  }
0x1: {  	s5 =	rddreg [dreg:$0x0]  }
0x2: {  	s0 =	srdreg.scid;
	s7 =	rddreg [dreg:$0x1]  }
0x3: {  	s2 =	simm.s32 $0x0;
	s11 =	simm.s32 $0x1;
	s12 =	simm.s32 $0x2780  }
0x4: {  	s13 =	simm.s32 $0x4F00;
	s14 =	simm.s32 $0x7700;
	s3 =	sand.u32 $0x1, s0  }
0x5: {  	s15 =	simm.s32 $0x9F00;
	s0 =	stileid.u32;
	s1 =	sshll.u32 s3, $0x4  }
0x6: {  	s16 =	simm.s32 $0x0;
	[smem:$0x7FF] =	sst s2;
	s4 =	sor.u32 s0, s1  }
0x7: {  	s8 =	sshll.u32 s0, $0x7;
	s31 =	ssub.s32 $0x2, s3;
	s1 =	sshrl.u32 s4, $0x3  }
0x8: {  	s3 =	sadd.s32 $0x5000, s5;
	s8 =	sand.u32 $0x380, s8;
	s6 =	smul.u32 $0x13C00, s1  }
0x9: {  	s9 =	sshrl.u32 s31, $0x1;
	s10 =	smul.u32 $0x4E2, s4;
	s4 =	sadd.s32 $0x5600, s5  }
0xa: {  	s1 =	rddreg [dreg:$0x2];
	_ =	strace $0x80000053;
	s6 =	sor.u32 s8, s6  }
0xb: {  	s7 =	sadd.s32 s7, s10;
	s10 =	simm.s32 $0x400;
	s6 =	sshrl.u32 s6, $0x3  }
0xc: {  	s8 =	ssub.s32 s31, s9;
	s9 =	simm.s32 $0x80;
	s6 =	sadd.s32 s6, s5  }
0xd: {  	s8 =	smax.u32 s8, $0x1;
	s5 =	sadd.s32 $0xA5200, s6;
	s6 =	sadd.s32 $0xAF000, s6  }
.LBB2_1:
0xe: {  	[tilespmem:s2], [sflag:$0x1] =	stream.strided.gather [hbm4b:s5+s9], $0x2780, s10, s9, $0x38;
	[tilespmem:$0xC680] =	vst v63  }
0xf: {  	_ =	swait.ge [sflag:s11], $0x2780  }
0x10: {  	[sflag:s11] =	ssyncset.done $0x0  }
0x11: {  	[sflag:s11] =	ssyncadd.s32 $0xFFFFD880  }
0x12: {  	[tilespmem:s12], [sflag:$0x1] =	stream.strided.gather [hbm4b:s6+s9], $0x2780, s10, s9, $0x38;
	[tilespmem:$0xC680] =	vst v63  }
0x13: {  	_ =	swait.ge [sflag:s11], $0x2780  }
0x14: {  	[sflag:s11] =	ssyncset.done $0x0  }
0x15: {  	[sflag:s11] =	ssyncadd.s32 $0xFFFFD880  }
0x16: {  	[tilespmem:s13], [sflag:$0x1] =	stream.linear.gather [hbm4b:s3+s2], $0x2800, $0x38;
	[tilespmem:$0xC680] =	vst v63  }
0x17: {  	_ =	swait.ge [sflag:s11], $0x2800  }
0x18: {  	[sflag:s11] =	ssyncset.done $0x0  }
0x19: {  	[sflag:s11] =	ssyncadd.s32 $0xFFFFD800  }
0x1a: {  	[tilespmem:s14], [sflag:$0x1] =	stream.linear.gather [hbm4b:s4+s2], $0x2800, $0x38;
	[tilespmem:$0xC680] =	vst v63  }
0x1b: {  	_ =	swait.ge [sflag:s11], $0x2800  }
0x1c: {  	[sflag:s11] =	ssyncset.done $0x0  }
0x1d: {  	s17 =	simm.s32 $0x0;
	[sflag:s11] =	ssyncadd.s32 $0xFFFFD800  }
0x1e: {  	v0 =	vld [tilespmem:s17+$0x2780]  }
0x1f: {  	v1 =	vld [tilespmem:s17+$0x0];
	_ =	sdelay $0x6  }
0x20: {  	v0 =	vld.idx.msk [tilespmem:v0+s14+$0x0], $0xffff  }
0x21: {  	v1 =	vld.idx.msk [tilespmem:v1+s13+$0x0], $0xffff;
	_ =	sdelay $0x4  }
0x22: {  	v0 =	vadd.f32 v0, v1;
	_ =	sdelay $0x1  }
0x23: {  	v0 =	vsub.f32 $0.0e+00, v0;
	_ =	sdelay $0x1  }
0x24: {  	v0 =	vmul.f32 $1.442695020e+00, v0;
	_ =	sdelay $0x1  }
0x25: {  	(erf) = vpow2.f32 v0;
	_ =	sdelay $0x8  }
0x26: {  	v0 =	vpop (erf)  }
0x27: {  	v0 =	vadd.f32 $1.000000000e+00, v0;
	_ =	sdelay $0x1  }
0x28: {  	(erf) = vrcp.f32 v0;
	_ =	sdelay $0x5  }
0x29: {  	s19 =	simm.s32 $0x10  }
0x2a: {  	s18 =	simm.s32 $0x80;
	v0 =	vld [tilespmem:s19+$0x2780]  }
.LBB2_2:
0x2b: {  	p0 =	sne.s32 s18, $0x9C00;
	v1 =	vld [tilespmem:s19+$0x0]  }
0x2c: {  	v2 =	vpop (erf)  }
0x2d: {  	v2 =	vmul.f32 $4.000000000e+00, v2;
	_ =	sdelay $0x1  }
0x2e: {  	v2 =	vadd.f32 $1.000000000e+00, v2;
	_ =	sdelay $0x1  }
0x2f: {  	[tilespmem:s17+$0x9F00] =	vst v2;
	s17 =	smov.u32 s19  }
0x30: {  	v0 =	vld.idx.msk [tilespmem:v0+s14+$0x0], $0xffff  }
0x31: {  	v1 =	vld.idx.msk [tilespmem:v1+s13+$0x0], $0xffff;
	_ =	sdelay $0x5  }
0x32: {  	v0 =	vadd.f32 v0, v1;
	_ =	sdelay $0x1  }
0x33: {  	v0 =	vsub.f32 $0.0e+00, v0;
	_ =	sdelay $0x1  }
0x34: {  	v0 =	vmul.f32 $1.442695020e+00, v0;
	_ =	sdelay $0x1  }
0x35: {  	(erf) = vpow2.f32 v0;
	_ =	sdelay $0x8  }
0x36: {  	v0 =	vpop (erf)  }
0x37: {  	v0 =	vadd.f32 $1.000000000e+00, v0;
	_ =	sdelay $0x1  }
0x38: {  	(erf) = vrcp.f32 v0;
	_ =	sdelay $0x2  }
.Ltmp0:
0x39: {  	(pc) =	sbr.rel @p0 .LBB2_2-.Ltmp0, $3  }
0x3a: {  	_ =	sdelay $0x1  }
0x3b: {  	s19 =	sshra.s32 s18, $0x2  }
0x3c: {  	s18 =	sadd.s32 $0x40, s18;
	v0 =	vld [tilespmem:s19+$0x2780]  }
0x3d: {  	_ = 	snop  }
0x3e: {  	v1 =	vld [tilespmem:s19+$0x0]  }
0x3f: {  	v2 =	vpop (erf)  }
0x40: {  	v2 =	vmul.f32 $4.000000000e+00, v2;
	_ =	sdelay $0x1  }
0x41: {  	v2 =	vadd.f32 $1.000000000e+00, v2;
	_ =	sdelay $0x1  }
0x42: {  	[tilespmem:s17+$0x9F00] =	vst v2  }
0x43: {  	v0 =	vld.idx.msk [tilespmem:v0+s14+$0x0], $0xffff  }
0x44: {  	v1 =	vld.idx.msk [tilespmem:v1+s13+$0x0], $0xffff;
	_ =	sdelay $0x4  }
0x45: {  	v0 =	vadd.f32 v0, v1;
	_ =	sdelay $0x1  }
0x46: {  	v0 =	vsub.f32 $0.0e+00, v0;
	_ =	sdelay $0x1  }
0x47: {  	v0 =	vmul.f32 $1.442695020e+00, v0;
	_ =	sdelay $0x1  }
0x48: {  	(erf) = vpow2.f32 v0;
	_ =	sdelay $0x8  }
0x49: {  	v0 =	vpop (erf)  }
0x4a: {  	v0 =	vadd.f32 $1.000000000e+00, v0;
	_ =	sdelay $0x1  }
0x4b: {  	(erf) = vrcp.f32 v0;
	_ =	sdelay $0x8  }
0x4c: {  	v0 =	vpop (erf)  }
0x4d: {  	v0 =	vmul.f32 $4.000000000e+00, v0;
	_ =	sdelay $0x1  }
0x4e: {  	s16 =	sadd.s32 $0x1, s16;
	v0 =	vadd.f32 $1.000000000e+00, v0  }
0x4f: {  	p0 =	sne.s32 s16, s8  }
.Ltmp1:
0x50: {  	[tilespmem:s19+$0x9F00] =	vst v0;
	(pc) =	sbr.rel @p0 .LBB2_1-.Ltmp1, $4  }
0x51: {  	[hbm4b:s7+s2] =	stream.linear.scatter [tilespmem:s15], [sflag:$0x1], $0x2710, $0x38;
	[tilespmem:$0xC680] =	vst v63  }
0x52: {  	_ =	swait.ge [sflag:s11], $0x2710  }
0x53: {  	[sflag:s11] =	ssyncset.done $0x0  }
0x54: {  	[sflag:s11] =	ssyncadd.s32 $0xFFFFD8F0  }
0x55: {  	_ =	sfence.sel $0x180000  }
0x56: {  	[bflag:$0x0] =	sbarrier.arrive $0xFFFF  }
0x57: {  	p0 =	sne.s32 s0, $0x0;
	_ =	strace $0x90000053  }
0x58: {  	s0 =	sadd.s32 @!p0 $0x100000, s1;
	[bflag:$0x2] =	sbarrier.arrive $0xFFFF  }
0x59: {  	[sflag:s0] =	ssyncadd.tile.s32 @!p0 $0x1;
	_ =	shalt  }
.Lfunc_end2:
_tile_overlayer_lowered:
.L_overlay_start_2:
0x5a: {  	(tag) =	ssettag $0x2  }
0x5b: {  	s0 =	rddreg [dreg:$0x0];
	s2 =	stileid.u32  }
0x5c: {  	s1 =	rddreg [dreg:$0x1];
	p0 =	sne.s32 s2, $0x0  }
0x5d: {  	s3 =	rddreg [dreg:$0x2];
	[bflag:$0x3] =	sbarrier.arrive $0xFFFF;
	s2 =	simm.s32 @!p0 $0x1C01  }
0x5e: {  	[timem:s3], [sflag:s2] =	dma.local @!p0 [hbm:s0], s1  }
0x5f: {  	s0 =	simm.s32 @!p0 $0x1  }
0x60: {  	_ =	swait.ge @!p0 [sflag:s0], s1  }
0x61: {  	s1 =	ssub.s32 @!p0 $0x0, s1;
	[sflag:s0] =	ssyncset.done @!p0 $0x0  }
0x62: {  	[sflag:s0] =	ssyncadd.s32 @!p0 s1  }
0x63: {  	[bflag:$0x3] =	sbarrier.arrive $0xFFFF  }
0x64: {  	_ =	shalt  }

</sc_bundles>
